<compile_context>
chip_gen: v7x
topology: tpu7x:2x2x1
jax: 0.10.2.dev20260603
libtpu: 0.0.44.dev20260713+nightly
codegen_flags: <defaults>
</compile_context>

<pallas_src>
import functools

import jax
import jax.numpy as jnp
from jax import lax
from jax.experimental import pallas as pl
from jax.experimental.pallas import tpu as pltpu
from jax.experimental.pallas import tpu_sc as plsc

B_BLK = 256
NW = 32
CHUNK = 128


CW = 64


def _trunc_bf16(x):
    xi = lax.bitcast_convert_type(x, jnp.uint32)
    return lax.bitcast_convert_type(xi & jnp.uint32(0xFFFF0000), jnp.float32)


def _split3(x):
    h = _trunc_bf16(x)
    r = x - h
    m = _trunc_bf16(r)
    l = r - m
    return h.astype(jnp.bfloat16), m.astype(jnp.bfloat16), l.astype(jnp.bfloat16)


def _assign_body(v_ref, cb_ref, idx_ref, scr_ref):
    P, K, _ = cb_ref.shape
    D = v_ref.shape[1] // P
    iota_f = lax.broadcasted_iota(jnp.int32, (K, B_BLK), 0).astype(jnp.float32)

    vt = jnp.transpose(v_ref[:])
    vh = _trunc_bf16(vt)
    r = vt - vh
    vm = _trunc_bf16(r)
    vl = r - vm
    const_rows = jnp.concatenate(
        [jnp.ones((3, B_BLK), jnp.float32), jnp.zeros((13, B_BLK), jnp.float32)],
        axis=0)

    def _argmax_store(p, s):
        m = jnp.max(s, axis=0, keepdims=True)
        scr_ref[p, :] = jnp.min((m - s) + iota_f, axis=0)

    prev = None
    for p in range(P):
        sl = slice(p * D, (p + 1) * D)
        rhs = jnp.concatenate(
            [vh[sl], vh[sl], vm[sl], vh[sl], vm[sl], vl[sl], const_rows],
            axis=0).astype(jnp.bfloat16)
        s = lax.dot_general(cb_ref[p], rhs, (((1,), (0,)), ((), ())),
                            preferred_element_type=jnp.float32)
        if prev is not None:
            _argmax_store(*prev)
        prev = (p, s)
    _argmax_store(*prev)
    offs = lax.broadcasted_iota(jnp.int32, (B_BLK, P), 1).astype(jnp.float32)
    idx_ref[...] = (jnp.transpose(scr_ref[:])
                    + offs * jnp.float32(K)).astype(jnp.int32)


def _sc_gather(table, idx3, d):
    nw, c, chunk = idx3.shape
    b_per_w = c * chunk
    mesh = plsc.VectorSubcoreMesh(core_axis_name="c", subcore_axis_name="s")

    @functools.partial(
        pl.kernel,
        out_type=jax.ShapeDtypeStruct((nw * b_per_w, d), jnp.float32),
        mesh=mesh,
        scratch_types=[
            pltpu.VMEM((c, chunk), jnp.int32),
            pltpu.VMEM((b_per_w, d), jnp.float32),
            pltpu.SemaphoreType.DMA,
        ],
        compiler_params=pltpu.CompilerParams(use_tc_tiling_on_sc=False),
    )
    def gather_kernel(table_hbm, idx_hbm, out_hbm, idx_v, rows_v, sem):
        wid = lax.axis_index("s") * 2 + lax.axis_index("c")
        pltpu.sync_copy(idx_hbm.at[wid], idx_v)

        def step(s_, carry):
            copies = [
                pltpu.async_copy(
                    table_hbm.at[idx_v.at[s_ * 8 + i]],
                    rows_v.at[pl.ds((s_ * 8 + i) * chunk, chunk)],
                    sem,
                )
                for i in range(8)
            ]
            for cp in copies:
                cp.wait()
            return carry

        lax.fori_loop(0, c // 8, step, 0)
        pltpu.sync_copy(rows_v, out_hbm.at[pl.ds(wid * b_per_w, b_per_w)])

    return gather_kernel(table, idx3)


def kernel(vecs, codebook):
    B, E = vecs.shape
    P, K, D = codebook.shape

    ch, cm, cl = _split3(codebook * jnp.float32(2.0 ** 40))
    cnh, cnm, cnl = _split3(-0.5 * jnp.float32(2.0 ** 40)
                            * jnp.sum(codebook * codebook, axis=-1))

    cb6 = jnp.stack([ch, cm, ch, cl, cm, ch], axis=2).reshape(P, K, 6 * D)
    bias = jnp.stack([cnh, cnm, cnl], axis=-1)
    cb_full = jnp.concatenate(
        [cb6, bias, jnp.zeros((P, K, CW - 6 * D - 3), jnp.bfloat16)], axis=-1)

    idx_t = pl.pallas_call(
        _assign_body,
        grid=(B // B_BLK,),
        in_specs=[
            pl.BlockSpec((B_BLK, E), lambda j: (j, 0)),
            pl.BlockSpec((P, K, CW), lambda j: (0, 0, 0)),
        ],
        out_specs=pl.BlockSpec((B_BLK, P), lambda j: (j, 0)),
        out_shape=jax.ShapeDtypeStruct((B, P), jnp.int32),
        scratch_shapes=[pltpu.VMEM((P, B_BLK), jnp.float32)],
    )(vecs, cb_full)
    flat_idx = idx_t

    table = codebook.reshape(P * K, D)
    idx3 = flat_idx.reshape(NW, (B * P) // (NW * CHUNK), CHUNK)
    rows = _sc_gather(table, idx3, D)
    return rows.reshape(B, P * D)

# --- scband reference (transcript-rebuilt; emitter-appended) ---
"""Pipeline reference for scband-quantization-39273180954636 (READ-ONLY COPY).

The authoritative reference and input builder live on the scoring server;
editing this copy changes nothing except your own understanding.
"""

import jax, jax.numpy as jnp
import numpy as np


def setup_inputs(seed: int = 0) -> dict:
    key = jax.random.key(seed)
    k1, k2 = jax.random.split(key)
    vecs = jax.random.normal(k1, (4096, 768), dtype=jnp.float32)
    # codebook param: uniform(-0.1, 0.1), shape [partition, centroids, embedding_size // partition]
    codebook = jax.random.uniform(k2, (96, 256, 8), dtype=jnp.float32, minval=-0.1, maxval=0.1)
    return {"vecs": vecs, "codebook": codebook}


def reference(vecs, codebook):
    # rotate is None -> rotate_vec is identity
    B = vecs.shape[0]
    P, K, D = codebook.shape
    v = vecs.reshape(B, P, D)
    # code_selection: negative squared L2 distance to each centroid
    # proba: [B, P, K]
    diff = v[:, :, None, :] - codebook[None, :, :, :]
    proba = -jnp.sum(diff * diff, axis=-1)
    assign = jax.nn.softmax(proba, axis=-1)
    # STEstimator: hard one-hot with straight-through
    index = jnp.argmax(assign, axis=-1)
    assign_hard = jax.nn.one_hot(index, K, dtype=assign.dtype)
    assign_ste = jax.lax.stop_gradient(assign_hard) - jax.lax.stop_gradient(assign) + assign
    # quantized_vecs: matmul(assign[B,P,1,K], codebook[B,P,K,D]) -> [B,P,1,D] -> [B, P*D]
    quantized = jnp.einsum('bpk,pkd->bpd', assign_ste, codebook)
    quantized = quantized.reshape(B, P * D)
    return quantized

if __name__ == "__main__":
    import jax
    _d = setup_inputs()
    print(jax.jit(kernel)(*tuple(_d.values())))

</pallas_src>

<mosaic_0001>
#map = affine_map<(d0, d1) -> (0, 0)>
#map1 = affine_map<(d0, d1) -> (0, 0, 0)>
module attributes {stable_mosaic.version = 14 : i64} {
  func.func @gather_kernel(%arg0: i32, %arg1: i32, %arg2: memref<24576x8xf32, #tpu.memory_space<hbm>>, %arg3: memref<32x96x128xi32, #tpu.memory_space<hbm>>, %arg4: memref<393216x8xf32, #tpu.memory_space<hbm>>, %arg5: memref<96x128xi32, #tpu.memory_space<vmem>>, %arg6: memref<12288x8xf32, #tpu.memory_space<vmem>>, %arg7: memref<!tpu.dma_semaphore, #tpu.memory_space<semaphore_mem>>) attributes {dimension_semantics = [#tpu.dimension_semantics<core_parallel>, #tpu.dimension_semantics<subcore_parallel>], iteration_bounds = array<i64: 2, 16>, scalar_prefetch = 0 : i64, scratch_operands = 3 : i64, tpu.core_type = #tpu.core_type<sc_vector_subcore>, window_params = [{transform_indices = #map}, {transform_indices = #map1}, {transform_indices = #map}]} {
    %mul3A = arith.constant 2 : i32
    %mul3A_0 = arith.muli %arg1, %mul3A : i32
    %add3A = arith.addi %mul3A_0, %arg0 : i32
    "tpu.region"() ({
      %run_scoped3A = tpu.sem_alloc : memref<!tpu.dma_semaphore, #tpu.memory_space<semaphore_mem>>
      %dma_start3A = arith.constant 0 : i32
      %dma_start3A_8 = arith.constant 0 : i32
      %dma_start3A_9 = tpu.memref_slice %arg3[%add3A, %dma_start3A, %dma_start3A_8] : memref<32x96x128xi32, #tpu.memory_space<hbm>> -> memref<1x96x128xi32, #tpu.memory_space<hbm>>
      %dma_start3A_10 = tpu.memref_squeeze %dma_start3A_9 : memref<1x96x128xi32, #tpu.memory_space<hbm>> -> memref<96x128xi32, #tpu.memory_space<hbm>>
      %dma_start3A_11 = arith.constant 0 : i32
      %dma_start3A_12 = arith.constant 0 : i32
      %dma_start3A_13 = tpu.memref_slice %arg3[%add3A, %dma_start3A_11, %dma_start3A_12] : memref<32x96x128xi32, #tpu.memory_space<hbm>> -> memref<1x96x128xi32, #tpu.memory_space<hbm>>
      %dma_start3A_14 = tpu.memref_squeeze %dma_start3A_13 : memref<1x96x128xi32, #tpu.memory_space<hbm>> -> memref<96x128xi32, #tpu.memory_space<hbm>>
      tpu.enqueue_dma source(%dma_start3A_14 : memref<96x128xi32, #tpu.memory_space<hbm>>) target(%arg5 : memref<96x128xi32, #tpu.memory_space<vmem>>) target_semaphore(%run_scoped3A : memref<!tpu.dma_semaphore, #tpu.memory_space<semaphore_mem>>)
      %dma_wait3A = arith.constant 0 : i32
      %dma_wait3A_15 = arith.constant 0 : i32
      %dma_wait3A_16 = tpu.memref_slice %arg3[%add3A, %dma_wait3A, %dma_wait3A_15] : memref<32x96x128xi32, #tpu.memory_space<hbm>> -> memref<1x96x128xi32, #tpu.memory_space<hbm>>
      %dma_wait3A_17 = tpu.memref_squeeze %dma_wait3A_16 : memref<1x96x128xi32, #tpu.memory_space<hbm>> -> memref<96x128xi32, #tpu.memory_space<hbm>>
      %dma_wait3A_18 = arith.constant 0 : i32
      %dma_wait3A_19 = arith.constant 0 : i32
      %dma_wait3A_20 = tpu.memref_slice %arg3[%add3A, %dma_wait3A_18, %dma_wait3A_19] : memref<32x96x128xi32, #tpu.memory_space<hbm>> -> memref<1x96x128xi32, #tpu.memory_space<hbm>>
      %dma_wait3A_21 = tpu.memref_squeeze %dma_wait3A_20 : memref<1x96x128xi32, #tpu.memory_space<hbm>> -> memref<96x128xi32, #tpu.memory_space<hbm>>
      tpu.wait_dma2 semaphore(%run_scoped3A : memref<!tpu.dma_semaphore, #tpu.memory_space<semaphore_mem>>) src(%dma_wait3A_21 : memref<96x128xi32, #tpu.memory_space<hbm>>) dst(%arg5 : memref<96x128xi32, #tpu.memory_space<vmem>>)
      tpu.yield
    }) : () -> ()
    %scan3A = arith.constant 0 : i32
    %scan3A_1 = arith.constant 0 : i32
    %scan3A_2 = arith.constant 12 : i32
    %scan3A_3 = arith.addi %scan3A_1, %scan3A_2 : i32
    %scan3A_4 = arith.constant 1 : i32
    scf.for %scan3A_8 = %scan3A_1 to %scan3A_3 step %scan3A_4  : i32 {
      %mul3A_9 = arith.constant 8 : i32
      %mul3A_10 = arith.muli %scan3A_8, %mul3A_9 : i32
      %add3A_11 = arith.constant 0 : i32
      %add3A_12 = arith.addi %mul3A_10, %add3A_11 : i32
      %mul3A_13 = arith.constant 8 : i32
      %mul3A_14 = arith.muli %scan3A_8, %mul3A_13 : i32
      %add3A_15 = arith.constant 0 : i32
      %add3A_16 = arith.addi %mul3A_14, %add3A_15 : i32
      %mul3A_17 = arith.constant 128 : i32
      %mul3A_18 = arith.muli %add3A_16, %mul3A_17 : i32
      %dma_start3A = arith.constant 0 : i32
      %dma_start3A_19 = tpu.memref_slice %arg6[%mul3A_18, %dma_start3A] : memref<12288x8xf32, #tpu.memory_space<vmem>> -> memref<128x8xf32, #tpu.memory_space<vmem>>
      %dma_start3A_20 = arith.constant 0 : i32
      %dma_start3A_21 = tpu.memref_slice %arg5[%add3A_12, %dma_start3A_20] : memref<96x128xi32, #tpu.memory_space<vmem>> -> memref<1x128xi32, #tpu.memory_space<vmem>>
      %dma_start3A_22 = tpu.memref_squeeze %dma_start3A_21 : memref<1x128xi32, #tpu.memory_space<vmem>> -> memref<128xi32, #tpu.memory_space<vmem>>
      %dma_start3A_23 = arith.constant 0 : i32
      %dma_start3A_24 = arith.constant 0 : i32
      %dma_start3A_25 = tpu.memref_slice %arg2[%dma_start3A_23, %dma_start3A_24] : memref<24576x8xf32, #tpu.memory_space<hbm>> -> memref<24576x8xf32, #tpu.memory_space<hbm>>
      tpu.enqueue_indirect_dma source(%dma_start3A_25 : memref<24576x8xf32, #tpu.memory_space<hbm>>) target(%dma_start3A_19 : memref<128x8xf32, #tpu.memory_space<vmem>>) offsets(%dma_start3A_22 : memref<128xi32, #tpu.memory_space<vmem>>) semaphore(%arg7 : memref<!tpu.dma_semaphore, #tpu.memory_space<semaphore_mem>>)
      %mul3A_26 = arith.constant 8 : i32
      %mul3A_27 = arith.muli %scan3A_8, %mul3A_26 : i32
      %add3A_28 = arith.constant 1 : i32
      %add3A_29 = arith.addi %mul3A_27, %add3A_28 : i32
      %mul3A_30 = arith.constant 8 : i32
      %mul3A_31 = arith.muli %scan3A_8, %mul3A_30 : i32
      %add3A_32 = arith.constant 1 : i32
      %add3A_33 = arith.addi %mul3A_31, %add3A_32 : i32
      %mul3A_34 = arith.constant 128 : i32
      %mul3A_35 = arith.muli %add3A_33, %mul3A_34 : i32
      %dma_start3A_36 = arith.constant 0 : i32
      %dma_start3A_37 = tpu.memref_slice %arg6[%mul3A_35, %dma_start3A_36] : memref<12288x8xf32, #tpu.memory_space<vmem>> -> memref<128x8xf32, #tpu.memory_space<vmem>>
      %dma_start3A_38 = arith.constant 0 : i32
      %dma_start3A_39 = tpu.memref_slice %arg5[%add3A_29, %dma_start3A_38] : memref<96x128xi32, #tpu.memory_space<vmem>> -> memref<1x128xi32, #tpu.memory_space<vmem>>
      %dma_start3A_40 = tpu.memref_squeeze %dma_start3A_39 : memref<1x128xi32, #tpu.memory_space<vmem>> -> memref<128xi32, #tpu.memory_space<vmem>>
      %dma_start3A_41 = arith.constant 0 : i32
      %dma_start3A_42 = arith.constant 0 : i32
      %dma_start3A_43 = tpu.memref_slice %arg2[%dma_start3A_41, %dma_start3A_42] : memref<24576x8xf32, #tpu.memory_space<hbm>> -> memref<24576x8xf32, #tpu.memory_space<hbm>>
      tpu.enqueue_indirect_dma source(%dma_start3A_43 : memref<24576x8xf32, #tpu.memory_space<hbm>>) target(%dma_start3A_37 : memref<128x8xf32, #tpu.memory_space<vmem>>) offsets(%dma_start3A_40 : memref<128xi32, #tpu.memory_space<vmem>>) semaphore(%arg7 : memref<!tpu.dma_semaphore, #tpu.memory_space<semaphore_mem>>)
      %mul3A_44 = arith.constant 8 : i32
      %mul3A_45 = arith.muli %scan3A_8, %mul3A_44 : i32
      %add3A_46 = arith.constant 2 : i32
      %add3A_47 = arith.addi %mul3A_45, %add3A_46 : i32
      %mul3A_48 = arith.constant 8 : i32
      %mul3A_49 = arith.muli %scan3A_8, %mul3A_48 : i32
      %add3A_50 = arith.constant 2 : i32
      %add3A_51 = arith.addi %mul3A_49, %add3A_50 : i32
      %mul3A_52 = arith.constant 128 : i32
      %mul3A_53 = arith.muli %add3A_51, %mul3A_52 : i32
      %dma_start3A_54 = arith.constant 0 : i32
      %dma_start3A_55 = tpu.memref_slice %arg6[%mul3A_53, %dma_start3A_54] : memref<12288x8xf32, #tpu.memory_space<vmem>> -> memref<128x8xf32, #tpu.memory_space<vmem>>
      %dma_start3A_56 = arith.constant 0 : i32
      %dma_start3A_57 = tpu.memref_slice %arg5[%add3A_47, %dma_start3A_56] : memref<96x128xi32, #tpu.memory_space<vmem>> -> memref<1x128xi32, #tpu.memory_space<vmem>>
      %dma_start3A_58 = tpu.memref_squeeze %dma_start3A_57 : memref<1x128xi32, #tpu.memory_space<vmem>> -> memref<128xi32, #tpu.memory_space<vmem>>
      %dma_start3A_59 = arith.constant 0 : i32
      %dma_start3A_60 = arith.constant 0 : i32
      %dma_start3A_61 = tpu.memref_slice %arg2[%dma_start3A_59, %dma_start3A_60] : memref<24576x8xf32, #tpu.memory_space<hbm>> -> memref<24576x8xf32, #tpu.memory_space<hbm>>
      tpu.enqueue_indirect_dma source(%dma_start3A_61 : memref<24576x8xf32, #tpu.memory_space<hbm>>) target(%dma_start3A_55 : memref<128x8xf32, #tpu.memory_space<vmem>>) offsets(%dma_start3A_58 : memref<128xi32, #tpu.memory_space<vmem>>) semaphore(%arg7 : memref<!tpu.dma_semaphore, #tpu.memory_space<semaphore_mem>>)
      %mul3A_62 = arith.constant 8 : i32
      %mul3A_63 = arith.muli %scan3A_8, %mul3A_62 : i32
      %add3A_64 = arith.constant 3 : i32
      %add3A_65 = arith.addi %mul3A_63, %add3A_64 : i32
      %mul3A_66 = arith.constant 8 : i32
      %mul3A_67 = arith.muli %scan3A_8, %mul3A_66 : i32
      %add3A_68 = arith.constant 3 : i32
      %add3A_69 = arith.addi %mul3A_67, %add3A_68 : i32
      %mul3A_70 = arith.constant 128 : i32
      %mul3A_71 = arith.muli %add3A_69, %mul3A_70 : i32
      %dma_start3A_72 = arith.constant 0 : i32
      %dma_start3A_73 = tpu.memref_slice %arg6[%mul3A_71, %dma_start3A_72] : memref<12288x8xf32, #tpu.memory_space<vmem>> -> memref<128x8xf32, #tpu.memory_space<vmem>>
      %dma_start3A_74 = arith.constant 0 : i32
      %dma_start3A_75 = tpu.memref_slice %arg5[%add3A_65, %dma_start3A_74] : memref<96x128xi32, #tpu.memory_space<vmem>> -> memref<1x128xi32, #tpu.memory_space<vmem>>
      %dma_start3A_76 = tpu.memref_squeeze %dma_start3A_75 : memref<1x128xi32, #tpu.memory_space<vmem>> -> memref<128xi32, #tpu.memory_space<vmem>>
      %dma_start3A_77 = arith.constant 0 : i32
      %dma_start3A_78 = arith.constant 0 : i32
      %dma_start3A_79 = tpu.memref_slice %arg2[%dma_start3A_77, %dma_start3A_78] : memref<24576x8xf32, #tpu.memory_space<hbm>> -> memref<24576x8xf32, #tpu.memory_space<hbm>>
      tpu.enqueue_indirect_dma source(%dma_start3A_79 : memref<24576x8xf32, #tpu.memory_space<hbm>>) target(%dma_start3A_73 : memref<128x8xf32, #tpu.memory_space<vmem>>) offsets(%dma_start3A_76 : memref<128xi32, #tpu.memory_space<vmem>>) semaphore(%arg7 : memref<!tpu.dma_semaphore, #tpu.memory_space<semaphore_mem>>)
      %mul3A_80 = arith.constant 8 : i32
      %mul3A_81 = arith.muli %scan3A_8, %mul3A_80 : i32
      %add3A_82 = arith.constant 4 : i32
      %add3A_83 = arith.addi %mul3A_81, %add3A_82 : i32
      %mul3A_84 = arith.constant 8 : i32
      %mul3A_85 = arith.muli %scan3A_8, %mul3A_84 : i32
      %add3A_86 = arith.constant 4 : i32
      %add3A_87 = arith.addi %mul3A_85, %add3A_86 : i32
      %mul3A_88 = arith.constant 128 : i32
      %mul3A_89 = arith.muli %add3A_87, %mul3A_88 : i32
      %dma_start3A_90 = arith.constant 0 : i32
      %dma_start3A_91 = tpu.memref_slice %arg6[%mul3A_89, %dma_start3A_90] : memref<12288x8xf32, #tpu.memory_space<vmem>> -> memref<128x8xf32, #tpu.memory_space<vmem>>
      %dma_start3A_92 = arith.constant 0 : i32
      %dma_start3A_93 = tpu.memref_slice %arg5[%add3A_83, %dma_start3A_92] : memref<96x128xi32, #tpu.memory_space<vmem>> -> memref<1x128xi32, #tpu.memory_space<vmem>>
      %dma_start3A_94 = tpu.memref_squeeze %dma_start3A_93 : memref<1x128xi32, #tpu.memory_space<vmem>> -> memref<128xi32, #tpu.memory_space<vmem>>
      %dma_start3A_95 = arith.constant 0 : i32
      %dma_start3A_96 = arith.constant 0 : i32
      %dma_start3A_97 = tpu.memref_slice %arg2[%dma_start3A_95, %dma_start3A_96] : memref<24576x8xf32, #tpu.memory_space<hbm>> -> memref<24576x8xf32, #tpu.memory_space<hbm>>
      tpu.enqueue_indirect_dma source(%dma_start3A_97 : memref<24576x8xf32, #tpu.memory_space<hbm>>) target(%dma_start3A_91 : memref<128x8xf32, #tpu.memory_space<vmem>>) offsets(%dma_start3A_94 : memref<128xi32, #tpu.memory_space<vmem>>) semaphore(%arg7 : memref<!tpu.dma_semaphore, #tpu.memory_space<semaphore_mem>>)
      %mul3A_98 = arith.constant 8 : i32
      %mul3A_99 = arith.muli %scan3A_8, %mul3A_98 : i32
      %add3A_100 = arith.constant 5 : i32
      %add3A_101 = arith.addi %mul3A_99, %add3A_100 : i32
      %mul3A_102 = arith.constant 8 : i32
      %mul3A_103 = arith.muli %scan3A_8, %mul3A_102 : i32
      %add3A_104 = arith.constant 5 : i32
      %add3A_105 = arith.addi %mul3A_103, %add3A_104 : i32
      %mul3A_106 = arith.constant 128 : i32
      %mul3A_107 = arith.muli %add3A_105, %mul3A_106 : i32
      %dma_start3A_108 = arith.constant 0 : i32
      %dma_start3A_109 = tpu.memref_slice %arg6[%mul3A_107, %dma_start3A_108] : memref<12288x8xf32, #tpu.memory_space<vmem>> -> memref<128x8xf32, #tpu.memory_space<vmem>>
      %dma_start3A_110 = arith.constant 0 : i32
      %dma_start3A_111 = tpu.memref_slice %arg5[%add3A_101, %dma_start3A_110] : memref<96x128xi32, #tpu.memory_space<vmem>> -> memref<1x128xi32, #tpu.memory_space<vmem>>
      %dma_start3A_112 = tpu.memref_squeeze %dma_start3A_111 : memref<1x128xi32, #tpu.memory_space<vmem>> -> memref<128xi32, #tpu.memory_space<vmem>>
      %dma_start3A_113 = arith.constant 0 : i32
      %dma_start3A_114 = arith.constant 0 : i32
      %dma_start3A_115 = tpu.memref_slice %arg2[%dma_start3A_113, %dma_start3A_114] : memref<24576x8xf32, #tpu.memory_space<hbm>> -> memref<24576x8xf32, #tpu.memory_space<hbm>>
      tpu.enqueue_indirect_dma source(%dma_start3A_115 : memref<24576x8xf32, #tpu.memory_space<hbm>>) target(%dma_start3A_109 : memref<128x8xf32, #tpu.memory_space<vmem>>) offsets(%dma_start3A_112 : memref<128xi32, #tpu.memory_space<vmem>>) semaphore(%arg7 : memref<!tpu.dma_semaphore, #tpu.memory_space<semaphore_mem>>)
      %mul3A_116 = arith.constant 8 : i32
      %mul3A_117 = arith.muli %scan3A_8, %mul3A_116 : i32
      %add3A_118 = arith.constant 6 : i32
      %add3A_119 = arith.addi %mul3A_117, %add3A_118 : i32
      %mul3A_120 = arith.constant 8 : i32
      %mul3A_121 = arith.muli %scan3A_8, %mul3A_120 : i32
      %add3A_122 = arith.constant 6 : i32
      %add3A_123 = arith.addi %mul3A_121, %add3A_122 : i32
      %mul3A_124 = arith.constant 128 : i32
      %mul3A_125 = arith.muli %add3A_123, %mul3A_124 : i32
      %dma_start3A_126 = arith.constant 0 : i32
      %dma_start3A_127 = tpu.memref_slice %arg6[%mul3A_125, %dma_start3A_126] : memref<12288x8xf32, #tpu.memory_space<vmem>> -> memref<128x8xf32, #tpu.memory_space<vmem>>
      %dma_start3A_128 = arith.constant 0 : i32
      %dma_start3A_129 = tpu.memref_slice %arg5[%add3A_119, %dma_start3A_128] : memref<96x128xi32, #tpu.memory_space<vmem>> -> memref<1x128xi32, #tpu.memory_space<vmem>>
      %dma_start3A_130 = tpu.memref_squeeze %dma_start3A_129 : memref<1x128xi32, #tpu.memory_space<vmem>> -> memref<128xi32, #tpu.memory_space<vmem>>
      %dma_start3A_131 = arith.constant 0 : i32
      %dma_start3A_132 = arith.constant 0 : i32
      %dma_start3A_133 = tpu.memref_slice %arg2[%dma_start3A_131, %dma_start3A_132] : memref<24576x8xf32, #tpu.memory_space<hbm>> -> memref<24576x8xf32, #tpu.memory_space<hbm>>
      tpu.enqueue_indirect_dma source(%dma_start3A_133 : memref<24576x8xf32, #tpu.memory_space<hbm>>) target(%dma_start3A_127 : memref<128x8xf32, #tpu.memory_space<vmem>>) offsets(%dma_start3A_130 : memref<128xi32, #tpu.memory_space<vmem>>) semaphore(%arg7 : memref<!tpu.dma_semaphore, #tpu.memory_space<semaphore_mem>>)
      %mul3A_134 = arith.constant 8 : i32
      %mul3A_135 = arith.muli %scan3A_8, %mul3A_134 : i32
      %add3A_136 = arith.constant 7 : i32
      %add3A_137 = arith.addi %mul3A_135, %add3A_136 : i32
      %mul3A_138 = arith.constant 8 : i32
      %mul3A_139 = arith.muli %scan3A_8, %mul3A_138 : i32
      %add3A_140 = arith.constant 7 : i32
      %add3A_141 = arith.addi %mul3A_139, %add3A_140 : i32
      %mul3A_142 = arith.constant 128 : i32
      %mul3A_143 = arith.muli %add3A_141, %mul3A_142 : i32
      %dma_start3A_144 = arith.constant 0 : i32
      %dma_start3A_145 = tpu.memref_slice %arg6[%mul3A_143, %dma_start3A_144] : memref<12288x8xf32, #tpu.memory_space<vmem>> -> memref<128x8xf32, #tpu.memory_space<vmem>>
      %dma_start3A_146 = arith.constant 0 : i32
      %dma_start3A_147 = tpu.memref_slice %arg5[%add3A_137, %dma_start3A_146] : memref<96x128xi32, #tpu.memory_space<vmem>> -> memref<1x128xi32, #tpu.memory_space<vmem>>
      %dma_start3A_148 = tpu.memref_squeeze %dma_start3A_147 : memref<1x128xi32, #tpu.memory_space<vmem>> -> memref<128xi32, #tpu.memory_space<vmem>>
      %dma_start3A_149 = arith.constant 0 : i32
      %dma_start3A_150 = arith.constant 0 : i32
      %dma_start3A_151 = tpu.memref_slice %arg2[%dma_start3A_149, %dma_start3A_150] : memref<24576x8xf32, #tpu.memory_space<hbm>> -> memref<24576x8xf32, #tpu.memory_space<hbm>>
      tpu.enqueue_indirect_dma source(%dma_start3A_151 : memref<24576x8xf32, #tpu.memory_space<hbm>>) target(%dma_start3A_145 : memref<128x8xf32, #tpu.memory_space<vmem>>) offsets(%dma_start3A_148 : memref<128xi32, #tpu.memory_space<vmem>>) semaphore(%arg7 : memref<!tpu.dma_semaphore, #tpu.memory_space<semaphore_mem>>)
      %dma_wait3A = arith.constant 0 : i32
      %dma_wait3A_152 = tpu.memref_slice %arg6[%mul3A_18, %dma_wait3A] : memref<12288x8xf32, #tpu.memory_space<vmem>> -> memref<128x8xf32, #tpu.memory_space<vmem>>
      %dma_wait3A_153 = arith.constant 0 : i32
      %dma_wait3A_154 = tpu.memref_slice %arg5[%add3A_12, %dma_wait3A_153] : memref<96x128xi32, #tpu.memory_space<vmem>> -> memref<1x128xi32, #tpu.memory_space<vmem>>
      %dma_wait3A_155 = tpu.memref_squeeze %dma_wait3A_154 : memref<1x128xi32, #tpu.memory_space<vmem>> -> memref<128xi32, #tpu.memory_space<vmem>>
      %dma_wait3A_156 = arith.constant 0 : i32
      %dma_wait3A_157 = arith.constant 0 : i32
      %dma_wait3A_158 = tpu.memref_slice %arg2[%dma_wait3A_156, %dma_wait3A_157] : memref<24576x8xf32, #tpu.memory_space<hbm>> -> memref<24576x8xf32, #tpu.memory_space<hbm>>
      tpu.wait_indirect_dma semaphore(%arg7 : memref<!tpu.dma_semaphore, #tpu.memory_space<semaphore_mem>>) src(%dma_wait3A_158 : memref<24576x8xf32, #tpu.memory_space<hbm>>) dst(%dma_wait3A_152 : memref<128x8xf32, #tpu.memory_space<vmem>>)
      %dma_wait3A_159 = arith.constant 0 : i32
      %dma_wait3A_160 = tpu.memref_slice %arg6[%mul3A_35, %dma_wait3A_159] : memref<12288x8xf32, #tpu.memory_space<vmem>> -> memref<128x8xf32, #tpu.memory_space<vmem>>
      %dma_wait3A_161 = arith.constant 0 : i32
      %dma_wait3A_162 = tpu.memref_slice %arg5[%add3A_29, %dma_wait3A_161] : memref<96x128xi32, #tpu.memory_space<vmem>> -> memref<1x128xi32, #tpu.memory_space<vmem>>
      %dma_wait3A_163 = tpu.memref_squeeze %dma_wait3A_162 : memref<1x128xi32, #tpu.memory_space<vmem>> -> memref<128xi32, #tpu.memory_space<vmem>>
      %dma_wait3A_164 = arith.constant 0 : i32
      %dma_wait3A_165 = arith.constant 0 : i32
      %dma_wait3A_166 = tpu.memref_slice %arg2[%dma_wait3A_164, %dma_wait3A_165] : memref<24576x8xf32, #tpu.memory_space<hbm>> -> memref<24576x8xf32, #tpu.memory_space<hbm>>
      tpu.wait_indirect_dma semaphore(%arg7 : memref<!tpu.dma_semaphore, #tpu.memory_space<semaphore_mem>>) src(%dma_wait3A_166 : memref<24576x8xf32, #tpu.memory_space<hbm>>) dst(%dma_wait3A_160 : memref<128x8xf32, #tpu.memory_space<vmem>>)
      %dma_wait3A_167 = arith.constant 0 : i32
      %dma_wait3A_168 = tpu.memref_slice %arg6[%mul3A_53, %dma_wait3A_167] : memref<12288x8xf32, #tpu.memory_space<vmem>> -> memref<128x8xf32, #tpu.memory_space<vmem>>
      %dma_wait3A_169 = arith.constant 0 : i32
      %dma_wait3A_170 = tpu.memref_slice %arg5[%add3A_47, %dma_wait3A_169] : memref<96x128xi32, #tpu.memory_space<vmem>> -> memref<1x128xi32, #tpu.memory_space<vmem>>
      %dma_wait3A_171 = tpu.memref_squeeze %dma_wait3A_170 : memref<1x128xi32, #tpu.memory_space<vmem>> -> memref<128xi32, #tpu.memory_space<vmem>>
      %dma_wait3A_172 = arith.constant 0 : i32
      %dma_wait3A_173 = arith.constant 0 : i32
      %dma_wait3A_174 = tpu.memref_slice %arg2[%dma_wait3A_172, %dma_wait3A_173] : memref<24576x8xf32, #tpu.memory_space<hbm>> -> memref<24576x8xf32, #tpu.memory_space<hbm>>
      tpu.wait_indirect_dma semaphore(%arg7 : memref<!tpu.dma_semaphore, #tpu.memory_space<semaphore_mem>>) src(%dma_wait3A_174 : memref<24576x8xf32, #tpu.memory_space<hbm>>) dst(%dma_wait3A_168 : memref<128x8xf32, #tpu.memory_space<vmem>>)
      %dma_wait3A_175 = arith.constant 0 : i32
      %dma_wait3A_176 = tpu.memref_slice %arg6[%mul3A_71, %dma_wait3A_175] : memref<12288x8xf32, #tpu.memory_space<vmem>> -> memref<128x8xf32, #tpu.memory_space<vmem>>
      %dma_wait3A_177 = arith.constant 0 : i32
      %dma_wait3A_178 = tpu.memref_slice %arg5[%add3A_65, %dma_wait3A_177] : memref<96x128xi32, #tpu.memory_space<vmem>> -> memref<1x128xi32, #tpu.memory_space<vmem>>
      %dma_wait3A_179 = tpu.memref_squeeze %dma_wait3A_178 : memref<1x128xi32, #tpu.memory_space<vmem>> -> memref<128xi32, #tpu.memory_space<vmem>>
      %dma_wait3A_180 = arith.constant 0 : i32
      %dma_wait3A_181 = arith.constant 0 : i32
      %dma_wait3A_182 = tpu.memref_slice %arg2[%dma_wait3A_180, %dma_wait3A_181] : memref<24576x8xf32, #tpu.memory_space<hbm>> -> memref<24576x8xf32, #tpu.memory_space<hbm>>
      tpu.wait_indirect_dma semaphore(%arg7 : memref<!tpu.dma_semaphore, #tpu.memory_space<semaphore_mem>>) src(%dma_wait3A_182 : memref<24576x8xf32, #tpu.memory_space<hbm>>) dst(%dma_wait3A_176 : memref<128x8xf32, #tpu.memory_space<vmem>>)
      %dma_wait3A_183 = arith.constant 0 : i32
      %dma_wait3A_184 = tpu.memref_slice %arg6[%mul3A_89, %dma_wait3A_183] : memref<12288x8xf32, #tpu.memory_space<vmem>> -> memref<128x8xf32, #tpu.memory_space<vmem>>
      %dma_wait3A_185 = arith.constant 0 : i32
      %dma_wait3A_186 = tpu.memref_slice %arg5[%add3A_83, %dma_wait3A_185] : memref<96x128xi32, #tpu.memory_space<vmem>> -> memref<1x128xi32, #tpu.memory_space<vmem>>
      %dma_wait3A_187 = tpu.memref_squeeze %dma_wait3A_186 : memref<1x128xi32, #tpu.memory_space<vmem>> -> memref<128xi32, #tpu.memory_space<vmem>>
      %dma_wait3A_188 = arith.constant 0 : i32
      %dma_wait3A_189 = arith.constant 0 : i32
      %dma_wait3A_190 = tpu.memref_slice %arg2[%dma_wait3A_188, %dma_wait3A_189] : memref<24576x8xf32, #tpu.memory_space<hbm>> -> memref<24576x8xf32, #tpu.memory_space<hbm>>
      tpu.wait_indirect_dma semaphore(%arg7 : memref<!tpu.dma_semaphore, #tpu.memory_space<semaphore_mem>>) src(%dma_wait3A_190 : memref<24576x8xf32, #tpu.memory_space<hbm>>) dst(%dma_wait3A_184 : memref<128x8xf32, #tpu.memory_space<vmem>>)
      %dma_wait3A_191 = arith.constant 0 : i32
      %dma_wait3A_192 = tpu.memref_slice %arg6[%mul3A_107, %dma_wait3A_191] : memref<12288x8xf32, #tpu.memory_space<vmem>> -> memref<128x8xf32, #tpu.memory_space<vmem>>
      %dma_wait3A_193 = arith.constant 0 : i32
      %dma_wait3A_194 = tpu.memref_slice %arg5[%add3A_101, %dma_wait3A_193] : memref<96x128xi32, #tpu.memory_space<vmem>> -> memref<1x128xi32, #tpu.memory_space<vmem>>
      %dma_wait3A_195 = tpu.memref_squeeze %dma_wait3A_194 : memref<1x128xi32, #tpu.memory_space<vmem>> -> memref<128xi32, #tpu.memory_space<vmem>>
      %dma_wait3A_196 = arith.constant 0 : i32
      %dma_wait3A_197 = arith.constant 0 : i32
      %dma_wait3A_198 = tpu.memref_slice %arg2[%dma_wait3A_196, %dma_wait3A_197] : memref<24576x8xf32, #tpu.memory_space<hbm>> -> memref<24576x8xf32, #tpu.memory_space<hbm>>
      tpu.wait_indirect_dma semaphore(%arg7 : memref<!tpu.dma_semaphore, #tpu.memory_space<semaphore_mem>>) src(%dma_wait3A_198 : memref<24576x8xf32, #tpu.memory_space<hbm>>) dst(%dma_wait3A_192 : memref<128x8xf32, #tpu.memory_space<vmem>>)
      %dma_wait3A_199 = arith.constant 0 : i32
      %dma_wait3A_200 = tpu.memref_slice %arg6[%mul3A_125, %dma_wait3A_199] : memref<12288x8xf32, #tpu.memory_space<vmem>> -> memref<128x8xf32, #tpu.memory_space<vmem>>
      %dma_wait3A_201 = arith.constant 0 : i32
      %dma_wait3A_202 = tpu.memref_slice %arg5[%add3A_119, %dma_wait3A_201] : memref<96x128xi32, #tpu.memory_space<vmem>> -> memref<1x128xi32, #tpu.memory_space<vmem>>
      %dma_wait3A_203 = tpu.memref_squeeze %dma_wait3A_202 : memref<1x128xi32, #tpu.memory_space<vmem>> -> memref<128xi32, #tpu.memory_space<vmem>>
      %dma_wait3A_204 = arith.constant 0 : i32
      %dma_wait3A_205 = arith.constant 0 : i32
      %dma_wait3A_206 = tpu.memref_slice %arg2[%dma_wait3A_204, %dma_wait3A_205] : memref<24576x8xf32, #tpu.memory_space<hbm>> -> memref<24576x8xf32, #tpu.memory_space<hbm>>
      tpu.wait_indirect_dma semaphore(%arg7 : memref<!tpu.dma_semaphore, #tpu.memory_space<semaphore_mem>>) src(%dma_wait3A_206 : memref<24576x8xf32, #tpu.memory_space<hbm>>) dst(%dma_wait3A_200 : memref<128x8xf32, #tpu.memory_space<vmem>>)
      %dma_wait3A_207 = arith.constant 0 : i32
      %dma_wait3A_208 = tpu.memref_slice %arg6[%mul3A_143, %dma_wait3A_207] : memref<12288x8xf32, #tpu.memory_space<vmem>> -> memref<128x8xf32, #tpu.memory_space<vmem>>
      %dma_wait3A_209 = arith.constant 0 : i32
      %dma_wait3A_210 = tpu.memref_slice %arg5[%add3A_137, %dma_wait3A_209] : memref<96x128xi32, #tpu.memory_space<vmem>> -> memref<1x128xi32, #tpu.memory_space<vmem>>
      %dma_wait3A_211 = tpu.memref_squeeze %dma_wait3A_210 : memref<1x128xi32, #tpu.memory_space<vmem>> -> memref<128xi32, #tpu.memory_space<vmem>>
      %dma_wait3A_212 = arith.constant 0 : i32
      %dma_wait3A_213 = arith.constant 0 : i32
      %dma_wait3A_214 = tpu.memref_slice %arg2[%dma_wait3A_212, %dma_wait3A_213] : memref<24576x8xf32, #tpu.memory_space<hbm>> -> memref<24576x8xf32, #tpu.memory_space<hbm>>
      tpu.wait_indirect_dma semaphore(%arg7 : memref<!tpu.dma_semaphore, #tpu.memory_space<semaphore_mem>>) src(%dma_wait3A_214 : memref<24576x8xf32, #tpu.memory_space<hbm>>) dst(%dma_wait3A_208 : memref<128x8xf32, #tpu.memory_space<vmem>>)
    }
    %scan3A_5 = arith.constant 12 : i32
    %mul3A_6 = arith.constant 12288 : i32
    %mul3A_7 = arith.muli %add3A, %mul3A_6 : i32
    "tpu.region"() ({
      %run_scoped3A = tpu.sem_alloc : memref<!tpu.dma_semaphore, #tpu.memory_space<semaphore_mem>>
      %dma_start3A = arith.constant 0 : i32
      %dma_start3A_8 = tpu.memref_slice %arg4[%mul3A_7, %dma_start3A] : memref<393216x8xf32, #tpu.memory_space<hbm>> -> memref<12288x8xf32, #tpu.memory_space<hbm>>
      %dma_start3A_9 = arith.constant 0 : i32
      %dma_start3A_10 = tpu.memref_slice %arg4[%mul3A_7, %dma_start3A_9] : memref<393216x8xf32, #tpu.memory_space<hbm>> -> memref<12288x8xf32, #tpu.memory_space<hbm>>
      tpu.enqueue_dma source(%arg6 : memref<12288x8xf32, #tpu.memory_space<vmem>>) target(%dma_start3A_10 : memref<12288x8xf32, #tpu.memory_space<hbm>>) target_semaphore(%run_scoped3A : memref<!tpu.dma_semaphore, #tpu.memory_space<semaphore_mem>>)
      %dma_wait3A = arith.constant 0 : i32
      %dma_wait3A_11 = tpu.memref_slice %arg4[%mul3A_7, %dma_wait3A] : memref<393216x8xf32, #tpu.memory_space<hbm>> -> memref<12288x8xf32, #tpu.memory_space<hbm>>
      %dma_wait3A_12 = arith.constant 0 : i32
      %dma_wait3A_13 = tpu.memref_slice %arg4[%mul3A_7, %dma_wait3A_12] : memref<393216x8xf32, #tpu.memory_space<hbm>> -> memref<12288x8xf32, #tpu.memory_space<hbm>>
      tpu.wait_dma2 semaphore(%run_scoped3A : memref<!tpu.dma_semaphore, #tpu.memory_space<semaphore_mem>>) src(%arg6 : memref<12288x8xf32, #tpu.memory_space<vmem>>) dst(%dma_wait3A_13 : memref<12288x8xf32, #tpu.memory_space<hbm>>)
      tpu.yield
    }) : () -> ()
    return
  }
}

module attributes {stable_mosaic.version = 14 : i64} {
  func.func @_assign_body(%arg0: i32, %arg1: memref<256x768xf32, #tpu.memory_space<vmem>>, %arg2: memref<96x256x64xbf16, #tpu.memory_space<vmem>>, %arg3: memref<256x96xi32, #tpu.memory_space<vmem>>, %arg4: memref<96x256xf32, #tpu.memory_space<vmem>>) attributes {dimension_semantics = [#tpu.dimension_semantics<arbitrary>], iteration_bounds = array<i64: 16>, scalar_prefetch = 0 : i64, scratch_operands = 1 : i64, tpu.core_type = #tpu.core_type<tc>, window_params = [{transform_indices = @transform_0, window_bounds = array<i64: 256, 768>}, {pipeline_mode = #tpu.pipeline_mode<synchronous>, transform_indices = @transform_1, window_bounds = array<i64: 96, 256, 64>}, {transform_indices = @transform_2, window_bounds = array<i64: 256, 96>}]} {
    %iota3A = tpu.iota {dimensions = array<i32: 0>} : vector<256x256xi32>
    %convert_element_type3A = arith.sitofp %iota3A : vector<256x256xi32> to vector<256x256xf32>
    %get3A = arith.constant 0 : index
    %get3A_0 = arith.constant 0 : index
    %get3A_1 = vector.load %arg1[%get3A, %get3A_0] : memref<256x768xf32, #tpu.memory_space<vmem>>, vector<256x768xf32>
    %transpose3A = tpu.transpose %get3A_1, [1, 0] : vector<256x768xf32> -> vector<768x256xf32>
    %bitcast_convert_type3A = tpu.bitcast %transpose3A : vector<768x256xf32> -> vector<768x256xi32>
    %and3A = arith.constant -65536 : i32
    %and3A_2 = vector.broadcast %and3A : i32 to vector<768x256xi32>
    %and3A_3 = arith.andi %bitcast_convert_type3A, %and3A_2 : vector<768x256xi32>
    %bitcast_convert_type3A_4 = tpu.bitcast %and3A_3 : vector<768x256xi32> -> vector<768x256xf32>
    %sub3A = arith.subf %transpose3A, %bitcast_convert_type3A_4 : vector<768x256xf32>
    %bitcast_convert_type3A_5 = tpu.bitcast %sub3A : vector<768x256xf32> -> vector<768x256xi32>
    %and3A_6 = arith.constant -65536 : i32
    %and3A_7 = vector.broadcast %and3A_6 : i32 to vector<768x256xi32>
    %and3A_8 = arith.andi %bitcast_convert_type3A_5, %and3A_7 : vector<768x256xi32>
    %bitcast_convert_type3A_9 = tpu.bitcast %and3A_8 : vector<768x256xi32> -> vector<768x256xf32>
    %sub3A_10 = arith.subf %sub3A, %bitcast_convert_type3A_9 : vector<768x256xf32>
    %broadcast_in_dim3A = arith.constant 1.000000e+00 : f32
    %broadcast_in_dim3A_11 = vector.broadcast %broadcast_in_dim3A : f32 to vector<3x256xf32>
    %broadcast_in_dim3A_12 = arith.constant 0.000000e+00 : f32
    %broadcast_in_dim3A_13 = vector.broadcast %broadcast_in_dim3A_12 : f32 to vector<13x256xf32>
    %concatenate3A = tpu.concatenate %broadcast_in_dim3A_11, %broadcast_in_dim3A_13 in 0 : vector<3x256xf32>, vector<13x256xf32> -> vector<16x256xf32>
    %slice3A = vector.extract_strided_slice %bitcast_convert_type3A_4 {offsets = [0, 0], sizes = [8, 256], strides = [1, 1]} : vector<768x256xf32> to vector<8x256xf32>
    %slice3A_14 = vector.extract_strided_slice %bitcast_convert_type3A_4 {offsets = [0, 0], sizes = [8, 256], strides = [1, 1]} : vector<768x256xf32> to vector<8x256xf32>
    %slice3A_15 = vector.extract_strided_slice %bitcast_convert_type3A_9 {offsets = [0, 0], sizes = [8, 256], strides = [1, 1]} : vector<768x256xf32> to vector<8x256xf32>
    %slice3A_16 = vector.extract_strided_slice %bitcast_convert_type3A_4 {offsets = [0, 0], sizes = [8, 256], strides = [1, 1]} : vector<768x256xf32> to vector<8x256xf32>
    %slice3A_17 = vector.extract_strided_slice %bitcast_convert_type3A_9 {offsets = [0, 0], sizes = [8, 256], strides = [1, 1]} : vector<768x256xf32> to vector<8x256xf32>
    %slice3A_18 = vector.extract_strided_slice %sub3A_10 {offsets = [0, 0], sizes = [8, 256], strides = [1, 1]} : vector<768x256xf32> to vector<8x256xf32>
    %concatenate3A_19 = tpu.concatenate %slice3A, %slice3A_14, %slice3A_15, %slice3A_16, %slice3A_17, %slice3A_18, %concatenate3A in 0 : vector<8x256xf32>, vector<8x256xf32>, vector<8x256xf32>, vector<8x256xf32>, vector<8x256xf32>, vector<8x256xf32>, vector<16x256xf32> -> vector<64x256xf32>
    %convert_element_type3A_20 = arith.truncf %concatenate3A_19 : vector<64x256xf32> to vector<64x256xbf16>
    %get3A_21 = arith.constant 0 : index
    %get3A_22 = arith.constant 0 : index
    %get3A_23 = arith.constant 0 : index
    %get3A_24 = vector.load %arg2[%get3A_21, %get3A_22, %get3A_23] : memref<96x256x64xbf16, #tpu.memory_space<vmem>>, vector<1x256x64xbf16>
    %get3A_25 = vector.shape_cast %get3A_24 : vector<1x256x64xbf16> to vector<256x64xbf16>
    %dot_general3A = arith.constant dense<0.000000e+00> : vector<256x256xf32>
    %dot_general3A_26 = tpu.matmul %get3A_25, %convert_element_type3A_20, %dot_general3A {dimension_numbers = #tpu.dot_dimension_numbers<[1], [0], [0], [1], [0, 0, 1, 1], [], []>, transpose_lhs_hint = false} : vector<256x64xbf16>, vector<64x256xbf16>, vector<256x256xf32> -> vector<256x256xf32>
    %slice3A_27 = vector.extract_strided_slice %bitcast_convert_type3A_4 {offsets = [8, 0], sizes = [8, 256], strides = [1, 1]} : vector<768x256xf32> to vector<8x256xf32>
    %slice3A_28 = vector.extract_strided_slice %bitcast_convert_type3A_4 {offsets = [8, 0], sizes = [8, 256], strides = [1, 1]} : vector<768x256xf32> to vector<8x256xf32>
    %slice3A_29 = vector.extract_strided_slice %bitcast_convert_type3A_9 {offsets = [8, 0], sizes = [8, 256], strides = [1, 1]} : vector<768x256xf32> to vector<8x256xf32>
    %slice3A_30 = vector.extract_strided_slice %bitcast_convert_type3A_4 {offsets = [8, 0], sizes = [8, 256], strides = [1, 1]} : vector<768x256xf32> to vector<8x256xf32>
    %slice3A_31 = vector.extract_strided_slice %bitcast_convert_type3A_9 {offsets = [8, 0], sizes = [8, 256], strides = [1, 1]} : vector<768x256xf32> to vector<8x256xf32>
    %slice3A_32 = vector.extract_strided_slice %sub3A_10 {offsets = [8, 0], sizes = [8, 256], strides = [1, 1]} : vector<768x256xf32> to vector<8x256xf32>
    %concatenate3A_33 = tpu.concatenate %slice3A_27, %slice3A_28, %slice3A_29, %slice3A_30, %slice3A_31, %slice3A_32, %concatenate3A in 0 : vector<8x256xf32>, vector<8x256xf32>, vector<8x256xf32>, vector<8x256xf32>, vector<8x256xf32>, vector<8x256xf32>, vector<16x256xf32> -> vector<64x256xf32>
    %convert_element_type3A_34 = arith.truncf %concatenate3A_33 : vector<64x256xf32> to vector<64x256xbf16>
    %get3A_35 = arith.constant 1 : index
    %get3A_36 = arith.constant 0 : index
    %get3A_37 = arith.constant 0 : index
    %get3A_38 = vector.load %arg2[%get3A_35, %get3A_36, %get3A_37] : memref<96x256x64xbf16, #tpu.memory_space<vmem>>, vector<1x256x64xbf16>
    %get3A_39 = vector.shape_cast %get3A_38 : vector<1x256x64xbf16> to vector<256x64xbf16>
    %dot_general3A_40 = arith.constant dense<0.000000e+00> : vector<256x256xf32>
    %dot_general3A_41 = tpu.matmul %get3A_39, %convert_element_type3A_34, %dot_general3A_40 {dimension_numbers = #tpu.dot_dimension_numbers<[1], [0], [0], [1], [0, 0, 1, 1], [], []>, transpose_lhs_hint = false} : vector<256x64xbf16>, vector<64x256xbf16>, vector<256x256xf32> -> vector<256x256xf32>
    %reduce_max3A = arith.constant dense<0xFF800000> : vector<256xf32>
    %reduce_max3A_42 = vector.multi_reduction <maximumf>, %dot_general3A_26, %reduce_max3A [0] : vector<256x256xf32> to vector<256xf32>
    %broadcast_in_dim3A_43 = vector.shape_cast %reduce_max3A_42 : vector<256xf32> to vector<1x256xf32>
    %sub3A_44 = vector.broadcast %broadcast_in_dim3A_43 : vector<1x256xf32> to vector<256x256xf32>
    %sub3A_45 = arith.subf %sub3A_44, %dot_general3A_26 : vector<256x256xf32>
    %add3A = arith.addf %sub3A_45, %convert_element_type3A : vector<256x256xf32>
    %reduce_min3A = arith.constant dense<0x7F800000> : vector<256xf32>
    %reduce_min3A_46 = vector.multi_reduction <minimumf>, %add3A, %reduce_min3A [0] : vector<256x256xf32> to vector<256xf32>
    %swap3A = arith.constant 0 : index
    %swap3A_47 = arith.constant 0 : index
    %swap3A_48 = vector.load %arg4[%swap3A, %swap3A_47] : memref<96x256xf32, #tpu.memory_space<vmem>>, vector<1x256xf32>
    %swap3A_49 = vector.shape_cast %swap3A_48 : vector<1x256xf32> to vector<256xf32>
    %swap3A_50 = vector.shape_cast %reduce_min3A_46 : vector<256xf32> to vector<1x256xf32>
    tpu.vector_store %arg4[%swap3A, %swap3A_47], %swap3A_50 {strides = array<i32>} : memref<96x256xf32, #tpu.memory_space<vmem>>, vector<1x256xf32>,
    %slice3A_51 = vector.extract_strided_slice %bitcast_convert_type3A_4 {offsets = [16, 0], sizes = [8, 256], strides = [1, 1]} : vector<768x256xf32> to vector<8x256xf32>
    %slice3A_52 = vector.extract_strided_slice %bitcast_convert_type3A_4 {offsets = [16, 0], sizes = [8, 256], strides = [1, 1]} : vector<768x256xf32> to vector<8x256xf32>
    %slice3A_53 = vector.extract_strided_slice %bitcast_convert_type3A_9 {offsets = [16, 0], sizes = [8, 256], strides = [1, 1]} : vector<768x256xf32> to vector<8x256xf32>
    %slice3A_54 = vector.extract_strided_slice %bitcast_convert_type3A_4 {offsets = [16, 0], sizes = [8, 256], strides = [1, 1]} : vector<768x256xf32> to vector<8x256xf32>
    %slice3A_55 = vector.extract_strided_slice %bitcast_convert_type3A_9 {offsets = [16, 0], sizes = [8, 256], strides = [1, 1]} : vector<768x256xf32> to vector<8x256xf32>
    %slice3A_56 = vector.extract_strided_slice %sub3A_10 {offsets = [16, 0], sizes = [8, 256], strides = [1, 1]} : vector<768x256xf32> to vector<8x256xf32>
    %concatenate3A_57 = tpu.concatenate %slice3A_51, %slice3A_52, %slice3A_53, %slice3A_54, %slice3A_55, %slice3A_56, %concatenate3A in 0 : vector<8x256xf32>, vector<8x256xf32>, vector<8x256xf32>, vector<8x256xf32>, vector<8x256xf32>, vector<8x256xf32>, vector<16x256xf32> -> vector<64x256xf32>
    %convert_element_type3A_58 = arith.truncf %concatenate3A_57 : vector<64x256xf32> to vector<64x256xbf16>
    %get3A_59 = arith.constant 2 : index
    %get3A_60 = arith.constant 0 : index
    %get3A_61 = arith.constant 0 : index
    %get3A_62 = vector.load %arg2[%get3A_59, %get3A_60, %get3A_61] : memref<96x256x64xbf16, #tpu.memory_space<vmem>>, vector<1x256x64xbf16>
    %get3A_63 = vector.shape_cast %get3A_62 : vector<1x256x64xbf16> to vector<256x64xbf16>
    %dot_general3A_64 = arith.constant dense<0.000000e+00> : vector<256x256xf32>
    %dot_general3A_65 = tpu.matmul %get3A_63, %convert_element_type3A_58, %dot_general3A_64 {dimension_numbers = #tpu.dot_dimension_numbers<[1], [0], [0], [1], [0, 0, 1, 1], [], []>, transpose_lhs_hint = false} : vector<256x64xbf16>, vector<64x256xbf16>, vector<256x256xf32> -> vector<256x256xf32>
    %reduce_max3A_66 = arith.constant dense<0xFF800000> : vector<256xf32>
    %reduce_max3A_67 = vector.multi_reduction <maximumf>, %dot_general3A_41, %reduce_max3A_66 [0] : vector<256x256xf32> to vector<256xf32>
    %broadcast_in_dim3A_68 = vector.shape_cast %reduce_max3A_67 : vector<256xf32> to vector<1x256xf32>
    %sub3A_69 = vector.broadcast %broadcast_in_dim3A_68 : vector<1x256xf32> to vector<256x256xf32>
    %sub3A_70 = arith.subf %sub3A_69, %dot_general3A_41 : vector<256x256xf32>
    %add3A_71 = arith.addf %sub3A_70, %convert_element_type3A : vector<256x256xf32>
    %reduce_min3A_72 = arith.constant dense<0x7F800000> : vector<256xf32>
    %reduce_min3A_73 = vector.multi_reduction <minimumf>, %add3A_71, %reduce_min3A_72 [0] : vector<256x256xf32> to vector<256xf32>
    %swap3A_74 = arith.constant 1 : index
    %swap3A_75 = arith.constant 0 : index
    %swap3A_76 = vector.load %arg4[%swap3A_74, %swap3A_75] : memref<96x256xf32, #tpu.memory_space<vmem>>, vector<1x256xf32>
    %swap3A_77 = vector.shape_cast %swap3A_76 : vector<1x256xf32> to vector<256xf32>
    %swap3A_78 = vector.shape_cast %reduce_min3A_73 : vector<256xf32> to vector<1x256xf32>
    tpu.vector_store %arg4[%swap3A_74, %swap3A_75], %swap3A_78 {strides = array<i32>} : memref<96x256xf32, #tpu.memory_space<vmem>>, vector<1x256xf32>,
    %slice3A_79 = vector.extract_strided_slice %bitcast_convert_type3A_4 {offsets = [24, 0], sizes = [8, 256], strides = [1, 1]} : vector<768x256xf32> to vector<8x256xf32>
    %slice3A_80 = vector.extract_strided_slice %bitcast_convert_type3A_4 {offsets = [24, 0], sizes = [8, 256], strides = [1, 1]} : vector<768x256xf32> to vector<8x256xf32>
    %slice3A_81 = vector.extract_strided_slice %bitcast_convert_type3A_9 {offsets = [24, 0], sizes = [8, 256], strides = [1, 1]} : vector<768x256xf32> to vector<8x256xf32>
    %slice3A_82 = vector.extract_strided_slice %bitcast_convert_type3A_4 {offsets = [24, 0], sizes = [8, 256], strides = [1, 1]} : vector<768x256xf32> to vector<8x256xf32>
    %slice3A_83 = vector.extract_strided_slice %bitcast_convert_type3A_9 {offsets = [24, 0], sizes = [8, 256], strides = [1, 1]} : vector<768x256xf32> to vector<8x256xf32>
    %slice3A_84 = vector.extract_strided_slice %sub3A_10 {offsets = [24, 0], sizes = [8, 256], strides = [1, 1]} : vector<768x256xf32> to vector<8x256xf32>
    %concatenate3A_85 = tpu.concatenate %slice3A_79, %slice3A_80, %slice3A_81, %slice3A_82, %slice3A_83, %slice3A_84, %concatenate3A in 0 : vector<8x256xf32>, vector<8x256xf32>, vector<8x256xf32>, vector<8x256xf32>, vector<8x256xf32>, vector<8x256xf32>, vector<16x256xf32> -> vector<64x256xf32>
    %convert_element_type3A_86 = arith.truncf %concatenate3A_85 : vector<64x256xf32> to vector<64x256xbf16>
    %get3A_87 = arith.constant 3 : index
    %get3A_88 = arith.constant 0 : index
    %get3A_89 = arith.constant 0 : index
    %get3A_90 = vector.load %arg2[%get3A_87, %get3A_88, %get3A_89] : memref<96x256x64xbf16, #tpu.memory_space<vmem>>, vector<1x256x64xbf16>
    %get3A_91 = vector.shape_cast %get3A_90 : vector<1x256x64xbf16> to vector<256x64xbf16>
    %dot_general3A_92 = arith.constant dense<0.000000e+00> : vector<256x256xf32>
    %dot_general3A_93 = tpu.matmul %get3A_91, %convert_element_type3A_86, %dot_general3A_92 {dimension_numbers = #tpu.dot_dimension_numbers<[1], [0], [0], [1], [0, 0, 1, 1], [], []>, transpose_lhs_hint = false} : vector<256x64xbf16>, vector<64x256xbf16>, vector<256x256xf32> -> vector<256x256xf32>
    %reduce_max3A_94 = arith.constant dense<0xFF800000> : vector<256xf32>
    %reduce_max3A_95 = vector.multi_reduction <maximumf>, %dot_general3A_65, %reduce_max3A_94 [0] : vector<256x256xf32> to vector<256xf32>
    %broadcast_in_dim3A_96 = vector.shape_cast %reduce_max3A_95 : vector<256xf32> to vector<1x256xf32>
    %sub3A_97 = vector.broadcast %broadcast_in_dim3A_96 : vector<1x256xf32> to vector<256x256xf32>
    %sub3A_98 = arith.subf %sub3A_97, %dot_general3A_65 : vector<256x256xf32>
    %add3A_99 = arith.addf %sub3A_98, %convert_element_type3A : vector<256x256xf32>
    %reduce_min3A_100 = arith.constant dense<0x7F800000> : vector<256xf32>
    %reduce_min3A_101 = vector.multi_reduction <minimumf>, %add3A_99, %reduce_min3A_100 [0] : vector<256x256xf32> to vector<256xf32>
    %swap3A_102 = arith.constant 2 : index
    %swap3A_103 = arith.constant 0 : index
    %swap3A_104 = vector.load %arg4[%swap3A_102, %swap3A_103] : memref<96x256xf32, #tpu.memory_space<vmem>>, vector<1x256xf32>
    %swap3A_105 = vector.shape_cast %swap3A_104 : vector<1x256xf32> to vector<256xf32>
    %swap3A_106 = vector.shape_cast %reduce_min3A_101 : vector<256xf32> to vector<1x256xf32>
    tpu.vector_store %arg4[%swap3A_102, %swap3A_103], %swap3A_106 {strides = array<i32>} : memref<96x256xf32, #tpu.memory_space<vmem>>, vector<1x256xf32>,
    %slice3A_107 = vector.extract_strided_slice %bitcast_convert_type3A_4 {offsets = [32, 0], sizes = [8, 256], strides = [1, 1]} : vector<768x256xf32> to vector<8x256xf32>
    %slice3A_108 = vector.extract_strided_slice %bitcast_convert_type3A_4 {offsets = [32, 0], sizes = [8, 256], strides = [1, 1]} : vector<768x256xf32> to vector<8x256xf32>
    %slice3A_109 = vector.extract_strided_slice %bitcast_convert_type3A_9 {offsets = [32, 0], sizes = [8, 256], strides = [1, 1]} : vector<768x256xf32> to vector<8x256xf32>
    %slice3A_110 = vector.extract_strided_slice %bitcast_convert_type3A_4 {offsets = [32, 0], sizes = [8, 256], strides = [1, 1]} : vector<768x256xf32> to vector<8x256xf32>
    %slice3A_111 = vector.extract_strided_slice %bitcast_convert_type3A_9 {offsets = [32, 0], sizes = [8, 256], strides = [1, 1]} : vector<768x256xf32> to vector<8x256xf32>
    %slice3A_112 = vector.extract_strided_slice %sub3A_10 {offsets = [32, 0], sizes = [8, 256], strides = [1, 1]} : vector<768x256xf32> to vector<8x256xf32>
    %concatenate3A_113 = tpu.concatenate %slice3A_107, %slice3A_108, %slice3A_109, %slice3A_110, %slice3A_111, %slice3A_112, %concatenate3A in 0 : vector<8x256xf32>, vector<8x256xf32>, vector<8x256xf32>, vector<8x256xf32>, vector<8x256xf32>, vector<8x256xf32>, vector<16x256xf32> -> vector<64x256xf32>
    %convert_element_type3A_114 = arith.truncf %concatenate3A_113 : vector<64x256xf32> to vector<64x256xbf16>
    %get3A_115 = arith.constant 4 : index
    %get3A_116 = arith.constant 0 : index
    %get3A_117 = arith.constant 0 : index
    %get3A_118 = vector.load %arg2[%get3A_115, %get3A_116, %get3A_117] : memref<96x256x64xbf16, #tpu.memory_space<vmem>>, vector<1x256x64xbf16>
    %get3A_119 = vector.shape_cast %get3A_118 : vector<1x256x64xbf16> to vector<256x64xbf16>
    %dot_general3A_120 = arith.constant dense<0.000000e+00> : vector<256x256xf32>
    %dot_general3A_121 = tpu.matmul %get3A_119, %convert_element_type3A_114, %dot_general3A_120 {dimension_numbers = #tpu.dot_dimension_numbers<[1], [0], [0], [1], [0, 0, 1, 1], [], []>, transpose_lhs_hint = false} : vector<256x64xbf16>, vector<64x256xbf16>, vector<256x256xf32> -> vector<256x256xf32>
    %reduce_max3A_122 = arith.constant dense<0xFF800000> : vector<256xf32>
    %reduce_max3A_123 = vector.multi_reduction <maximumf>, %dot_general3A_93, %reduce_max3A_122 [0] : vector<256x256xf32> to vector<256xf32>
    %broadcast_in_dim3A_124 = vector.shape_cast %reduce_max3A_123 : vector<256xf32> to vector<1x256xf32>
    %sub3A_125 = vector.broadcast %broadcast_in_dim3A_124 : vector<1x256xf32> to vector<256x256xf32>
    %sub3A_126 = arith.subf %sub3A_125, %dot_general3A_93 : vector<256x256xf32>
    %add3A_127 = arith.addf %sub3A_126, %convert_element_type3A : vector<256x256xf32>
    %reduce_min3A_128 = arith.constant dense<0x7F800000> : vector<256xf32>
    %reduce_min3A_129 = vector.multi_reduction <minimumf>, %add3A_127, %reduce_min3A_128 [0] : vector<256x256xf32> to vector<256xf32>
    %swap3A_130 = arith.constant 3 : index
    %swap3A_131 = arith.constant 0 : index
    %swap3A_132 = vector.load %arg4[%swap3A_130, %swap3A_131] : memref<96x256xf32, #tpu.memory_space<vmem>>, vector<1x256xf32>
    %swap3A_133 = vector.shape_cast %swap3A_132 : vector<1x256xf32> to vector<256xf32>
    %swap3A_134 = vector.shape_cast %reduce_min3A_129 : vector<256xf32> to vector<1x256xf32>
    tpu.vector_store %arg4[%swap3A_130, %swap3A_131], %swap3A_134 {strides = array<i32>} : memref<96x256xf32, #tpu.memory_space<vmem>>, vector<1x256xf32>,
    %slice3A_135 = vector.extract_strided_slice %bitcast_convert_type3A_4 {offsets = [40, 0], sizes = [8, 256], strides = [1, 1]} : vector<768x256xf32> to vector<8x256xf32>
    %slice3A_136 = vector.extract_strided_slice %bitcast_convert_type3A_4 {offsets = [40, 0], sizes = [8, 256], strides = [1, 1]} : vector<768x256xf32> to vector<8x256xf32>
    %slice3A_137 = vector.extract_strided_slice %bitcast_convert_type3A_9 {offsets = [40, 0], sizes = [8, 256], strides = [1, 1]} : vector<768x256xf32> to vector<8x256xf32>
    %slice3A_138 = vector.extract_strided_slice %bitcast_convert_type3A_4 {offsets = [40, 0], sizes = [8, 256], strides = [1, 1]} : vector<768x256xf32> to vector<8x256xf32>
    %slice3A_139 = vector.extract_strided_slice %bitcast_convert_type3A_9 {offsets = [40, 0], sizes = [8, 256], strides = [1, 1]} : vector<768x256xf32> to vector<8x256xf32>
    %slice3A_140 = vector.extract_strided_slice %sub3A_10 {offsets = [40, 0], sizes = [8, 256], strides = [1, 1]} : vector<768x256xf32> to vector<8x256xf32>
    %concatenate3A_141 = tpu.concatenate %slice3A_135, %slice3A_136, %slice3A_137, %slice3A_138, %slice3A_139, %slice3A_140, %concatenate3A in 0 : vector<8x256xf32>, vector<8x256xf32>, vector<8x256xf32>, vector<8x256xf32>, vector<8x256xf32>, vector<8x256xf32>, vector<16x256xf32> -> vector<64x256xf32>
    %convert_element_type3A_142 = arith.truncf %concatenate3A_141 : vector<64x256xf32> to vector<64x256xbf16>
    %get3A_143 = arith.constant 5 : index
    %get3A_144 = arith.constant 0 : index
    %get3A_145 = arith.constant 0 : index
    %get3A_146 = vector.load %arg2[%get3A_143, %get3A_144, %get3A_145] : memref<96x256x64xbf16, #tpu.memory_space<vmem>>, vector<1x256x64xbf16>
    %get3A_147 = vector.shape_cast %get3A_146 : vector<1x256x64xbf16> to vector<256x64xbf16>
    %dot_general3A_148 = arith.constant dense<0.000000e+00> : vector<256x256xf32>
    %dot_general3A_149 = tpu.matmul %get3A_147, %convert_element_type3A_142, %dot_general3A_148 {dimension_numbers = #tpu.dot_dimension_numbers<[1], [0], [0], [1], [0, 0, 1, 1], [], []>, transpose_lhs_hint = false} : vector<256x64xbf16>, vector<64x256xbf16>, vector<256x256xf32> -> vector<256x256xf32>
    %reduce_max3A_150 = arith.constant dense<0xFF800000> : vector<256xf32>
    %reduce_max3A_151 = vector.multi_reduction <maximumf>, %dot_general3A_121, %reduce_max3A_150 [0] : vector<256x256xf32> to vector<256xf32>
    %broadcast_in_dim3A_152 = vector.shape_cast %reduce_max3A_151 : vector<256xf32> to vector<1x256xf32>
    %sub3A_153 = vector.broadcast %broadcast_in_dim3A_152 : vector<1x256xf32> to vector<256x256xf32>
    %sub3A_154 = arith.subf %sub3A_153, %dot_general3A_121 : vector<256x256xf32>
    %add3A_155 = arith.addf %sub3A_154, %convert_element_type3A : vector<256x256xf32>
    %reduce_min3A_156 = arith.constant dense<0x7F800000> : vector<256xf32>
    %reduce_min3A_157 = vector.multi_reduction <minimumf>, %add3A_155, %reduce_min3A_156 [0] : vector<256x256xf32> to vector<256xf32>
    %swap3A_158 = arith.constant 4 : index
    %swap3A_159 = arith.constant 0 : index
    %swap3A_160 = vector.load %arg4[%swap3A_158, %swap3A_159] : memref<96x256xf32, #tpu.memory_space<vmem>>, vector<1x256xf32>
    %swap3A_161 = vector.shape_cast %swap3A_160 : vector<1x256xf32> to vector<256xf32>
    %swap3A_162 = vector.shape_cast %reduce_min3A_157 : vector<256xf32> to vector<1x256xf32>
    tpu.vector_store %arg4[%swap3A_158, %swap3A_159], %swap3A_162 {strides = array<i32>} : memref<96x256xf32, #tpu.memory_space<vmem>>, vector<1x256xf32>,
    %slice3A_163 = vector.extract_strided_slice %bitcast_convert_type3A_4 {offsets = [48, 0], sizes = [8, 256], strides = [1, 1]} : vector<768x256xf32> to vector<8x256xf32>
    %slice3A_164 = vector.extract_strided_slice %bitcast_convert_type3A_4 {offsets = [48, 0], sizes = [8, 256], strides = [1, 1]} : vector<768x256xf32> to vector<8x256xf32>
    %slice3A_165 = vector.extract_strided_slice %bitcast_convert_type3A_9 {offsets = [48, 0], sizes = [8, 256], strides = [1, 1]} : vector<768x256xf32> to vector<8x256xf32>
    %slice3A_166 = vector.extract_strided_slice %bitcast_convert_type3A_4 {offsets = [48, 0], sizes = [8, 256], strides = [1, 1]} : vector<768x256xf32> to vector<8x256xf32>
    %slice3A_167 = vector.extract_strided_slice %bitcast_convert_type3A_9 {offsets = [48, 0], sizes = [8, 256], strides = [1, 1]} : vector<768x256xf32> to vector<8x256xf32>
    %slice3A_168 = vector.extract_strided_slice %sub3A_10 {offsets = [48, 0], sizes = [8, 256], strides = [1, 1]} : vector<768x256xf32> to vector<8x256xf32>
    %concatenate3A_169 = tpu.concatenate %slice3A_163, %slice3A_164, %slice3A_165, %slice3A_166, %slice3A_167, %slice3A_168, %concatenate3A in 0 : vector<8x256xf32>, vector<8x256xf32>, vector<8x256xf32>, vector<8x256xf32>, vector<8x256xf32>, vector<8x256xf32>, vector<16x256xf32> -> vector<64x256xf32>
    %convert_element_type3A_170 = arith.truncf %concatenate3A_169 : vector<64x256xf32> to vector<64x256xbf16>
    %get3A_171 = arith.constant 6 : index
    %get3A_172 = arith.constant 0 : index
    %get3A_173 = arith.constant 0 : index
    %get3A_174 = vector.load %arg2[%get3A_171, %get3A_172, %get3A_173] : memref<96x256x64xbf16, #tpu.memory_space<vmem>>, vector<1x256x64xbf16>
    %get3A_175 = vector.shape_cast %get3A_174 : vector<1x256x64xbf16> to vector<256x64xbf16>
    %dot_general3A_176 = arith.constant dense<0.000000e+00> : vector<256x256xf32>
    %dot_general3A_177 = tpu.matmul %get3A_175, %convert_element_type3A_170, %dot_general3A_176 {dimension_numbers = #tpu.dot_dimension_numbers<[1], [0], [0], [1], [0, 0, 1, 1], [], []>, transpose_lhs_hint = false} : vector<256x64xbf16>, vector<64x256xbf16>, vector<256x256xf32> -> vector<256x256xf32>
    %reduce_max3A_178 = arith.constant dense<0xFF800000> : vector<256xf32>
    %reduce_max3A_179 = vector.multi_reduction <maximumf>, %dot_general3A_149, %reduce_max3A_178 [0] : vector<256x256xf32> to vector<256xf32>
    %broadcast_in_dim3A_180 = vector.shape_cast %reduce_max3A_179 : vector<256xf32> to vector<1x256xf32>
    %sub3A_181 = vector.broadcast %broadcast_in_dim3A_180 : vector<1x256xf32> to vector<256x256xf32>
    %sub3A_182 = arith.subf %sub3A_181, %dot_general3A_149 : vector<256x256xf32>
    %add3A_183 = arith.addf %sub3A_182, %convert_element_type3A : vector<256x256xf32>
    %reduce_min3A_184 = arith.constant dense<0x7F800000> : vector<256xf32>
    %reduce_min3A_185 = vector.multi_reduction <minimumf>, %add3A_183, %reduce_min3A_184 [0] : vector<256x256xf32> to vector<256xf32>
    %swap3A_186 = arith.constant 5 : index
    %swap3A_187 = arith.constant 0 : index
    %swap3A_188 = vector.load %arg4[%swap3A_186, %swap3A_187] : memref<96x256xf32, #tpu.memory_space<vmem>>, vector<1x256xf32>
    %swap3A_189 = vector.shape_cast %swap3A_188 : vector<1x256xf32> to vector<256xf32>
    %swap3A_190 = vector.shape_cast %reduce_min3A_185 : vector<256xf32> to vector<1x256xf32>
    tpu.vector_store %arg4[%swap3A_186, %swap3A_187], %swap3A_190 {strides = array<i32>} : memref<96x256xf32, #tpu.memory_space<vmem>>, vector<1x256xf32>,
    %slice3A_191 = vector.extract_strided_slice %bitcast_convert_type3A_4 {offsets = [56, 0], sizes = [8, 256], strides = [1, 1]} : vector<768x256xf32> to vector<8x256xf32>
    %slice3A_192 = vector.extract_strided_slice %bitcast_convert_type3A_4 {offsets = [56, 0], sizes = [8, 256], strides = [1, 1]} : vector<768x256xf32> to vector<8x256xf32>
    %slice3A_193 = vector.extract_strided_slice %bitcast_convert_type3A_9 {offsets = [56, 0], sizes = [8, 256], strides = [1, 1]} : vector<768x256xf32> to vector<8x256xf32>
    %slice3A_194 = vector.extract_strided_slice %bitcast_convert_type3A_4 {offsets = [56, 0], sizes = [8, 256], strides = [1, 1]} : vector<768x256xf32> to vector<8x256xf32>
    %slice3A_195 = vector.extract_strided_slice %bitcast_convert_type3A_9 {offsets = [56, 0], sizes = [8, 256], strides = [1, 1]} : vector<768x256xf32> to vector<8x256xf32>
    %slice3A_196 = vector.extract_strided_slice %sub3A_10 {offsets = [56, 0], sizes = [8, 256], strides = [1, 1]} : vector<768x256xf32> to vector<8x256xf32>
    %concatenate3A_197 = tpu.concatenate %slice3A_191, %slice3A_192, %slice3A_193, %slice3A_194, %slice3A_195, %slice3A_196, %concatenate3A in 0 : vector<8x256xf32>, vector<8x256xf32>, vector<8x256xf32>, vector<8x256xf32>, vector<8x256xf32>, vector<8x256xf32>, vector<16x256xf32> -> vector<64x256xf32>
    %convert_element_type3A_198 = arith.truncf %concatenate3A_197 : vector<64x256xf32> to vector<64x256xbf16>
    %get3A_199 = arith.constant 7 : index
    %get3A_200 = arith.constant 0 : index
    %get3A_201 = arith.constant 0 : index
    %get3A_202 = vector.load %arg2[%get3A_199, %get3A_200, %get3A_201] : memref<96x256x64xbf16, #tpu.memory_space<vmem>>, vector<1x256x64xbf16>
    %get3A_203 = vector.shape_cast %get3A_202 : vector<1x256x64xbf16> to vector<256x64xbf16>
    %dot_general3A_204 = arith.constant dense<0.000000e+00> : vector<256x256xf32>
    %dot_general3A_205 = tpu.matmul %get3A_203, %convert_element_type3A_198, %dot_general3A_204 {dimension_numbers = #tpu.dot_dimension_numbers<[1], [0], [0], [1], [0, 0, 1, 1], [], []>, transpose_lhs_hint = false} : vector<256x64xbf16>, vector<64x256xbf16>, vector<256x256xf32> -> vector<256x256xf32>
    %reduce_max3A_206 = arith.constant dense<0xFF800000> : vector<256xf32>
    %reduce_max3A_207 = vector.multi_reduction <maximumf>, %dot_general3A_177, %reduce_max3A_206 [0] : vector<256x256xf32> to vector<256xf32>
    %broadcast_in_dim3A_208 = vector.shape_cast %reduce_max3A_207 : vector<256xf32> to vector<1x256xf32>
    %sub3A_209 = vector.broadcast %broadcast_in_dim3A_208 : vector<1x256xf32> to vector<256x256xf32>
    %sub3A_210 = arith.subf %sub3A_209, %dot_general3A_177 : vector<256x256xf32>
    %add3A_211 = arith.addf %sub3A_210, %convert_element_type3A : vector<256x256xf32>
    %reduce_min3A_212 = arith.constant dense<0x7F800000> : vector<256xf32>
    %reduce_min3A_213 = vector.multi_reduction <minimumf>, %add3A_211, %reduce_min3A_212 [0] : vector<256x256xf32> to vector<256xf32>
    %swap3A_214 = arith.constant 6 : index
    %swap3A_215 = arith.constant 0 : index
    %swap3A_216 = vector.load %arg4[%swap3A_214, %swap3A_215] : memref<96x256xf32, #tpu.memory_space<vmem>>, vector<1x256xf32>
    %swap3A_217 = vector.shape_cast %swap3A_216 : vector<1x256xf32> to vector<256xf32>
    %swap3A_218 = vector.shape_cast %reduce_min3A_213 : vector<256xf32> to vector<1x256xf32>
    tpu.vector_store %arg4[%swap3A_214, %swap3A_215], %swap3A_218 {strides = array<i32>} : memref<96x256xf32, #tpu.memory_space<vmem>>, vector<1x256xf32>,
    %slice3A_219 = vector.extract_strided_slice %bitcast_convert_type3A_4 {offsets = [64, 0], sizes = [8, 256], strides = [1, 1]} : vector<768x256xf32> to vector<8x256xf32>
    %slice3A_220 = vector.extract_strided_slice %bitcast_convert_type3A_4 {offsets = [64, 0], sizes = [8, 256], strides = [1, 1]} : vector<768x256xf32> to vector<8x256xf32>
    %slice3A_221 = vector.extract_strided_slice %bitcast_convert_type3A_9 {offsets = [64, 0], sizes = [8, 256], strides = [1, 1]} : vector<768x256xf32> to vector<8x256xf32>
    %slice3A_222 = vector.extract_strided_slice %bitcast_convert_type3A_4 {offsets = [64, 0], sizes = [8, 256], strides = [1, 1]} : vector<768x256xf32> to vector<8x256xf32>
    %slice3A_223 = vector.extract_strided_slice %bitcast_convert_type3A_9 {offsets = [64, 0], sizes = [8, 256], strides = [1, 1]} : vector<768x256xf32> to vector<8x256xf32>
    %slice3A_224 = vector.extract_strided_slice %sub3A_10 {offsets = [64, 0], sizes = [8, 256], strides = [1, 1]} : vector<768x256xf32> to vector<8x256xf32>
    %concatenate3A_225 = tpu.concatenate %slice3A_219, %slice3A_220, %slice3A_221, %slice3A_222, %slice3A_223, %slice3A_224, %concatenate3A in 0 : vector<8x256xf32>, vector<8x256xf32>, vector<8x256xf32>, vector<8x256xf32>, vector<8x256xf32>, vector<8x256xf32>, vector<16x256xf32> -> vector<64x256xf32>
    %convert_element_type3A_226 = arith.truncf %concatenate3A_225 : vector<64x256xf32> to vector<64x256xbf16>
    %get3A_227 = arith.constant 8 : index
    %get3A_228 = arith.constant 0 : index
    %get3A_229 = arith.constant 0 : index
    %get3A_230 = vector.load %arg2[%get3A_227, %get3A_228, %get3A_229] : memref<96x256x64xbf16, #tpu.memory_space<vmem>>, vector<1x256x64xbf16>
    %get3A_231 = vector.shape_cast %get3A_230 : vector<1x256x64xbf16> to vector<256x64xbf16>
    %dot_general3A_232 = arith.constant dense<0.000000e+00> : vector<256x256xf32>
    %dot_general3A_233 = tpu.matmul %get3A_231, %convert_element_type3A_226, %dot_general3A_232 {dimension_numbers = #tpu.dot_dimension_numbers<[1], [0], [0], [1], [0, 0, 1, 1], [], []>, transpose_lhs_hint = false} : vector<256x64xbf16>, vector<64x256xbf16>, vector<256x256xf32> -> vector<256x256xf32>
    %reduce_max3A_234 = arith.constant dense<0xFF800000> : vector<256xf32>
    %reduce_max3A_235 = vector.multi_reduction <maximumf>, %dot_general3A_205, %reduce_max3A_234 [0] : vector<256x256xf32> to vector<256xf32>
    %broadcast_in_dim3A_236 = vector.shape_cast %reduce_max3A_235 : vector<256xf32> to vector<1x256xf32>
    %sub3A_237 = vector.broadcast %broadcast_in_dim3A_236 : vector<1x256xf32> to vector<256x256xf32>
    %sub3A_238 = arith.subf %sub3A_237, %dot_general3A_205 : vector<256x256xf32>
    %add3A_239 = arith.addf %sub3A_238, %convert_element_type3A : vector<256x256xf32>
    %reduce_min3A_240 = arith.constant dense<0x7F800000> : vector<256xf32>
    %reduce_min3A_241 = vector.multi_reduction <minimumf>, %add3A_239, %reduce_min3A_240 [0] : vector<256x256xf32> to vector<256xf32>
    %swap3A_242 = arith.constant 7 : index
    %swap3A_243 = arith.constant 0 : index
    %swap3A_244 = vector.load %arg4[%swap3A_242, %swap3A_243] : memref<96x256xf32, #tpu.memory_space<vmem>>, vector<1x256xf32>
    %swap3A_245 = vector.shape_cast %swap3A_244 : vector<1x256xf32> to vector<256xf32>
    %swap3A_246 = vector.shape_cast %reduce_min3A_241 : vector<256xf32> to vector<1x256xf32>
    tpu.vector_store %arg4[%swap3A_242, %swap3A_243], %swap3A_246 {strides = array<i32>} : memref<96x256xf32, #tpu.memory_space<vmem>>, vector<1x256xf32>,
    %slice3A_247 = vector.extract_strided_slice %bitcast_convert_type3A_4 {offsets = [72, 0], sizes = [8, 256], strides = [1, 1]} : vector<768x256xf32> to vector<8x256xf32>
    %slice3A_248 = vector.extract_strided_slice %bitcast_convert_type3A_4 {offsets = [72, 0], sizes = [8, 256], strides = [1, 1]} : vector<768x256xf32> to vector<8x256xf32>
    %slice3A_249 = vector.extract_strided_slice %bitcast_convert_type3A_9 {offsets = [72, 0], sizes = [8, 256], strides = [1, 1]} : vector<768x256xf32> to vector<8x256xf32>
    %slice3A_250 = vector.extract_strided_slice %bitcast_convert_type3A_4 {offsets = [72, 0], sizes = [8, 256], strides = [1, 1]} : vector<768x256xf32> to vector<8x256xf32>
    %slice3A_251 = vector.extract_strided_slice %bitcast_convert_type3A_9 {offsets = [72, 0], sizes = [8, 256], strides = [1, 1]} : vector<768x256xf32> to vector<8x256xf32>
    %slice3A_252 = vector.extract_strided_slice %sub3A_10 {offsets = [72, 0], sizes = [8, 256], strides = [1, 1]} : vector<768x256xf32> to vector<8x256xf32>
    %concatenate3A_253 = tpu.concatenate %slice3A_247, %slice3A_248, %slice3A_249, %slice3A_250, %slice3A_251, %slice3A_252, %concatenate3A in 0 : vector<8x256xf32>, vector<8x256xf32>, vector<8x256xf32>, vector<8x256xf32>, vector<8x256xf32>, vector<8x256xf32>, vector<16x256xf32> -> vector<64x256xf32>
    %convert_element_type3A_254 = arith.truncf %concatenate3A_253 : vector<64x256xf32> to vector<64x256xbf16>
    %get3A_255 = arith.constant 9 : index
    %get3A_256 = arith.constant 0 : index
    %get3A_257 = arith.constant 0 : index
    %get3A_258 = vector.load %arg2[%get3A_255, %get3A_256, %get3A_257] : memref<96x256x64xbf16, #tpu.memory_space<vmem>>, vector<1x256x64xbf16>
    %get3A_259 = vector.shape_cast %get3A_258 : vector<1x256x64xbf16> to vector<256x64xbf16>
    %dot_general3A_260 = arith.constant dense<0.000000e+00> : vector<256x256xf32>
    %dot_general3A_261 = tpu.matmul %get3A_259, %convert_element_type3A_254, %dot_general3A_260 {dimension_numbers = #tpu.dot_dimension_numbers<[1], [0], [0], [1], [0, 0, 1, 1], [], []>, transpose_lhs_hint = false} : vector<256x64xbf16>, vector<64x256xbf16>, vector<256x256xf32> -> vector<256x256xf32>
    %reduce_max3A_262 = arith.constant dense<0xFF800000> : vector<256xf32>
    %reduce_max3A_263 = vector.multi_reduction <maximumf>, %dot_general3A_233, %reduce_max3A_262 [0] : vector<256x256xf32> to vector<256xf32>
    %broadcast_in_dim3A_264 = vector.shape_cast %reduce_max3A_263 : vector<256xf32> to vector<1x256xf32>
    %sub3A_265 = vector.broadcast %broadcast_in_dim3A_264 : vector<1x256xf32> to vector<256x256xf32>
    %sub3A_266 = arith.subf %sub3A_265, %dot_general3A_233 : vector<256x256xf32>
    %add3A_267 = arith.addf %sub3A_266, %convert_element_type3A : vector<256x256xf32>
    %reduce_min3A_268 = arith.constant dense<0x7F800000> : vector<256xf32>
    %reduce_min3A_269 = vector.multi_reduction <minimumf>, %add3A_267, %reduce_min3A_268 [0] : vector<256x256xf32> to vector<256xf32>
    %swap3A_270 = arith.constant 8 : index
    %swap3A_271 = arith.constant 0 : index
    %swap3A_272 = vector.load %arg4[%swap3A_270, %swap3A_271] : memref<96x256xf32, #tpu.memory_space<vmem>>, vector<1x256xf32>
    %swap3A_273 = vector.shape_cast %swap3A_272 : vector<1x256xf32> to vector<256xf32>
    %swap3A_274 = vector.shape_cast %reduce_min3A_269 : vector<256xf32> to vector<1x256xf32>
    tpu.vector_store %arg4[%swap3A_270, %swap3A_271], %swap3A_274 {strides = array<i32>} : memref<96x256xf32, #tpu.memory_space<vmem>>, vector<1x256xf32>,
    %slice3A_275 = vector.extract_strided_slice %bitcast_convert_type3A_4 {offsets = [80, 0], sizes = [8, 256], strides = [1, 1]} : vector<768x256xf32> to vector<8x256xf32>
    %slice3A_276 = vector.extract_strided_slice %bitcast_convert_type3A_4 {offsets = [80, 0], sizes = [8, 256], strides = [1, 1]} : vector<768x256xf32> to vector<8x256xf32>
    %slice3A_277 = vector.extract_strided_slice %bitcast_convert_type3A_9 {offsets = [80, 0], sizes = [8, 256], strides = [1, 1]} : vector<768x256xf32> to vector<8x256xf32>
    %slice3A_278 = vector.extract_strided_slice %bitcast_convert_type3A_4 {offsets = [80, 0], sizes = [8, 256], strides = [1, 1]} : vector<768x256xf32> to vector<8x256xf32>
    %slice3A_279 = vector.extract_strided_slice %bitcast_convert_type3A_9 {offsets = [80, 0], sizes = [8, 256], strides = [1, 1]} : vector<768x256xf32> to vector<8x256xf32>
    %slice3A_280 = vector.extract_strided_slice %sub3A_10 {offsets = [80, 0], sizes = [8, 256], strides = [1, 1]} : vector<768x256xf32> to vector<8x256xf32>
    %concatenate3A_281 = tpu.concatenate %slice3A_275, %slice3A_276, %slice3A_277, %slice3A_278, %slice3A_279, %slice3A_280, %concatenate3A in 0 : vector<8x256xf32>, vector<8x256xf32>, vector<8x256xf32>, vector<8x256xf32>, vector<8x256xf32>, vector<8x256xf32>, vector<16x256xf32> -> vector<64x256xf32>
    %convert_element_type3A_282 = arith.truncf %concatenate3A_281 : vector<64x256xf32> to vector<64x256xbf16>
    %get3A_283 = arith.constant 10 : index
    %get3A_284 = arith.constant 0 : index
    %get3A_285 = arith.constant 0 : index
    %get3A_286 = vector.load %arg2[%get3A_283, %get3A_284, %get3A_285] : memref<96x256x64xbf16, #tpu.memory_space<vmem>>, vector<1x256x64xbf16>
    %get3A_287 = vector.shape_cast %get3A_286 : vector<1x256x64xbf16> to vector<256x64xbf16>
    %dot_general3A_288 = arith.constant dense<0.000000e+00> : vector<256x256xf32>
    %dot_general3A_289 = tpu.matmul %get3A_287, %convert_element_type3A_282, %dot_general3A_288 {dimension_numbers = #tpu.dot_dimension_numbers<[1], [0], [0], [1], [0, 0, 1, 1], [], []>, transpose_lhs_hint = false} : vector<256x64xbf16>, vector<64x256xbf16>, vector<256x256xf32> -> vector<256x256xf32>
    %reduce_max3A_290 = arith.constant dense<0xFF800000> : vector<256xf32>
    %reduce_max3A_291 = vector.multi_reduction <maximumf>, %dot_general3A_261, %reduce_max3A_290 [0] : vector<256x256xf32> to vector<256xf32>
    %broadcast_in_dim3A_292 = vector.shape_cast %reduce_max3A_291 : vector<256xf32> to vector<1x256xf32>
    %sub3A_293 = vector.broadcast %broadcast_in_dim3A_292 : vector<1x256xf32> to vector<256x256xf32>
    %sub3A_294 = arith.subf %sub3A_293, %dot_general3A_261 : vector<256x256xf32>
    %add3A_295 = arith.addf %sub3A_294, %convert_element_type3A : vector<256x256xf32>
    %reduce_min3A_296 = arith.constant dense<0x7F800000> : vector<256xf32>
    %reduce_min3A_297 = vector.multi_reduction <minimumf>, %add3A_295, %reduce_min3A_296 [0] : vector<256x256xf32> to vector<256xf32>
    %swap3A_298 = arith.constant 9 : index
    %swap3A_299 = arith.constant 0 : index
    %swap3A_300 = vector.load %arg4[%swap3A_298, %swap3A_299] : memref<96x256xf32, #tpu.memory_space<vmem>>, vector<1x256xf32>
    %swap3A_301 = vector.shape_cast %swap3A_300 : vector<1x256xf32> to vector<256xf32>
    %swap3A_302 = vector.shape_cast %reduce_min3A_297 : vector<256xf32> to vector<1x256xf32>
    tpu.vector_store %arg4[%swap3A_298, %swap3A_299], %swap3A_302 {strides = array<i32>} : memref<96x256xf32, #tpu.memory_space<vmem>>, vector<1x256xf32>,
    %slice3A_303 = vector.extract_strided_slice %bitcast_convert_type3A_4 {offsets = [88, 0], sizes = [8, 256], strides = [1, 1]} : vector<768x256xf32> to vector<8x256xf32>
    %slice3A_304 = vector.extract_strided_slice %bitcast_convert_type3A_4 {offsets = [88, 0], sizes = [8, 256], strides = [1, 1]} : vector<768x256xf32> to vector<8x256xf32>
    %slice3A_305 = vector.extract_strided_slice %bitcast_convert_type3A_9 {offsets = [88, 0], sizes = [8, 256], strides = [1, 1]} : vector<768x256xf32> to vector<8x256xf32>
    %slice3A_306 = vector.extract_strided_slice %bitcast_convert_type3A_4 {offsets = [88, 0], sizes = [8, 256], strides = [1, 1]} : vector<768x256xf32> to vector<8x256xf32>
    %slice3A_307 = vector.extract_strided_slice %bitcast_convert_type3A_9 {offsets = [88, 0], sizes = [8, 256], strides = [1, 1]} : vector<768x256xf32> to vector<8x256xf32>
    %slice3A_308 = vector.extract_strided_slice %sub3A_10 {offsets = [88, 0], sizes = [8, 256], strides = [1, 1]} : vector<768x256xf32> to vector<8x256xf32>
    %concatenate3A_309 = tpu.concatenate %slice3A_303, %slice3A_304, %slice3A_305, %slice3A_306, %slice3A_307, %slice3A_308, %concatenate3A in 0 : vector<8x256xf32>, vector<8x256xf32>, vector<8x256xf32>, vector<8x256xf32>, vector<8x256xf32>, vector<8x256xf32>, vector<16x256xf32> -> vector<64x256xf32>
    %convert_element_type3A_310 = arith.truncf %concatenate3A_309 : vector<64x256xf32> to vector<64x256xbf16>
    %get3A_311 = arith.constant 11 : index
    %get3A_312 = arith.constant 0 : index
    %get3A_313 = arith.constant 0 : index
    %get3A_314 = vector.load %arg2[%get3A_311, %get3A_312, %get3A_313] : memref<96x256x64xbf16, #tpu.memory_space<vmem>>, vector<1x256x64xbf16>
    %get3A_315 = vector.shape_cast %get3A_314 : vector<1x256x64xbf16> to vector<256x64xbf16>
    %dot_general3A_316 = arith.constant dense<0.000000e+00> : vector<256x256xf32>
    %dot_general3A_317 = tpu.matmul %get3A_315, %convert_element_type3A_310, %dot_general3A_316 {dimension_numbers = #tpu.dot_dimension_numbers<[1], [0], [0], [1], [0, 0, 1, 1], [], []>, transpose_lhs_hint = false} : vector<256x64xbf16>, vector<64x256xbf16>, vector<256x256xf32> -> vector<256x256xf32>
    %reduce_max3A_318 = arith.constant dense<0xFF800000> : vector<256xf32>
    %reduce_max3A_319 = vector.multi_reduction <maximumf>, %dot_general3A_289, %reduce_max3A_318 [0] : vector<256x256xf32> to vector<256xf32>
    %broadcast_in_dim3A_320 = vector.shape_cast %reduce_max3A_319 : vector<256xf32> to vector<1x256xf32>
    %sub3A_321 = vector.broadcast %broadcast_in_dim3A_320 : vector<1x256xf32> to vector<256x256xf32>
    %sub3A_322 = arith.subf %sub3A_321, %dot_general3A_289 : vector<256x256xf32>
    %add3A_323 = arith.addf %sub3A_322, %convert_element_type3A : vector<256x256xf32>
    %reduce_min3A_324 = arith.constant dense<0x7F800000> : vector<256xf32>
    %reduce_min3A_325 = vector.multi_reduction <minimumf>, %add3A_323, %reduce_min3A_324 [0] : vector<256x256xf32> to vector<256xf32>
    %swap3A_326 = arith.constant 10 : index
    %swap3A_327 = arith.constant 0 : index
    %swap3A_328 = vector.load %arg4[%swap3A_326, %swap3A_327] : memref<96x256xf32, #tpu.memory_space<vmem>>, vector<1x256xf32>
    %swap3A_329 = vector.shape_cast %swap3A_328 : vector<1x256xf32> to vector<256xf32>
    %swap3A_330 = vector.shape_cast %reduce_min3A_325 : vector<256xf32> to vector<1x256xf32>
    tpu.vector_store %arg4[%swap3A_326, %swap3A_327], %swap3A_330 {strides = array<i32>} : memref<96x256xf32, #tpu.memory_space<vmem>>, vector<1x256xf32>,
    %slice3A_331 = vector.extract_strided_slice %bitcast_convert_type3A_4 {offsets = [96, 0], sizes = [8, 256], strides = [1, 1]} : vector<768x256xf32> to vector<8x256xf32>
    %slice3A_332 = vector.extract_strided_slice %bitcast_convert_type3A_4 {offsets = [96, 0], sizes = [8, 256], strides = [1, 1]} : vector<768x256xf32> to vector<8x256xf32>
    %slice3A_333 = vector.extract_strided_slice %bitcast_convert_type3A_9 {offsets = [96, 0], sizes = [8, 256], strides = [1, 1]} : vector<768x256xf32> to vector<8x256xf32>
    %slice3A_334 = vector.extract_strided_slice %bitcast_convert_type3A_4 {offsets = [96, 0], sizes = [8, 256], strides = [1, 1]} : vector<768x256xf32> to vector<8x256xf32>
    %slice3A_335 = vector.extract_strided_slice %bitcast_convert_type3A_9 {offsets = [96, 0], sizes = [8, 256], strides = [1, 1]} : vector<768x256xf32> to vector<8x256xf32>
    %slice3A_336 = vector.extract_strided_slice %sub3A_10 {offsets = [96, 0], sizes = [8, 256], strides = [1, 1]} : vector<768x256xf32> to vector<8x256xf32>
    %concatenate3A_337 = tpu.concatenate %slice3A_331, %slice3A_332, %slice3A_333, %slice3A_334, %slice3A_335, %slice3A_336, %concatenate3A in 0 : vector<8x256xf32>, vector<8x256xf32>, vector<8x256xf32>, vector<8x256xf32>, vector<8x256xf32>, vector<8x256xf32>, vector<16x256xf32> -> vector<64x256xf32>
    %convert_element_type3A_338 = arith.truncf %concatenate3A_337 : vector<64x256xf32> to vector<64x256xbf16>
    %get3A_339 = arith.constant 12 : index
    %get3A_340 = arith.constant 0 : index
    %get3A_341 = arith.constant 0 : index
    %get3A_342 = vector.load %arg2[%get3A_339, %get3A_340, %get3A_341] : memref<96x256x64xbf16, #tpu.memory_space<vmem>>, vector<1x256x64xbf16>
    %get3A_343 = vector.shape_cast %get3A_342 : vector<1x256x64xbf16> to vector<256x64xbf16>
    %dot_general3A_344 = arith.constant dense<0.000000e+00> : vector<256x256xf32>
    %dot_general3A_345 = tpu.matmul %get3A_343, %convert_element_type3A_338, %dot_general3A_344 {dimension_numbers = #tpu.dot_dimension_numbers<[1], [0], [0], [1], [0, 0, 1, 1], [], []>, transpose_lhs_hint = false} : vector<256x64xbf16>, vector<64x256xbf16>, vector<256x256xf32> -> vector<256x256xf32>
    %reduce_max3A_346 = arith.constant dense<0xFF800000> : vector<256xf32>
    %reduce_max3A_347 = vector.multi_reduction <maximumf>, %dot_general3A_317, %reduce_max3A_346 [0] : vector<256x256xf32> to vector<256xf32>
    %broadcast_in_dim3A_348 = vector.shape_cast %reduce_max3A_347 : vector<256xf32> to vector<1x256xf32>
    %sub3A_349 = vector.broadcast %broadcast_in_dim3A_348 : vector<1x256xf32> to vector<256x256xf32>
    %sub3A_350 = arith.subf %sub3A_349, %dot_general3A_317 : vector<256x256xf32>
    %add3A_351 = arith.addf %sub3A_350, %convert_element_type3A : vector<256x256xf32>
    %reduce_min3A_352 = arith.constant dense<0x7F800000> : vector<256xf32>
    %reduce_min3A_353 = vector.multi_reduction <minimumf>, %add3A_351, %reduce_min3A_352 [0] : vector<256x256xf32> to vector<256xf32>
    %swap3A_354 = arith.constant 11 : index
    %swap3A_355 = arith.constant 0 : index
    %swap3A_356 = vector.load %arg4[%swap3A_354, %swap3A_355] : memref<96x256xf32, #tpu.memory_space<vmem>>, vector<1x256xf32>
    %swap3A_357 = vector.shape_cast %swap3A_356 : vector<1x256xf32> to vector<256xf32>
    %swap3A_358 = vector.shape_cast %reduce_min3A_353 : vector<256xf32> to vector<1x256xf32>
    tpu.vector_store %arg4[%swap3A_354, %swap3A_355], %swap3A_358 {strides = array<i32>} : memref<96x256xf32, #tpu.memory_space<vmem>>, vector<1x256xf32>,
    %slice3A_359 = vector.extract_strided_slice %bitcast_convert_type3A_4 {offsets = [104, 0], sizes = [8, 256], strides = [1, 1]} : vector<768x256xf32> to vector<8x256xf32>
    %slice3A_360 = vector.extract_strided_slice %bitcast_convert_type3A_4 {offsets = [104, 0], sizes = [8, 256], strides = [1, 1]} : vector<768x256xf32> to vector<8x256xf32>
    %slice3A_361 = vector.extract_strided_slice %bitcast_convert_type3A_9 {offsets = [104, 0], sizes = [8, 256], strides = [1, 1]} : vector<768x256xf32> to vector<8x256xf32>
    %slice3A_362 = vector.extract_strided_slice %bitcast_convert_type3A_4 {offsets = [104, 0], sizes = [8, 256], strides = [1, 1]} : vector<768x256xf32> to vector<8x256xf32>
    %slice3A_363 = vector.extract_strided_slice %bitcast_convert_type3A_9 {offsets = [104, 0], sizes = [8, 256], strides = [1, 1]} : vector<768x256xf32> to vector<8x256xf32>
    %slice3A_364 = vector.extract_strided_slice %sub3A_10 {offsets = [104, 0], sizes = [8, 256], strides = [1, 1]} : vector<768x256xf32> to vector<8x256xf32>
    %concatenate3A_365 = tpu.concatenate %slice3A_359, %slice3A_360, %slice3A_361, %slice3A_362, %slice3A_363, %slice3A_364, %concatenate3A in 0 : vector<8x256xf32>, vector<8x256xf32>, vector<8x256xf32>, vector<8x256xf32>, vector<8x256xf32>, vector<8x256xf32>, vector<16x256xf32> -> vector<64x256xf32>
    %convert_element_type3A_366 = arith.truncf %concatenate3A_365 : vector<64x256xf32> to vector<64x256xbf16>
    %get3A_367 = arith.constant 13 : index
    %get3A_368 = arith.constant 0 : index
    %get3A_369 = arith.constant 0 : index
    %get3A_370 = vector.load %arg2[%get3A_367, %get3A_368, %get3A_369] : memref<96x256x64xbf16, #tpu.memory_space<vmem>>, vector<1x256x64xbf16>
    %get3A_371 = vector.shape_cast %get3A_370 : vector<1x256x64xbf16> to vector<256x64xbf16>
    %dot_general3A_372 = arith.constant dense<0.000000e+00> : vector<256x256xf32>
    %dot_general3A_373 = tpu.matmul %get3A_371, %convert_element_type3A_366, %dot_general3A_372 {dimension_numbers = #tpu.dot_dimension_numbers<[1], [0], [0], [1], [0, 0, 1, 1], [], []>, transpose_lhs_hint = false} : vector<256x64xbf16>, vector<64x256xbf16>, vector<256x256xf32> -> vector<256x256xf32>
    %reduce_max3A_374 = arith.constant dense<0xFF800000> : vector<256xf32>
    %reduce_max3A_375 = vector.multi_reduction <maximumf>, %dot_general3A_345, %reduce_max3A_374 [0] : vector<256x256xf32> to vector<256xf32>
    %broadcast_in_dim3A_376 = vector.shape_cast %reduce_max3A_375 : vector<256xf32> to vector<1x256xf32>
    %sub3A_377 = vector.broadcast %broadcast_in_dim3A_376 : vector<1x256xf32> to vector<256x256xf32>
    %sub3A_378 = arith.subf %sub3A_377, %dot_general3A_345 : vector<256x256xf32>
    %add3A_379 = arith.addf %sub3A_378, %convert_element_type3A : vector<256x256xf32>
    %reduce_min3A_380 = arith.constant dense<0x7F800000> : vector<256xf32>
    %reduce_min3A_381 = vector.multi_reduction <minimumf>, %add3A_379, %reduce_min3A_380 [0] : vector<256x256xf32> to vector<256xf32>
    %swap3A_382 = arith.constant 12 : index
    %swap3A_383 = arith.constant 0 : index
    %swap3A_384 = vector.load %arg4[%swap3A_382, %swap3A_383] : memref<96x256xf32, #tpu.memory_space<vmem>>, vector<1x256xf32>
    %swap3A_385 = vector.shape_cast %swap3A_384 : vector<1x256xf32> to vector<256xf32>
    %swap3A_386 = vector.shape_cast %reduce_min3A_381 : vector<256xf32> to vector<1x256xf32>
    tpu.vector_store %arg4[%swap3A_382, %swap3A_383], %swap3A_386 {strides = array<i32>} : memref<96x256xf32, #tpu.memory_space<vmem>>, vector<1x256xf32>,
    %slice3A_387 = vector.extract_strided_slice %bitcast_convert_type3A_4 {offsets = [112, 0], sizes = [8, 256], strides = [1, 1]} : vector<768x256xf32> to vector<8x256xf32>
    %slice3A_388 = vector.extract_strided_slice %bitcast_convert_type3A_4 {offsets = [112, 0], sizes = [8, 256], strides = [1, 1]} : vector<768x256xf32> to vector<8x256xf32>
    %slice3A_389 = vector.extract_strided_slice %bitcast_convert_type3A_9 {offsets = [112, 0], sizes = [8, 256], strides = [1, 1]} : vector<768x256xf32> to vector<8x256xf32>
    %slice3A_390 = vector.extract_strided_slice %bitcast_convert_type3A_4 {offsets = [112, 0], sizes = [8, 256], strides = [1, 1]} : vector<768x256xf32> to vector<8x256xf32>
    %slice3A_391 = vector.extract_strided_slice %bitcast_convert_type3A_9 {offsets = [112, 0], sizes = [8, 256], strides = [1, 1]} : vector<768x256xf32> to vector<8x256xf32>
    %slice3A_392 = vector.extract_strided_slice %sub3A_10 {offsets = [112, 0], sizes = [8, 256], strides = [1, 1]} : vector<768x256xf32> to vector<8x256xf32>
    %concatenate3A_393 = tpu.concatenate %slice3A_387, %slice3A_388, %slice3A_389, %slice3A_390, %slice3A_391, %slice3A_392, %concatenate3A in 0 : vector<8x256xf32>, vector<8x256xf32>, vector<8x256xf32>, vector<8x256xf32>, vector<8x256xf32>, vector<8x256xf32>, vector<16x256xf32> -> vector<64x256xf32>
    %convert_element_type3A_394 = arith.truncf %concatenate3A_393 : vector<64x256xf32> to vector<64x256xbf16>
    %get3A_395 = arith.constant 14 : index
    %get3A_396 = arith.constant 0 : index
    %get3A_397 = arith.constant 0 : index
    %get3A_398 = vector.load %arg2[%get3A_395, %get3A_396, %get3A_397] : memref<96x256x64xbf16, #tpu.memory_space<vmem>>, vector<1x256x64xbf16>
    %get3A_399 = vector.shape_cast %get3A_398 : vector<1x256x64xbf16> to vector<256x64xbf16>
    %dot_general3A_400 = arith.constant dense<0.000000e+00> : vector<256x256xf32>
    %dot_general3A_401 = tpu.matmul %get3A_399, %convert_element_type3A_394, %dot_general3A_400 {dimension_numbers = #tpu.dot_dimension_numbers<[1], [0], [0], [1], [0, 0, 1, 1], [], []>, transpose_lhs_hint = false} : vector<256x64xbf16>, vector<64x256xbf16>, vector<256x256xf32> -> vector<256x256xf32>
    %reduce_max3A_402 = arith.constant dense<0xFF800000> : vector<256xf32>
    %reduce_max3A_403 = vector.multi_reduction <maximumf>, %dot_general3A_373, %reduce_max3A_402 [0] : vector<256x256xf32> to vector<256xf32>
    %broadcast_in_dim3A_404 = vector.shape_cast %reduce_max3A_403 : vector<256xf32> to vector<1x256xf32>
    %sub3A_405 = vector.broadcast %broadcast_in_dim3A_404 : vector<1x256xf32> to vector<256x256xf32>
    %sub3A_406 = arith.subf %sub3A_405, %dot_general3A_373 : vector<256x256xf32>
    %add3A_407 = arith.addf %sub3A_406, %convert_element_type3A : vector<256x256xf32>
    %reduce_min3A_408 = arith.constant dense<0x7F800000> : vector<256xf32>
    %reduce_min3A_409 = vector.multi_reduction <minimumf>, %add3A_407, %reduce_min3A_408 [0] : vector<256x256xf32> to vector<256xf32>
    %swap3A_410 = arith.constant 13 : index
    %swap3A_411 = arith.constant 0 : index
    %swap3A_412 = vector.load %arg4[%swap3A_410, %swap3A_411] : memref<96x256xf32, #tpu.memory_space<vmem>>, vector<1x256xf32>
    %swap3A_413 = vector.shape_cast %swap3A_412 : vector<1x256xf32> to vector<256xf32>
    %swap3A_414 = vector.shape_cast %reduce_min3A_409 : vector<256xf32> to vector<1x256xf32>
    tpu.vector_store %arg4[%swap3A_410, %swap3A_411], %swap3A_414 {strides = array<i32>} : memref<96x256xf32, #tpu.memory_space<vmem>>, vector<1x256xf32>,
    %slice3A_415 = vector.extract_strided_slice %bitcast_convert_type3A_4 {offsets = [120, 0], sizes = [8, 256], strides = [1, 1]} : vector<768x256xf32> to vector<8x256xf32>
    %slice3A_416 = vector.extract_strided_slice %bitcast_convert_type3A_4 {offsets = [120, 0], sizes = [8, 256], strides = [1, 1]} : vector<768x256xf32> to vector<8x256xf32>
    %slice3A_417 = vector.extract_strided_slice %bitcast_convert_type3A_9 {offsets = [120, 0], sizes = [8, 256], strides = [1, 1]} : vector<768x256xf32> to vector<8x256xf32>
    %slice3A_418 = vector.extract_strided_slice %bitcast_convert_type3A_4 {offsets = [120, 0], sizes = [8, 256], strides = [1, 1]} : vector<768x256xf32> to vector<8x256xf32>
    %slice3A_419 = vector.extract_strided_slice %bitcast_convert_type3A_9 {offsets = [120, 0], sizes = [8, 256], strides = [1, 1]} : vector<768x256xf32> to vector<8x256xf32>
    %slice3A_420 = vector.extract_strided_slice %sub3A_10 {offsets = [120, 0], sizes = [8, 256], strides = [1, 1]} : vector<768x256xf32> to vector<8x256xf32>
    %concatenate3A_421 = tpu.concatenate %slice3A_415, %slice3A_416, %slice3A_417, %slice3A_418, %slice3A_419, %slice3A_420, %concatenate3A in 0 : vector<8x256xf32>, vector<8x256xf32>, vector<8x256xf32>, vector<8x256xf32>, vector<8x256xf32>, vector<8x256xf32>, vector<16x256xf32> -> vector<64x256xf32>
    %convert_element_type3A_422 = arith.truncf %concatenate3A_421 : vector<64x256xf32> to vector<64x256xbf16>
    %get3A_423 = arith.constant 15 : index
    %get3A_424 = arith.constant 0 : index
    %get3A_425 = arith.constant 0 : index
    %get3A_426 = vector.load %arg2[%get3A_423, %get3A_424, %get3A_425] : memref<96x256x64xbf16, #tpu.memory_space<vmem>>, vector<1x256x64xbf16>
    %get3A_427 = vector.shape_cast %get3A_426 : vector<1x256x64xbf16> to vector<256x64xbf16>
    %dot_general3A_428 = arith.constant dense<0.000000e+00> : vector<256x256xf32>
    %dot_general3A_429 = tpu.matmul %get3A_427, %convert_element_type3A_422, %dot_general3A_428 {dimension_numbers = #tpu.dot_dimension_numbers<[1], [0], [0], [1], [0, 0, 1, 1], [], []>, transpose_lhs_hint = false} : vector<256x64xbf16>, vector<64x256xbf16>, vector<256x256xf32> -> vector<256x256xf32>
    %reduce_max3A_430 = arith.constant dense<0xFF800000> : vector<256xf32>
    %reduce_max3A_431 = vector.multi_reduction <maximumf>, %dot_general3A_401, %reduce_max3A_430 [0] : vector<256x256xf32> to vector<256xf32>
    %broadcast_in_dim3A_432 = vector.shape_cast %reduce_max3A_431 : vector<256xf32> to vector<1x256xf32>
    %sub3A_433 = vector.broadcast %broadcast_in_dim3A_432 : vector<1x256xf32> to vector<256x256xf32>
    %sub3A_434 = arith.subf %sub3A_433, %dot_general3A_401 : vector<256x256xf32>
    %add3A_435 = arith.addf %sub3A_434, %convert_element_type3A : vector<256x256xf32>
    %reduce_min3A_436 = arith.constant dense<0x7F800000> : vector<256xf32>
    %reduce_min3A_437 = vector.multi_reduction <minimumf>, %add3A_435, %reduce_min3A_436 [0] : vector<256x256xf32> to vector<256xf32>
    %swap3A_438 = arith.constant 14 : index
    %swap3A_439 = arith.constant 0 : index
    %swap3A_440 = vector.load %arg4[%swap3A_438, %swap3A_439] : memref<96x256xf32, #tpu.memory_space<vmem>>, vector<1x256xf32>
    %swap3A_441 = vector.shape_cast %swap3A_440 : vector<1x256xf32> to vector<256xf32>
    %swap3A_442 = vector.shape_cast %reduce_min3A_437 : vector<256xf32> to vector<1x256xf32>
    tpu.vector_store %arg4[%swap3A_438, %swap3A_439], %swap3A_442 {strides = array<i32>} : memref<96x256xf32, #tpu.memory_space<vmem>>, vector<1x256xf32>,
    %slice3A_443 = vector.extract_strided_slice %bitcast_convert_type3A_4 {offsets = [128, 0], sizes = [8, 256], strides = [1, 1]} : vector<768x256xf32> to vector<8x256xf32>
    %slice3A_444 = vector.extract_strided_slice %bitcast_convert_type3A_4 {offsets = [128, 0], sizes = [8, 256], strides = [1, 1]} : vector<768x256xf32> to vector<8x256xf32>
    %slice3A_445 = vector.extract_strided_slice %bitcast_convert_type3A_9 {offsets = [128, 0], sizes = [8, 256], strides = [1, 1]} : vector<768x256xf32> to vector<8x256xf32>
    %slice3A_446 = vector.extract_strided_slice %bitcast_convert_type3A_4 {offsets = [128, 0], sizes = [8, 256], strides = [1, 1]} : vector<768x256xf32> to vector<8x256xf32>
    %slice3A_447 = vector.extract_strided_slice %bitcast_convert_type3A_9 {offsets = [128, 0], sizes = [8, 256], strides = [1, 1]} : vector<768x256xf32> to vector<8x256xf32>
    %slice3A_448 = vector.extract_strided_slice %sub3A_10 {offsets = [128, 0], sizes = [8, 256], strides = [1, 1]} : vector<768x256xf32> to vector<8x256xf32>
    %concatenate3A_449 = tpu.concatenate %slice3A_443, %slice3A_444, %slice3A_445, %slice3A_446, %slice3A_447, %slice3A_448, %concatenate3A in 0 : vector<8x256xf32>, vector<8x256xf32>, vector<8x256xf32>, vector<8x256xf32>, vector<8x256xf32>, vector<8x256xf32>, vector<16x256xf32> -> vector<64x256xf32>
    %convert_element_type3A_450 = arith.truncf %concatenate3A_449 : vector<64x256xf32> to vector<64x256xbf16>
    %get3A_451 = arith.constant 16 : index
    %get3A_452 = arith.constant 0 : index
    %get3A_453 = arith.constant 0 : index
    %get3A_454 = vector.load %arg2[%get3A_451, %get3A_452, %get3A_453] : memref<96x256x64xbf16, #tpu.memory_space<vmem>>, vector<1x256x64xbf16>
    %get3A_455 = vector.shape_cast %get3A_454 : vector<1x256x64xbf16> to vector<256x64xbf16>
    %dot_general3A_456 = arith.constant dense<0.000000e+00> : vector<256x256xf32>
    %dot_general3A_457 = tpu.matmul %get3A_455, %convert_element_type3A_450, %dot_general3A_456 {dimension_numbers = #tpu.dot_dimension_numbers<[1], [0], [0], [1], [0, 0, 1, 1], [], []>, transpose_lhs_hint = false} : vector<256x64xbf16>, vector<64x256xbf16>, vector<256x256xf32> -> vector<256x256xf32>
    %reduce_max3A_458 = arith.constant dense<0xFF800000> : vector<256xf32>
    %reduce_max3A_459 = vector.multi_reduction <maximumf>, %dot_general3A_429, %reduce_max3A_458 [0] : vector<256x256xf32> to vector<256xf32>
    %broadcast_in_dim3A_460 = vector.shape_cast %reduce_max3A_459 : vector<256xf32> to vector<1x256xf32>
    %sub3A_461 = vector.broadcast %broadcast_in_dim3A_460 : vector<1x256xf32> to vector<256x256xf32>
    %sub3A_462 = arith.subf %sub3A_461, %dot_general3A_429 : vector<256x256xf32>
    %add3A_463 = arith.addf %sub3A_462, %convert_element_type3A : vector<256x256xf32>
    %reduce_min3A_464 = arith.constant dense<0x7F800000> : vector<256xf32>
    %reduce_min3A_465 = vector.multi_reduction <minimumf>, %add3A_463, %reduce_min3A_464 [0] : vector<256x256xf32> to vector<256xf32>
    %swap3A_466 = arith.constant 15 : index
    %swap3A_467 = arith.constant 0 : index
    %swap3A_468 = vector.load %arg4[%swap3A_466, %swap3A_467] : memref<96x256xf32, #tpu.memory_space<vmem>>, vector<1x256xf32>
    %swap3A_469 = vector.shape_cast %swap3A_468 : vector<1x256xf32> to vector<256xf32>
    %swap3A_470 = vector.shape_cast %reduce_min3A_465 : vector<256xf32> to vector<1x256xf32>
    tpu.vector_store %arg4[%swap3A_466, %swap3A_467], %swap3A_470 {strides = array<i32>} : memref<96x256xf32, #tpu.memory_space<vmem>>, vector<1x256xf32>,
    %slice3A_471 = vector.extract_strided_slice %bitcast_convert_type3A_4 {offsets = [136, 0], sizes = [8, 256], strides = [1, 1]} : vector<768x256xf32> to vector<8x256xf32>
    %slice3A_472 = vector.extract_strided_slice %bitcast_convert_type3A_4 {offsets = [136, 0], sizes = [8, 256], strides = [1, 1]} : vector<768x256xf32> to vector<8x256xf32>
    %slice3A_473 = vector.extract_strided_slice %bitcast_convert_type3A_9 {offsets = [136, 0], sizes = [8, 256], strides = [1, 1]} : vector<768x256xf32> to vector<8x256xf32>
    %slice3A_474 = vector.extract_strided_slice %bitcast_convert_type3A_4 {offsets = [136, 0], sizes = [8, 256], strides = [1, 1]} : vector<768x256xf32> to vector<8x256xf32>
    %slice3A_475 = vector.extract_strided_slice %bitcast_convert_type3A_9 {offsets = [136, 0], sizes = [8, 256], strides = [1, 1]} : vector<768x256xf32> to vector<8x256xf32>
    %slice3A_476 = vector.extract_strided_slice %sub3A_10 {offsets = [136, 0], sizes = [8, 256], strides = [1, 1]} : vector<768x256xf32> to vector<8x256xf32>
    %concatenate3A_477 = tpu.concatenate %slice3A_471, %slice3A_472, %slice3A_473, %slice3A_474, %slice3A_475, %slice3A_476, %concatenate3A in 0 : vector<8x256xf32>, vector<8x256xf32>, vector<8x256xf32>, vector<8x256xf32>, vector<8x256xf32>, vector<8x256xf32>, vector<16x256xf32> -> vector<64x256xf32>
    %convert_element_type3A_478 = arith.truncf %concatenate3A_477 : vector<64x256xf32> to vector<64x256xbf16>
    %get3A_479 = arith.constant 17 : index
    %get3A_480 = arith.constant 0 : index
    %get3A_481 = arith.constant 0 : index
    %get3A_482 = vector.load %arg2[%get3A_479, %get3A_480, %get3A_481] : memref<96x256x64xbf16, #tpu.memory_space<vmem>>, vector<1x256x64xbf16>
    %get3A_483 = vector.shape_cast %get3A_482 : vector<1x256x64xbf16> to vector<256x64xbf16>
    %dot_general3A_484 = arith.constant dense<0.000000e+00> : vector<256x256xf32>
    %dot_general3A_485 = tpu.matmul %get3A_483, %convert_element_type3A_478, %dot_general3A_484 {dimension_numbers = #tpu.dot_dimension_numbers<[1], [0], [0], [1], [0, 0, 1, 1], [], []>, transpose_lhs_hint = false} : vector<256x64xbf16>, vector<64x256xbf16>, vector<256x256xf32> -> vector<256x256xf32>
    %reduce_max3A_486 = arith.constant dense<0xFF800000> : vector<256xf32>
    %reduce_max3A_487 = vector.multi_reduction <maximumf>, %dot_general3A_457, %reduce_max3A_486 [0] : vector<256x256xf32> to vector<256xf32>
    %broadcast_in_dim3A_488 = vector.shape_cast %reduce_max3A_487 : vector<256xf32> to vector<1x256xf32>
    %sub3A_489 = vector.broadcast %broadcast_in_dim3A_488 : vector<1x256xf32> to vector<256x256xf32>
    %sub3A_490 = arith.subf %sub3A_489, %dot_general3A_457 : vector<256x256xf32>
    %add3A_491 = arith.addf %sub3A_490, %convert_element_type3A : vector<256x256xf32>
    %reduce_min3A_492 = arith.constant dense<0x7F800000> : vector<256xf32>
    %reduce_min3A_493 = vector.multi_reduction <minimumf>, %add3A_491, %reduce_min3A_492 [0] : vector<256x256xf32> to vector<256xf32>
    %swap3A_494 = arith.constant 16 : index
    %swap3A_495 = arith.constant 0 : index
    %swap3A_496 = vector.load %arg4[%swap3A_494, %swap3A_495] : memref<96x256xf32, #tpu.memory_space<vmem>>, vector<1x256xf32>
    %swap3A_497 = vector.shape_cast %swap3A_496 : vector<1x256xf32> to vector<256xf32>
    %swap3A_498 = vector.shape_cast %reduce_min3A_493 : vector<256xf32> to vector<1x256xf32>
    tpu.vector_store %arg4[%swap3A_494, %swap3A_495], %swap3A_498 {strides = array<i32>} : memref<96x256xf32, #tpu.memory_space<vmem>>, vector<1x256xf32>,
    %slice3A_499 = vector.extract_strided_slice %bitcast_convert_type3A_4 {offsets = [144, 0], sizes = [8, 256], strides = [1, 1]} : vector<768x256xf32> to vector<8x256xf32>
    %slice3A_500 = vector.extract_strided_slice %bitcast_convert_type3A_4 {offsets = [144, 0], sizes = [8, 256], strides = [1, 1]} : vector<768x256xf32> to vector<8x256xf32>
    %slice3A_501 = vector.extract_strided_slice %bitcast_convert_type3A_9 {offsets = [144, 0], sizes = [8, 256], strides = [1, 1]} : vector<768x256xf32> to vector<8x256xf32>
    %slice3A_502 = vector.extract_strided_slice %bitcast_convert_type3A_4 {offsets = [144, 0], sizes = [8, 256], strides = [1, 1]} : vector<768x256xf32> to vector<8x256xf32>
    %slice3A_503 = vector.extract_strided_slice %bitcast_convert_type3A_9 {offsets = [144, 0], sizes = [8, 256], strides = [1, 1]} : vector<768x256xf32> to vector<8x256xf32>
    %slice3A_504 = vector.extract_strided_slice %sub3A_10 {offsets = [144, 0], sizes = [8, 256], strides = [1, 1]} : vector<768x256xf32> to vector<8x256xf32>
    %concatenate3A_505 = tpu.concatenate %slice3A_499, %slice3A_500, %slice3A_501, %slice3A_502, %slice3A_503, %slice3A_504, %concatenate3A in 0 : vector<8x256xf32>, vector<8x256xf32>, vector<8x256xf32>, vector<8x256xf32>, vector<8x256xf32>, vector<8x256xf32>, vector<16x256xf32> -> vector<64x256xf32>
    %convert_element_type3A_506 = arith.truncf %concatenate3A_505 : vector<64x256xf32> to vector<64x256xbf16>
    %get3A_507 = arith.constant 18 : index
    %get3A_508 = arith.constant 0 : index
    %get3A_509 = arith.constant 0 : index
    %get3A_510 = vector.load %arg2[%get3A_507, %get3A_508, %get3A_509] : memref<96x256x64xbf16, #tpu.memory_space<vmem>>, vector<1x256x64xbf16>
    %get3A_511 = vector.shape_cast %get3A_510 : vector<1x256x64xbf16> to vector<256x64xbf16>
    %dot_general3A_512 = arith.constant dense<0.000000e+00> : vector<256x256xf32>
    %dot_general3A_513 = tpu.matmul %get3A_511, %convert_element_type3A_506, %dot_general3A_512 {dimension_numbers = #tpu.dot_dimension_numbers<[1], [0], [0], [1], [0, 0, 1, 1], [], []>, transpose_lhs_hint = false} : vector<256x64xbf16>, vector<64x256xbf16>, vector<256x256xf32> -> vector<256x256xf32>
    %reduce_max3A_514 = arith.constant dense<0xFF800000> : vector<256xf32>
    %reduce_max3A_515 = vector.multi_reduction <maximumf>, %dot_general3A_485, %reduce_max3A_514 [0] : vector<256x256xf32> to vector<256xf32>
    %broadcast_in_dim3A_516 = vector.shape_cast %reduce_max3A_515 : vector<256xf32> to vector<1x256xf32>
    %sub3A_517 = vector.broadcast %broadcast_in_dim3A_516 : vector<1x256xf32> to vector<256x256xf32>
    %sub3A_518 = arith.subf %sub3A_517, %dot_general3A_485 : vector<256x256xf32>
    %add3A_519 = arith.addf %sub3A_518, %convert_element_type3A : vector<256x256xf32>
    %reduce_min3A_520 = arith.constant dense<0x7F800000> : vector<256xf32>
    %reduce_min3A_521 = vector.multi_reduction <minimumf>, %add3A_519, %reduce_min3A_520 [0] : vector<256x256xf32> to vector<256xf32>
    %swap3A_522 = arith.constant 17 : index
    %swap3A_523 = arith.constant 0 : index
    %swap3A_524 = vector.load %arg4[%swap3A_522, %swap3A_523] : memref<96x256xf32, #tpu.memory_space<vmem>>, vector<1x256xf32>
    %swap3A_525 = vector.shape_cast %swap3A_524 : vector<1x256xf32> to vector<256xf32>
    %swap3A_526 = vector.shape_cast %reduce_min3A_521 : vector<256xf32> to vector<1x256xf32>
    tpu.vector_store %arg4[%swap3A_522, %swap3A_523], %swap3A_526 {strides = array<i32>} : memref<96x256xf32, #tpu.memory_space<vmem>>, vector<1x256xf32>,
    %slice3A_527 = vector.extract_strided_slice %bitcast_convert_type3A_4 {offsets = [152, 0], sizes = [8, 256], strides = [1, 1]} : vector<768x256xf32> to vector<8x256xf32>
    %slice3A_528 = vector.extract_strided_slice %bitcast_convert_type3A_4 {offsets = [152, 0], sizes = [8, 256], strides = [1, 1]} : vector<768x256xf32> to vector<8x256xf32>
    %slice3A_529 = vector.extract_strided_slice %bitcast_convert_type3A_9 {offsets = [152, 0], sizes = [8, 256], strides = [1, 1]} : vector<768x256xf32> to vector<8x256xf32>
    %slice3A_530 = vector.extract_strided_slice %bitcast_convert_type3A_4 {offsets = [152, 0], sizes = [8, 256], strides = [1, 1]} : vector<768x256xf32> to vector<8x256xf32>
    %slice3A_531 = vector.extract_strided_slice %bitcast_convert_type3A_9 {offsets = [152, 0], sizes = [8, 256], strides = [1, 1]} : vector<768x256xf32> to vector<8x256xf32>
    %slice3A_532 = vector.extract_strided_slice %sub3A_10 {offsets = [152, 0], sizes = [8, 256], strides = [1, 1]} : vector<768x256xf32> to vector<8x256xf32>
    %concatenate3A_533 = tpu.concatenate %slice3A_527, %slice3A_528, %slice3A_529, %slice3A_530, %slice3A_531, %slice3A_532, %concatenate3A in 0 : vector<8x256xf32>, vector<8x256xf32>, vector<8x256xf32>, vector<8x256xf32>, vector<8x256xf32>, vector<8x256xf32>, vector<16x256xf32> -> vector<64x256xf32>
    %convert_element_type3A_534 = arith.truncf %concatenate3A_533 : vector<64x256xf32> to vector<64x256xbf16>
    %get3A_535 = arith.constant 19 : index
    %get3A_536 = arith.constant 0 : index
    %get3A_537 = arith.constant 0 : index
    %get3A_538 = vector.load %arg2[%get3A_535, %get3A_536, %get3A_537] : memref<96x256x64xbf16, #tpu.memory_space<vmem>>, vector<1x256x64xbf16>
    %get3A_539 = vector.shape_cast %get3A_538 : vector<1x256x64xbf16> to vector<256x64xbf16>
    %dot_general3A_540 = arith.constant dense<0.000000e+00> : vector<256x256xf32>
    %dot_general3A_541 = tpu.matmul %get3A_539, %convert_element_type3A_534, %dot_general3A_540 {dimension_numbers = #tpu.dot_dimension_numbers<[1], [0], [0], [1], [0, 0, 1, 1], [], []>, transpose_lhs_hint = false} : vector<256x64xbf16>, vector<64x256xbf16>, vector<256x256xf32> -> vector<256x256xf32>
    %reduce_max3A_542 = arith.constant dense<0xFF800000> : vector<256xf32>
    %reduce_max3A_543 = vector.multi_reduction <maximumf>, %dot_general3A_513, %reduce_max3A_542 [0] : vector<256x256xf32> to vector<256xf32>
    %broadcast_in_dim3A_544 = vector.shape_cast %reduce_max3A_543 : vector<256xf32> to vector<1x256xf32>
    %sub3A_545 = vector.broadcast %broadcast_in_dim3A_544 : vector<1x256xf32> to vector<256x256xf32>
    %sub3A_546 = arith.subf %sub3A_545, %dot_general3A_513 : vector<256x256xf32>
    %add3A_547 = arith.addf %sub3A_546, %convert_element_type3A : vector<256x256xf32>
    %reduce_min3A_548 = arith.constant dense<0x7F800000> : vector<256xf32>
    %reduce_min3A_549 = vector.multi_reduction <minimumf>, %add3A_547, %reduce_min3A_548 [0] : vector<256x256xf32> to vector<256xf32>
    %swap3A_550 = arith.constant 18 : index
    %swap3A_551 = arith.constant 0 : index
    %swap3A_552 = vector.load %arg4[%swap3A_550, %swap3A_551] : memref<96x256xf32, #tpu.memory_space<vmem>>, vector<1x256xf32>
    %swap3A_553 = vector.shape_cast %swap3A_552 : vector<1x256xf32> to vector<256xf32>
    %swap3A_554 = vector.shape_cast %reduce_min3A_549 : vector<256xf32> to vector<1x256xf32>
    tpu.vector_store %arg4[%swap3A_550, %swap3A_551], %swap3A_554 {strides = array<i32>} : memref<96x256xf32, #tpu.memory_space<vmem>>, vector<1x256xf32>,
    %slice3A_555 = vector.extract_strided_slice %bitcast_convert_type3A_4 {offsets = [160, 0], sizes = [8, 256], strides = [1, 1]} : vector<768x256xf32> to vector<8x256xf32>
    %slice3A_556 = vector.extract_strided_slice %bitcast_convert_type3A_4 {offsets = [160, 0], sizes = [8, 256], strides = [1, 1]} : vector<768x256xf32> to vector<8x256xf32>
    %slice3A_557 = vector.extract_strided_slice %bitcast_convert_type3A_9 {offsets = [160, 0], sizes = [8, 256], strides = [1, 1]} : vector<768x256xf32> to vector<8x256xf32>
    %slice3A_558 = vector.extract_strided_slice %bitcast_convert_type3A_4 {offsets = [160, 0], sizes = [8, 256], strides = [1, 1]} : vector<768x256xf32> to vector<8x256xf32>
    %slice3A_559 = vector.extract_strided_slice %bitcast_convert_type3A_9 {offsets = [160, 0], sizes = [8, 256], strides = [1, 1]} : vector<768x256xf32> to vector<8x256xf32>
    %slice3A_560 = vector.extract_strided_slice %sub3A_10 {offsets = [160, 0], sizes = [8, 256], strides = [1, 1]} : vector<768x256xf32> to vector<8x256xf32>
    %concatenate3A_561 = tpu.concatenate %slice3A_555, %slice3A_556, %slice3A_557, %slice3A_558, %slice3A_559, %slice3A_560, %concatenate3A in 0 : vector<8x256xf32>, vector<8x256xf32>, vector<8x256xf32>, vector<8x256xf32>, vector<8x256xf32>, vector<8x256xf32>, vector<16x256xf32> -> vector<64x256xf32>
    %convert_element_type3A_562 = arith.truncf %concatenate3A_561 : vector<64x256xf32> to vector<64x256xbf16>
    %get3A_563 = arith.constant 20 : index
    %get3A_564 = arith.constant 0 : index
    %get3A_565 = arith.constant 0 : index
    %get3A_566 = vector.load %arg2[%get3A_563, %get3A_564, %get3A_565] : memref<96x256x64xbf16, #tpu.memory_space<vmem>>, vector<1x256x64xbf16>
    %get3A_567 = vector.shape_cast %get3A_566 : vector<1x256x64xbf16> to vector<256x64xbf16>
    %dot_general3A_568 = arith.constant dense<0.000000e+00> : vector<256x256xf32>
    %dot_general3A_569 = tpu.matmul %get3A_567, %convert_element_type3A_562, %dot_general3A_568 {dimension_numbers = #tpu.dot_dimension_numbers<[1], [0], [0], [1], [0, 0, 1, 1], [], []>, transpose_lhs_hint = false} : vector<256x64xbf16>, vector<64x256xbf16>, vector<256x256xf32> -> vector<256x256xf32>
    %reduce_max3A_570 = arith.constant dense<0xFF800000> : vector<256xf32>
    %reduce_max3A_571 = vector.multi_reduction <maximumf>, %dot_general3A_541, %reduce_max3A_570 [0] : vector<256x256xf32> to vector<256xf32>
    %broadcast_in_dim3A_572 = vector.shape_cast %reduce_max3A_571 : vector<256xf32> to vector<1x256xf32>
    %sub3A_573 = vector.broadcast %broadcast_in_dim3A_572 : vector<1x256xf32> to vector<256x256xf32>
    %sub3A_574 = arith.subf %sub3A_573, %dot_general3A_541 : vector<256x256xf32>
    %add3A_575 = arith.addf %sub3A_574, %convert_element_type3A : vector<256x256xf32>
    %reduce_min3A_576 = arith.constant dense<0x7F800000> : vector<256xf32>
    %reduce_min3A_577 = vector.multi_reduction <minimumf>, %add3A_575, %reduce_min3A_576 [0] : vector<256x256xf32> to vector<256xf32>
    %swap3A_578 = arith.constant 19 : index
    %swap3A_579 = arith.constant 0 : index
    %swap3A_580 = vector.load %arg4[%swap3A_578, %swap3A_579] : memref<96x256xf32, #tpu.memory_space<vmem>>, vector<1x256xf32>
    %swap3A_581 = vector.shape_cast %swap3A_580 : vector<1x256xf32> to vector<256xf32>
    %swap3A_582 = vector.shape_cast %reduce_min3A_577 : vector<256xf32> to vector<1x256xf32>
    tpu.vector_store %arg4[%swap3A_578, %swap3A_579], %swap3A_582 {strides = array<i32>} : memref<96x256xf32, #tpu.memory_space<vmem>>, vector<1x256xf32>,
    %slice3A_583 = vector.extract_strided_slice %bitcast_convert_type3A_4 {offsets = [168, 0], sizes = [8, 256], strides = [1, 1]} : vector<768x256xf32> to vector<8x256xf32>
    %slice3A_584 = vector.extract_strided_slice %bitcast_convert_type3A_4 {offsets = [168, 0], sizes = [8, 256], strides = [1, 1]} : vector<768x256xf32> to vector<8x256xf32>
    %slice3A_585 = vector.extract_strided_slice %bitcast_convert_type3A_9 {offsets = [168, 0], sizes = [8, 256], strides = [1, 1]} : vector<768x256xf32> to vector<8x256xf32>
    %slice3A_586 = vector.extract_strided_slice %bitcast_convert_type3A_4 {offsets = [168, 0], sizes = [8, 256], strides = [1, 1]} : vector<768x256xf32> to vector<8x256xf32>
    %slice3A_587 = vector.extract_strided_slice %bitcast_convert_type3A_9 {offsets = [168, 0], sizes = [8, 256], strides = [1, 1]} : vector<768x256xf32> to vector<8x256xf32>
    %slice3A_588 = vector.extract_strided_slice %sub3A_10 {offsets = [168, 0], sizes = [8, 256], strides = [1, 1]} : vector<768x256xf32> to vector<8x256xf32>
    %concatenate3A_589 = tpu.concatenate %slice3A_583, %slice3A_584, %slice3A_585, %slice3A_586, %slice3A_587, %slice3A_588, %concatenate3A in 0 : vector<8x256xf32>, vector<8x256xf32>, vector<8x256xf32>, vector<8x256xf32>, vector<8x256xf32>, vector<8x256xf32>, vector<16x256xf32> -> vector<64x256xf32>
    %convert_element_type3A_590 = arith.truncf %concatenate3A_589 : vector<64x256xf32> to vector<64x256xbf16>
    %get3A_591 = arith.constant 21 : index
    %get3A_592 = arith.constant 0 : index
    %get3A_593 = arith.constant 0 : index
    %get3A_594 = vector.load %arg2[%get3A_591, %get3A_592, %get3A_593] : memref<96x256x64xbf16, #tpu.memory_space<vmem>>, vector<1x256x64xbf16>
    %get3A_595 = vector.shape_cast %get3A_594 : vector<1x256x64xbf16> to vector<256x64xbf16>
    %dot_general3A_596 = arith.constant dense<0.000000e+00> : vector<256x256xf32>
    %dot_general3A_597 = tpu.matmul %get3A_595, %convert_element_type3A_590, %dot_general3A_596 {dimension_numbers = #tpu.dot_dimension_numbers<[1], [0], [0], [1], [0, 0, 1, 1], [], []>, transpose_lhs_hint = false} : vector<256x64xbf16>, vector<64x256xbf16>, vector<256x256xf32> -> vector<256x256xf32>
    %reduce_max3A_598 = arith.constant dense<0xFF800000> : vector<256xf32>
    %reduce_max3A_599 = vector.multi_reduction <maximumf>, %dot_general3A_569, %reduce_max3A_598 [0] : vector<256x256xf32> to vector<256xf32>
    %broadcast_in_dim3A_600 = vector.shape_cast %reduce_max3A_599 : vector<256xf32> to vector<1x256xf32>
    %sub3A_601 = vector.broadcast %broadcast_in_dim3A_600 : vector<1x256xf32> to vector<256x256xf32>
    %sub3A_602 = arith.subf %sub3A_601, %dot_general3A_569 : vector<256x256xf32>
    %add3A_603 = arith.addf %sub3A_602, %convert_element_type3A : vector<256x256xf32>
    %reduce_min3A_604 = arith.constant dense<0x7F800000> : vector<256xf32>
    %reduce_min3A_605 = vector.multi_reduction <minimumf>, %add3A_603, %reduce_min3A_604 [0] : vector<256x256xf32> to vector<256xf32>
    %swap3A_606 = arith.constant 20 : index
    %swap3A_607 = arith.constant 0 : index
    %swap3A_608 = vector.load %arg4[%swap3A_606, %swap3A_607] : memref<96x256xf32, #tpu.memory_space<vmem>>, vector<1x256xf32>
    %swap3A_609 = vector.shape_cast %swap3A_608 : vector<1x256xf32> to vector<256xf32>
    %swap3A_610 = vector.shape_cast %reduce_min3A_605 : vector<256xf32> to vector<1x256xf32>
    tpu.vector_store %arg4[%swap3A_606, %swap3A_607], %swap3A_610 {strides = array<i32>} : memref<96x256xf32, #tpu.memory_space<vmem>>, vector<1x256xf32>,
    %slice3A_611 = vector.extract_strided_slice %bitcast_convert_type3A_4 {offsets = [176, 0], sizes = [8, 256], strides = [1, 1]} : vector<768x256xf32> to vector<8x256xf32>
    %slice3A_612 = vector.extract_strided_slice %bitcast_convert_type3A_4 {offsets = [176, 0], sizes = [8, 256], strides = [1, 1]} : vector<768x256xf32> to vector<8x256xf32>
    %slice3A_613 = vector.extract_strided_slice %bitcast_convert_type3A_9 {offsets = [176, 0], sizes = [8, 256], strides = [1, 1]} : vector<768x256xf32> to vector<8x256xf32>
    %slice3A_614 = vector.extract_strided_slice %bitcast_convert_type3A_4 {offsets = [176, 0], sizes = [8, 256], strides = [1, 1]} : vector<768x256xf32> to vector<8x256xf32>
    %slice3A_615 = vector.extract_strided_slice %bitcast_convert_type3A_9 {offsets = [176, 0], sizes = [8, 256], strides = [1, 1]} : vector<768x256xf32> to vector<8x256xf32>
    %slice3A_616 = vector.extract_strided_slice %sub3A_10 {offsets = [176, 0], sizes = [8, 256], strides = [1, 1]} : vector<768x256xf32> to vector<8x256xf32>
    %concatenate3A_617 = tpu.concatenate %slice3A_611, %slice3A_612, %slice3A_613, %slice3A_614, %slice3A_615, %slice3A_616, %concatenate3A in 0 : vector<8x256xf32>, vector<8x256xf32>, vector<8x256xf32>, vector<8x256xf32>, vector<8x256xf32>, vector<8x256xf32>, vector<16x256xf32> -> vector<64x256xf32>
    %convert_element_type3A_618 = arith.truncf %concatenate3A_617 : vector<64x256xf32> to vector<64x256xbf16>
    %get3A_619 = arith.constant 22 : index
    %get3A_620 = arith.constant 0 : index
    %get3A_621 = arith.constant 0 : index
    %get3A_622 = vector.load %arg2[%get3A_619, %get3A_620, %get3A_621] : memref<96x256x64xbf16, #tpu.memory_space<vmem>>, vector<1x256x64xbf16>
    %get3A_623 = vector.shape_cast %get3A_622 : vector<1x256x64xbf16> to vector<256x64xbf16>
    %dot_general3A_624 = arith.constant dense<0.000000e+00> : vector<256x256xf32>
    %dot_general3A_625 = tpu.matmul %get3A_623, %convert_element_type3A_618, %dot_general3A_624 {dimension_numbers = #tpu.dot_dimension_numbers<[1], [0], [0], [1], [0, 0, 1, 1], [], []>, transpose_lhs_hint = false} : vector<256x64xbf16>, vector<64x256xbf16>, vector<256x256xf32> -> vector<256x256xf32>
    %reduce_max3A_626 = arith.constant dense<0xFF800000> : vector<256xf32>
    %reduce_max3A_627 = vector.multi_reduction <maximumf>, %dot_general3A_597, %reduce_max3A_626 [0] : vector<256x256xf32> to vector<256xf32>
    %broadcast_in_dim3A_628 = vector.shape_cast %reduce_max3A_627 : vector<256xf32> to vector<1x256xf32>
    %sub3A_629 = vector.broadcast %broadcast_in_dim3A_628 : vector<1x256xf32> to vector<256x256xf32>
    %sub3A_630 = arith.subf %sub3A_629, %dot_general3A_597 : vector<256x256xf32>
    %add3A_631 = arith.addf %sub3A_630, %convert_element_type3A : vector<256x256xf32>
    %reduce_min3A_632 = arith.constant dense<0x7F800000> : vector<256xf32>
    %reduce_min3A_633 = vector.multi_reduction <minimumf>, %add3A_631, %reduce_min3A_632 [0] : vector<256x256xf32> to vector<256xf32>
    %swap3A_634 = arith.constant 21 : index
    %swap3A_635 = arith.constant 0 : index
    %swap3A_636 = vector.load %arg4[%swap3A_634, %swap3A_635] : memref<96x256xf32, #tpu.memory_space<vmem>>, vector<1x256xf32>
    %swap3A_637 = vector.shape_cast %swap3A_636 : vector<1x256xf32> to vector<256xf32>
    %swap3A_638 = vector.shape_cast %reduce_min3A_633 : vector<256xf32> to vector<1x256xf32>
    tpu.vector_store %arg4[%swap3A_634, %swap3A_635], %swap3A_638 {strides = array<i32>} : memref<96x256xf32, #tpu.memory_space<vmem>>, vector<1x256xf32>,
    %slice3A_639 = vector.extract_strided_slice %bitcast_convert_type3A_4 {offsets = [184, 0], sizes = [8, 256], strides = [1, 1]} : vector<768x256xf32> to vector<8x256xf32>
    %slice3A_640 = vector.extract_strided_slice %bitcast_convert_type3A_4 {offsets = [184, 0], sizes = [8, 256], strides = [1, 1]} : vector<768x256xf32> to vector<8x256xf32>
    %slice3A_641 = vector.extract_strided_slice %bitcast_convert_type3A_9 {offsets = [184, 0], sizes = [8, 256], strides = [1, 1]} : vector<768x256xf32> to vector<8x256xf32>
    %slice3A_642 = vector.extract_strided_slice %bitcast_convert_type3A_4 {offsets = [184, 0], sizes = [8, 256], strides = [1, 1]} : vector<768x256xf32> to vector<8x256xf32>
    %slice3A_643 = vector.extract_strided_slice %bitcast_convert_type3A_9 {offsets = [184, 0], sizes = [8, 256], strides = [1, 1]} : vector<768x256xf32> to vector<8x256xf32>
    %slice3A_644 = vector.extract_strided_slice %sub3A_10 {offsets = [184, 0], sizes = [8, 256], strides = [1, 1]} : vector<768x256xf32> to vector<8x256xf32>
    %concatenate3A_645 = tpu.concatenate %slice3A_639, %slice3A_640, %slice3A_641, %slice3A_642, %slice3A_643, %slice3A_644, %concatenate3A in 0 : vector<8x256xf32>, vector<8x256xf32>, vector<8x256xf32>, vector<8x256xf32>, vector<8x256xf32>, vector<8x256xf32>, vector<16x256xf32> -> vector<64x256xf32>
    %convert_element_type3A_646 = arith.truncf %concatenate3A_645 : vector<64x256xf32> to vector<64x256xbf16>
    %get3A_647 = arith.constant 23 : index
    %get3A_648 = arith.constant 0 : index
    %get3A_649 = arith.constant 0 : index
    %get3A_650 = vector.load %arg2[%get3A_647, %get3A_648, %get3A_649] : memref<96x256x64xbf16, #tpu.memory_space<vmem>>, vector<1x256x64xbf16>
    %get3A_651 = vector.shape_cast %get3A_650 : vector<1x256x64xbf16> to vector<256x64xbf16>
    %dot_general3A_652 = arith.constant dense<0.000000e+00> : vector<256x256xf32>
    %dot_general3A_653 = tpu.matmul %get3A_651, %convert_element_type3A_646, %dot_general3A_652 {dimension_numbers = #tpu.dot_dimension_numbers<[1], [0], [0], [1], [0, 0, 1, 1], [], []>, transpose_lhs_hint = false} : vector<256x64xbf16>, vector<64x256xbf16>, vector<256x256xf32> -> vector<256x256xf32>
    %reduce_max3A_654 = arith.constant dense<0xFF800000> : vector<256xf32>
    %reduce_max3A_655 = vector.multi_reduction <maximumf>, %dot_general3A_625, %reduce_max3A_654 [0] : vector<256x256xf32> to vector<256xf32>
    %broadcast_in_dim3A_656 = vector.shape_cast %reduce_max3A_655 : vector<256xf32> to vector<1x256xf32>
    %sub3A_657 = vector.broadcast %broadcast_in_dim3A_656 : vector<1x256xf32> to vector<256x256xf32>
    %sub3A_658 = arith.subf %sub3A_657, %dot_general3A_625 : vector<256x256xf32>
    %add3A_659 = arith.addf %sub3A_658, %convert_element_type3A : vector<256x256xf32>
    %reduce_min3A_660 = arith.constant dense<0x7F800000> : vector<256xf32>
    %reduce_min3A_661 = vector.multi_reduction <minimumf>, %add3A_659, %reduce_min3A_660 [0] : vector<256x256xf32> to vector<256xf32>
    %swap3A_662 = arith.constant 22 : index
    %swap3A_663 = arith.constant 0 : index
    %swap3A_664 = vector.load %arg4[%swap3A_662, %swap3A_663] : memref<96x256xf32, #tpu.memory_space<vmem>>, vector<1x256xf32>
    %swap3A_665 = vector.shape_cast %swap3A_664 : vector<1x256xf32> to vector<256xf32>
    %swap3A_666 = vector.shape_cast %reduce_min3A_661 : vector<256xf32> to vector<1x256xf32>
    tpu.vector_store %arg4[%swap3A_662, %swap3A_663], %swap3A_666 {strides = array<i32>} : memref<96x256xf32, #tpu.memory_space<vmem>>, vector<1x256xf32>,
    %slice3A_667 = vector.extract_strided_slice %bitcast_convert_type3A_4 {offsets = [192, 0], sizes = [8, 256], strides = [1, 1]} : vector<768x256xf32> to vector<8x256xf32>
    %slice3A_668 = vector.extract_strided_slice %bitcast_convert_type3A_4 {offsets = [192, 0], sizes = [8, 256], strides = [1, 1]} : vector<768x256xf32> to vector<8x256xf32>
    %slice3A_669 = vector.extract_strided_slice %bitcast_convert_type3A_9 {offsets = [192, 0], sizes = [8, 256], strides = [1, 1]} : vector<768x256xf32> to vector<8x256xf32>
    %slice3A_670 = vector.extract_strided_slice %bitcast_convert_type3A_4 {offsets = [192, 0], sizes = [8, 256], strides = [1, 1]} : vector<768x256xf32> to vector<8x256xf32>
    %slice3A_671 = vector.extract_strided_slice %bitcast_convert_type3A_9 {offsets = [192, 0], sizes = [8, 256], strides = [1, 1]} : vector<768x256xf32> to vector<8x256xf32>
    %slice3A_672 = vector.extract_strided_slice %sub3A_10 {offsets = [192, 0], sizes = [8, 256], strides = [1, 1]} : vector<768x256xf32> to vector<8x256xf32>
    %concatenate3A_673 = tpu.concatenate %slice3A_667, %slice3A_668, %slice3A_669, %slice3A_670, %slice3A_671, %slice3A_672, %concatenate3A in 0 : vector<8x256xf32>, vector<8x256xf32>, vector<8x256xf32>, vector<8x256xf32>, vector<8x256xf32>, vector<8x256xf32>, vector<16x256xf32> -> vector<64x256xf32>
    %convert_element_type3A_674 = arith.truncf %concatenate3A_673 : vector<64x256xf32> to vector<64x256xbf16>
    %get3A_675 = arith.constant 24 : index
    %get3A_676 = arith.constant 0 : index
    %get3A_677 = arith.constant 0 : index
    %get3A_678 = vector.load %arg2[%get3A_675, %get3A_676, %get3A_677] : memref<96x256x64xbf16, #tpu.memory_space<vmem>>, vector<1x256x64xbf16>
    %get3A_679 = vector.shape_cast %get3A_678 : vector<1x256x64xbf16> to vector<256x64xbf16>
    %dot_general3A_680 = arith.constant dense<0.000000e+00> : vector<256x256xf32>
    %dot_general3A_681 = tpu.matmul %get3A_679, %convert_element_type3A_674, %dot_general3A_680 {dimension_numbers = #tpu.dot_dimension_numbers<[1], [0], [0], [1], [0, 0, 1, 1], [], []>, transpose_lhs_hint = false} : vector<256x64xbf16>, vector<64x256xbf16>, vector<256x256xf32> -> vector<256x256xf32>
    %reduce_max3A_682 = arith.constant dense<0xFF800000> : vector<256xf32>
    %reduce_max3A_683 = vector.multi_reduction <maximumf>, %dot_general3A_653, %reduce_max3A_682 [0] : vector<256x256xf32> to vector<256xf32>
    %broadcast_in_dim3A_684 = vector.shape_cast %reduce_max3A_683 : vector<256xf32> to vector<1x256xf32>
    %sub3A_685 = vector.broadcast %broadcast_in_dim3A_684 : vector<1x256xf32> to vector<256x256xf32>
    %sub3A_686 = arith.subf %sub3A_685, %dot_general3A_653 : vector<256x256xf32>
    %add3A_687 = arith.addf %sub3A_686, %convert_element_type3A : vector<256x256xf32>
    %reduce_min3A_688 = arith.constant dense<0x7F800000> : vector<256xf32>
    %reduce_min3A_689 = vector.multi_reduction <minimumf>, %add3A_687, %reduce_min3A_688 [0] : vector<256x256xf32> to vector<256xf32>
    %swap3A_690 = arith.constant 23 : index
    %swap3A_691 = arith.constant 0 : index
    %swap3A_692 = vector.load %arg4[%swap3A_690, %swap3A_691] : memref<96x256xf32, #tpu.memory_space<vmem>>, vector<1x256xf32>
    %swap3A_693 = vector.shape_cast %swap3A_692 : vector<1x256xf32> to vector<256xf32>
    %swap3A_694 = vector.shape_cast %reduce_min3A_689 : vector<256xf32> to vector<1x256xf32>
    tpu.vector_store %arg4[%swap3A_690, %swap3A_691], %swap3A_694 {strides = array<i32>} : memref<96x256xf32, #tpu.memory_space<vmem>>, vector<1x256xf32>,
    %slice3A_695 = vector.extract_strided_slice %bitcast_convert_type3A_4 {offsets = [200, 0], sizes = [8, 256], strides = [1, 1]} : vector<768x256xf32> to vector<8x256xf32>
    %slice3A_696 = vector.extract_strided_slice %bitcast_convert_type3A_4 {offsets = [200, 0], sizes = [8, 256], strides = [1, 1]} : vector<768x256xf32> to vector<8x256xf32>
    %slice3A_697 = vector.extract_strided_slice %bitcast_convert_type3A_9 {offsets = [200, 0], sizes = [8, 256], strides = [1, 1]} : vector<768x256xf32> to vector<8x256xf32>
    %slice3A_698 = vector.extract_strided_slice %bitcast_convert_type3A_4 {offsets = [200, 0], sizes = [8, 256], strides = [1, 1]} : vector<768x256xf32> to vector<8x256xf32>
    %slice3A_699 = vector.extract_strided_slice %bitcast_convert_type3A_9 {offsets = [200, 0], sizes = [8, 256], strides = [1, 1]} : vector<768x256xf32> to vector<8x256xf32>
    %slice3A_700 = vector.extract_strided_slice %sub3A_10 {offsets = [200, 0], sizes = [8, 256], strides = [1, 1]} : vector<768x256xf32> to vector<8x256xf32>
    %concatenate3A_701 = tpu.concatenate %slice3A_695, %slice3A_696, %slice3A_697, %slice3A_698, %slice3A_699, %slice3A_700, %concatenate3A in 0 : vector<8x256xf32>, vector<8x256xf32>, vector<8x256xf32>, vector<8x256xf32>, vector<8x256xf32>, vector<8x256xf32>, vector<16x256xf32> -> vector<64x256xf32>
    %convert_element_type3A_702 = arith.truncf %concatenate3A_701 : vector<64x256xf32> to vector<64x256xbf16>
    %get3A_703 = arith.constant 25 : index
    %get3A_704 = arith.constant 0 : index
    %get3A_705 = arith.constant 0 : index
    %get3A_706 = vector.load %arg2[%get3A_703, %get3A_704, %get3A_705] : memref<96x256x64xbf16, #tpu.memory_space<vmem>>, vector<1x256x64xbf16>
    %get3A_707 = vector.shape_cast %get3A_706 : vector<1x256x64xbf16> to vector<256x64xbf16>
    %dot_general3A_708 = arith.constant dense<0.000000e+00> : vector<256x256xf32>
    %dot_general3A_709 = tpu.matmul %get3A_707, %convert_element_type3A_702, %dot_general3A_708 {dimension_numbers = #tpu.dot_dimension_numbers<[1], [0], [0], [1], [0, 0, 1, 1], [], []>, transpose_lhs_hint = false} : vector<256x64xbf16>, vector<64x256xbf16>, vector<256x256xf32> -> vector<256x256xf32>
    %reduce_max3A_710 = arith.constant dense<0xFF800000> : vector<256xf32>
    %reduce_max3A_711 = vector.multi_reduction <maximumf>, %dot_general3A_681, %reduce_max3A_710 [0] : vector<256x256xf32> to vector<256xf32>
    %broadcast_in_dim3A_712 = vector.shape_cast %reduce_max3A_711 : vector<256xf32> to vector<1x256xf32>
    %sub3A_713 = vector.broadcast %broadcast_in_dim3A_712 : vector<1x256xf32> to vector<256x256xf32>
    %sub3A_714 = arith.subf %sub3A_713, %dot_general3A_681 : vector<256x256xf32>
    %add3A_715 = arith.addf %sub3A_714, %convert_element_type3A : vector<256x256xf32>
    %reduce_min3A_716 = arith.constant dense<0x7F800000> : vector<256xf32>
    %reduce_min3A_717 = vector.multi_reduction <minimumf>, %add3A_715, %reduce_min3A_716 [0] : vector<256x256xf32> to vector<256xf32>
    %swap3A_718 = arith.constant 24 : index
    %swap3A_719 = arith.constant 0 : index
    %swap3A_720 = vector.load %arg4[%swap3A_718, %swap3A_719] : memref<96x256xf32, #tpu.memory_space<vmem>>, vector<1x256xf32>
    %swap3A_721 = vector.shape_cast %swap3A_720 : vector<1x256xf32> to vector<256xf32>
    %swap3A_722 = vector.shape_cast %reduce_min3A_717 : vector<256xf32> to vector<1x256xf32>
    tpu.vector_store %arg4[%swap3A_718, %swap3A_719], %swap3A_722 {strides = array<i32>} : memref<96x256xf32, #tpu.memory_space<vmem>>, vector<1x256xf32>,
    %slice3A_723 = vector.extract_strided_slice %bitcast_convert_type3A_4 {offsets = [208, 0], sizes = [8, 256], strides = [1, 1]} : vector<768x256xf32> to vector<8x256xf32>
    %slice3A_724 = vector.extract_strided_slice %bitcast_convert_type3A_4 {offsets = [208, 0], sizes = [8, 256], strides = [1, 1]} : vector<768x256xf32> to vector<8x256xf32>
    %slice3A_725 = vector.extract_strided_slice %bitcast_convert_type3A_9 {offsets = [208, 0], sizes = [8, 256], strides = [1, 1]} : vector<768x256xf32> to vector<8x256xf32>
    %slice3A_726 = vector.extract_strided_slice %bitcast_convert_type3A_4 {offsets = [208, 0], sizes = [8, 256], strides = [1, 1]} : vector<768x256xf32> to vector<8x256xf32>
    %slice3A_727 = vector.extract_strided_slice %bitcast_convert_type3A_9 {offsets = [208, 0], sizes = [8, 256], strides = [1, 1]} : vector<768x256xf32> to vector<8x256xf32>
    %slice3A_728 = vector.extract_strided_slice %sub3A_10 {offsets = [208, 0], sizes = [8, 256], strides = [1, 1]} : vector<768x256xf32> to vector<8x256xf32>
    %concatenate3A_729 = tpu.concatenate %slice3A_723, %slice3A_724, %slice3A_725, %slice3A_726, %slice3A_727, %slice3A_728, %concatenate3A in 0 : vector<8x256xf32>, vector<8x256xf32>, vector<8x256xf32>, vector<8x256xf32>, vector<8x256xf32>, vector<8x256xf32>, vector<16x256xf32> -> vector<64x256xf32>
    %convert_element_type3A_730 = arith.truncf %concatenate3A_729 : vector<64x256xf32> to vector<64x256xbf16>
    %get3A_731 = arith.constant 26 : index
    %get3A_732 = arith.constant 0 : index
    %get3A_733 = arith.constant 0 : index
    %get3A_734 = vector.load %arg2[%get3A_731, %get3A_732, %get3A_733] : memref<96x256x64xbf16, #tpu.memory_space<vmem>>, vector<1x256x64xbf16>
    %get3A_735 = vector.shape_cast %get3A_734 : vector<1x256x64xbf16> to vector<256x64xbf16>
    %dot_general3A_736 = arith.constant dense<0.000000e+00> : vector<256x256xf32>
    %dot_general3A_737 = tpu.matmul %get3A_735, %convert_element_type3A_730, %dot_general3A_736 {dimension_numbers = #tpu.dot_dimension_numbers<[1], [0], [0], [1], [0, 0, 1, 1], [], []>, transpose_lhs_hint = false} : vector<256x64xbf16>, vector<64x256xbf16>, vector<256x256xf32> -> vector<256x256xf32>
    %reduce_max3A_738 = arith.constant dense<0xFF800000> : vector<256xf32>
    %reduce_max3A_739 = vector.multi_reduction <maximumf>, %dot_general3A_709, %reduce_max3A_738 [0] : vector<256x256xf32> to vector<256xf32>
    %broadcast_in_dim3A_740 = vector.shape_cast %reduce_max3A_739 : vector<256xf32> to vector<1x256xf32>
    %sub3A_741 = vector.broadcast %broadcast_in_dim3A_740 : vector<1x256xf32> to vector<256x256xf32>
    %sub3A_742 = arith.subf %sub3A_741, %dot_general3A_709 : vector<256x256xf32>
    %add3A_743 = arith.addf %sub3A_742, %convert_element_type3A : vector<256x256xf32>
    %reduce_min3A_744 = arith.constant dense<0x7F800000> : vector<256xf32>
    %reduce_min3A_745 = vector.multi_reduction <minimumf>, %add3A_743, %reduce_min3A_744 [0] : vector<256x256xf32> to vector<256xf32>
    %swap3A_746 = arith.constant 25 : index
    %swap3A_747 = arith.constant 0 : index
    %swap3A_748 = vector.load %arg4[%swap3A_746, %swap3A_747] : memref<96x256xf32, #tpu.memory_space<vmem>>, vector<1x256xf32>
    %swap3A_749 = vector.shape_cast %swap3A_748 : vector<1x256xf32> to vector<256xf32>
    %swap3A_750 = vector.shape_cast %reduce_min3A_745 : vector<256xf32> to vector<1x256xf32>
    tpu.vector_store %arg4[%swap3A_746, %swap3A_747], %swap3A_750 {strides = array<i32>} : memref<96x256xf32, #tpu.memory_space<vmem>>, vector<1x256xf32>,
    %slice3A_751 = vector.extract_strided_slice %bitcast_convert_type3A_4 {offsets = [216, 0], sizes = [8, 256], strides = [1, 1]} : vector<768x256xf32> to vector<8x256xf32>
    %slice3A_752 = vector.extract_strided_slice %bitcast_convert_type3A_4 {offsets = [216, 0], sizes = [8, 256], strides = [1, 1]} : vector<768x256xf32> to vector<8x256xf32>
    %slice3A_753 = vector.extract_strided_slice %bitcast_convert_type3A_9 {offsets = [216, 0], sizes = [8, 256], strides = [1, 1]} : vector<768x256xf32> to vector<8x256xf32>
    %slice3A_754 = vector.extract_strided_slice %bitcast_convert_type3A_4 {offsets = [216, 0], sizes = [8, 256], strides = [1, 1]} : vector<768x256xf32> to vector<8x256xf32>
    %slice3A_755 = vector.extract_strided_slice %bitcast_convert_type3A_9 {offsets = [216, 0], sizes = [8, 256], strides = [1, 1]} : vector<768x256xf32> to vector<8x256xf32>
    %slice3A_756 = vector.extract_strided_slice %sub3A_10 {offsets = [216, 0], sizes = [8, 256], strides = [1, 1]} : vector<768x256xf32> to vector<8x256xf32>
    %concatenate3A_757 = tpu.concatenate %slice3A_751, %slice3A_752, %slice3A_753, %slice3A_754, %slice3A_755, %slice3A_756, %concatenate3A in 0 : vector<8x256xf32>, vector<8x256xf32>, vector<8x256xf32>, vector<8x256xf32>, vector<8x256xf32>, vector<8x256xf32>, vector<16x256xf32> -> vector<64x256xf32>
    %convert_element_type3A_758 = arith.truncf %concatenate3A_757 : vector<64x256xf32> to vector<64x256xbf16>
    %get3A_759 = arith.constant 27 : index
    %get3A_760 = arith.constant 0 : index
    %get3A_761 = arith.constant 0 : index
    %get3A_762 = vector.load %arg2[%get3A_759, %get3A_760, %get3A_761] : memref<96x256x64xbf16, #tpu.memory_space<vmem>>, vector<1x256x64xbf16>
    %get3A_763 = vector.shape_cast %get3A_762 : vector<1x256x64xbf16> to vector<256x64xbf16>
    %dot_general3A_764 = arith.constant dense<0.000000e+00> : vector<256x256xf32>
    %dot_general3A_765 = tpu.matmul %get3A_763, %convert_element_type3A_758, %dot_general3A_764 {dimension_numbers = #tpu.dot_dimension_numbers<[1], [0], [0], [1], [0, 0, 1, 1], [], []>, transpose_lhs_hint = false} : vector<256x64xbf16>, vector<64x256xbf16>, vector<256x256xf32> -> vector<256x256xf32>
    %reduce_max3A_766 = arith.constant dense<0xFF800000> : vector<256xf32>
    %reduce_max3A_767 = vector.multi_reduction <maximumf>, %dot_general3A_737, %reduce_max3A_766 [0] : vector<256x256xf32> to vector<256xf32>
    %broadcast_in_dim3A_768 = vector.shape_cast %reduce_max3A_767 : vector<256xf32> to vector<1x256xf32>
    %sub3A_769 = vector.broadcast %broadcast_in_dim3A_768 : vector<1x256xf32> to vector<256x256xf32>
    %sub3A_770 = arith.subf %sub3A_769, %dot_general3A_737 : vector<256x256xf32>
    %add3A_771 = arith.addf %sub3A_770, %convert_element_type3A : vector<256x256xf32>
    %reduce_min3A_772 = arith.constant dense<0x7F800000> : vector<256xf32>
    %reduce_min3A_773 = vector.multi_reduction <minimumf>, %add3A_771, %reduce_min3A_772 [0] : vector<256x256xf32> to vector<256xf32>
    %swap3A_774 = arith.constant 26 : index
    %swap3A_775 = arith.constant 0 : index
    %swap3A_776 = vector.load %arg4[%swap3A_774, %swap3A_775] : memref<96x256xf32, #tpu.memory_space<vmem>>, vector<1x256xf32>
    %swap3A_777 = vector.shape_cast %swap3A_776 : vector<1x256xf32> to vector<256xf32>
    %swap3A_778 = vector.shape_cast %reduce_min3A_773 : vector<256xf32> to vector<1x256xf32>
    tpu.vector_store %arg4[%swap3A_774, %swap3A_775], %swap3A_778 {strides = array<i32>} : memref<96x256xf32, #tpu.memory_space<vmem>>, vector<1x256xf32>,
    %slice3A_779 = vector.extract_strided_slice %bitcast_convert_type3A_4 {offsets = [224, 0], sizes = [8, 256], strides = [1, 1]} : vector<768x256xf32> to vector<8x256xf32>
    %slice3A_780 = vector.extract_strided_slice %bitcast_convert_type3A_4 {offsets = [224, 0], sizes = [8, 256], strides = [1, 1]} : vector<768x256xf32> to vector<8x256xf32>
    %slice3A_781 = vector.extract_strided_slice %bitcast_convert_type3A_9 {offsets = [224, 0], sizes = [8, 256], strides = [1, 1]} : vector<768x256xf32> to vector<8x256xf32>
    %slice3A_782 = vector.extract_strided_slice %bitcast_convert_type3A_4 {offsets = [224, 0], sizes = [8, 256], strides = [1, 1]} : vector<768x256xf32> to vector<8x256xf32>
    %slice3A_783 = vector.extract_strided_slice %bitcast_convert_type3A_9 {offsets = [224, 0], sizes = [8, 256], strides = [1, 1]} : vector<768x256xf32> to vector<8x256xf32>
    %slice3A_784 = vector.extract_strided_slice %sub3A_10 {offsets = [224, 0], sizes = [8, 256], strides = [1, 1]} : vector<768x256xf32> to vector<8x256xf32>
    %concatenate3A_785 = tpu.concatenate %slice3A_779, %slice3A_780, %slice3A_781, %slice3A_782, %slice3A_783, %slice3A_784, %concatenate3A in 0 : vector<8x256xf32>, vector<8x256xf32>, vector<8x256xf32>, vector<8x256xf32>, vector<8x256xf32>, vector<8x256xf32>, vector<16x256xf32> -> vector<64x256xf32>
    %convert_element_type3A_786 = arith.truncf %concatenate3A_785 : vector<64x256xf32> to vector<64x256xbf16>
    %get3A_787 = arith.constant 28 : index
    %get3A_788 = arith.constant 0 : index
    %get3A_789 = arith.constant 0 : index
    %get3A_790 = vector.load %arg2[%get3A_787, %get3A_788, %get3A_789] : memref<96x256x64xbf16, #tpu.memory_space<vmem>>, vector<1x256x64xbf16>
    %get3A_791 = vector.shape_cast %get3A_790 : vector<1x256x64xbf16> to vector<256x64xbf16>
    %dot_general3A_792 = arith.constant dense<0.000000e+00> : vector<256x256xf32>
    %dot_general3A_793 = tpu.matmul %get3A_791, %convert_element_type3A_786, %dot_general3A_792 {dimension_numbers = #tpu.dot_dimension_numbers<[1], [0], [0], [1], [0, 0, 1, 1], [], []>, transpose_lhs_hint = false} : vector<256x64xbf16>, vector<64x256xbf16>, vector<256x256xf32> -> vector<256x256xf32>
    %reduce_max3A_794 = arith.constant dense<0xFF800000> : vector<256xf32>
    %reduce_max3A_795 = vector.multi_reduction <maximumf>, %dot_general3A_765, %reduce_max3A_794 [0] : vector<256x256xf32> to vector<256xf32>
    %broadcast_in_dim3A_796 = vector.shape_cast %reduce_max3A_795 : vector<256xf32> to vector<1x256xf32>
    %sub3A_797 = vector.broadcast %broadcast_in_dim3A_796 : vector<1x256xf32> to vector<256x256xf32>
    %sub3A_798 = arith.subf %sub3A_797, %dot_general3A_765 : vector<256x256xf32>
    %add3A_799 = arith.addf %sub3A_798, %convert_element_type3A : vector<256x256xf32>
    %reduce_min3A_800 = arith.constant dense<0x7F800000> : vector<256xf32>
    %reduce_min3A_801 = vector.multi_reduction <minimumf>, %add3A_799, %reduce_min3A_800 [0] : vector<256x256xf32> to vector<256xf32>
    %swap3A_802 = arith.constant 27 : index
    %swap3A_803 = arith.constant 0 : index
    %swap3A_804 = vector.load %arg4[%swap3A_802, %swap3A_803] : memref<96x256xf32, #tpu.memory_space<vmem>>, vector<1x256xf32>
    %swap3A_805 = vector.shape_cast %swap3A_804 : vector<1x256xf32> to vector<256xf32>
    %swap3A_806 = vector.shape_cast %reduce_min3A_801 : vector<256xf32> to vector<1x256xf32>
    tpu.vector_store %arg4[%swap3A_802, %swap3A_803], %swap3A_806 {strides = array<i32>} : memref<96x256xf32, #tpu.memory_space<vmem>>, vector<1x256xf32>,
    %slice3A_807 = vector.extract_strided_slice %bitcast_convert_type3A_4 {offsets = [232, 0], sizes = [8, 256], strides = [1, 1]} : vector<768x256xf32> to vector<8x256xf32>
    %slice3A_808 = vector.extract_strided_slice %bitcast_convert_type3A_4 {offsets = [232, 0], sizes = [8, 256], strides = [1, 1]} : vector<768x256xf32> to vector<8x256xf32>
    %slice3A_809 = vector.extract_strided_slice %bitcast_convert_type3A_9 {offsets = [232, 0], sizes = [8, 256], strides = [1, 1]} : vector<768x256xf32> to vector<8x256xf32>
    %slice3A_810 = vector.extract_strided_slice %bitcast_convert_type3A_4 {offsets = [232, 0], sizes = [8, 256], strides = [1, 1]} : vector<768x256xf32> to vector<8x256xf32>
    %slice3A_811 = vector.extract_strided_slice %bitcast_convert_type3A_9 {offsets = [232, 0], sizes = [8, 256], strides = [1, 1]} : vector<768x256xf32> to vector<8x256xf32>
    %slice3A_812 = vector.extract_strided_slice %sub3A_10 {offsets = [232, 0], sizes = [8, 256], strides = [1, 1]} : vector<768x256xf32> to vector<8x256xf32>
    %concatenate3A_813 = tpu.concatenate %slice3A_807, %slice3A_808, %slice3A_809, %slice3A_810, %slice3A_811, %slice3A_812, %concatenate3A in 0 : vector<8x256xf32>, vector<8x256xf32>, vector<8x256xf32>, vector<8x256xf32>, vector<8x256xf32>, vector<8x256xf32>, vector<16x256xf32> -> vector<64x256xf32>
    %convert_element_type3A_814 = arith.truncf %concatenate3A_813 : vector<64x256xf32> to vector<64x256xbf16>
    %get3A_815 = arith.constant 29 : index
    %get3A_816 = arith.constant 0 : index
    %get3A_817 = arith.constant 0 : index
    %get3A_818 = vector.load %arg2[%get3A_815, %get3A_816, %get3A_817] : memref<96x256x64xbf16, #tpu.memory_space<vmem>>, vector<1x256x64xbf16>
    %get3A_819 = vector.shape_cast %get3A_818 : vector<1x256x64xbf16> to vector<256x64xbf16>
    %dot_general3A_820 = arith.constant dense<0.000000e+00> : vector<256x256xf32>
    %dot_general3A_821 = tpu.matmul %get3A_819, %convert_element_type3A_814, %dot_general3A_820 {dimension_numbers = #tpu.dot_dimension_numbers<[1], [0], [0], [1], [0, 0, 1, 1], [], []>, transpose_lhs_hint = false} : vector<256x64xbf16>, vector<64x256xbf16>, vector<256x256xf32> -> vector<256x256xf32>
    %reduce_max3A_822 = arith.constant dense<0xFF800000> : vector<256xf32>
    %reduce_max3A_823 = vector.multi_reduction <maximumf>, %dot_general3A_793, %reduce_max3A_822 [0] : vector<256x256xf32> to vector<256xf32>
    %broadcast_in_dim3A_824 = vector.shape_cast %reduce_max3A_823 : vector<256xf32> to vector<1x256xf32>
    %sub3A_825 = vector.broadcast %broadcast_in_dim3A_824 : vector<1x256xf32> to vector<256x256xf32>
    %sub3A_826 = arith.subf %sub3A_825, %dot_general3A_793 : vector<256x256xf32>
    %add3A_827 = arith.addf %sub3A_826, %convert_element_type3A : vector<256x256xf32>
    %reduce_min3A_828 = arith.constant dense<0x7F800000> : vector<256xf32>
    %reduce_min3A_829 = vector.multi_reduction <minimumf>, %add3A_827, %reduce_min3A_828 [0] : vector<256x256xf32> to vector<256xf32>
    %swap3A_830 = arith.constant 28 : index
    %swap3A_831 = arith.constant 0 : index
    %swap3A_832 = vector.load %arg4[%swap3A_830, %swap3A_831] : memref<96x256xf32, #tpu.memory_space<vmem>>, vector<1x256xf32>
    %swap3A_833 = vector.shape_cast %swap3A_832 : vector<1x256xf32> to vector<256xf32>
    %swap3A_834 = vector.shape_cast %reduce_min3A_829 : vector<256xf32> to vector<1x256xf32>
    tpu.vector_store %arg4[%swap3A_830, %swap3A_831], %swap3A_834 {strides = array<i32>} : memref<96x256xf32, #tpu.memory_space<vmem>>, vector<1x256xf32>,
    %slice3A_835 = vector.extract_strided_slice %bitcast_convert_type3A_4 {offsets = [240, 0], sizes = [8, 256], strides = [1, 1]} : vector<768x256xf32> to vector<8x256xf32>
    %slice3A_836 = vector.extract_strided_slice %bitcast_convert_type3A_4 {offsets = [240, 0], sizes = [8, 256], strides = [1, 1]} : vector<768x256xf32> to vector<8x256xf32>
    %slice3A_837 = vector.extract_strided_slice %bitcast_convert_type3A_9 {offsets = [240, 0], sizes = [8, 256], strides = [1, 1]} : vector<768x256xf32> to vector<8x256xf32>
    %slice3A_838 = vector.extract_strided_slice %bitcast_convert_type3A_4 {offsets = [240, 0], sizes = [8, 256], strides = [1, 1]} : vector<768x256xf32> to vector<8x256xf32>
    %slice3A_839 = vector.extract_strided_slice %bitcast_convert_type3A_9 {offsets = [240, 0], sizes = [8, 256], strides = [1, 1]} : vector<768x256xf32> to vector<8x256xf32>
    %slice3A_840 = vector.extract_strided_slice %sub3A_10 {offsets = [240, 0], sizes = [8, 256], strides = [1, 1]} : vector<768x256xf32> to vector<8x256xf32>
    %concatenate3A_841 = tpu.concatenate %slice3A_835, %slice3A_836, %slice3A_837, %slice3A_838, %slice3A_839, %slice3A_840, %concatenate3A in 0 : vector<8x256xf32>, vector<8x256xf32>, vector<8x256xf32>, vector<8x256xf32>, vector<8x256xf32>, vector<8x256xf32>, vector<16x256xf32> -> vector<64x256xf32>
    %convert_element_type3A_842 = arith.truncf %concatenate3A_841 : vector<64x256xf32> to vector<64x256xbf16>
    %get3A_843 = arith.constant 30 : index
    %get3A_844 = arith.constant 0 : index
    %get3A_845 = arith.constant 0 : index
    %get3A_846 = vector.load %arg2[%get3A_843, %get3A_844, %get3A_845] : memref<96x256x64xbf16, #tpu.memory_space<vmem>>, vector<1x256x64xbf16>
    %get3A_847 = vector.shape_cast %get3A_846 : vector<1x256x64xbf16> to vector<256x64xbf16>
    %dot_general3A_848 = arith.constant dense<0.000000e+00> : vector<256x256xf32>
    %dot_general3A_849 = tpu.matmul %get3A_847, %convert_element_type3A_842, %dot_general3A_848 {dimension_numbers = #tpu.dot_dimension_numbers<[1], [0], [0], [1], [0, 0, 1, 1], [], []>, transpose_lhs_hint = false} : vector<256x64xbf16>, vector<64x256xbf16>, vector<256x256xf32> -> vector<256x256xf32>
    %reduce_max3A_850 = arith.constant dense<0xFF800000> : vector<256xf32>
    %reduce_max3A_851 = vector.multi_reduction <maximumf>, %dot_general3A_821, %reduce_max3A_850 [0] : vector<256x256xf32> to vector<256xf32>
    %broadcast_in_dim3A_852 = vector.shape_cast %reduce_max3A_851 : vector<256xf32> to vector<1x256xf32>
    %sub3A_853 = vector.broadcast %broadcast_in_dim3A_852 : vector<1x256xf32> to vector<256x256xf32>
    %sub3A_854 = arith.subf %sub3A_853, %dot_general3A_821 : vector<256x256xf32>
    %add3A_855 = arith.addf %sub3A_854, %convert_element_type3A : vector<256x256xf32>
    %reduce_min3A_856 = arith.constant dense<0x7F800000> : vector<256xf32>
    %reduce_min3A_857 = vector.multi_reduction <minimumf>, %add3A_855, %reduce_min3A_856 [0] : vector<256x256xf32> to vector<256xf32>
    %swap3A_858 = arith.constant 29 : index
    %swap3A_859 = arith.constant 0 : index
    %swap3A_860 = vector.load %arg4[%swap3A_858, %swap3A_859] : memref<96x256xf32, #tpu.memory_space<vmem>>, vector<1x256xf32>
    %swap3A_861 = vector.shape_cast %swap3A_860 : vector<1x256xf32> to vector<256xf32>
    %swap3A_862 = vector.shape_cast %reduce_min3A_857 : vector<256xf32> to vector<1x256xf32>
    tpu.vector_store %arg4[%swap3A_858, %swap3A_859], %swap3A_862 {strides = array<i32>} : memref<96x256xf32, #tpu.memory_space<vmem>>, vector<1x256xf32>,
    %slice3A_863 = vector.extract_strided_slice %bitcast_convert_type3A_4 {offsets = [248, 0], sizes = [8, 256], strides = [1, 1]} : vector<768x256xf32> to vector<8x256xf32>
    %slice3A_864 = vector.extract_strided_slice %bitcast_convert_type3A_4 {offsets = [248, 0], sizes = [8, 256], strides = [1, 1]} : vector<768x256xf32> to vector<8x256xf32>
    %slice3A_865 = vector.extract_strided_slice %bitcast_convert_type3A_9 {offsets = [248, 0], sizes = [8, 256], strides = [1, 1]} : vector<768x256xf32> to vector<8x256xf32>
    %slice3A_866 = vector.extract_strided_slice %bitcast_convert_type3A_4 {offsets = [248, 0], sizes = [8, 256], strides = [1, 1]} : vector<768x256xf32> to vector<8x256xf32>
    %slice3A_867 = vector.extract_strided_slice %bitcast_convert_type3A_9 {offsets = [248, 0], sizes = [8, 256], strides = [1, 1]} : vector<768x256xf32> to vector<8x256xf32>
    %slice3A_868 = vector.extract_strided_slice %sub3A_10 {offsets = [248, 0], sizes = [8, 256], strides = [1, 1]} : vector<768x256xf32> to vector<8x256xf32>
    %concatenate3A_869 = tpu.concatenate %slice3A_863, %slice3A_864, %slice3A_865, %slice3A_866, %slice3A_867, %slice3A_868, %concatenate3A in 0 : vector<8x256xf32>, vector<8x256xf32>, vector<8x256xf32>, vector<8x256xf32>, vector<8x256xf32>, vector<8x256xf32>, vector<16x256xf32> -> vector<64x256xf32>
    %convert_element_type3A_870 = arith.truncf %concatenate3A_869 : vector<64x256xf32> to vector<64x256xbf16>
    %get3A_871 = arith.constant 31 : index
    %get3A_872 = arith.constant 0 : index
    %get3A_873 = arith.constant 0 : index
    %get3A_874 = vector.load %arg2[%get3A_871, %get3A_872, %get3A_873] : memref<96x256x64xbf16, #tpu.memory_space<vmem>>, vector<1x256x64xbf16>
    %get3A_875 = vector.shape_cast %get3A_874 : vector<1x256x64xbf16> to vector<256x64xbf16>
    %dot_general3A_876 = arith.constant dense<0.000000e+00> : vector<256x256xf32>
    %dot_general3A_877 = tpu.matmul %get3A_875, %convert_element_type3A_870, %dot_general3A_876 {dimension_numbers = #tpu.dot_dimension_numbers<[1], [0], [0], [1], [0, 0, 1, 1], [], []>, transpose_lhs_hint = false} : vector<256x64xbf16>, vector<64x256xbf16>, vector<256x256xf32> -> vector<256x256xf32>
    %reduce_max3A_878 = arith.constant dense<0xFF800000> : vector<256xf32>
    %reduce_max3A_879 = vector.multi_reduction <maximumf>, %dot_general3A_849, %reduce_max3A_878 [0] : vector<256x256xf32> to vector<256xf32>
    %broadcast_in_dim3A_880 = vector.shape_cast %reduce_max3A_879 : vector<256xf32> to vector<1x256xf32>
    %sub3A_881 = vector.broadcast %broadcast_in_dim3A_880 : vector<1x256xf32> to vector<256x256xf32>
    %sub3A_882 = arith.subf %sub3A_881, %dot_general3A_849 : vector<256x256xf32>
    %add3A_883 = arith.addf %sub3A_882, %convert_element_type3A : vector<256x256xf32>
    %reduce_min3A_884 = arith.constant dense<0x7F800000> : vector<256xf32>
    %reduce_min3A_885 = vector.multi_reduction <minimumf>, %add3A_883, %reduce_min3A_884 [0] : vector<256x256xf32> to vector<256xf32>
    %swap3A_886 = arith.constant 30 : index
    %swap3A_887 = arith.constant 0 : index
    %swap3A_888 = vector.load %arg4[%swap3A_886, %swap3A_887] : memref<96x256xf32, #tpu.memory_space<vmem>>, vector<1x256xf32>
    %swap3A_889 = vector.shape_cast %swap3A_888 : vector<1x256xf32> to vector<256xf32>
    %swap3A_890 = vector.shape_cast %reduce_min3A_885 : vector<256xf32> to vector<1x256xf32>
    tpu.vector_store %arg4[%swap3A_886, %swap3A_887], %swap3A_890 {strides = array<i32>} : memref<96x256xf32, #tpu.memory_space<vmem>>, vector<1x256xf32>,
    %slice3A_891 = vector.extract_strided_slice %bitcast_convert_type3A_4 {offsets = [256, 0], sizes = [8, 256], strides = [1, 1]} : vector<768x256xf32> to vector<8x256xf32>
    %slice3A_892 = vector.extract_strided_slice %bitcast_convert_type3A_4 {offsets = [256, 0], sizes = [8, 256], strides = [1, 1]} : vector<768x256xf32> to vector<8x256xf32>
    %slice3A_893 = vector.extract_strided_slice %bitcast_convert_type3A_9 {offsets = [256, 0], sizes = [8, 256], strides = [1, 1]} : vector<768x256xf32> to vector<8x256xf32>
    %slice3A_894 = vector.extract_strided_slice %bitcast_convert_type3A_4 {offsets = [256, 0], sizes = [8, 256], strides = [1, 1]} : vector<768x256xf32> to vector<8x256xf32>
    %slice3A_895 = vector.extract_strided_slice %bitcast_convert_type3A_9 {offsets = [256, 0], sizes = [8, 256], strides = [1, 1]} : vector<768x256xf32> to vector<8x256xf32>
    %slice3A_896 = vector.extract_strided_slice %sub3A_10 {offsets = [256, 0], sizes = [8, 256], strides = [1, 1]} : vector<768x256xf32> to vector<8x256xf32>
    %concatenate3A_897 = tpu.concatenate %slice3A_891, %slice3A_892, %slice3A_893, %slice3A_894, %slice3A_895, %slice3A_896, %concatenate3A in 0 : vector<8x256xf32>, vector<8x256xf32>, vector<8x256xf32>, vector<8x256xf32>, vector<8x256xf32>, vector<8x256xf32>, vector<16x256xf32> -> vector<64x256xf32>
    %convert_element_type3A_898 = arith.truncf %concatenate3A_897 : vector<64x256xf32> to vector<64x256xbf16>
    %get3A_899 = arith.constant 32 : index
    %get3A_900 = arith.constant 0 : index
    %get3A_901 = arith.constant 0 : index
    %get3A_902 = vector.load %arg2[%get3A_899, %get3A_900, %get3A_901] : memref<96x256x64xbf16, #tpu.memory_space<vmem>>, vector<1x256x64xbf16>
    %get3A_903 = vector.shape_cast %get3A_902 : vector<1x256x64xbf16> to vector<256x64xbf16>
    %dot_general3A_904 = arith.constant dense<0.000000e+00> : vector<256x256xf32>
    %dot_general3A_905 = tpu.matmul %get3A_903, %convert_element_type3A_898, %dot_general3A_904 {dimension_numbers = #tpu.dot_dimension_numbers<[1], [0], [0], [1], [0, 0, 1, 1], [], []>, transpose_lhs_hint = false} : vector<256x64xbf16>, vector<64x256xbf16>, vector<256x256xf32> -> vector<256x256xf32>
    %reduce_max3A_906 = arith.constant dense<0xFF800000> : vector<256xf32>
    %reduce_max3A_907 = vector.multi_reduction <maximumf>, %dot_general3A_877, %reduce_max3A_906 [0] : vector<256x256xf32> to vector<256xf32>
    %broadcast_in_dim3A_908 = vector.shape_cast %reduce_max3A_907 : vector<256xf32> to vector<1x256xf32>
    %sub3A_909 = vector.broadcast %broadcast_in_dim3A_908 : vector<1x256xf32> to vector<256x256xf32>
    %sub3A_910 = arith.subf %sub3A_909, %dot_general3A_877 : vector<256x256xf32>
    %add3A_911 = arith.addf %sub3A_910, %convert_element_type3A : vector<256x256xf32>
    %reduce_min3A_912 = arith.constant dense<0x7F800000> : vector<256xf32>
    %reduce_min3A_913 = vector.multi_reduction <minimumf>, %add3A_911, %reduce_min3A_912 [0] : vector<256x256xf32> to vector<256xf32>
    %swap3A_914 = arith.constant 31 : index
    %swap3A_915 = arith.constant 0 : index
    %swap3A_916 = vector.load %arg4[%swap3A_914, %swap3A_915] : memref<96x256xf32, #tpu.memory_space<vmem>>, vector<1x256xf32>
    %swap3A_917 = vector.shape_cast %swap3A_916 : vector<1x256xf32> to vector<256xf32>
    %swap3A_918 = vector.shape_cast %reduce_min3A_913 : vector<256xf32> to vector<1x256xf32>
    tpu.vector_store %arg4[%swap3A_914, %swap3A_915], %swap3A_918 {strides = array<i32>} : memref<96x256xf32, #tpu.memory_space<vmem>>, vector<1x256xf32>,
    %slice3A_919 = vector.extract_strided_slice %bitcast_convert_type3A_4 {offsets = [264, 0], sizes = [8, 256], strides = [1, 1]} : vector<768x256xf32> to vector<8x256xf32>
    %slice3A_920 = vector.extract_strided_slice %bitcast_convert_type3A_4 {offsets = [264, 0], sizes = [8, 256], strides = [1, 1]} : vector<768x256xf32> to vector<8x256xf32>
    %slice3A_921 = vector.extract_strided_slice %bitcast_convert_type3A_9 {offsets = [264, 0], sizes = [8, 256], strides = [1, 1]} : vector<768x256xf32> to vector<8x256xf32>
    %slice3A_922 = vector.extract_strided_slice %bitcast_convert_type3A_4 {offsets = [264, 0], sizes = [8, 256], strides = [1, 1]} : vector<768x256xf32> to vector<8x256xf32>
    %slice3A_923 = vector.extract_strided_slice %bitcast_convert_type3A_9 {offsets = [264, 0], sizes = [8, 256], strides = [1, 1]} : vector<768x256xf32> to vector<8x256xf32>
    %slice3A_924 = vector.extract_strided_slice %sub3A_10 {offsets = [264, 0], sizes = [8, 256], strides = [1, 1]} : vector<768x256xf32> to vector<8x256xf32>
    %concatenate3A_925 = tpu.concatenate %slice3A_919, %slice3A_920, %slice3A_921, %slice3A_922, %slice3A_923, %slice3A_924, %concatenate3A in 0 : vector<8x256xf32>, vector<8x256xf32>, vector<8x256xf32>, vector<8x256xf32>, vector<8x256xf32>, vector<8x256xf32>, vector<16x256xf32> -> vector<64x256xf32>
    %convert_element_type3A_926 = arith.truncf %concatenate3A_925 : vector<64x256xf32> to vector<64x256xbf16>
    %get3A_927 = arith.constant 33 : index
    %get3A_928 = arith.constant 0 : index
    %get3A_929 = arith.constant 0 : index
    %get3A_930 = vector.load %arg2[%get3A_927, %get3A_928, %get3A_929] : memref<96x256x64xbf16, #tpu.memory_space<vmem>>, vector<1x256x64xbf16>
    %get3A_931 = vector.shape_cast %get3A_930 : vector<1x256x64xbf16> to vector<256x64xbf16>
    %dot_general3A_932 = arith.constant dense<0.000000e+00> : vector<256x256xf32>
    %dot_general3A_933 = tpu.matmul %get3A_931, %convert_element_type3A_926, %dot_general3A_932 {dimension_numbers = #tpu.dot_dimension_numbers<[1], [0], [0], [1], [0, 0, 1, 1], [], []>, transpose_lhs_hint = false} : vector<256x64xbf16>, vector<64x256xbf16>, vector<256x256xf32> -> vector<256x256xf32>
    %reduce_max3A_934 = arith.constant dense<0xFF800000> : vector<256xf32>
    %reduce_max3A_935 = vector.multi_reduction <maximumf>, %dot_general3A_905, %reduce_max3A_934 [0] : vector<256x256xf32> to vector<256xf32>
    %broadcast_in_dim3A_936 = vector.shape_cast %reduce_max3A_935 : vector<256xf32> to vector<1x256xf32>
    %sub3A_937 = vector.broadcast %broadcast_in_dim3A_936 : vector<1x256xf32> to vector<256x256xf32>
    %sub3A_938 = arith.subf %sub3A_937, %dot_general3A_905 : vector<256x256xf32>
    %add3A_939 = arith.addf %sub3A_938, %convert_element_type3A : vector<256x256xf32>
    %reduce_min3A_940 = arith.constant dense<0x7F800000> : vector<256xf32>
    %reduce_min3A_941 = vector.multi_reduction <minimumf>, %add3A_939, %reduce_min3A_940 [0] : vector<256x256xf32> to vector<256xf32>
    %swap3A_942 = arith.constant 32 : index
    %swap3A_943 = arith.constant 0 : index
    %swap3A_944 = vector.load %arg4[%swap3A_942, %swap3A_943] : memref<96x256xf32, #tpu.memory_space<vmem>>, vector<1x256xf32>
    %swap3A_945 = vector.shape_cast %swap3A_944 : vector<1x256xf32> to vector<256xf32>
    %swap3A_946 = vector.shape_cast %reduce_min3A_941 : vector<256xf32> to vector<1x256xf32>
    tpu.vector_store %arg4[%swap3A_942, %swap3A_943], %swap3A_946 {strides = array<i32>} : memref<96x256xf32, #tpu.memory_space<vmem>>, vector<1x256xf32>,
    %slice3A_947 = vector.extract_strided_slice %bitcast_convert_type3A_4 {offsets = [272, 0], sizes = [8, 256], strides = [1, 1]} : vector<768x256xf32> to vector<8x256xf32>
    %slice3A_948 = vector.extract_strided_slice %bitcast_convert_type3A_4 {offsets = [272, 0], sizes = [8, 256], strides = [1, 1]} : vector<768x256xf32> to vector<8x256xf32>
    %slice3A_949 = vector.extract_strided_slice %bitcast_convert_type3A_9 {offsets = [272, 0], sizes = [8, 256], strides = [1, 1]} : vector<768x256xf32> to vector<8x256xf32>
    %slice3A_950 = vector.extract_strided_slice %bitcast_convert_type3A_4 {offsets = [272, 0], sizes = [8, 256], strides = [1, 1]} : vector<768x256xf32> to vector<8x256xf32>
    %slice3A_951 = vector.extract_strided_slice %bitcast_convert_type3A_9 {offsets = [272, 0], sizes = [8, 256], strides = [1, 1]} : vector<768x256xf32> to vector<8x256xf32>
    %slice3A_952 = vector.extract_strided_slice %sub3A_10 {offsets = [272, 0], sizes = [8, 256], strides = [1, 1]} : vector<768x256xf32> to vector<8x256xf32>
    %concatenate3A_953 = tpu.concatenate %slice3A_947, %slice3A_948, %slice3A_949, %slice3A_950, %slice3A_951, %slice3A_952, %concatenate3A in 0 : vector<8x256xf32>, vector<8x256xf32>, vector<8x256xf32>, vector<8x256xf32>, vector<8x256xf32>, vector<8x256xf32>, vector<16x256xf32> -> vector<64x256xf32>
    %convert_element_type3A_954 = arith.truncf %concatenate3A_953 : vector<64x256xf32> to vector<64x256xbf16>
    %get3A_955 = arith.constant 34 : index
    %get3A_956 = arith.constant 0 : index
    %get3A_957 = arith.constant 0 : index
    %get3A_958 = vector.load %arg2[%get3A_955, %get3A_956, %get3A_957] : memref<96x256x64xbf16, #tpu.memory_space<vmem>>, vector<1x256x64xbf16>
    %get3A_959 = vector.shape_cast %get3A_958 : vector<1x256x64xbf16> to vector<256x64xbf16>
    %dot_general3A_960 = arith.constant dense<0.000000e+00> : vector<256x256xf32>
    %dot_general3A_961 = tpu.matmul %get3A_959, %convert_element_type3A_954, %dot_general3A_960 {dimension_numbers = #tpu.dot_dimension_numbers<[1], [0], [0], [1], [0, 0, 1, 1], [], []>, transpose_lhs_hint = false} : vector<256x64xbf16>, vector<64x256xbf16>, vector<256x256xf32> -> vector<256x256xf32>
    %reduce_max3A_962 = arith.constant dense<0xFF800000> : vector<256xf32>
    %reduce_max3A_963 = vector.multi_reduction <maximumf>, %dot_general3A_933, %reduce_max3A_962 [0] : vector<256x256xf32> to vector<256xf32>
    %broadcast_in_dim3A_964 = vector.shape_cast %reduce_max3A_963 : vector<256xf32> to vector<1x256xf32>
    %sub3A_965 = vector.broadcast %broadcast_in_dim3A_964 : vector<1x256xf32> to vector<256x256xf32>
    %sub3A_966 = arith.subf %sub3A_965, %dot_general3A_933 : vector<256x256xf32>
    %add3A_967 = arith.addf %sub3A_966, %convert_element_type3A : vector<256x256xf32>
    %reduce_min3A_968 = arith.constant dense<0x7F800000> : vector<256xf32>
    %reduce_min3A_969 = vector.multi_reduction <minimumf>, %add3A_967, %reduce_min3A_968 [0] : vector<256x256xf32> to vector<256xf32>
    %swap3A_970 = arith.constant 33 : index
    %swap3A_971 = arith.constant 0 : index
    %swap3A_972 = vector.load %arg4[%swap3A_970, %swap3A_971] : memref<96x256xf32, #tpu.memory_space<vmem>>, vector<1x256xf32>
    %swap3A_973 = vector.shape_cast %swap3A_972 : vector<1x256xf32> to vector<256xf32>
    %swap3A_974 = vector.shape_cast %reduce_min3A_969 : vector<256xf32> to vector<1x256xf32>
    tpu.vector_store %arg4[%swap3A_970, %swap3A_971], %swap3A_974 {strides = array<i32>} : memref<96x256xf32, #tpu.memory_space<vmem>>, vector<1x256xf32>,
    %slice3A_975 = vector.extract_strided_slice %bitcast_convert_type3A_4 {offsets = [280, 0], sizes = [8, 256], strides = [1, 1]} : vector<768x256xf32> to vector<8x256xf32>
    %slice3A_976 = vector.extract_strided_slice %bitcast_convert_type3A_4 {offsets = [280, 0], sizes = [8, 256], strides = [1, 1]} : vector<768x256xf32> to vector<8x256xf32>
    %slice3A_977 = vector.extract_strided_slice %bitcast_convert_type3A_9 {offsets = [280, 0], sizes = [8, 256], strides = [1, 1]} : vector<768x256xf32> to vector<8x256xf32>
    %slice3A_978 = vector.extract_strided_slice %bitcast_convert_type3A_4 {offsets = [280, 0], sizes = [8, 256], strides = [1, 1]} : vector<768x256xf32> to vector<8x256xf32>
    %slice3A_979 = vector.extract_strided_slice %bitcast_convert_type3A_9 {offsets = [280, 0], sizes = [8, 256], strides = [1, 1]} : vector<768x256xf32> to vector<8x256xf32>
    %slice3A_980 = vector.extract_strided_slice %sub3A_10 {offsets = [280, 0], sizes = [8, 256], strides = [1, 1]} : vector<768x256xf32> to vector<8x256xf32>
    %concatenate3A_981 = tpu.concatenate %slice3A_975, %slice3A_976, %slice3A_977, %slice3A_978, %slice3A_979, %slice3A_980, %concatenate3A in 0 : vector<8x256xf32>, vector<8x256xf32>, vector<8x256xf32>, vector<8x256xf32>, vector<8x256xf32>, vector<8x256xf32>, vector<16x256xf32> -> vector<64x256xf32>
    %convert_element_type3A_982 = arith.truncf %concatenate3A_981 : vector<64x256xf32> to vector<64x256xbf16>
    %get3A_983 = arith.constant 35 : index
    %get3A_984 = arith.constant 0 : index
    %get3A_985 = arith.constant 0 : index
    %get3A_986 = vector.load %arg2[%get3A_983, %get3A_984, %get3A_985] : memref<96x256x64xbf16, #tpu.memory_space<vmem>>, vector<1x256x64xbf16>
    %get3A_987 = vector.shape_cast %get3A_986 : vector<1x256x64xbf16> to vector<256x64xbf16>
    %dot_general3A_988 = arith.constant dense<0.000000e+00> : vector<256x256xf32>
    %dot_general3A_989 = tpu.matmul %get3A_987, %convert_element_type3A_982, %dot_general3A_988 {dimension_numbers = #tpu.dot_dimension_numbers<[1], [0], [0], [1], [0, 0, 1, 1], [], []>, transpose_lhs_hint = false} : vector<256x64xbf16>, vector<64x256xbf16>, vector<256x256xf32> -> vector<256x256xf32>
    %reduce_max3A_990 = arith.constant dense<0xFF800000> : vector<256xf32>
    %reduce_max3A_991 = vector.multi_reduction <maximumf>, %dot_general3A_961, %reduce_max3A_990 [0] : vector<256x256xf32> to vector<256xf32>
    %broadcast_in_dim3A_992 = vector.shape_cast %reduce_max3A_991 : vector<256xf32> to vector<1x256xf32>
    %sub3A_993 = vector.broadcast %broadcast_in_dim3A_992 : vector<1x256xf32> to vector<256x256xf32>
    %sub3A_994 = arith.subf %sub3A_993, %dot_general3A_961 : vector<256x256xf32>
    %add3A_995 = arith.addf %sub3A_994, %convert_element_type3A : vector<256x256xf32>
    %reduce_min3A_996 = arith.constant dense<0x7F800000> : vector<256xf32>
    %reduce_min3A_997 = vector.multi_reduction <minimumf>, %add3A_995, %reduce_min3A_996 [0] : vector<256x256xf32> to vector<256xf32>
    %swap3A_998 = arith.constant 34 : index
    %swap3A_999 = arith.constant 0 : index
    %swap3A_1000 = vector.load %arg4[%swap3A_998, %swap3A_999] : memref<96x256xf32, #tpu.memory_space<vmem>>, vector<1x256xf32>
    %swap3A_1001 = vector.shape_cast %swap3A_1000 : vector<1x256xf32> to vector<256xf32>
    %swap3A_1002 = vector.shape_cast %reduce_min3A_997 : vector<256xf32> to vector<1x256xf32>
    tpu.vector_store %arg4[%swap3A_998, %swap3A_999], %swap3A_1002 {strides = array<i32>} : memref<96x256xf32, #tpu.memory_space<vmem>>, vector<1x256xf32>,
    %slice3A_1003 = vector.extract_strided_slice %bitcast_convert_type3A_4 {offsets = [288, 0], sizes = [8, 256], strides = [1, 1]} : vector<768x256xf32> to vector<8x256xf32>
    %slice3A_1004 = vector.extract_strided_slice %bitcast_convert_type3A_4 {offsets = [288, 0], sizes = [8, 256], strides = [1, 1]} : vector<768x256xf32> to vector<8x256xf32>
    %slice3A_1005 = vector.extract_strided_slice %bitcast_convert_type3A_9 {offsets = [288, 0], sizes = [8, 256], strides = [1, 1]} : vector<768x256xf32> to vector<8x256xf32>
    %slice3A_1006 = vector.extract_strided_slice %bitcast_convert_type3A_4 {offsets = [288, 0], sizes = [8, 256], strides = [1, 1]} : vector<768x256xf32> to vector<8x256xf32>
    %slice3A_1007 = vector.extract_strided_slice %bitcast_convert_type3A_9 {offsets = [288, 0], sizes = [8, 256], strides = [1, 1]} : vector<768x256xf32> to vector<8x256xf32>
    %slice3A_1008 = vector.extract_strided_slice %sub3A_10 {offsets = [288, 0], sizes = [8, 256], strides = [1, 1]} : vector<768x256xf32> to vector<8x256xf32>
    %concatenate3A_1009 = tpu.concatenate %slice3A_1003, %slice3A_1004, %slice3A_1005, %slice3A_1006, %slice3A_1007, %slice3A_1008, %concatenate3A in 0 : vector<8x256xf32>, vector<8x256xf32>, vector<8x256xf32>, vector<8x256xf32>, vector<8x256xf32>, vector<8x256xf32>, vector<16x256xf32> -> vector<64x256xf32>
    %convert_element_type3A_1010 = arith.truncf %concatenate3A_1009 : vector<64x256xf32> to vector<64x256xbf16>
    %get3A_1011 = arith.constant 36 : index
    %get3A_1012 = arith.constant 0 : index
    %get3A_1013 = arith.constant 0 : index
    %get3A_1014 = vector.load %arg2[%get3A_1011, %get3A_1012, %get3A_1013] : memref<96x256x64xbf16, #tpu.memory_space<vmem>>, vector<1x256x64xbf16>
    %get3A_1015 = vector.shape_cast %get3A_1014 : vector<1x256x64xbf16> to vector<256x64xbf16>
    %dot_general3A_1016 = arith.constant dense<0.000000e+00> : vector<256x256xf32>
    %dot_general3A_1017 = tpu.matmul %get3A_1015, %convert_element_type3A_1010, %dot_general3A_1016 {dimension_numbers = #tpu.dot_dimension_numbers<[1], [0], [0], [1], [0, 0, 1, 1], [], []>, transpose_lhs_hint = false} : vector<256x64xbf16>, vector<64x256xbf16>, vector<256x256xf32> -> vector<256x256xf32>
    %reduce_max3A_1018 = arith.constant dense<0xFF800000> : vector<256xf32>
    %reduce_max3A_1019 = vector.multi_reduction <maximumf>, %dot_general3A_989, %reduce_max3A_1018 [0] : vector<256x256xf32> to vector<256xf32>
    %broadcast_in_dim3A_1020 = vector.shape_cast %reduce_max3A_1019 : vector<256xf32> to vector<1x256xf32>
    %sub3A_1021 = vector.broadcast %broadcast_in_dim3A_1020 : vector<1x256xf32> to vector<256x256xf32>
    %sub3A_1022 = arith.subf %sub3A_1021, %dot_general3A_989 : vector<256x256xf32>
    %add3A_1023 = arith.addf %sub3A_1022, %convert_element_type3A : vector<256x256xf32>
    %reduce_min3A_1024 = arith.constant dense<0x7F800000> : vector<256xf32>
    %reduce_min3A_1025 = vector.multi_reduction <minimumf>, %add3A_1023, %reduce_min3A_1024 [0] : vector<256x256xf32> to vector<256xf32>
    %swap3A_1026 = arith.constant 35 : index
    %swap3A_1027 = arith.constant 0 : index
    %swap3A_1028 = vector.load %arg4[%swap3A_1026, %swap3A_1027] : memref<96x256xf32, #tpu.memory_space<vmem>>, vector<1x256xf32>
    %swap3A_1029 = vector.shape_cast %swap3A_1028 : vector<1x256xf32> to vector<256xf32>
    %swap3A_1030 = vector.shape_cast %reduce_min3A_1025 : vector<256xf32> to vector<1x256xf32>
    tpu.vector_store %arg4[%swap3A_1026, %swap3A_1027], %swap3A_1030 {strides = array<i32>} : memref<96x256xf32, #tpu.memory_space<vmem>>, vector<1x256xf32>,
    %slice3A_1031 = vector.extract_strided_slice %bitcast_convert_type3A_4 {offsets = [296, 0], sizes = [8, 256], strides = [1, 1]} : vector<768x256xf32> to vector<8x256xf32>
    %slice3A_1032 = vector.extract_strided_slice %bitcast_convert_type3A_4 {offsets = [296, 0], sizes = [8, 256], strides = [1, 1]} : vector<768x256xf32> to vector<8x256xf32>
    %slice3A_1033 = vector.extract_strided_slice %bitcast_convert_type3A_9 {offsets = [296, 0], sizes = [8, 256], strides = [1, 1]} : vector<768x256xf32> to vector<8x256xf32>
    %slice3A_1034 = vector.extract_strided_slice %bitcast_convert_type3A_4 {offsets = [296, 0], sizes = [8, 256], strides = [1, 1]} : vector<768x256xf32> to vector<8x256xf32>
    %slice3A_1035 = vector.extract_strided_slice %bitcast_convert_type3A_9 {offsets = [296, 0], sizes = [8, 256], strides = [1, 1]} : vector<768x256xf32> to vector<8x256xf32>
    %slice3A_1036 = vector.extract_strided_slice %sub3A_10 {offsets = [296, 0], sizes = [8, 256], strides = [1, 1]} : vector<768x256xf32> to vector<8x256xf32>
    %concatenate3A_1037 = tpu.concatenate %slice3A_1031, %slice3A_1032, %slice3A_1033, %slice3A_1034, %slice3A_1035, %slice3A_1036, %concatenate3A in 0 : vector<8x256xf32>, vector<8x256xf32>, vector<8x256xf32>, vector<8x256xf32>, vector<8x256xf32>, vector<8x256xf32>, vector<16x256xf32> -> vector<64x256xf32>
    %convert_element_type3A_1038 = arith.truncf %concatenate3A_1037 : vector<64x256xf32> to vector<64x256xbf16>
    %get3A_1039 = arith.constant 37 : index
    %get3A_1040 = arith.constant 0 : index
    %get3A_1041 = arith.constant 0 : index
    %get3A_1042 = vector.load %arg2[%get3A_1039, %get3A_1040, %get3A_1041] : memref<96x256x64xbf16, #tpu.memory_space<vmem>>, vector<1x256x64xbf16>
    %get3A_1043 = vector.shape_cast %get3A_1042 : vector<1x256x64xbf16> to vector<256x64xbf16>
    %dot_general3A_1044 = arith.constant dense<0.000000e+00> : vector<256x256xf32>
    %dot_general3A_1045 = tpu.matmul %get3A_1043, %convert_element_type3A_1038, %dot_general3A_1044 {dimension_numbers = #tpu.dot_dimension_numbers<[1], [0], [0], [1], [0, 0, 1, 1], [], []>, transpose_lhs_hint = false} : vector<256x64xbf16>, vector<64x256xbf16>, vector<256x256xf32> -> vector<256x256xf32>
    %reduce_max3A_1046 = arith.constant dense<0xFF800000> : vector<256xf32>
    %reduce_max3A_1047 = vector.multi_reduction <maximumf>, %dot_general3A_1017, %reduce_max3A_1046 [0] : vector<256x256xf32> to vector<256xf32>
    %broadcast_in_dim3A_1048 = vector.shape_cast %reduce_max3A_1047 : vector<256xf32> to vector<1x256xf32>
    %sub3A_1049 = vector.broadcast %broadcast_in_dim3A_1048 : vector<1x256xf32> to vector<256x256xf32>
    %sub3A_1050 = arith.subf %sub3A_1049, %dot_general3A_1017 : vector<256x256xf32>
    %add3A_1051 = arith.addf %sub3A_1050, %convert_element_type3A : vector<256x256xf32>
    %reduce_min3A_1052 = arith.constant dense<0x7F800000> : vector<256xf32>
    %reduce_min3A_1053 = vector.multi_reduction <minimumf>, %add3A_1051, %reduce_min3A_1052 [0] : vector<256x256xf32> to vector<256xf32>
    %swap3A_1054 = arith.constant 36 : index
    %swap3A_1055 = arith.constant 0 : index
    %swap3A_1056 = vector.load %arg4[%swap3A_1054, %swap3A_1055] : memref<96x256xf32, #tpu.memory_space<vmem>>, vector<1x256xf32>
    %swap3A_1057 = vector.shape_cast %swap3A_1056 : vector<1x256xf32> to vector<256xf32>
    %swap3A_1058 = vector.shape_cast %reduce_min3A_1053 : vector<256xf32> to vector<1x256xf32>
    tpu.vector_store %arg4[%swap3A_1054, %swap3A_1055], %swap3A_1058 {strides = array<i32>} : memref<96x256xf32, #tpu.memory_space<vmem>>, vector<1x256xf32>,
    %slice3A_1059 = vector.extract_strided_slice %bitcast_convert_type3A_4 {offsets = [304, 0], sizes = [8, 256], strides = [1, 1]} : vector<768x256xf32> to vector<8x256xf32>
    %slice3A_1060 = vector.extract_strided_slice %bitcast_convert_type3A_4 {offsets = [304, 0], sizes = [8, 256], strides = [1, 1]} : vector<768x256xf32> to vector<8x256xf32>
    %slice3A_1061 = vector.extract_strided_slice %bitcast_convert_type3A_9 {offsets = [304, 0], sizes = [8, 256], strides = [1, 1]} : vector<768x256xf32> to vector<8x256xf32>
    %slice3A_1062 = vector.extract_strided_slice %bitcast_convert_type3A_4 {offsets = [304, 0], sizes = [8, 256], strides = [1, 1]} : vector<768x256xf32> to vector<8x256xf32>
    %slice3A_1063 = vector.extract_strided_slice %bitcast_convert_type3A_9 {offsets = [304, 0], sizes = [8, 256], strides = [1, 1]} : vector<768x256xf32> to vector<8x256xf32>
    %slice3A_1064 = vector.extract_strided_slice %sub3A_10 {offsets = [304, 0], sizes = [8, 256], strides = [1, 1]} : vector<768x256xf32> to vector<8x256xf32>
    %concatenate3A_1065 = tpu.concatenate %slice3A_1059, %slice3A_1060, %slice3A_1061, %slice3A_1062, %slice3A_1063, %slice3A_1064, %concatenate3A in 0 : vector<8x256xf32>, vector<8x256xf32>, vector<8x256xf32>, vector<8x256xf32>, vector<8x256xf32>, vector<8x256xf32>, vector<16x256xf32> -> vector<64x256xf32>
    %convert_element_type3A_1066 = arith.truncf %concatenate3A_1065 : vector<64x256xf32> to vector<64x256xbf16>
    %get3A_1067 = arith.constant 38 : index
    %get3A_1068 = arith.constant 0 : index
    %get3A_1069 = arith.constant 0 : index
    %get3A_1070 = vector.load %arg2[%get3A_1067, %get3A_1068, %get3A_1069] : memref<96x256x64xbf16, #tpu.memory_space<vmem>>, vector<1x256x64xbf16>
    %get3A_1071 = vector.shape_cast %get3A_1070 : vector<1x256x64xbf16> to vector<256x64xbf16>
    %dot_general3A_1072 = arith.constant dense<0.000000e+00> : vector<256x256xf32>
    %dot_general3A_1073 = tpu.matmul %get3A_1071, %convert_element_type3A_1066, %dot_general3A_1072 {dimension_numbers = #tpu.dot_dimension_numbers<[1], [0], [0], [1], [0, 0, 1, 1], [], []>, transpose_lhs_hint = false} : vector<256x64xbf16>, vector<64x256xbf16>, vector<256x256xf32> -> vector<256x256xf32>
    %reduce_max3A_1074 = arith.constant dense<0xFF800000> : vector<256xf32>
    %reduce_max3A_1075 = vector.multi_reduction <maximumf>, %dot_general3A_1045, %reduce_max3A_1074 [0] : vector<256x256xf32> to vector<256xf32>
    %broadcast_in_dim3A_1076 = vector.shape_cast %reduce_max3A_1075 : vector<256xf32> to vector<1x256xf32>
    %sub3A_1077 = vector.broadcast %broadcast_in_dim3A_1076 : vector<1x256xf32> to vector<256x256xf32>
    %sub3A_1078 = arith.subf %sub3A_1077, %dot_general3A_1045 : vector<256x256xf32>
    %add3A_1079 = arith.addf %sub3A_1078, %convert_element_type3A : vector<256x256xf32>
    %reduce_min3A_1080 = arith.constant dense<0x7F800000> : vector<256xf32>
    %reduce_min3A_1081 = vector.multi_reduction <minimumf>, %add3A_1079, %reduce_min3A_1080 [0] : vector<256x256xf32> to vector<256xf32>
    %swap3A_1082 = arith.constant 37 : index
    %swap3A_1083 = arith.constant 0 : index
    %swap3A_1084 = vector.load %arg4[%swap3A_1082, %swap3A_1083] : memref<96x256xf32, #tpu.memory_space<vmem>>, vector<1x256xf32>
    %swap3A_1085 = vector.shape_cast %swap3A_1084 : vector<1x256xf32> to vector<256xf32>
    %swap3A_1086 = vector.shape_cast %reduce_min3A_1081 : vector<256xf32> to vector<1x256xf32>
    tpu.vector_store %arg4[%swap3A_1082, %swap3A_1083], %swap3A_1086 {strides = array<i32>} : memref<96x256xf32, #tpu.memory_space<vmem>>, vector<1x256xf32>,
    %slice3A_1087 = vector.extract_strided_slice %bitcast_convert_type3A_4 {offsets = [312, 0], sizes = [8, 256], strides = [1, 1]} : vector<768x256xf32> to vector<8x256xf32>
    %slice3A_1088 = vector.extract_strided_slice %bitcast_convert_type3A_4 {offsets = [312, 0], sizes = [8, 256], strides = [1, 1]} : vector<768x256xf32> to vector<8x256xf32>
    %slice3A_1089 = vector.extract_strided_slice %bitcast_convert_type3A_9 {offsets = [312, 0], sizes = [8, 256], strides = [1, 1]} : vector<768x256xf32> to vector<8x256xf32>
    %slice3A_1090 = vector.extract_strided_slice %bitcast_convert_type3A_4 {offsets = [312, 0], sizes = [8, 256], strides = [1, 1]} : vector<768x256xf32> to vector<8x256xf32>
    %slice3A_1091 = vector.extract_strided_slice %bitcast_convert_type3A_9 {offsets = [312, 0], sizes = [8, 256], strides = [1, 1]} : vector<768x256xf32> to vector<8x256xf32>
    %slice3A_1092 = vector.extract_strided_slice %sub3A_10 {offsets = [312, 0], sizes = [8, 256], strides = [1, 1]} : vector<768x256xf32> to vector<8x256xf32>
    %concatenate3A_1093 = tpu.concatenate %slice3A_1087, %slice3A_1088, %slice3A_1089, %slice3A_1090, %slice3A_1091, %slice3A_1092, %concatenate3A in 0 : vector<8x256xf32>, vector<8x256xf32>, vector<8x256xf32>, vector<8x256xf32>, vector<8x256xf32>, vector<8x256xf32>, vector<16x256xf32> -> vector<64x256xf32>
    %convert_element_type3A_1094 = arith.truncf %concatenate3A_1093 : vector<64x256xf32> to vector<64x256xbf16>
    %get3A_1095 = arith.constant 39 : index
    %get3A_1096 = arith.constant 0 : index
    %get3A_1097 = arith.constant 0 : index
    %get3A_1098 = vector.load %arg2[%get3A_1095, %get3A_1096, %get3A_1097] : memref<96x256x64xbf16, #tpu.memory_space<vmem>>, vector<1x256x64xbf16>
    %get3A_1099 = vector.shape_cast %get3A_1098 : vector<1x256x64xbf16> to vector<256x64xbf16>
    %dot_general3A_1100 = arith.constant dense<0.000000e+00> : vector<256x256xf32>
    %dot_general3A_1101 = tpu.matmul %get3A_1099, %convert_element_type3A_1094, %dot_general3A_1100 {dimension_numbers = #tpu.dot_dimension_numbers<[1], [0], [0], [1], [0, 0, 1, 1], [], []>, transpose_lhs_hint = false} : vector<256x64xbf16>, vector<64x256xbf16>, vector<256x256xf32> -> vector<256x256xf32>
    %reduce_max3A_1102 = arith.constant dense<0xFF800000> : vector<256xf32>
    %reduce_max3A_1103 = vector.multi_reduction <maximumf>, %dot_general3A_1073, %reduce_max3A_1102 [0] : vector<256x256xf32> to vector<256xf32>
    %broadcast_in_dim3A_1104 = vector.shape_cast %reduce_max3A_1103 : vector<256xf32> to vector<1x256xf32>
    %sub3A_1105 = vector.broadcast %broadcast_in_dim3A_1104 : vector<1x256xf32> to vector<256x256xf32>
    %sub3A_1106 = arith.subf %sub3A_1105, %dot_general3A_1073 : vector<256x256xf32>
    %add3A_1107 = arith.addf %sub3A_1106, %convert_element_type3A : vector<256x256xf32>
    %reduce_min3A_1108 = arith.constant dense<0x7F800000> : vector<256xf32>
    %reduce_min3A_1109 = vector.multi_reduction <minimumf>, %add3A_1107, %reduce_min3A_1108 [0] : vector<256x256xf32> to vector<256xf32>
    %swap3A_1110 = arith.constant 38 : index
    %swap3A_1111 = arith.constant 0 : index
    %swap3A_1112 = vector.load %arg4[%swap3A_1110, %swap3A_1111] : memref<96x256xf32, #tpu.memory_space<vmem>>, vector<1x256xf32>
    %swap3A_1113 = vector.shape_cast %swap3A_1112 : vector<1x256xf32> to vector<256xf32>
    %swap3A_1114 = vector.shape_cast %reduce_min3A_1109 : vector<256xf32> to vector<1x256xf32>
    tpu.vector_store %arg4[%swap3A_1110, %swap3A_1111], %swap3A_1114 {strides = array<i32>} : memref<96x256xf32, #tpu.memory_space<vmem>>, vector<1x256xf32>,
    %slice3A_1115 = vector.extract_strided_slice %bitcast_convert_type3A_4 {offsets = [320, 0], sizes = [8, 256], strides = [1, 1]} : vector<768x256xf32> to vector<8x256xf32>
    %slice3A_1116 = vector.extract_strided_slice %bitcast_convert_type3A_4 {offsets = [320, 0], sizes = [8, 256], strides = [1, 1]} : vector<768x256xf32> to vector<8x256xf32>
    %slice3A_1117 = vector.extract_strided_slice %bitcast_convert_type3A_9 {offsets = [320, 0], sizes = [8, 256], strides = [1, 1]} : vector<768x256xf32> to vector<8x256xf32>
    %slice3A_1118 = vector.extract_strided_slice %bitcast_convert_type3A_4 {offsets = [320, 0], sizes = [8, 256], strides = [1, 1]} : vector<768x256xf32> to vector<8x256xf32>
    %slice3A_1119 = vector.extract_strided_slice %bitcast_convert_type3A_9 {offsets = [320, 0], sizes = [8, 256], strides = [1, 1]} : vector<768x256xf32> to vector<8x256xf32>
    %slice3A_1120 = vector.extract_strided_slice %sub3A_10 {offsets = [320, 0], sizes = [8, 256], strides = [1, 1]} : vector<768x256xf32> to vector<8x256xf32>
    %concatenate3A_1121 = tpu.concatenate %slice3A_1115, %slice3A_1116, %slice3A_1117, %slice3A_1118, %slice3A_1119, %slice3A_1120, %concatenate3A in 0 : vector<8x256xf32>, vector<8x256xf32>, vector<8x256xf32>, vector<8x256xf32>, vector<8x256xf32>, vector<8x256xf32>, vector<16x256xf32> -> vector<64x256xf32>
    %convert_element_type3A_1122 = arith.truncf %concatenate3A_1121 : vector<64x256xf32> to vector<64x256xbf16>
    %get3A_1123 = arith.constant 40 : index
    %get3A_1124 = arith.constant 0 : index
    %get3A_1125 = arith.constant 0 : index
    %get3A_1126 = vector.load %arg2[%get3A_1123, %get3A_1124, %get3A_1125] : memref<96x256x64xbf16, #tpu.memory_space<vmem>>, vector<1x256x64xbf16>
    %get3A_1127 = vector.shape_cast %get3A_1126 : vector<1x256x64xbf16> to vector<256x64xbf16>
    %dot_general3A_1128 = arith.constant dense<0.000000e+00> : vector<256x256xf32>
    %dot_general3A_1129 = tpu.matmul %get3A_1127, %convert_element_type3A_1122, %dot_general3A_1128 {dimension_numbers = #tpu.dot_dimension_numbers<[1], [0], [0], [1], [0, 0, 1, 1], [], []>, transpose_lhs_hint = false} : vector<256x64xbf16>, vector<64x256xbf16>, vector<256x256xf32> -> vector<256x256xf32>
    %reduce_max3A_1130 = arith.constant dense<0xFF800000> : vector<256xf32>
    %reduce_max3A_1131 = vector.multi_reduction <maximumf>, %dot_general3A_1101, %reduce_max3A_1130 [0] : vector<256x256xf32> to vector<256xf32>
    %broadcast_in_dim3A_1132 = vector.shape_cast %reduce_max3A_1131 : vector<256xf32> to vector<1x256xf32>
    %sub3A_1133 = vector.broadcast %broadcast_in_dim3A_1132 : vector<1x256xf32> to vector<256x256xf32>
    %sub3A_1134 = arith.subf %sub3A_1133, %dot_general3A_1101 : vector<256x256xf32>
    %add3A_1135 = arith.addf %sub3A_1134, %convert_element_type3A : vector<256x256xf32>
    %reduce_min3A_1136 = arith.constant dense<0x7F800000> : vector<256xf32>
    %reduce_min3A_1137 = vector.multi_reduction <minimumf>, %add3A_1135, %reduce_min3A_1136 [0] : vector<256x256xf32> to vector<256xf32>
    %swap3A_1138 = arith.constant 39 : index
    %swap3A_1139 = arith.constant 0 : index
    %swap3A_1140 = vector.load %arg4[%swap3A_1138, %swap3A_1139] : memref<96x256xf32, #tpu.memory_space<vmem>>, vector<1x256xf32>
    %swap3A_1141 = vector.shape_cast %swap3A_1140 : vector<1x256xf32> to vector<256xf32>
    %swap3A_1142 = vector.shape_cast %reduce_min3A_1137 : vector<256xf32> to vector<1x256xf32>
    tpu.vector_store %arg4[%swap3A_1138, %swap3A_1139], %swap3A_1142 {strides = array<i32>} : memref<96x256xf32, #tpu.memory_space<vmem>>, vector<1x256xf32>,
    %slice3A_1143 = vector.extract_strided_slice %bitcast_convert_type3A_4 {offsets = [328, 0], sizes = [8, 256], strides = [1, 1]} : vector<768x256xf32> to vector<8x256xf32>
    %slice3A_1144 = vector.extract_strided_slice %bitcast_convert_type3A_4 {offsets = [328, 0], sizes = [8, 256], strides = [1, 1]} : vector<768x256xf32> to vector<8x256xf32>
    %slice3A_1145 = vector.extract_strided_slice %bitcast_convert_type3A_9 {offsets = [328, 0], sizes = [8, 256], strides = [1, 1]} : vector<768x256xf32> to vector<8x256xf32>
    %slice3A_1146 = vector.extract_strided_slice %bitcast_convert_type3A_4 {offsets = [328, 0], sizes = [8, 256], strides = [1, 1]} : vector<768x256xf32> to vector<8x256xf32>
    %slice3A_1147 = vector.extract_strided_slice %bitcast_convert_type3A_9 {offsets = [328, 0], sizes = [8, 256], strides = [1, 1]} : vector<768x256xf32> to vector<8x256xf32>
    %slice3A_1148 = vector.extract_strided_slice %sub3A_10 {offsets = [328, 0], sizes = [8, 256], strides = [1, 1]} : vector<768x256xf32> to vector<8x256xf32>
    %concatenate3A_1149 = tpu.concatenate %slice3A_1143, %slice3A_1144, %slice3A_1145, %slice3A_1146, %slice3A_1147, %slice3A_1148, %concatenate3A in 0 : vector<8x256xf32>, vector<8x256xf32>, vector<8x256xf32>, vector<8x256xf32>, vector<8x256xf32>, vector<8x256xf32>, vector<16x256xf32> -> vector<64x256xf32>
    %convert_element_type3A_1150 = arith.truncf %concatenate3A_1149 : vector<64x256xf32> to vector<64x256xbf16>
    %get3A_1151 = arith.constant 41 : index
    %get3A_1152 = arith.constant 0 : index
    %get3A_1153 = arith.constant 0 : index
    %get3A_1154 = vector.load %arg2[%get3A_1151, %get3A_1152, %get3A_1153] : memref<96x256x64xbf16, #tpu.memory_space<vmem>>, vector<1x256x64xbf16>
    %get3A_1155 = vector.shape_cast %get3A_1154 : vector<1x256x64xbf16> to vector<256x64xbf16>
    %dot_general3A_1156 = arith.constant dense<0.000000e+00> : vector<256x256xf32>
    %dot_general3A_1157 = tpu.matmul %get3A_1155, %convert_element_type3A_1150, %dot_general3A_1156 {dimension_numbers = #tpu.dot_dimension_numbers<[1], [0], [0], [1], [0, 0, 1, 1], [], []>, transpose_lhs_hint = false} : vector<256x64xbf16>, vector<64x256xbf16>, vector<256x256xf32> -> vector<256x256xf32>
    %reduce_max3A_1158 = arith.constant dense<0xFF800000> : vector<256xf32>
    %reduce_max3A_1159 = vector.multi_reduction <maximumf>, %dot_general3A_1129, %reduce_max3A_1158 [0] : vector<256x256xf32> to vector<256xf32>
    %broadcast_in_dim3A_1160 = vector.shape_cast %reduce_max3A_1159 : vector<256xf32> to vector<1x256xf32>
    %sub3A_1161 = vector.broadcast %broadcast_in_dim3A_1160 : vector<1x256xf32> to vector<256x256xf32>
    %sub3A_1162 = arith.subf %sub3A_1161, %dot_general3A_1129 : vector<256x256xf32>
    %add3A_1163 = arith.addf %sub3A_1162, %convert_element_type3A : vector<256x256xf32>
    %reduce_min3A_1164 = arith.constant dense<0x7F800000> : vector<256xf32>
    %reduce_min3A_1165 = vector.multi_reduction <minimumf>, %add3A_1163, %reduce_min3A_1164 [0] : vector<256x256xf32> to vector<256xf32>
    %swap3A_1166 = arith.constant 40 : index
    %swap3A_1167 = arith.constant 0 : index
    %swap3A_1168 = vector.load %arg4[%swap3A_1166, %swap3A_1167] : memref<96x256xf32, #tpu.memory_space<vmem>>, vector<1x256xf32>
    %swap3A_1169 = vector.shape_cast %swap3A_1168 : vector<1x256xf32> to vector<256xf32>
    %swap3A_1170 = vector.shape_cast %reduce_min3A_1165 : vector<256xf32> to vector<1x256xf32>
    tpu.vector_store %arg4[%swap3A_1166, %swap3A_1167], %swap3A_1170 {strides = array<i32>} : memref<96x256xf32, #tpu.memory_space<vmem>>, vector<1x256xf32>,
    %slice3A_1171 = vector.extract_strided_slice %bitcast_convert_type3A_4 {offsets = [336, 0], sizes = [8, 256], strides = [1, 1]} : vector<768x256xf32> to vector<8x256xf32>
    %slice3A_1172 = vector.extract_strided_slice %bitcast_convert_type3A_4 {offsets = [336, 0], sizes = [8, 256], strides = [1, 1]} : vector<768x256xf32> to vector<8x256xf32>
    %slice3A_1173 = vector.extract_strided_slice %bitcast_convert_type3A_9 {offsets = [336, 0], sizes = [8, 256], strides = [1, 1]} : vector<768x256xf32> to vector<8x256xf32>
    %slice3A_1174 = vector.extract_strided_slice %bitcast_convert_type3A_4 {offsets = [336, 0], sizes = [8, 256], strides = [1, 1]} : vector<768x256xf32> to vector<8x256xf32>
    %slice3A_1175 = vector.extract_strided_slice %bitcast_convert_type3A_9 {offsets = [336, 0], sizes = [8, 256], strides = [1, 1]} : vector<768x256xf32> to vector<8x256xf32>
    %slice3A_1176 = vector.extract_strided_slice %sub3A_10 {offsets = [336, 0], sizes = [8, 256], strides = [1, 1]} : vector<768x256xf32> to vector<8x256xf32>
    %concatenate3A_1177 = tpu.concatenate %slice3A_1171, %slice3A_1172, %slice3A_1173, %slice3A_1174, %slice3A_1175, %slice3A_1176, %concatenate3A in 0 : vector<8x256xf32>, vector<8x256xf32>, vector<8x256xf32>, vector<8x256xf32>, vector<8x256xf32>, vector<8x256xf32>, vector<16x256xf32> -> vector<64x256xf32>
    %convert_element_type3A_1178 = arith.truncf %concatenate3A_1177 : vector<64x256xf32> to vector<64x256xbf16>
    %get3A_1179 = arith.constant 42 : index
    %get3A_1180 = arith.constant 0 : index
    %get3A_1181 = arith.constant 0 : index
    %get3A_1182 = vector.load %arg2[%get3A_1179, %get3A_1180, %get3A_1181] : memref<96x256x64xbf16, #tpu.memory_space<vmem>>, vector<1x256x64xbf16>
    %get3A_1183 = vector.shape_cast %get3A_1182 : vector<1x256x64xbf16> to vector<256x64xbf16>
    %dot_general3A_1184 = arith.constant dense<0.000000e+00> : vector<256x256xf32>
    %dot_general3A_1185 = tpu.matmul %get3A_1183, %convert_element_type3A_1178, %dot_general3A_1184 {dimension_numbers = #tpu.dot_dimension_numbers<[1], [0], [0], [1], [0, 0, 1, 1], [], []>, transpose_lhs_hint = false} : vector<256x64xbf16>, vector<64x256xbf16>, vector<256x256xf32> -> vector<256x256xf32>
    %reduce_max3A_1186 = arith.constant dense<0xFF800000> : vector<256xf32>
    %reduce_max3A_1187 = vector.multi_reduction <maximumf>, %dot_general3A_1157, %reduce_max3A_1186 [0] : vector<256x256xf32> to vector<256xf32>
    %broadcast_in_dim3A_1188 = vector.shape_cast %reduce_max3A_1187 : vector<256xf32> to vector<1x256xf32>
    %sub3A_1189 = vector.broadcast %broadcast_in_dim3A_1188 : vector<1x256xf32> to vector<256x256xf32>
    %sub3A_1190 = arith.subf %sub3A_1189, %dot_general3A_1157 : vector<256x256xf32>
    %add3A_1191 = arith.addf %sub3A_1190, %convert_element_type3A : vector<256x256xf32>
    %reduce_min3A_1192 = arith.constant dense<0x7F800000> : vector<256xf32>
    %reduce_min3A_1193 = vector.multi_reduction <minimumf>, %add3A_1191, %reduce_min3A_1192 [0] : vector<256x256xf32> to vector<256xf32>
    %swap3A_1194 = arith.constant 41 : index
    %swap3A_1195 = arith.constant 0 : index
    %swap3A_1196 = vector.load %arg4[%swap3A_1194, %swap3A_1195] : memref<96x256xf32, #tpu.memory_space<vmem>>, vector<1x256xf32>
    %swap3A_1197 = vector.shape_cast %swap3A_1196 : vector<1x256xf32> to vector<256xf32>
    %swap3A_1198 = vector.shape_cast %reduce_min3A_1193 : vector<256xf32> to vector<1x256xf32>
    tpu.vector_store %arg4[%swap3A_1194, %swap3A_1195], %swap3A_1198 {strides = array<i32>} : memref<96x256xf32, #tpu.memory_space<vmem>>, vector<1x256xf32>,
    %slice3A_1199 = vector.extract_strided_slice %bitcast_convert_type3A_4 {offsets = [344, 0], sizes = [8, 256], strides = [1, 1]} : vector<768x256xf32> to vector<8x256xf32>
    %slice3A_1200 = vector.extract_strided_slice %bitcast_convert_type3A_4 {offsets = [344, 0], sizes = [8, 256], strides = [1, 1]} : vector<768x256xf32> to vector<8x256xf32>
    %slice3A_1201 = vector.extract_strided_slice %bitcast_convert_type3A_9 {offsets = [344, 0], sizes = [8, 256], strides = [1, 1]} : vector<768x256xf32> to vector<8x256xf32>
    %slice3A_1202 = vector.extract_strided_slice %bitcast_convert_type3A_4 {offsets = [344, 0], sizes = [8, 256], strides = [1, 1]} : vector<768x256xf32> to vector<8x256xf32>
    %slice3A_1203 = vector.extract_strided_slice %bitcast_convert_type3A_9 {offsets = [344, 0], sizes = [8, 256], strides = [1, 1]} : vector<768x256xf32> to vector<8x256xf32>
    %slice3A_1204 = vector.extract_strided_slice %sub3A_10 {offsets = [344, 0], sizes = [8, 256], strides = [1, 1]} : vector<768x256xf32> to vector<8x256xf32>
    %concatenate3A_1205 = tpu.concatenate %slice3A_1199, %slice3A_1200, %slice3A_1201, %slice3A_1202, %slice3A_1203, %slice3A_1204, %concatenate3A in 0 : vector<8x256xf32>, vector<8x256xf32>, vector<8x256xf32>, vector<8x256xf32>, vector<8x256xf32>, vector<8x256xf32>, vector<16x256xf32> -> vector<64x256xf32>
    %convert_element_type3A_1206 = arith.truncf %concatenate3A_1205 : vector<64x256xf32> to vector<64x256xbf16>
    %get3A_1207 = arith.constant 43 : index
    %get3A_1208 = arith.constant 0 : index
    %get3A_1209 = arith.constant 0 : index
    %get3A_1210 = vector.load %arg2[%get3A_1207, %get3A_1208, %get3A_1209] : memref<96x256x64xbf16, #tpu.memory_space<vmem>>, vector<1x256x64xbf16>
    %get3A_1211 = vector.shape_cast %get3A_1210 : vector<1x256x64xbf16> to vector<256x64xbf16>
    %dot_general3A_1212 = arith.constant dense<0.000000e+00> : vector<256x256xf32>
    %dot_general3A_1213 = tpu.matmul %get3A_1211, %convert_element_type3A_1206, %dot_general3A_1212 {dimension_numbers = #tpu.dot_dimension_numbers<[1], [0], [0], [1], [0, 0, 1, 1], [], []>, transpose_lhs_hint = false} : vector<256x64xbf16>, vector<64x256xbf16>, vector<256x256xf32> -> vector<256x256xf32>
    %reduce_max3A_1214 = arith.constant dense<0xFF800000> : vector<256xf32>
    %reduce_max3A_1215 = vector.multi_reduction <maximumf>, %dot_general3A_1185, %reduce_max3A_1214 [0] : vector<256x256xf32> to vector<256xf32>
    %broadcast_in_dim3A_1216 = vector.shape_cast %reduce_max3A_1215 : vector<256xf32> to vector<1x256xf32>
    %sub3A_1217 = vector.broadcast %broadcast_in_dim3A_1216 : vector<1x256xf32> to vector<256x256xf32>
    %sub3A_1218 = arith.subf %sub3A_1217, %dot_general3A_1185 : vector<256x256xf32>
    %add3A_1219 = arith.addf %sub3A_1218, %convert_element_type3A : vector<256x256xf32>
    %reduce_min3A_1220 = arith.constant dense<0x7F800000> : vector<256xf32>
    %reduce_min3A_1221 = vector.multi_reduction <minimumf>, %add3A_1219, %reduce_min3A_1220 [0] : vector<256x256xf32> to vector<256xf32>
    %swap3A_1222 = arith.constant 42 : index
    %swap3A_1223 = arith.constant 0 : index
    %swap3A_1224 = vector.load %arg4[%swap3A_1222, %swap3A_1223] : memref<96x256xf32, #tpu.memory_space<vmem>>, vector<1x256xf32>
    %swap3A_1225 = vector.shape_cast %swap3A_1224 : vector<1x256xf32> to vector<256xf32>
    %swap3A_1226 = vector.shape_cast %reduce_min3A_1221 : vector<256xf32> to vector<1x256xf32>
    tpu.vector_store %arg4[%swap3A_1222, %swap3A_1223], %swap3A_1226 {strides = array<i32>} : memref<96x256xf32, #tpu.memory_space<vmem>>, vector<1x256xf32>,
    %slice3A_1227 = vector.extract_strided_slice %bitcast_convert_type3A_4 {offsets = [352, 0], sizes = [8, 256], strides = [1, 1]} : vector<768x256xf32> to vector<8x256xf32>
    %slice3A_1228 = vector.extract_strided_slice %bitcast_convert_type3A_4 {offsets = [352, 0], sizes = [8, 256], strides = [1, 1]} : vector<768x256xf32> to vector<8x256xf32>
    %slice3A_1229 = vector.extract_strided_slice %bitcast_convert_type3A_9 {offsets = [352, 0], sizes = [8, 256], strides = [1, 1]} : vector<768x256xf32> to vector<8x256xf32>
    %slice3A_1230 = vector.extract_strided_slice %bitcast_convert_type3A_4 {offsets = [352, 0], sizes = [8, 256], strides = [1, 1]} : vector<768x256xf32> to vector<8x256xf32>
    %slice3A_1231 = vector.extract_strided_slice %bitcast_convert_type3A_9 {offsets = [352, 0], sizes = [8, 256], strides = [1, 1]} : vector<768x256xf32> to vector<8x256xf32>
    %slice3A_1232 = vector.extract_strided_slice %sub3A_10 {offsets = [352, 0], sizes = [8, 256], strides = [1, 1]} : vector<768x256xf32> to vector<8x256xf32>
    %concatenate3A_1233 = tpu.concatenate %slice3A_1227, %slice3A_1228, %slice3A_1229, %slice3A_1230, %slice3A_1231, %slice3A_1232, %concatenate3A in 0 : vector<8x256xf32>, vector<8x256xf32>, vector<8x256xf32>, vector<8x256xf32>, vector<8x256xf32>, vector<8x256xf32>, vector<16x256xf32> -> vector<64x256xf32>
    %convert_element_type3A_1234 = arith.truncf %concatenate3A_1233 : vector<64x256xf32> to vector<64x256xbf16>
    %get3A_1235 = arith.constant 44 : index
    %get3A_1236 = arith.constant 0 : index
    %get3A_1237 = arith.constant 0 : index
    %get3A_1238 = vector.load %arg2[%get3A_1235, %get3A_1236, %get3A_1237] : memref<96x256x64xbf16, #tpu.memory_space<vmem>>, vector<1x256x64xbf16>
    %get3A_1239 = vector.shape_cast %get3A_1238 : vector<1x256x64xbf16> to vector<256x64xbf16>
    %dot_general3A_1240 = arith.constant dense<0.000000e+00> : vector<256x256xf32>
    %dot_general3A_1241 = tpu.matmul %get3A_1239, %convert_element_type3A_1234, %dot_general3A_1240 {dimension_numbers = #tpu.dot_dimension_numbers<[1], [0], [0], [1], [0, 0, 1, 1], [], []>, transpose_lhs_hint = false} : vector<256x64xbf16>, vector<64x256xbf16>, vector<256x256xf32> -> vector<256x256xf32>
    %reduce_max3A_1242 = arith.constant dense<0xFF800000> : vector<256xf32>
    %reduce_max3A_1243 = vector.multi_reduction <maximumf>, %dot_general3A_1213, %reduce_max3A_1242 [0] : vector<256x256xf32> to vector<256xf32>
    %broadcast_in_dim3A_1244 = vector.shape_cast %reduce_max3A_1243 : vector<256xf32> to vector<1x256xf32>
    %sub3A_1245 = vector.broadcast %broadcast_in_dim3A_1244 : vector<1x256xf32> to vector<256x256xf32>
    %sub3A_1246 = arith.subf %sub3A_1245, %dot_general3A_1213 : vector<256x256xf32>
    %add3A_1247 = arith.addf %sub3A_1246, %convert_element_type3A : vector<256x256xf32>
    %reduce_min3A_1248 = arith.constant dense<0x7F800000> : vector<256xf32>
    %reduce_min3A_1249 = vector.multi_reduction <minimumf>, %add3A_1247, %reduce_min3A_1248 [0] : vector<256x256xf32> to vector<256xf32>
    %swap3A_1250 = arith.constant 43 : index
    %swap3A_1251 = arith.constant 0 : index
    %swap3A_1252 = vector.load %arg4[%swap3A_1250, %swap3A_1251] : memref<96x256xf32, #tpu.memory_space<vmem>>, vector<1x256xf32>
    %swap3A_1253 = vector.shape_cast %swap3A_1252 : vector<1x256xf32> to vector<256xf32>
    %swap3A_1254 = vector.shape_cast %reduce_min3A_1249 : vector<256xf32> to vector<1x256xf32>
    tpu.vector_store %arg4[%swap3A_1250, %swap3A_1251], %swap3A_1254 {strides = array<i32>} : memref<96x256xf32, #tpu.memory_space<vmem>>, vector<1x256xf32>,
    %slice3A_1255 = vector.extract_strided_slice %bitcast_convert_type3A_4 {offsets = [360, 0], sizes = [8, 256], strides = [1, 1]} : vector<768x256xf32> to vector<8x256xf32>
    %slice3A_1256 = vector.extract_strided_slice %bitcast_convert_type3A_4 {offsets = [360, 0], sizes = [8, 256], strides = [1, 1]} : vector<768x256xf32> to vector<8x256xf32>
    %slice3A_1257 = vector.extract_strided_slice %bitcast_convert_type3A_9 {offsets = [360, 0], sizes = [8, 256], strides = [1, 1]} : vector<768x256xf32> to vector<8x256xf32>
    %slice3A_1258 = vector.extract_strided_slice %bitcast_convert_type3A_4 {offsets = [360, 0], sizes = [8, 256], strides = [1, 1]} : vector<768x256xf32> to vector<8x256xf32>
    %slice3A_1259 = vector.extract_strided_slice %bitcast_convert_type3A_9 {offsets = [360, 0], sizes = [8, 256], strides = [1, 1]} : vector<768x256xf32> to vector<8x256xf32>
    %slice3A_1260 = vector.extract_strided_slice %sub3A_10 {offsets = [360, 0], sizes = [8, 256], strides = [1, 1]} : vector<768x256xf32> to vector<8x256xf32>
    %concatenate3A_1261 = tpu.concatenate %slice3A_1255, %slice3A_1256, %slice3A_1257, %slice3A_1258, %slice3A_1259, %slice3A_1260, %concatenate3A in 0 : vector<8x256xf32>, vector<8x256xf32>, vector<8x256xf32>, vector<8x256xf32>, vector<8x256xf32>, vector<8x256xf32>, vector<16x256xf32> -> vector<64x256xf32>
    %convert_element_type3A_1262 = arith.truncf %concatenate3A_1261 : vector<64x256xf32> to vector<64x256xbf16>
    %get3A_1263 = arith.constant 45 : index
    %get3A_1264 = arith.constant 0 : index
    %get3A_1265 = arith.constant 0 : index
    %get3A_1266 = vector.load %arg2[%get3A_1263, %get3A_1264, %get3A_1265] : memref<96x256x64xbf16, #tpu.memory_space<vmem>>, vector<1x256x64xbf16>
    %get3A_1267 = vector.shape_cast %get3A_1266 : vector<1x256x64xbf16> to vector<256x64xbf16>
    %dot_general3A_1268 = arith.constant dense<0.000000e+00> : vector<256x256xf32>
    %dot_general3A_1269 = tpu.matmul %get3A_1267, %convert_element_type3A_1262, %dot_general3A_1268 {dimension_numbers = #tpu.dot_dimension_numbers<[1], [0], [0], [1], [0, 0, 1, 1], [], []>, transpose_lhs_hint = false} : vector<256x64xbf16>, vector<64x256xbf16>, vector<256x256xf32> -> vector<256x256xf32>
    %reduce_max3A_1270 = arith.constant dense<0xFF800000> : vector<256xf32>
    %reduce_max3A_1271 = vector.multi_reduction <maximumf>, %dot_general3A_1241, %reduce_max3A_1270 [0] : vector<256x256xf32> to vector<256xf32>
    %broadcast_in_dim3A_1272 = vector.shape_cast %reduce_max3A_1271 : vector<256xf32> to vector<1x256xf32>
    %sub3A_1273 = vector.broadcast %broadcast_in_dim3A_1272 : vector<1x256xf32> to vector<256x256xf32>
    %sub3A_1274 = arith.subf %sub3A_1273, %dot_general3A_1241 : vector<256x256xf32>
    %add3A_1275 = arith.addf %sub3A_1274, %convert_element_type3A : vector<256x256xf32>
    %reduce_min3A_1276 = arith.constant dense<0x7F800000> : vector<256xf32>
    %reduce_min3A_1277 = vector.multi_reduction <minimumf>, %add3A_1275, %reduce_min3A_1276 [0] : vector<256x256xf32> to vector<256xf32>
    %swap3A_1278 = arith.constant 44 : index
    %swap3A_1279 = arith.constant 0 : index
    %swap3A_1280 = vector.load %arg4[%swap3A_1278, %swap3A_1279] : memref<96x256xf32, #tpu.memory_space<vmem>>, vector<1x256xf32>
    %swap3A_1281 = vector.shape_cast %swap3A_1280 : vector<1x256xf32> to vector<256xf32>
    %swap3A_1282 = vector.shape_cast %reduce_min3A_1277 : vector<256xf32> to vector<1x256xf32>
    tpu.vector_store %arg4[%swap3A_1278, %swap3A_1279], %swap3A_1282 {strides = array<i32>} : memref<96x256xf32, #tpu.memory_space<vmem>>, vector<1x256xf32>,
    %slice3A_1283 = vector.extract_strided_slice %bitcast_convert_type3A_4 {offsets = [368, 0], sizes = [8, 256], strides = [1, 1]} : vector<768x256xf32> to vector<8x256xf32>
    %slice3A_1284 = vector.extract_strided_slice %bitcast_convert_type3A_4 {offsets = [368, 0], sizes = [8, 256], strides = [1, 1]} : vector<768x256xf32> to vector<8x256xf32>
    %slice3A_1285 = vector.extract_strided_slice %bitcast_convert_type3A_9 {offsets = [368, 0], sizes = [8, 256], strides = [1, 1]} : vector<768x256xf32> to vector<8x256xf32>
    %slice3A_1286 = vector.extract_strided_slice %bitcast_convert_type3A_4 {offsets = [368, 0], sizes = [8, 256], strides = [1, 1]} : vector<768x256xf32> to vector<8x256xf32>
    %slice3A_1287 = vector.extract_strided_slice %bitcast_convert_type3A_9 {offsets = [368, 0], sizes = [8, 256], strides = [1, 1]} : vector<768x256xf32> to vector<8x256xf32>
    %slice3A_1288 = vector.extract_strided_slice %sub3A_10 {offsets = [368, 0], sizes = [8, 256], strides = [1, 1]} : vector<768x256xf32> to vector<8x256xf32>
    %concatenate3A_1289 = tpu.concatenate %slice3A_1283, %slice3A_1284, %slice3A_1285, %slice3A_1286, %slice3A_1287, %slice3A_1288, %concatenate3A in 0 : vector<8x256xf32>, vector<8x256xf32>, vector<8x256xf32>, vector<8x256xf32>, vector<8x256xf32>, vector<8x256xf32>, vector<16x256xf32> -> vector<64x256xf32>
    %convert_element_type3A_1290 = arith.truncf %concatenate3A_1289 : vector<64x256xf32> to vector<64x256xbf16>
    %get3A_1291 = arith.constant 46 : index
    %get3A_1292 = arith.constant 0 : index
    %get3A_1293 = arith.constant 0 : index
    %get3A_1294 = vector.load %arg2[%get3A_1291, %get3A_1292, %get3A_1293] : memref<96x256x64xbf16, #tpu.memory_space<vmem>>, vector<1x256x64xbf16>
    %get3A_1295 = vector.shape_cast %get3A_1294 : vector<1x256x64xbf16> to vector<256x64xbf16>
    %dot_general3A_1296 = arith.constant dense<0.000000e+00> : vector<256x256xf32>
    %dot_general3A_1297 = tpu.matmul %get3A_1295, %convert_element_type3A_1290, %dot_general3A_1296 {dimension_numbers = #tpu.dot_dimension_numbers<[1], [0], [0], [1], [0, 0, 1, 1], [], []>, transpose_lhs_hint = false} : vector<256x64xbf16>, vector<64x256xbf16>, vector<256x256xf32> -> vector<256x256xf32>
    %reduce_max3A_1298 = arith.constant dense<0xFF800000> : vector<256xf32>
    %reduce_max3A_1299 = vector.multi_reduction <maximumf>, %dot_general3A_1269, %reduce_max3A_1298 [0] : vector<256x256xf32> to vector<256xf32>
    %broadcast_in_dim3A_1300 = vector.shape_cast %reduce_max3A_1299 : vector<256xf32> to vector<1x256xf32>
    %sub3A_1301 = vector.broadcast %broadcast_in_dim3A_1300 : vector<1x256xf32> to vector<256x256xf32>
    %sub3A_1302 = arith.subf %sub3A_1301, %dot_general3A_1269 : vector<256x256xf32>
    %add3A_1303 = arith.addf %sub3A_1302, %convert_element_type3A : vector<256x256xf32>
    %reduce_min3A_1304 = arith.constant dense<0x7F800000> : vector<256xf32>
    %reduce_min3A_1305 = vector.multi_reduction <minimumf>, %add3A_1303, %reduce_min3A_1304 [0] : vector<256x256xf32> to vector<256xf32>
    %swap3A_1306 = arith.constant 45 : index
    %swap3A_1307 = arith.constant 0 : index
    %swap3A_1308 = vector.load %arg4[%swap3A_1306, %swap3A_1307] : memref<96x256xf32, #tpu.memory_space<vmem>>, vector<1x256xf32>
    %swap3A_1309 = vector.shape_cast %swap3A_1308 : vector<1x256xf32> to vector<256xf32>
    %swap3A_1310 = vector.shape_cast %reduce_min3A_1305 : vector<256xf32> to vector<1x256xf32>
    tpu.vector_store %arg4[%swap3A_1306, %swap3A_1307], %swap3A_1310 {strides = array<i32>} : memref<96x256xf32, #tpu.memory_space<vmem>>, vector<1x256xf32>,
    %slice3A_1311 = vector.extract_strided_slice %bitcast_convert_type3A_4 {offsets = [376, 0], sizes = [8, 256], strides = [1, 1]} : vector<768x256xf32> to vector<8x256xf32>
    %slice3A_1312 = vector.extract_strided_slice %bitcast_convert_type3A_4 {offsets = [376, 0], sizes = [8, 256], strides = [1, 1]} : vector<768x256xf32> to vector<8x256xf32>
    %slice3A_1313 = vector.extract_strided_slice %bitcast_convert_type3A_9 {offsets = [376, 0], sizes = [8, 256], strides = [1, 1]} : vector<768x256xf32> to vector<8x256xf32>
    %slice3A_1314 = vector.extract_strided_slice %bitcast_convert_type3A_4 {offsets = [376, 0], sizes = [8, 256], strides = [1, 1]} : vector<768x256xf32> to vector<8x256xf32>
    %slice3A_1315 = vector.extract_strided_slice %bitcast_convert_type3A_9 {offsets = [376, 0], sizes = [8, 256], strides = [1, 1]} : vector<768x256xf32> to vector<8x256xf32>
    %slice3A_1316 = vector.extract_strided_slice %sub3A_10 {offsets = [376, 0], sizes = [8, 256], strides = [1, 1]} : vector<768x256xf32> to vector<8x256xf32>
    %concatenate3A_1317 = tpu.concatenate %slice3A_1311, %slice3A_1312, %slice3A_1313, %slice3A_1314, %slice3A_1315, %slice3A_1316, %concatenate3A in 0 : vector<8x256xf32>, vector<8x256xf32>, vector<8x256xf32>, vector<8x256xf32>, vector<8x256xf32>, vector<8x256xf32>, vector<16x256xf32> -> vector<64x256xf32>
    %convert_element_type3A_1318 = arith.truncf %concatenate3A_1317 : vector<64x256xf32> to vector<64x256xbf16>
    %get3A_1319 = arith.constant 47 : index
    %get3A_1320 = arith.constant 0 : index
    %get3A_1321 = arith.constant 0 : index
    %get3A_1322 = vector.load %arg2[%get3A_1319, %get3A_1320, %get3A_1321] : memref<96x256x64xbf16, #tpu.memory_space<vmem>>, vector<1x256x64xbf16>
    %get3A_1323 = vector.shape_cast %get3A_1322 : vector<1x256x64xbf16> to vector<256x64xbf16>
    %dot_general3A_1324 = arith.constant dense<0.000000e+00> : vector<256x256xf32>
    %dot_general3A_1325 = tpu.matmul %get3A_1323, %convert_element_type3A_1318, %dot_general3A_1324 {dimension_numbers = #tpu.dot_dimension_numbers<[1], [0], [0], [1], [0, 0, 1, 1], [], []>, transpose_lhs_hint = false} : vector<256x64xbf16>, vector<64x256xbf16>, vector<256x256xf32> -> vector<256x256xf32>
    %reduce_max3A_1326 = arith.constant dense<0xFF800000> : vector<256xf32>
    %reduce_max3A_1327 = vector.multi_reduction <maximumf>, %dot_general3A_1297, %reduce_max3A_1326 [0] : vector<256x256xf32> to vector<256xf32>
    %broadcast_in_dim3A_1328 = vector.shape_cast %reduce_max3A_1327 : vector<256xf32> to vector<1x256xf32>
    %sub3A_1329 = vector.broadcast %broadcast_in_dim3A_1328 : vector<1x256xf32> to vector<256x256xf32>
    %sub3A_1330 = arith.subf %sub3A_1329, %dot_general3A_1297 : vector<256x256xf32>
    %add3A_1331 = arith.addf %sub3A_1330, %convert_element_type3A : vector<256x256xf32>
    %reduce_min3A_1332 = arith.constant dense<0x7F800000> : vector<256xf32>
    %reduce_min3A_1333 = vector.multi_reduction <minimumf>, %add3A_1331, %reduce_min3A_1332 [0] : vector<256x256xf32> to vector<256xf32>
    %swap3A_1334 = arith.constant 46 : index
    %swap3A_1335 = arith.constant 0 : index
    %swap3A_1336 = vector.load %arg4[%swap3A_1334, %swap3A_1335] : memref<96x256xf32, #tpu.memory_space<vmem>>, vector<1x256xf32>
    %swap3A_1337 = vector.shape_cast %swap3A_1336 : vector<1x256xf32> to vector<256xf32>
    %swap3A_1338 = vector.shape_cast %reduce_min3A_1333 : vector<256xf32> to vector<1x256xf32>
    tpu.vector_store %arg4[%swap3A_1334, %swap3A_1335], %swap3A_1338 {strides = array<i32>} : memref<96x256xf32, #tpu.memory_space<vmem>>, vector<1x256xf32>,
    %slice3A_1339 = vector.extract_strided_slice %bitcast_convert_type3A_4 {offsets = [384, 0], sizes = [8, 256], strides = [1, 1]} : vector<768x256xf32> to vector<8x256xf32>
    %slice3A_1340 = vector.extract_strided_slice %bitcast_convert_type3A_4 {offsets = [384, 0], sizes = [8, 256], strides = [1, 1]} : vector<768x256xf32> to vector<8x256xf32>
    %slice3A_1341 = vector.extract_strided_slice %bitcast_convert_type3A_9 {offsets = [384, 0], sizes = [8, 256], strides = [1, 1]} : vector<768x256xf32> to vector<8x256xf32>
    %slice3A_1342 = vector.extract_strided_slice %bitcast_convert_type3A_4 {offsets = [384, 0], sizes = [8, 256], strides = [1, 1]} : vector<768x256xf32> to vector<8x256xf32>
    %slice3A_1343 = vector.extract_strided_slice %bitcast_convert_type3A_9 {offsets = [384, 0], sizes = [8, 256], strides = [1, 1]} : vector<768x256xf32> to vector<8x256xf32>
    %slice3A_1344 = vector.extract_strided_slice %sub3A_10 {offsets = [384, 0], sizes = [8, 256], strides = [1, 1]} : vector<768x256xf32> to vector<8x256xf32>
    %concatenate3A_1345 = tpu.concatenate %slice3A_1339, %slice3A_1340, %slice3A_1341, %slice3A_1342, %slice3A_1343, %slice3A_1344, %concatenate3A in 0 : vector<8x256xf32>, vector<8x256xf32>, vector<8x256xf32>, vector<8x256xf32>, vector<8x256xf32>, vector<8x256xf32>, vector<16x256xf32> -> vector<64x256xf32>
    %convert_element_type3A_1346 = arith.truncf %concatenate3A_1345 : vector<64x256xf32> to vector<64x256xbf16>
    %get3A_1347 = arith.constant 48 : index
    %get3A_1348 = arith.constant 0 : index
    %get3A_1349 = arith.constant 0 : index
    %get3A_1350 = vector.load %arg2[%get3A_1347, %get3A_1348, %get3A_1349] : memref<96x256x64xbf16, #tpu.memory_space<vmem>>, vector<1x256x64xbf16>
    %get3A_1351 = vector.shape_cast %get3A_1350 : vector<1x256x64xbf16> to vector<256x64xbf16>
    %dot_general3A_1352 = arith.constant dense<0.000000e+00> : vector<256x256xf32>
    %dot_general3A_1353 = tpu.matmul %get3A_1351, %convert_element_type3A_1346, %dot_general3A_1352 {dimension_numbers = #tpu.dot_dimension_numbers<[1], [0], [0], [1], [0, 0, 1, 1], [], []>, transpose_lhs_hint = false} : vector<256x64xbf16>, vector<64x256xbf16>, vector<256x256xf32> -> vector<256x256xf32>
    %reduce_max3A_1354 = arith.constant dense<0xFF800000> : vector<256xf32>
    %reduce_max3A_1355 = vector.multi_reduction <maximumf>, %dot_general3A_1325, %reduce_max3A_1354 [0] : vector<256x256xf32> to vector<256xf32>
    %broadcast_in_dim3A_1356 = vector.shape_cast %reduce_max3A_1355 : vector<256xf32> to vector<1x256xf32>
    %sub3A_1357 = vector.broadcast %broadcast_in_dim3A_1356 : vector<1x256xf32> to vector<256x256xf32>
    %sub3A_1358 = arith.subf %sub3A_1357, %dot_general3A_1325 : vector<256x256xf32>
    %add3A_1359 = arith.addf %sub3A_1358, %convert_element_type3A : vector<256x256xf32>
    %reduce_min3A_1360 = arith.constant dense<0x7F800000> : vector<256xf32>
    %reduce_min3A_1361 = vector.multi_reduction <minimumf>, %add3A_1359, %reduce_min3A_1360 [0] : vector<256x256xf32> to vector<256xf32>
    %swap3A_1362 = arith.constant 47 : index
    %swap3A_1363 = arith.constant 0 : index
    %swap3A_1364 = vector.load %arg4[%swap3A_1362, %swap3A_1363] : memref<96x256xf32, #tpu.memory_space<vmem>>, vector<1x256xf32>
    %swap3A_1365 = vector.shape_cast %swap3A_1364 : vector<1x256xf32> to vector<256xf32>
    %swap3A_1366 = vector.shape_cast %reduce_min3A_1361 : vector<256xf32> to vector<1x256xf32>
    tpu.vector_store %arg4[%swap3A_1362, %swap3A_1363], %swap3A_1366 {strides = array<i32>} : memref<96x256xf32, #tpu.memory_space<vmem>>, vector<1x256xf32>,
    %slice3A_1367 = vector.extract_strided_slice %bitcast_convert_type3A_4 {offsets = [392, 0], sizes = [8, 256], strides = [1, 1]} : vector<768x256xf32> to vector<8x256xf32>
    %slice3A_1368 = vector.extract_strided_slice %bitcast_convert_type3A_4 {offsets = [392, 0], sizes = [8, 256], strides = [1, 1]} : vector<768x256xf32> to vector<8x256xf32>
    %slice3A_1369 = vector.extract_strided_slice %bitcast_convert_type3A_9 {offsets = [392, 0], sizes = [8, 256], strides = [1, 1]} : vector<768x256xf32> to vector<8x256xf32>
    %slice3A_1370 = vector.extract_strided_slice %bitcast_convert_type3A_4 {offsets = [392, 0], sizes = [8, 256], strides = [1, 1]} : vector<768x256xf32> to vector<8x256xf32>
    %slice3A_1371 = vector.extract_strided_slice %bitcast_convert_type3A_9 {offsets = [392, 0], sizes = [8, 256], strides = [1, 1]} : vector<768x256xf32> to vector<8x256xf32>
    %slice3A_1372 = vector.extract_strided_slice %sub3A_10 {offsets = [392, 0], sizes = [8, 256], strides = [1, 1]} : vector<768x256xf32> to vector<8x256xf32>
    %concatenate3A_1373 = tpu.concatenate %slice3A_1367, %slice3A_1368, %slice3A_1369, %slice3A_1370, %slice3A_1371, %slice3A_1372, %concatenate3A in 0 : vector<8x256xf32>, vector<8x256xf32>, vector<8x256xf32>, vector<8x256xf32>, vector<8x256xf32>, vector<8x256xf32>, vector<16x256xf32> -> vector<64x256xf32>
    %convert_element_type3A_1374 = arith.truncf %concatenate3A_1373 : vector<64x256xf32> to vector<64x256xbf16>
    %get3A_1375 = arith.constant 49 : index
    %get3A_1376 = arith.constant 0 : index
    %get3A_1377 = arith.constant 0 : index
    %get3A_1378 = vector.load %arg2[%get3A_1375, %get3A_1376, %get3A_1377] : memref<96x256x64xbf16, #tpu.memory_space<vmem>>, vector<1x256x64xbf16>
    %get3A_1379 = vector.shape_cast %get3A_1378 : vector<1x256x64xbf16> to vector<256x64xbf16>
    %dot_general3A_1380 = arith.constant dense<0.000000e+00> : vector<256x256xf32>
    %dot_general3A_1381 = tpu.matmul %get3A_1379, %convert_element_type3A_1374, %dot_general3A_1380 {dimension_numbers = #tpu.dot_dimension_numbers<[1], [0], [0], [1], [0, 0, 1, 1], [], []>, transpose_lhs_hint = false} : vector<256x64xbf16>, vector<64x256xbf16>, vector<256x256xf32> -> vector<256x256xf32>
    %reduce_max3A_1382 = arith.constant dense<0xFF800000> : vector<256xf32>
    %reduce_max3A_1383 = vector.multi_reduction <maximumf>, %dot_general3A_1353, %reduce_max3A_1382 [0] : vector<256x256xf32> to vector<256xf32>
    %broadcast_in_dim3A_1384 = vector.shape_cast %reduce_max3A_1383 : vector<256xf32> to vector<1x256xf32>
    %sub3A_1385 = vector.broadcast %broadcast_in_dim3A_1384 : vector<1x256xf32> to vector<256x256xf32>
    %sub3A_1386 = arith.subf %sub3A_1385, %dot_general3A_1353 : vector<256x256xf32>
    %add3A_1387 = arith.addf %sub3A_1386, %convert_element_type3A : vector<256x256xf32>
    %reduce_min3A_1388 = arith.constant dense<0x7F800000> : vector<256xf32>
    %reduce_min3A_1389 = vector.multi_reduction <minimumf>, %add3A_1387, %reduce_min3A_1388 [0] : vector<256x256xf32> to vector<256xf32>
    %swap3A_1390 = arith.constant 48 : index
    %swap3A_1391 = arith.constant 0 : index
    %swap3A_1392 = vector.load %arg4[%swap3A_1390, %swap3A_1391] : memref<96x256xf32, #tpu.memory_space<vmem>>, vector<1x256xf32>
    %swap3A_1393 = vector.shape_cast %swap3A_1392 : vector<1x256xf32> to vector<256xf32>
    %swap3A_1394 = vector.shape_cast %reduce_min3A_1389 : vector<256xf32> to vector<1x256xf32>
    tpu.vector_store %arg4[%swap3A_1390, %swap3A_1391], %swap3A_1394 {strides = array<i32>} : memref<96x256xf32, #tpu.memory_space<vmem>>, vector<1x256xf32>,
    %slice3A_1395 = vector.extract_strided_slice %bitcast_convert_type3A_4 {offsets = [400, 0], sizes = [8, 256], strides = [1, 1]} : vector<768x256xf32> to vector<8x256xf32>
    %slice3A_1396 = vector.extract_strided_slice %bitcast_convert_type3A_4 {offsets = [400, 0], sizes = [8, 256], strides = [1, 1]} : vector<768x256xf32> to vector<8x256xf32>
    %slice3A_1397 = vector.extract_strided_slice %bitcast_convert_type3A_9 {offsets = [400, 0], sizes = [8, 256], strides = [1, 1]} : vector<768x256xf32> to vector<8x256xf32>
    %slice3A_1398 = vector.extract_strided_slice %bitcast_convert_type3A_4 {offsets = [400, 0], sizes = [8, 256], strides = [1, 1]} : vector<768x256xf32> to vector<8x256xf32>
    %slice3A_1399 = vector.extract_strided_slice %bitcast_convert_type3A_9 {offsets = [400, 0], sizes = [8, 256], strides = [1, 1]} : vector<768x256xf32> to vector<8x256xf32>
    %slice3A_1400 = vector.extract_strided_slice %sub3A_10 {offsets = [400, 0], sizes = [8, 256], strides = [1, 1]} : vector<768x256xf32> to vector<8x256xf32>
    %concatenate3A_1401 = tpu.concatenate %slice3A_1395, %slice3A_1396, %slice3A_1397, %slice3A_1398, %slice3A_1399, %slice3A_1400, %concatenate3A in 0 : vector<8x256xf32>, vector<8x256xf32>, vector<8x256xf32>, vector<8x256xf32>, vector<8x256xf32>, vector<8x256xf32>, vector<16x256xf32> -> vector<64x256xf32>
    %convert_element_type3A_1402 = arith.truncf %concatenate3A_1401 : vector<64x256xf32> to vector<64x256xbf16>
    %get3A_1403 = arith.constant 50 : index
    %get3A_1404 = arith.constant 0 : index
    %get3A_1405 = arith.constant 0 : index
    %get3A_1406 = vector.load %arg2[%get3A_1403, %get3A_1404, %get3A_1405] : memref<96x256x64xbf16, #tpu.memory_space<vmem>>, vector<1x256x64xbf16>
    %get3A_1407 = vector.shape_cast %get3A_1406 : vector<1x256x64xbf16> to vector<256x64xbf16>
    %dot_general3A_1408 = arith.constant dense<0.000000e+00> : vector<256x256xf32>
    %dot_general3A_1409 = tpu.matmul %get3A_1407, %convert_element_type3A_1402, %dot_general3A_1408 {dimension_numbers = #tpu.dot_dimension_numbers<[1], [0], [0], [1], [0, 0, 1, 1], [], []>, transpose_lhs_hint = false} : vector<256x64xbf16>, vector<64x256xbf16>, vector<256x256xf32> -> vector<256x256xf32>
    %reduce_max3A_1410 = arith.constant dense<0xFF800000> : vector<256xf32>
    %reduce_max3A_1411 = vector.multi_reduction <maximumf>, %dot_general3A_1381, %reduce_max3A_1410 [0] : vector<256x256xf32> to vector<256xf32>
    %broadcast_in_dim3A_1412 = vector.shape_cast %reduce_max3A_1411 : vector<256xf32> to vector<1x256xf32>
    %sub3A_1413 = vector.broadcast %broadcast_in_dim3A_1412 : vector<1x256xf32> to vector<256x256xf32>
    %sub3A_1414 = arith.subf %sub3A_1413, %dot_general3A_1381 : vector<256x256xf32>
    %add3A_1415 = arith.addf %sub3A_1414, %convert_element_type3A : vector<256x256xf32>
    %reduce_min3A_1416 = arith.constant dense<0x7F800000> : vector<256xf32>
    %reduce_min3A_1417 = vector.multi_reduction <minimumf>, %add3A_1415, %reduce_min3A_1416 [0] : vector<256x256xf32> to vector<256xf32>
    %swap3A_1418 = arith.constant 49 : index
    %swap3A_1419 = arith.constant 0 : index
    %swap3A_1420 = vector.load %arg4[%swap3A_1418, %swap3A_1419] : memref<96x256xf32, #tpu.memory_space<vmem>>, vector<1x256xf32>
    %swap3A_1421 = vector.shape_cast %swap3A_1420 : vector<1x256xf32> to vector<256xf32>
    %swap3A_1422 = vector.shape_cast %reduce_min3A_1417 : vector<256xf32> to vector<1x256xf32>
    tpu.vector_store %arg4[%swap3A_1418, %swap3A_1419], %swap3A_1422 {strides = array<i32>} : memref<96x256xf32, #tpu.memory_space<vmem>>, vector<1x256xf32>,
    %slice3A_1423 = vector.extract_strided_slice %bitcast_convert_type3A_4 {offsets = [408, 0], sizes = [8, 256], strides = [1, 1]} : vector<768x256xf32> to vector<8x256xf32>
    %slice3A_1424 = vector.extract_strided_slice %bitcast_convert_type3A_4 {offsets = [408, 0], sizes = [8, 256], strides = [1, 1]} : vector<768x256xf32> to vector<8x256xf32>
    %slice3A_1425 = vector.extract_strided_slice %bitcast_convert_type3A_9 {offsets = [408, 0], sizes = [8, 256], strides = [1, 1]} : vector<768x256xf32> to vector<8x256xf32>
    %slice3A_1426 = vector.extract_strided_slice %bitcast_convert_type3A_4 {offsets = [408, 0], sizes = [8, 256], strides = [1, 1]} : vector<768x256xf32> to vector<8x256xf32>
    %slice3A_1427 = vector.extract_strided_slice %bitcast_convert_type3A_9 {offsets = [408, 0], sizes = [8, 256], strides = [1, 1]} : vector<768x256xf32> to vector<8x256xf32>
    %slice3A_1428 = vector.extract_strided_slice %sub3A_10 {offsets = [408, 0], sizes = [8, 256], strides = [1, 1]} : vector<768x256xf32> to vector<8x256xf32>
    %concatenate3A_1429 = tpu.concatenate %slice3A_1423, %slice3A_1424, %slice3A_1425, %slice3A_1426, %slice3A_1427, %slice3A_1428, %concatenate3A in 0 : vector<8x256xf32>, vector<8x256xf32>, vector<8x256xf32>, vector<8x256xf32>, vector<8x256xf32>, vector<8x256xf32>, vector<16x256xf32> -> vector<64x256xf32>
    %convert_element_type3A_1430 = arith.truncf %concatenate3A_1429 : vector<64x256xf32> to vector<64x256xbf16>
    %get3A_1431 = arith.constant 51 : index
    %get3A_1432 = arith.constant 0 : index
    %get3A_1433 = arith.constant 0 : index
    %get3A_1434 = vector.load %arg2[%get3A_1431, %get3A_1432, %get3A_1433] : memref<96x256x64xbf16, #tpu.memory_space<vmem>>, vector<1x256x64xbf16>
    %get3A_1435 = vector.shape_cast %get3A_1434 : vector<1x256x64xbf16> to vector<256x64xbf16>
    %dot_general3A_1436 = arith.constant dense<0.000000e+00> : vector<256x256xf32>
    %dot_general3A_1437 = tpu.matmul %get3A_1435, %convert_element_type3A_1430, %dot_general3A_1436 {dimension_numbers = #tpu.dot_dimension_numbers<[1], [0], [0], [1], [0, 0, 1, 1], [], []>, transpose_lhs_hint = false} : vector<256x64xbf16>, vector<64x256xbf16>, vector<256x256xf32> -> vector<256x256xf32>
    %reduce_max3A_1438 = arith.constant dense<0xFF800000> : vector<256xf32>
    %reduce_max3A_1439 = vector.multi_reduction <maximumf>, %dot_general3A_1409, %reduce_max3A_1438 [0] : vector<256x256xf32> to vector<256xf32>
    %broadcast_in_dim3A_1440 = vector.shape_cast %reduce_max3A_1439 : vector<256xf32> to vector<1x256xf32>
    %sub3A_1441 = vector.broadcast %broadcast_in_dim3A_1440 : vector<1x256xf32> to vector<256x256xf32>
    %sub3A_1442 = arith.subf %sub3A_1441, %dot_general3A_1409 : vector<256x256xf32>
    %add3A_1443 = arith.addf %sub3A_1442, %convert_element_type3A : vector<256x256xf32>
    %reduce_min3A_1444 = arith.constant dense<0x7F800000> : vector<256xf32>
    %reduce_min3A_1445 = vector.multi_reduction <minimumf>, %add3A_1443, %reduce_min3A_1444 [0] : vector<256x256xf32> to vector<256xf32>
    %swap3A_1446 = arith.constant 50 : index
    %swap3A_1447 = arith.constant 0 : index
    %swap3A_1448 = vector.load %arg4[%swap3A_1446, %swap3A_1447] : memref<96x256xf32, #tpu.memory_space<vmem>>, vector<1x256xf32>
    %swap3A_1449 = vector.shape_cast %swap3A_1448 : vector<1x256xf32> to vector<256xf32>
    %swap3A_1450 = vector.shape_cast %reduce_min3A_1445 : vector<256xf32> to vector<1x256xf32>
    tpu.vector_store %arg4[%swap3A_1446, %swap3A_1447], %swap3A_1450 {strides = array<i32>} : memref<96x256xf32, #tpu.memory_space<vmem>>, vector<1x256xf32>,
    %slice3A_1451 = vector.extract_strided_slice %bitcast_convert_type3A_4 {offsets = [416, 0], sizes = [8, 256], strides = [1, 1]} : vector<768x256xf32> to vector<8x256xf32>
    %slice3A_1452 = vector.extract_strided_slice %bitcast_convert_type3A_4 {offsets = [416, 0], sizes = [8, 256], strides = [1, 1]} : vector<768x256xf32> to vector<8x256xf32>
    %slice3A_1453 = vector.extract_strided_slice %bitcast_convert_type3A_9 {offsets = [416, 0], sizes = [8, 256], strides = [1, 1]} : vector<768x256xf32> to vector<8x256xf32>
    %slice3A_1454 = vector.extract_strided_slice %bitcast_convert_type3A_4 {offsets = [416, 0], sizes = [8, 256], strides = [1, 1]} : vector<768x256xf32> to vector<8x256xf32>
    %slice3A_1455 = vector.extract_strided_slice %bitcast_convert_type3A_9 {offsets = [416, 0], sizes = [8, 256], strides = [1, 1]} : vector<768x256xf32> to vector<8x256xf32>
    %slice3A_1456 = vector.extract_strided_slice %sub3A_10 {offsets = [416, 0], sizes = [8, 256], strides = [1, 1]} : vector<768x256xf32> to vector<8x256xf32>
    %concatenate3A_1457 = tpu.concatenate %slice3A_1451, %slice3A_1452, %slice3A_1453, %slice3A_1454, %slice3A_1455, %slice3A_1456, %concatenate3A in 0 : vector<8x256xf32>, vector<8x256xf32>, vector<8x256xf32>, vector<8x256xf32>, vector<8x256xf32>, vector<8x256xf32>, vector<16x256xf32> -> vector<64x256xf32>
    %convert_element_type3A_1458 = arith.truncf %concatenate3A_1457 : vector<64x256xf32> to vector<64x256xbf16>
    %get3A_1459 = arith.constant 52 : index
    %get3A_1460 = arith.constant 0 : index
    %get3A_1461 = arith.constant 0 : index
    %get3A_1462 = vector.load %arg2[%get3A_1459, %get3A_1460, %get3A_1461] : memref<96x256x64xbf16, #tpu.memory_space<vmem>>, vector<1x256x64xbf16>
    %get3A_1463 = vector.shape_cast %get3A_1462 : vector<1x256x64xbf16> to vector<256x64xbf16>
    %dot_general3A_1464 = arith.constant dense<0.000000e+00> : vector<256x256xf32>
    %dot_general3A_1465 = tpu.matmul %get3A_1463, %convert_element_type3A_1458, %dot_general3A_1464 {dimension_numbers = #tpu.dot_dimension_numbers<[1], [0], [0], [1], [0, 0, 1, 1], [], []>, transpose_lhs_hint = false} : vector<256x64xbf16>, vector<64x256xbf16>, vector<256x256xf32> -> vector<256x256xf32>
    %reduce_max3A_1466 = arith.constant dense<0xFF800000> : vector<256xf32>
    %reduce_max3A_1467 = vector.multi_reduction <maximumf>, %dot_general3A_1437, %reduce_max3A_1466 [0] : vector<256x256xf32> to vector<256xf32>
    %broadcast_in_dim3A_1468 = vector.shape_cast %reduce_max3A_1467 : vector<256xf32> to vector<1x256xf32>
    %sub3A_1469 = vector.broadcast %broadcast_in_dim3A_1468 : vector<1x256xf32> to vector<256x256xf32>
    %sub3A_1470 = arith.subf %sub3A_1469, %dot_general3A_1437 : vector<256x256xf32>
    %add3A_1471 = arith.addf %sub3A_1470, %convert_element_type3A : vector<256x256xf32>
    %reduce_min3A_1472 = arith.constant dense<0x7F800000> : vector<256xf32>
    %reduce_min3A_1473 = vector.multi_reduction <minimumf>, %add3A_1471, %reduce_min3A_1472 [0] : vector<256x256xf32> to vector<256xf32>
    %swap3A_1474 = arith.constant 51 : index
    %swap3A_1475 = arith.constant 0 : index
    %swap3A_1476 = vector.load %arg4[%swap3A_1474, %swap3A_1475] : memref<96x256xf32, #tpu.memory_space<vmem>>, vector<1x256xf32>
    %swap3A_1477 = vector.shape_cast %swap3A_1476 : vector<1x256xf32> to vector<256xf32>
    %swap3A_1478 = vector.shape_cast %reduce_min3A_1473 : vector<256xf32> to vector<1x256xf32>
    tpu.vector_store %arg4[%swap3A_1474, %swap3A_1475], %swap3A_1478 {strides = array<i32>} : memref<96x256xf32, #tpu.memory_space<vmem>>, vector<1x256xf32>,
    %slice3A_1479 = vector.extract_strided_slice %bitcast_convert_type3A_4 {offsets = [424, 0], sizes = [8, 256], strides = [1, 1]} : vector<768x256xf32> to vector<8x256xf32>
    %slice3A_1480 = vector.extract_strided_slice %bitcast_convert_type3A_4 {offsets = [424, 0], sizes = [8, 256], strides = [1, 1]} : vector<768x256xf32> to vector<8x256xf32>
    %slice3A_1481 = vector.extract_strided_slice %bitcast_convert_type3A_9 {offsets = [424, 0], sizes = [8, 256], strides = [1, 1]} : vector<768x256xf32> to vector<8x256xf32>
    %slice3A_1482 = vector.extract_strided_slice %bitcast_convert_type3A_4 {offsets = [424, 0], sizes = [8, 256], strides = [1, 1]} : vector<768x256xf32> to vector<8x256xf32>
    %slice3A_1483 = vector.extract_strided_slice %bitcast_convert_type3A_9 {offsets = [424, 0], sizes = [8, 256], strides = [1, 1]} : vector<768x256xf32> to vector<8x256xf32>
    %slice3A_1484 = vector.extract_strided_slice %sub3A_10 {offsets = [424, 0], sizes = [8, 256], strides = [1, 1]} : vector<768x256xf32> to vector<8x256xf32>
    %concatenate3A_1485 = tpu.concatenate %slice3A_1479, %slice3A_1480, %slice3A_1481, %slice3A_1482, %slice3A_1483, %slice3A_1484, %concatenate3A in 0 : vector<8x256xf32>, vector<8x256xf32>, vector<8x256xf32>, vector<8x256xf32>, vector<8x256xf32>, vector<8x256xf32>, vector<16x256xf32> -> vector<64x256xf32>
    %convert_element_type3A_1486 = arith.truncf %concatenate3A_1485 : vector<64x256xf32> to vector<64x256xbf16>
    %get3A_1487 = arith.constant 53 : index
    %get3A_1488 = arith.constant 0 : index
    %get3A_1489 = arith.constant 0 : index
    %get3A_1490 = vector.load %arg2[%get3A_1487, %get3A_1488, %get3A_1489] : memref<96x256x64xbf16, #tpu.memory_space<vmem>>, vector<1x256x64xbf16>
    %get3A_1491 = vector.shape_cast %get3A_1490 : vector<1x256x64xbf16> to vector<256x64xbf16>
    %dot_general3A_1492 = arith.constant dense<0.000000e+00> : vector<256x256xf32>
    %dot_general3A_1493 = tpu.matmul %get3A_1491, %convert_element_type3A_1486, %dot_general3A_1492 {dimension_numbers = #tpu.dot_dimension_numbers<[1], [0], [0], [1], [0, 0, 1, 1], [], []>, transpose_lhs_hint = false} : vector<256x64xbf16>, vector<64x256xbf16>, vector<256x256xf32> -> vector<256x256xf32>
    %reduce_max3A_1494 = arith.constant dense<0xFF800000> : vector<256xf32>
    %reduce_max3A_1495 = vector.multi_reduction <maximumf>, %dot_general3A_1465, %reduce_max3A_1494 [0] : vector<256x256xf32> to vector<256xf32>
    %broadcast_in_dim3A_1496 = vector.shape_cast %reduce_max3A_1495 : vector<256xf32> to vector<1x256xf32>
    %sub3A_1497 = vector.broadcast %broadcast_in_dim3A_1496 : vector<1x256xf32> to vector<256x256xf32>
    %sub3A_1498 = arith.subf %sub3A_1497, %dot_general3A_1465 : vector<256x256xf32>
    %add3A_1499 = arith.addf %sub3A_1498, %convert_element_type3A : vector<256x256xf32>
    %reduce_min3A_1500 = arith.constant dense<0x7F800000> : vector<256xf32>
    %reduce_min3A_1501 = vector.multi_reduction <minimumf>, %add3A_1499, %reduce_min3A_1500 [0] : vector<256x256xf32> to vector<256xf32>
    %swap3A_1502 = arith.constant 52 : index
    %swap3A_1503 = arith.constant 0 : index
    %swap3A_1504 = vector.load %arg4[%swap3A_1502, %swap3A_1503] : memref<96x256xf32, #tpu.memory_space<vmem>>, vector<1x256xf32>
    %swap3A_1505 = vector.shape_cast %swap3A_1504 : vector<1x256xf32> to vector<256xf32>
    %swap3A_1506 = vector.shape_cast %reduce_min3A_1501 : vector<256xf32> to vector<1x256xf32>
    tpu.vector_store %arg4[%swap3A_1502, %swap3A_1503], %swap3A_1506 {strides = array<i32>} : memref<96x256xf32, #tpu.memory_space<vmem>>, vector<1x256xf32>,
    %slice3A_1507 = vector.extract_strided_slice %bitcast_convert_type3A_4 {offsets = [432, 0], sizes = [8, 256], strides = [1, 1]} : vector<768x256xf32> to vector<8x256xf32>
    %slice3A_1508 = vector.extract_strided_slice %bitcast_convert_type3A_4 {offsets = [432, 0], sizes = [8, 256], strides = [1, 1]} : vector<768x256xf32> to vector<8x256xf32>
    %slice3A_1509 = vector.extract_strided_slice %bitcast_convert_type3A_9 {offsets = [432, 0], sizes = [8, 256], strides = [1, 1]} : vector<768x256xf32> to vector<8x256xf32>
    %slice3A_1510 = vector.extract_strided_slice %bitcast_convert_type3A_4 {offsets = [432, 0], sizes = [8, 256], strides = [1, 1]} : vector<768x256xf32> to vector<8x256xf32>
    %slice3A_1511 = vector.extract_strided_slice %bitcast_convert_type3A_9 {offsets = [432, 0], sizes = [8, 256], strides = [1, 1]} : vector<768x256xf32> to vector<8x256xf32>
    %slice3A_1512 = vector.extract_strided_slice %sub3A_10 {offsets = [432, 0], sizes = [8, 256], strides = [1, 1]} : vector<768x256xf32> to vector<8x256xf32>
    %concatenate3A_1513 = tpu.concatenate %slice3A_1507, %slice3A_1508, %slice3A_1509, %slice3A_1510, %slice3A_1511, %slice3A_1512, %concatenate3A in 0 : vector<8x256xf32>, vector<8x256xf32>, vector<8x256xf32>, vector<8x256xf32>, vector<8x256xf32>, vector<8x256xf32>, vector<16x256xf32> -> vector<64x256xf32>
    %convert_element_type3A_1514 = arith.truncf %concatenate3A_1513 : vector<64x256xf32> to vector<64x256xbf16>
    %get3A_1515 = arith.constant 54 : index
    %get3A_1516 = arith.constant 0 : index
    %get3A_1517 = arith.constant 0 : index
    %get3A_1518 = vector.load %arg2[%get3A_1515, %get3A_1516, %get3A_1517] : memref<96x256x64xbf16, #tpu.memory_space<vmem>>, vector<1x256x64xbf16>
    %get3A_1519 = vector.shape_cast %get3A_1518 : vector<1x256x64xbf16> to vector<256x64xbf16>
    %dot_general3A_1520 = arith.constant dense<0.000000e+00> : vector<256x256xf32>
    %dot_general3A_1521 = tpu.matmul %get3A_1519, %convert_element_type3A_1514, %dot_general3A_1520 {dimension_numbers = #tpu.dot_dimension_numbers<[1], [0], [0], [1], [0, 0, 1, 1], [], []>, transpose_lhs_hint = false} : vector<256x64xbf16>, vector<64x256xbf16>, vector<256x256xf32> -> vector<256x256xf32>
    %reduce_max3A_1522 = arith.constant dense<0xFF800000> : vector<256xf32>
    %reduce_max3A_1523 = vector.multi_reduction <maximumf>, %dot_general3A_1493, %reduce_max3A_1522 [0] : vector<256x256xf32> to vector<256xf32>
    %broadcast_in_dim3A_1524 = vector.shape_cast %reduce_max3A_1523 : vector<256xf32> to vector<1x256xf32>
    %sub3A_1525 = vector.broadcast %broadcast_in_dim3A_1524 : vector<1x256xf32> to vector<256x256xf32>
    %sub3A_1526 = arith.subf %sub3A_1525, %dot_general3A_1493 : vector<256x256xf32>
    %add3A_1527 = arith.addf %sub3A_1526, %convert_element_type3A : vector<256x256xf32>
    %reduce_min3A_1528 = arith.constant dense<0x7F800000> : vector<256xf32>
    %reduce_min3A_1529 = vector.multi_reduction <minimumf>, %add3A_1527, %reduce_min3A_1528 [0] : vector<256x256xf32> to vector<256xf32>
    %swap3A_1530 = arith.constant 53 : index
    %swap3A_1531 = arith.constant 0 : index
    %swap3A_1532 = vector.load %arg4[%swap3A_1530, %swap3A_1531] : memref<96x256xf32, #tpu.memory_space<vmem>>, vector<1x256xf32>
    %swap3A_1533 = vector.shape_cast %swap3A_1532 : vector<1x256xf32> to vector<256xf32>
    %swap3A_1534 = vector.shape_cast %reduce_min3A_1529 : vector<256xf32> to vector<1x256xf32>
    tpu.vector_store %arg4[%swap3A_1530, %swap3A_1531], %swap3A_1534 {strides = array<i32>} : memref<96x256xf32, #tpu.memory_space<vmem>>, vector<1x256xf32>,
    %slice3A_1535 = vector.extract_strided_slice %bitcast_convert_type3A_4 {offsets = [440, 0], sizes = [8, 256], strides = [1, 1]} : vector<768x256xf32> to vector<8x256xf32>
    %slice3A_1536 = vector.extract_strided_slice %bitcast_convert_type3A_4 {offsets = [440, 0], sizes = [8, 256], strides = [1, 1]} : vector<768x256xf32> to vector<8x256xf32>
    %slice3A_1537 = vector.extract_strided_slice %bitcast_convert_type3A_9 {offsets = [440, 0], sizes = [8, 256], strides = [1, 1]} : vector<768x256xf32> to vector<8x256xf32>
    %slice3A_1538 = vector.extract_strided_slice %bitcast_convert_type3A_4 {offsets = [440, 0], sizes = [8, 256], strides = [1, 1]} : vector<768x256xf32> to vector<8x256xf32>
    %slice3A_1539 = vector.extract_strided_slice %bitcast_convert_type3A_9 {offsets = [440, 0], sizes = [8, 256], strides = [1, 1]} : vector<768x256xf32> to vector<8x256xf32>
    %slice3A_1540 = vector.extract_strided_slice %sub3A_10 {offsets = [440, 0], sizes = [8, 256], strides = [1, 1]} : vector<768x256xf32> to vector<8x256xf32>
    %concatenate3A_1541 = tpu.concatenate %slice3A_1535, %slice3A_1536, %slice3A_1537, %slice3A_1538, %slice3A_1539, %slice3A_1540, %concatenate3A in 0 : vector<8x256xf32>, vector<8x256xf32>, vector<8x256xf32>, vector<8x256xf32>, vector<8x256xf32>, vector<8x256xf32>, vector<16x256xf32> -> vector<64x256xf32>
    %convert_element_type3A_1542 = arith.truncf %concatenate3A_1541 : vector<64x256xf32> to vector<64x256xbf16>
    %get3A_1543 = arith.constant 55 : index
    %get3A_1544 = arith.constant 0 : index
    %get3A_1545 = arith.constant 0 : index
    %get3A_1546 = vector.load %arg2[%get3A_1543, %get3A_1544, %get3A_1545] : memref<96x256x64xbf16, #tpu.memory_space<vmem>>, vector<1x256x64xbf16>
    %get3A_1547 = vector.shape_cast %get3A_1546 : vector<1x256x64xbf16> to vector<256x64xbf16>
    %dot_general3A_1548 = arith.constant dense<0.000000e+00> : vector<256x256xf32>
    %dot_general3A_1549 = tpu.matmul %get3A_1547, %convert_element_type3A_1542, %dot_general3A_1548 {dimension_numbers = #tpu.dot_dimension_numbers<[1], [0], [0], [1], [0, 0, 1, 1], [], []>, transpose_lhs_hint = false} : vector<256x64xbf16>, vector<64x256xbf16>, vector<256x256xf32> -> vector<256x256xf32>
    %reduce_max3A_1550 = arith.constant dense<0xFF800000> : vector<256xf32>
    %reduce_max3A_1551 = vector.multi_reduction <maximumf>, %dot_general3A_1521, %reduce_max3A_1550 [0] : vector<256x256xf32> to vector<256xf32>
    %broadcast_in_dim3A_1552 = vector.shape_cast %reduce_max3A_1551 : vector<256xf32> to vector<1x256xf32>
    %sub3A_1553 = vector.broadcast %broadcast_in_dim3A_1552 : vector<1x256xf32> to vector<256x256xf32>
    %sub3A_1554 = arith.subf %sub3A_1553, %dot_general3A_1521 : vector<256x256xf32>
    %add3A_1555 = arith.addf %sub3A_1554, %convert_element_type3A : vector<256x256xf32>
    %reduce_min3A_1556 = arith.constant dense<0x7F800000> : vector<256xf32>
    %reduce_min3A_1557 = vector.multi_reduction <minimumf>, %add3A_1555, %reduce_min3A_1556 [0] : vector<256x256xf32> to vector<256xf32>
    %swap3A_1558 = arith.constant 54 : index
    %swap3A_1559 = arith.constant 0 : index
    %swap3A_1560 = vector.load %arg4[%swap3A_1558, %swap3A_1559] : memref<96x256xf32, #tpu.memory_space<vmem>>, vector<1x256xf32>
    %swap3A_1561 = vector.shape_cast %swap3A_1560 : vector<1x256xf32> to vector<256xf32>
    %swap3A_1562 = vector.shape_cast %reduce_min3A_1557 : vector<256xf32> to vector<1x256xf32>
    tpu.vector_store %arg4[%swap3A_1558, %swap3A_1559], %swap3A_1562 {strides = array<i32>} : memref<96x256xf32, #tpu.memory_space<vmem>>, vector<1x256xf32>,
    %slice3A_1563 = vector.extract_strided_slice %bitcast_convert_type3A_4 {offsets = [448, 0], sizes = [8, 256], strides = [1, 1]} : vector<768x256xf32> to vector<8x256xf32>
    %slice3A_1564 = vector.extract_strided_slice %bitcast_convert_type3A_4 {offsets = [448, 0], sizes = [8, 256], strides = [1, 1]} : vector<768x256xf32> to vector<8x256xf32>
    %slice3A_1565 = vector.extract_strided_slice %bitcast_convert_type3A_9 {offsets = [448, 0], sizes = [8, 256], strides = [1, 1]} : vector<768x256xf32> to vector<8x256xf32>
    %slice3A_1566 = vector.extract_strided_slice %bitcast_convert_type3A_4 {offsets = [448, 0], sizes = [8, 256], strides = [1, 1]} : vector<768x256xf32> to vector<8x256xf32>
    %slice3A_1567 = vector.extract_strided_slice %bitcast_convert_type3A_9 {offsets = [448, 0], sizes = [8, 256], strides = [1, 1]} : vector<768x256xf32> to vector<8x256xf32>
    %slice3A_1568 = vector.extract_strided_slice %sub3A_10 {offsets = [448, 0], sizes = [8, 256], strides = [1, 1]} : vector<768x256xf32> to vector<8x256xf32>
    %concatenate3A_1569 = tpu.concatenate %slice3A_1563, %slice3A_1564, %slice3A_1565, %slice3A_1566, %slice3A_1567, %slice3A_1568, %concatenate3A in 0 : vector<8x256xf32>, vector<8x256xf32>, vector<8x256xf32>, vector<8x256xf32>, vector<8x256xf32>, vector<8x256xf32>, vector<16x256xf32> -> vector<64x256xf32>
    %convert_element_type3A_1570 = arith.truncf %concatenate3A_1569 : vector<64x256xf32> to vector<64x256xbf16>
    %get3A_1571 = arith.constant 56 : index
    %get3A_1572 = arith.constant 0 : index
    %get3A_1573 = arith.constant 0 : index
    %get3A_1574 = vector.load %arg2[%get3A_1571, %get3A_1572, %get3A_1573] : memref<96x256x64xbf16, #tpu.memory_space<vmem>>, vector<1x256x64xbf16>
    %get3A_1575 = vector.shape_cast %get3A_1574 : vector<1x256x64xbf16> to vector<256x64xbf16>
    %dot_general3A_1576 = arith.constant dense<0.000000e+00> : vector<256x256xf32>
    %dot_general3A_1577 = tpu.matmul %get3A_1575, %convert_element_type3A_1570, %dot_general3A_1576 {dimension_numbers = #tpu.dot_dimension_numbers<[1], [0], [0], [1], [0, 0, 1, 1], [], []>, transpose_lhs_hint = false} : vector<256x64xbf16>, vector<64x256xbf16>, vector<256x256xf32> -> vector<256x256xf32>
    %reduce_max3A_1578 = arith.constant dense<0xFF800000> : vector<256xf32>
    %reduce_max3A_1579 = vector.multi_reduction <maximumf>, %dot_general3A_1549, %reduce_max3A_1578 [0] : vector<256x256xf32> to vector<256xf32>
    %broadcast_in_dim3A_1580 = vector.shape_cast %reduce_max3A_1579 : vector<256xf32> to vector<1x256xf32>
    %sub3A_1581 = vector.broadcast %broadcast_in_dim3A_1580 : vector<1x256xf32> to vector<256x256xf32>
    %sub3A_1582 = arith.subf %sub3A_1581, %dot_general3A_1549 : vector<256x256xf32>
    %add3A_1583 = arith.addf %sub3A_1582, %convert_element_type3A : vector<256x256xf32>
    %reduce_min3A_1584 = arith.constant dense<0x7F800000> : vector<256xf32>
    %reduce_min3A_1585 = vector.multi_reduction <minimumf>, %add3A_1583, %reduce_min3A_1584 [0] : vector<256x256xf32> to vector<256xf32>
    %swap3A_1586 = arith.constant 55 : index
    %swap3A_1587 = arith.constant 0 : index
    %swap3A_1588 = vector.load %arg4[%swap3A_1586, %swap3A_1587] : memref<96x256xf32, #tpu.memory_space<vmem>>, vector<1x256xf32>
    %swap3A_1589 = vector.shape_cast %swap3A_1588 : vector<1x256xf32> to vector<256xf32>
    %swap3A_1590 = vector.shape_cast %reduce_min3A_1585 : vector<256xf32> to vector<1x256xf32>
    tpu.vector_store %arg4[%swap3A_1586, %swap3A_1587], %swap3A_1590 {strides = array<i32>} : memref<96x256xf32, #tpu.memory_space<vmem>>, vector<1x256xf32>,
    %slice3A_1591 = vector.extract_strided_slice %bitcast_convert_type3A_4 {offsets = [456, 0], sizes = [8, 256], strides = [1, 1]} : vector<768x256xf32> to vector<8x256xf32>
    %slice3A_1592 = vector.extract_strided_slice %bitcast_convert_type3A_4 {offsets = [456, 0], sizes = [8, 256], strides = [1, 1]} : vector<768x256xf32> to vector<8x256xf32>
    %slice3A_1593 = vector.extract_strided_slice %bitcast_convert_type3A_9 {offsets = [456, 0], sizes = [8, 256], strides = [1, 1]} : vector<768x256xf32> to vector<8x256xf32>
    %slice3A_1594 = vector.extract_strided_slice %bitcast_convert_type3A_4 {offsets = [456, 0], sizes = [8, 256], strides = [1, 1]} : vector<768x256xf32> to vector<8x256xf32>
    %slice3A_1595 = vector.extract_strided_slice %bitcast_convert_type3A_9 {offsets = [456, 0], sizes = [8, 256], strides = [1, 1]} : vector<768x256xf32> to vector<8x256xf32>
    %slice3A_1596 = vector.extract_strided_slice %sub3A_10 {offsets = [456, 0], sizes = [8, 256], strides = [1, 1]} : vector<768x256xf32> to vector<8x256xf32>
    %concatenate3A_1597 = tpu.concatenate %slice3A_1591, %slice3A_1592, %slice3A_1593, %slice3A_1594, %slice3A_1595, %slice3A_1596, %concatenate3A in 0 : vector<8x256xf32>, vector<8x256xf32>, vector<8x256xf32>, vector<8x256xf32>, vector<8x256xf32>, vector<8x256xf32>, vector<16x256xf32> -> vector<64x256xf32>
    %convert_element_type3A_1598 = arith.truncf %concatenate3A_1597 : vector<64x256xf32> to vector<64x256xbf16>
    %get3A_1599 = arith.constant 57 : index
    %get3A_1600 = arith.constant 0 : index
    %get3A_1601 = arith.constant 0 : index
    %get3A_1602 = vector.load %arg2[%get3A_1599, %get3A_1600, %get3A_1601] : memref<96x256x64xbf16, #tpu.memory_space<vmem>>, vector<1x256x64xbf16>
    %get3A_1603 = vector.shape_cast %get3A_1602 : vector<1x256x64xbf16> to vector<256x64xbf16>
    %dot_general3A_1604 = arith.constant dense<0.000000e+00> : vector<256x256xf32>
    %dot_general3A_1605 = tpu.matmul %get3A_1603, %convert_element_type3A_1598, %dot_general3A_1604 {dimension_numbers = #tpu.dot_dimension_numbers<[1], [0], [0], [1], [0, 0, 1, 1], [], []>, transpose_lhs_hint = false} : vector<256x64xbf16>, vector<64x256xbf16>, vector<256x256xf32> -> vector<256x256xf32>
    %reduce_max3A_1606 = arith.constant dense<0xFF800000> : vector<256xf32>
    %reduce_max3A_1607 = vector.multi_reduction <maximumf>, %dot_general3A_1577, %reduce_max3A_1606 [0] : vector<256x256xf32> to vector<256xf32>
    %broadcast_in_dim3A_1608 = vector.shape_cast %reduce_max3A_1607 : vector<256xf32> to vector<1x256xf32>
    %sub3A_1609 = vector.broadcast %broadcast_in_dim3A_1608 : vector<1x256xf32> to vector<256x256xf32>
    %sub3A_1610 = arith.subf %sub3A_1609, %dot_general3A_1577 : vector<256x256xf32>
    %add3A_1611 = arith.addf %sub3A_1610, %convert_element_type3A : vector<256x256xf32>
    %reduce_min3A_1612 = arith.constant dense<0x7F800000> : vector<256xf32>
    %reduce_min3A_1613 = vector.multi_reduction <minimumf>, %add3A_1611, %reduce_min3A_1612 [0] : vector<256x256xf32> to vector<256xf32>
    %swap3A_1614 = arith.constant 56 : index
    %swap3A_1615 = arith.constant 0 : index
    %swap3A_1616 = vector.load %arg4[%swap3A_1614, %swap3A_1615] : memref<96x256xf32, #tpu.memory_space<vmem>>, vector<1x256xf32>
    %swap3A_1617 = vector.shape_cast %swap3A_1616 : vector<1x256xf32> to vector<256xf32>
    %swap3A_1618 = vector.shape_cast %reduce_min3A_1613 : vector<256xf32> to vector<1x256xf32>
    tpu.vector_store %arg4[%swap3A_1614, %swap3A_1615], %swap3A_1618 {strides = array<i32>} : memref<96x256xf32, #tpu.memory_space<vmem>>, vector<1x256xf32>,
    %slice3A_1619 = vector.extract_strided_slice %bitcast_convert_type3A_4 {offsets = [464, 0], sizes = [8, 256], strides = [1, 1]} : vector<768x256xf32> to vector<8x256xf32>
    %slice3A_1620 = vector.extract_strided_slice %bitcast_convert_type3A_4 {offsets = [464, 0], sizes = [8, 256], strides = [1, 1]} : vector<768x256xf32> to vector<8x256xf32>
    %slice3A_1621 = vector.extract_strided_slice %bitcast_convert_type3A_9 {offsets = [464, 0], sizes = [8, 256], strides = [1, 1]} : vector<768x256xf32> to vector<8x256xf32>
    %slice3A_1622 = vector.extract_strided_slice %bitcast_convert_type3A_4 {offsets = [464, 0], sizes = [8, 256], strides = [1, 1]} : vector<768x256xf32> to vector<8x256xf32>
    %slice3A_1623 = vector.extract_strided_slice %bitcast_convert_type3A_9 {offsets = [464, 0], sizes = [8, 256], strides = [1, 1]} : vector<768x256xf32> to vector<8x256xf32>
    %slice3A_1624 = vector.extract_strided_slice %sub3A_10 {offsets = [464, 0], sizes = [8, 256], strides = [1, 1]} : vector<768x256xf32> to vector<8x256xf32>
    %concatenate3A_1625 = tpu.concatenate %slice3A_1619, %slice3A_1620, %slice3A_1621, %slice3A_1622, %slice3A_1623, %slice3A_1624, %concatenate3A in 0 : vector<8x256xf32>, vector<8x256xf32>, vector<8x256xf32>, vector<8x256xf32>, vector<8x256xf32>, vector<8x256xf32>, vector<16x256xf32> -> vector<64x256xf32>
    %convert_element_type3A_1626 = arith.truncf %concatenate3A_1625 : vector<64x256xf32> to vector<64x256xbf16>
    %get3A_1627 = arith.constant 58 : index
    %get3A_1628 = arith.constant 0 : index
    %get3A_1629 = arith.constant 0 : index
    %get3A_1630 = vector.load %arg2[%get3A_1627, %get3A_1628, %get3A_1629] : memref<96x256x64xbf16, #tpu.memory_space<vmem>>, vector<1x256x64xbf16>
    %get3A_1631 = vector.shape_cast %get3A_1630 : vector<1x256x64xbf16> to vector<256x64xbf16>
    %dot_general3A_1632 = arith.constant dense<0.000000e+00> : vector<256x256xf32>
    %dot_general3A_1633 = tpu.matmul %get3A_1631, %convert_element_type3A_1626, %dot_general3A_1632 {dimension_numbers = #tpu.dot_dimension_numbers<[1], [0], [0], [1], [0, 0, 1, 1], [], []>, transpose_lhs_hint = false} : vector<256x64xbf16>, vector<64x256xbf16>, vector<256x256xf32> -> vector<256x256xf32>
    %reduce_max3A_1634 = arith.constant dense<0xFF800000> : vector<256xf32>
    %reduce_max3A_1635 = vector.multi_reduction <maximumf>, %dot_general3A_1605, %reduce_max3A_1634 [0] : vector<256x256xf32> to vector<256xf32>
    %broadcast_in_dim3A_1636 = vector.shape_cast %reduce_max3A_1635 : vector<256xf32> to vector<1x256xf32>
    %sub3A_1637 = vector.broadcast %broadcast_in_dim3A_1636 : vector<1x256xf32> to vector<256x256xf32>
    %sub3A_1638 = arith.subf %sub3A_1637, %dot_general3A_1605 : vector<256x256xf32>
    %add3A_1639 = arith.addf %sub3A_1638, %convert_element_type3A : vector<256x256xf32>
    %reduce_min3A_1640 = arith.constant dense<0x7F800000> : vector<256xf32>
    %reduce_min3A_1641 = vector.multi_reduction <minimumf>, %add3A_1639, %reduce_min3A_1640 [0] : vector<256x256xf32> to vector<256xf32>
    %swap3A_1642 = arith.constant 57 : index
    %swap3A_1643 = arith.constant 0 : index
    %swap3A_1644 = vector.load %arg4[%swap3A_1642, %swap3A_1643] : memref<96x256xf32, #tpu.memory_space<vmem>>, vector<1x256xf32>
    %swap3A_1645 = vector.shape_cast %swap3A_1644 : vector<1x256xf32> to vector<256xf32>
    %swap3A_1646 = vector.shape_cast %reduce_min3A_1641 : vector<256xf32> to vector<1x256xf32>
    tpu.vector_store %arg4[%swap3A_1642, %swap3A_1643], %swap3A_1646 {strides = array<i32>} : memref<96x256xf32, #tpu.memory_space<vmem>>, vector<1x256xf32>,
    %slice3A_1647 = vector.extract_strided_slice %bitcast_convert_type3A_4 {offsets = [472, 0], sizes = [8, 256], strides = [1, 1]} : vector<768x256xf32> to vector<8x256xf32>
    %slice3A_1648 = vector.extract_strided_slice %bitcast_convert_type3A_4 {offsets = [472, 0], sizes = [8, 256], strides = [1, 1]} : vector<768x256xf32> to vector<8x256xf32>
    %slice3A_1649 = vector.extract_strided_slice %bitcast_convert_type3A_9 {offsets = [472, 0], sizes = [8, 256], strides = [1, 1]} : vector<768x256xf32> to vector<8x256xf32>
    %slice3A_1650 = vector.extract_strided_slice %bitcast_convert_type3A_4 {offsets = [472, 0], sizes = [8, 256], strides = [1, 1]} : vector<768x256xf32> to vector<8x256xf32>
    %slice3A_1651 = vector.extract_strided_slice %bitcast_convert_type3A_9 {offsets = [472, 0], sizes = [8, 256], strides = [1, 1]} : vector<768x256xf32> to vector<8x256xf32>
    %slice3A_1652 = vector.extract_strided_slice %sub3A_10 {offsets = [472, 0], sizes = [8, 256], strides = [1, 1]} : vector<768x256xf32> to vector<8x256xf32>
    %concatenate3A_1653 = tpu.concatenate %slice3A_1647, %slice3A_1648, %slice3A_1649, %slice3A_1650, %slice3A_1651, %slice3A_1652, %concatenate3A in 0 : vector<8x256xf32>, vector<8x256xf32>, vector<8x256xf32>, vector<8x256xf32>, vector<8x256xf32>, vector<8x256xf32>, vector<16x256xf32> -> vector<64x256xf32>
    %convert_element_type3A_1654 = arith.truncf %concatenate3A_1653 : vector<64x256xf32> to vector<64x256xbf16>
    %get3A_1655 = arith.constant 59 : index
    %get3A_1656 = arith.constant 0 : index
    %get3A_1657 = arith.constant 0 : index
    %get3A_1658 = vector.load %arg2[%get3A_1655, %get3A_1656, %get3A_1657] : memref<96x256x64xbf16, #tpu.memory_space<vmem>>, vector<1x256x64xbf16>
    %get3A_1659 = vector.shape_cast %get3A_1658 : vector<1x256x64xbf16> to vector<256x64xbf16>
    %dot_general3A_1660 = arith.constant dense<0.000000e+00> : vector<256x256xf32>
    %dot_general3A_1661 = tpu.matmul %get3A_1659, %convert_element_type3A_1654, %dot_general3A_1660 {dimension_numbers = #tpu.dot_dimension_numbers<[1], [0], [0], [1], [0, 0, 1, 1], [], []>, transpose_lhs_hint = false} : vector<256x64xbf16>, vector<64x256xbf16>, vector<256x256xf32> -> vector<256x256xf32>
    %reduce_max3A_1662 = arith.constant dense<0xFF800000> : vector<256xf32>
    %reduce_max3A_1663 = vector.multi_reduction <maximumf>, %dot_general3A_1633, %reduce_max3A_1662 [0] : vector<256x256xf32> to vector<256xf32>
    %broadcast_in_dim3A_1664 = vector.shape_cast %reduce_max3A_1663 : vector<256xf32> to vector<1x256xf32>
    %sub3A_1665 = vector.broadcast %broadcast_in_dim3A_1664 : vector<1x256xf32> to vector<256x256xf32>
    %sub3A_1666 = arith.subf %sub3A_1665, %dot_general3A_1633 : vector<256x256xf32>
    %add3A_1667 = arith.addf %sub3A_1666, %convert_element_type3A : vector<256x256xf32>
    %reduce_min3A_1668 = arith.constant dense<0x7F800000> : vector<256xf32>
    %reduce_min3A_1669 = vector.multi_reduction <minimumf>, %add3A_1667, %reduce_min3A_1668 [0] : vector<256x256xf32> to vector<256xf32>
    %swap3A_1670 = arith.constant 58 : index
    %swap3A_1671 = arith.constant 0 : index
    %swap3A_1672 = vector.load %arg4[%swap3A_1670, %swap3A_1671] : memref<96x256xf32, #tpu.memory_space<vmem>>, vector<1x256xf32>
    %swap3A_1673 = vector.shape_cast %swap3A_1672 : vector<1x256xf32> to vector<256xf32>
    %swap3A_1674 = vector.shape_cast %reduce_min3A_1669 : vector<256xf32> to vector<1x256xf32>
    tpu.vector_store %arg4[%swap3A_1670, %swap3A_1671], %swap3A_1674 {strides = array<i32>} : memref<96x256xf32, #tpu.memory_space<vmem>>, vector<1x256xf32>,
    %slice3A_1675 = vector.extract_strided_slice %bitcast_convert_type3A_4 {offsets = [480, 0], sizes = [8, 256], strides = [1, 1]} : vector<768x256xf32> to vector<8x256xf32>
    %slice3A_1676 = vector.extract_strided_slice %bitcast_convert_type3A_4 {offsets = [480, 0], sizes = [8, 256], strides = [1, 1]} : vector<768x256xf32> to vector<8x256xf32>
    %slice3A_1677 = vector.extract_strided_slice %bitcast_convert_type3A_9 {offsets = [480, 0], sizes = [8, 256], strides = [1, 1]} : vector<768x256xf32> to vector<8x256xf32>
    %slice3A_1678 = vector.extract_strided_slice %bitcast_convert_type3A_4 {offsets = [480, 0], sizes = [8, 256], strides = [1, 1]} : vector<768x256xf32> to vector<8x256xf32>
    %slice3A_1679 = vector.extract_strided_slice %bitcast_convert_type3A_9 {offsets = [480, 0], sizes = [8, 256], strides = [1, 1]} : vector<768x256xf32> to vector<8x256xf32>
    %slice3A_1680 = vector.extract_strided_slice %sub3A_10 {offsets = [480, 0], sizes = [8, 256], strides = [1, 1]} : vector<768x256xf32> to vector<8x256xf32>
    %concatenate3A_1681 = tpu.concatenate %slice3A_1675, %slice3A_1676, %slice3A_1677, %slice3A_1678, %slice3A_1679, %slice3A_1680, %concatenate3A in 0 : vector<8x256xf32>, vector<8x256xf32>, vector<8x256xf32>, vector<8x256xf32>, vector<8x256xf32>, vector<8x256xf32>, vector<16x256xf32> -> vector<64x256xf32>
    %convert_element_type3A_1682 = arith.truncf %concatenate3A_1681 : vector<64x256xf32> to vector<64x256xbf16>
    %get3A_1683 = arith.constant 60 : index
    %get3A_1684 = arith.constant 0 : index
    %get3A_1685 = arith.constant 0 : index
    %get3A_1686 = vector.load %arg2[%get3A_1683, %get3A_1684, %get3A_1685] : memref<96x256x64xbf16, #tpu.memory_space<vmem>>, vector<1x256x64xbf16>
    %get3A_1687 = vector.shape_cast %get3A_1686 : vector<1x256x64xbf16> to vector<256x64xbf16>
    %dot_general3A_1688 = arith.constant dense<0.000000e+00> : vector<256x256xf32>
    %dot_general3A_1689 = tpu.matmul %get3A_1687, %convert_element_type3A_1682, %dot_general3A_1688 {dimension_numbers = #tpu.dot_dimension_numbers<[1], [0], [0], [1], [0, 0, 1, 1], [], []>, transpose_lhs_hint = false} : vector<256x64xbf16>, vector<64x256xbf16>, vector<256x256xf32> -> vector<256x256xf32>
    %reduce_max3A_1690 = arith.constant dense<0xFF800000> : vector<256xf32>
    %reduce_max3A_1691 = vector.multi_reduction <maximumf>, %dot_general3A_1661, %reduce_max3A_1690 [0] : vector<256x256xf32> to vector<256xf32>
    %broadcast_in_dim3A_1692 = vector.shape_cast %reduce_max3A_1691 : vector<256xf32> to vector<1x256xf32>
    %sub3A_1693 = vector.broadcast %broadcast_in_dim3A_1692 : vector<1x256xf32> to vector<256x256xf32>
    %sub3A_1694 = arith.subf %sub3A_1693, %dot_general3A_1661 : vector<256x256xf32>
    %add3A_1695 = arith.addf %sub3A_1694, %convert_element_type3A : vector<256x256xf32>
    %reduce_min3A_1696 = arith.constant dense<0x7F800000> : vector<256xf32>
    %reduce_min3A_1697 = vector.multi_reduction <minimumf>, %add3A_1695, %reduce_min3A_1696 [0] : vector<256x256xf32> to vector<256xf32>
    %swap3A_1698 = arith.constant 59 : index
    %swap3A_1699 = arith.constant 0 : index
    %swap3A_1700 = vector.load %arg4[%swap3A_1698, %swap3A_1699] : memref<96x256xf32, #tpu.memory_space<vmem>>, vector<1x256xf32>
    %swap3A_1701 = vector.shape_cast %swap3A_1700 : vector<1x256xf32> to vector<256xf32>
    %swap3A_1702 = vector.shape_cast %reduce_min3A_1697 : vector<256xf32> to vector<1x256xf32>
    tpu.vector_store %arg4[%swap3A_1698, %swap3A_1699], %swap3A_1702 {strides = array<i32>} : memref<96x256xf32, #tpu.memory_space<vmem>>, vector<1x256xf32>,
    %slice3A_1703 = vector.extract_strided_slice %bitcast_convert_type3A_4 {offsets = [488, 0], sizes = [8, 256], strides = [1, 1]} : vector<768x256xf32> to vector<8x256xf32>
    %slice3A_1704 = vector.extract_strided_slice %bitcast_convert_type3A_4 {offsets = [488, 0], sizes = [8, 256], strides = [1, 1]} : vector<768x256xf32> to vector<8x256xf32>
    %slice3A_1705 = vector.extract_strided_slice %bitcast_convert_type3A_9 {offsets = [488, 0], sizes = [8, 256], strides = [1, 1]} : vector<768x256xf32> to vector<8x256xf32>
    %slice3A_1706 = vector.extract_strided_slice %bitcast_convert_type3A_4 {offsets = [488, 0], sizes = [8, 256], strides = [1, 1]} : vector<768x256xf32> to vector<8x256xf32>
    %slice3A_1707 = vector.extract_strided_slice %bitcast_convert_type3A_9 {offsets = [488, 0], sizes = [8, 256], strides = [1, 1]} : vector<768x256xf32> to vector<8x256xf32>
    %slice3A_1708 = vector.extract_strided_slice %sub3A_10 {offsets = [488, 0], sizes = [8, 256], strides = [1, 1]} : vector<768x256xf32> to vector<8x256xf32>
    %concatenate3A_1709 = tpu.concatenate %slice3A_1703, %slice3A_1704, %slice3A_1705, %slice3A_1706, %slice3A_1707, %slice3A_1708, %concatenate3A in 0 : vector<8x256xf32>, vector<8x256xf32>, vector<8x256xf32>, vector<8x256xf32>, vector<8x256xf32>, vector<8x256xf32>, vector<16x256xf32> -> vector<64x256xf32>
    %convert_element_type3A_1710 = arith.truncf %concatenate3A_1709 : vector<64x256xf32> to vector<64x256xbf16>
    %get3A_1711 = arith.constant 61 : index
    %get3A_1712 = arith.constant 0 : index
    %get3A_1713 = arith.constant 0 : index
    %get3A_1714 = vector.load %arg2[%get3A_1711, %get3A_1712, %get3A_1713] : memref<96x256x64xbf16, #tpu.memory_space<vmem>>, vector<1x256x64xbf16>
    %get3A_1715 = vector.shape_cast %get3A_1714 : vector<1x256x64xbf16> to vector<256x64xbf16>
    %dot_general3A_1716 = arith.constant dense<0.000000e+00> : vector<256x256xf32>
    %dot_general3A_1717 = tpu.matmul %get3A_1715, %convert_element_type3A_1710, %dot_general3A_1716 {dimension_numbers = #tpu.dot_dimension_numbers<[1], [0], [0], [1], [0, 0, 1, 1], [], []>, transpose_lhs_hint = false} : vector<256x64xbf16>, vector<64x256xbf16>, vector<256x256xf32> -> vector<256x256xf32>
    %reduce_max3A_1718 = arith.constant dense<0xFF800000> : vector<256xf32>
    %reduce_max3A_1719 = vector.multi_reduction <maximumf>, %dot_general3A_1689, %reduce_max3A_1718 [0] : vector<256x256xf32> to vector<256xf32>
    %broadcast_in_dim3A_1720 = vector.shape_cast %reduce_max3A_1719 : vector<256xf32> to vector<1x256xf32>
    %sub3A_1721 = vector.broadcast %broadcast_in_dim3A_1720 : vector<1x256xf32> to vector<256x256xf32>
    %sub3A_1722 = arith.subf %sub3A_1721, %dot_general3A_1689 : vector<256x256xf32>
    %add3A_1723 = arith.addf %sub3A_1722, %convert_element_type3A : vector<256x256xf32>
    %reduce_min3A_1724 = arith.constant dense<0x7F800000> : vector<256xf32>
    %reduce_min3A_1725 = vector.multi_reduction <minimumf>, %add3A_1723, %reduce_min3A_1724 [0] : vector<256x256xf32> to vector<256xf32>
    %swap3A_1726 = arith.constant 60 : index
    %swap3A_1727 = arith.constant 0 : index
    %swap3A_1728 = vector.load %arg4[%swap3A_1726, %swap3A_1727] : memref<96x256xf32, #tpu.memory_space<vmem>>, vector<1x256xf32>
    %swap3A_1729 = vector.shape_cast %swap3A_1728 : vector<1x256xf32> to vector<256xf32>
    %swap3A_1730 = vector.shape_cast %reduce_min3A_1725 : vector<256xf32> to vector<1x256xf32>
    tpu.vector_store %arg4[%swap3A_1726, %swap3A_1727], %swap3A_1730 {strides = array<i32>} : memref<96x256xf32, #tpu.memory_space<vmem>>, vector<1x256xf32>,
    %slice3A_1731 = vector.extract_strided_slice %bitcast_convert_type3A_4 {offsets = [496, 0], sizes = [8, 256], strides = [1, 1]} : vector<768x256xf32> to vector<8x256xf32>
    %slice3A_1732 = vector.extract_strided_slice %bitcast_convert_type3A_4 {offsets = [496, 0], sizes = [8, 256], strides = [1, 1]} : vector<768x256xf32> to vector<8x256xf32>
    %slice3A_1733 = vector.extract_strided_slice %bitcast_convert_type3A_9 {offsets = [496, 0], sizes = [8, 256], strides = [1, 1]} : vector<768x256xf32> to vector<8x256xf32>
    %slice3A_1734 = vector.extract_strided_slice %bitcast_convert_type3A_4 {offsets = [496, 0], sizes = [8, 256], strides = [1, 1]} : vector<768x256xf32> to vector<8x256xf32>
    %slice3A_1735 = vector.extract_strided_slice %bitcast_convert_type3A_9 {offsets = [496, 0], sizes = [8, 256], strides = [1, 1]} : vector<768x256xf32> to vector<8x256xf32>
    %slice3A_1736 = vector.extract_strided_slice %sub3A_10 {offsets = [496, 0], sizes = [8, 256], strides = [1, 1]} : vector<768x256xf32> to vector<8x256xf32>
    %concatenate3A_1737 = tpu.concatenate %slice3A_1731, %slice3A_1732, %slice3A_1733, %slice3A_1734, %slice3A_1735, %slice3A_1736, %concatenate3A in 0 : vector<8x256xf32>, vector<8x256xf32>, vector<8x256xf32>, vector<8x256xf32>, vector<8x256xf32>, vector<8x256xf32>, vector<16x256xf32> -> vector<64x256xf32>
    %convert_element_type3A_1738 = arith.truncf %concatenate3A_1737 : vector<64x256xf32> to vector<64x256xbf16>
    %get3A_1739 = arith.constant 62 : index
    %get3A_1740 = arith.constant 0 : index
    %get3A_1741 = arith.constant 0 : index
    %get3A_1742 = vector.load %arg2[%get3A_1739, %get3A_1740, %get3A_1741] : memref<96x256x64xbf16, #tpu.memory_space<vmem>>, vector<1x256x64xbf16>
    %get3A_1743 = vector.shape_cast %get3A_1742 : vector<1x256x64xbf16> to vector<256x64xbf16>
    %dot_general3A_1744 = arith.constant dense<0.000000e+00> : vector<256x256xf32>
    %dot_general3A_1745 = tpu.matmul %get3A_1743, %convert_element_type3A_1738, %dot_general3A_1744 {dimension_numbers = #tpu.dot_dimension_numbers<[1], [0], [0], [1], [0, 0, 1, 1], [], []>, transpose_lhs_hint = false} : vector<256x64xbf16>, vector<64x256xbf16>, vector<256x256xf32> -> vector<256x256xf32>
    %reduce_max3A_1746 = arith.constant dense<0xFF800000> : vector<256xf32>
    %reduce_max3A_1747 = vector.multi_reduction <maximumf>, %dot_general3A_1717, %reduce_max3A_1746 [0] : vector<256x256xf32> to vector<256xf32>
    %broadcast_in_dim3A_1748 = vector.shape_cast %reduce_max3A_1747 : vector<256xf32> to vector<1x256xf32>
    %sub3A_1749 = vector.broadcast %broadcast_in_dim3A_1748 : vector<1x256xf32> to vector<256x256xf32>
    %sub3A_1750 = arith.subf %sub3A_1749, %dot_general3A_1717 : vector<256x256xf32>
    %add3A_1751 = arith.addf %sub3A_1750, %convert_element_type3A : vector<256x256xf32>
    %reduce_min3A_1752 = arith.constant dense<0x7F800000> : vector<256xf32>
    %reduce_min3A_1753 = vector.multi_reduction <minimumf>, %add3A_1751, %reduce_min3A_1752 [0] : vector<256x256xf32> to vector<256xf32>
    %swap3A_1754 = arith.constant 61 : index
    %swap3A_1755 = arith.constant 0 : index
    %swap3A_1756 = vector.load %arg4[%swap3A_1754, %swap3A_1755] : memref<96x256xf32, #tpu.memory_space<vmem>>, vector<1x256xf32>
    %swap3A_1757 = vector.shape_cast %swap3A_1756 : vector<1x256xf32> to vector<256xf32>
    %swap3A_1758 = vector.shape_cast %reduce_min3A_1753 : vector<256xf32> to vector<1x256xf32>
    tpu.vector_store %arg4[%swap3A_1754, %swap3A_1755], %swap3A_1758 {strides = array<i32>} : memref<96x256xf32, #tpu.memory_space<vmem>>, vector<1x256xf32>,
    %slice3A_1759 = vector.extract_strided_slice %bitcast_convert_type3A_4 {offsets = [504, 0], sizes = [8, 256], strides = [1, 1]} : vector<768x256xf32> to vector<8x256xf32>
    %slice3A_1760 = vector.extract_strided_slice %bitcast_convert_type3A_4 {offsets = [504, 0], sizes = [8, 256], strides = [1, 1]} : vector<768x256xf32> to vector<8x256xf32>
    %slice3A_1761 = vector.extract_strided_slice %bitcast_convert_type3A_9 {offsets = [504, 0], sizes = [8, 256], strides = [1, 1]} : vector<768x256xf32> to vector<8x256xf32>
    %slice3A_1762 = vector.extract_strided_slice %bitcast_convert_type3A_4 {offsets = [504, 0], sizes = [8, 256], strides = [1, 1]} : vector<768x256xf32> to vector<8x256xf32>
    %slice3A_1763 = vector.extract_strided_slice %bitcast_convert_type3A_9 {offsets = [504, 0], sizes = [8, 256], strides = [1, 1]} : vector<768x256xf32> to vector<8x256xf32>
    %slice3A_1764 = vector.extract_strided_slice %sub3A_10 {offsets = [504, 0], sizes = [8, 256], strides = [1, 1]} : vector<768x256xf32> to vector<8x256xf32>
    %concatenate3A_1765 = tpu.concatenate %slice3A_1759, %slice3A_1760, %slice3A_1761, %slice3A_1762, %slice3A_1763, %slice3A_1764, %concatenate3A in 0 : vector<8x256xf32>, vector<8x256xf32>, vector<8x256xf32>, vector<8x256xf32>, vector<8x256xf32>, vector<8x256xf32>, vector<16x256xf32> -> vector<64x256xf32>
    %convert_element_type3A_1766 = arith.truncf %concatenate3A_1765 : vector<64x256xf32> to vector<64x256xbf16>
    %get3A_1767 = arith.constant 63 : index
    %get3A_1768 = arith.constant 0 : index
    %get3A_1769 = arith.constant 0 : index
    %get3A_1770 = vector.load %arg2[%get3A_1767, %get3A_1768, %get3A_1769] : memref<96x256x64xbf16, #tpu.memory_space<vmem>>, vector<1x256x64xbf16>
    %get3A_1771 = vector.shape_cast %get3A_1770 : vector<1x256x64xbf16> to vector<256x64xbf16>
    %dot_general3A_1772 = arith.constant dense<0.000000e+00> : vector<256x256xf32>
    %dot_general3A_1773 = tpu.matmul %get3A_1771, %convert_element_type3A_1766, %dot_general3A_1772 {dimension_numbers = #tpu.dot_dimension_numbers<[1], [0], [0], [1], [0, 0, 1, 1], [], []>, transpose_lhs_hint = false} : vector<256x64xbf16>, vector<64x256xbf16>, vector<256x256xf32> -> vector<256x256xf32>
    %reduce_max3A_1774 = arith.constant dense<0xFF800000> : vector<256xf32>
    %reduce_max3A_1775 = vector.multi_reduction <maximumf>, %dot_general3A_1745, %reduce_max3A_1774 [0] : vector<256x256xf32> to vector<256xf32>
    %broadcast_in_dim3A_1776 = vector.shape_cast %reduce_max3A_1775 : vector<256xf32> to vector<1x256xf32>
    %sub3A_1777 = vector.broadcast %broadcast_in_dim3A_1776 : vector<1x256xf32> to vector<256x256xf32>
    %sub3A_1778 = arith.subf %sub3A_1777, %dot_general3A_1745 : vector<256x256xf32>
    %add3A_1779 = arith.addf %sub3A_1778, %convert_element_type3A : vector<256x256xf32>
    %reduce_min3A_1780 = arith.constant dense<0x7F800000> : vector<256xf32>
    %reduce_min3A_1781 = vector.multi_reduction <minimumf>, %add3A_1779, %reduce_min3A_1780 [0] : vector<256x256xf32> to vector<256xf32>
    %swap3A_1782 = arith.constant 62 : index
    %swap3A_1783 = arith.constant 0 : index
    %swap3A_1784 = vector.load %arg4[%swap3A_1782, %swap3A_1783] : memref<96x256xf32, #tpu.memory_space<vmem>>, vector<1x256xf32>
    %swap3A_1785 = vector.shape_cast %swap3A_1784 : vector<1x256xf32> to vector<256xf32>
    %swap3A_1786 = vector.shape_cast %reduce_min3A_1781 : vector<256xf32> to vector<1x256xf32>
    tpu.vector_store %arg4[%swap3A_1782, %swap3A_1783], %swap3A_1786 {strides = array<i32>} : memref<96x256xf32, #tpu.memory_space<vmem>>, vector<1x256xf32>,
    %slice3A_1787 = vector.extract_strided_slice %bitcast_convert_type3A_4 {offsets = [512, 0], sizes = [8, 256], strides = [1, 1]} : vector<768x256xf32> to vector<8x256xf32>
    %slice3A_1788 = vector.extract_strided_slice %bitcast_convert_type3A_4 {offsets = [512, 0], sizes = [8, 256], strides = [1, 1]} : vector<768x256xf32> to vector<8x256xf32>
    %slice3A_1789 = vector.extract_strided_slice %bitcast_convert_type3A_9 {offsets = [512, 0], sizes = [8, 256], strides = [1, 1]} : vector<768x256xf32> to vector<8x256xf32>
    %slice3A_1790 = vector.extract_strided_slice %bitcast_convert_type3A_4 {offsets = [512, 0], sizes = [8, 256], strides = [1, 1]} : vector<768x256xf32> to vector<8x256xf32>
    %slice3A_1791 = vector.extract_strided_slice %bitcast_convert_type3A_9 {offsets = [512, 0], sizes = [8, 256], strides = [1, 1]} : vector<768x256xf32> to vector<8x256xf32>
    %slice3A_1792 = vector.extract_strided_slice %sub3A_10 {offsets = [512, 0], sizes = [8, 256], strides = [1, 1]} : vector<768x256xf32> to vector<8x256xf32>
    %concatenate3A_1793 = tpu.concatenate %slice3A_1787, %slice3A_1788, %slice3A_1789, %slice3A_1790, %slice3A_1791, %slice3A_1792, %concatenate3A in 0 : vector<8x256xf32>, vector<8x256xf32>, vector<8x256xf32>, vector<8x256xf32>, vector<8x256xf32>, vector<8x256xf32>, vector<16x256xf32> -> vector<64x256xf32>
    %convert_element_type3A_1794 = arith.truncf %concatenate3A_1793 : vector<64x256xf32> to vector<64x256xbf16>
    %get3A_1795 = arith.constant 64 : index
    %get3A_1796 = arith.constant 0 : index
    %get3A_1797 = arith.constant 0 : index
    %get3A_1798 = vector.load %arg2[%get3A_1795, %get3A_1796, %get3A_1797] : memref<96x256x64xbf16, #tpu.memory_space<vmem>>, vector<1x256x64xbf16>
    %get3A_1799 = vector.shape_cast %get3A_1798 : vector<1x256x64xbf16> to vector<256x64xbf16>
    %dot_general3A_1800 = arith.constant dense<0.000000e+00> : vector<256x256xf32>
    %dot_general3A_1801 = tpu.matmul %get3A_1799, %convert_element_type3A_1794, %dot_general3A_1800 {dimension_numbers = #tpu.dot_dimension_numbers<[1], [0], [0], [1], [0, 0, 1, 1], [], []>, transpose_lhs_hint = false} : vector<256x64xbf16>, vector<64x256xbf16>, vector<256x256xf32> -> vector<256x256xf32>
    %reduce_max3A_1802 = arith.constant dense<0xFF800000> : vector<256xf32>
    %reduce_max3A_1803 = vector.multi_reduction <maximumf>, %dot_general3A_1773, %reduce_max3A_1802 [0] : vector<256x256xf32> to vector<256xf32>
    %broadcast_in_dim3A_1804 = vector.shape_cast %reduce_max3A_1803 : vector<256xf32> to vector<1x256xf32>
    %sub3A_1805 = vector.broadcast %broadcast_in_dim3A_1804 : vector<1x256xf32> to vector<256x256xf32>
    %sub3A_1806 = arith.subf %sub3A_1805, %dot_general3A_1773 : vector<256x256xf32>
    %add3A_1807 = arith.addf %sub3A_1806, %convert_element_type3A : vector<256x256xf32>
    %reduce_min3A_1808 = arith.constant dense<0x7F800000> : vector<256xf32>
    %reduce_min3A_1809 = vector.multi_reduction <minimumf>, %add3A_1807, %reduce_min3A_1808 [0] : vector<256x256xf32> to vector<256xf32>
    %swap3A_1810 = arith.constant 63 : index
    %swap3A_1811 = arith.constant 0 : index
    %swap3A_1812 = vector.load %arg4[%swap3A_1810, %swap3A_1811] : memref<96x256xf32, #tpu.memory_space<vmem>>, vector<1x256xf32>
    %swap3A_1813 = vector.shape_cast %swap3A_1812 : vector<1x256xf32> to vector<256xf32>
    %swap3A_1814 = vector.shape_cast %reduce_min3A_1809 : vector<256xf32> to vector<1x256xf32>
    tpu.vector_store %arg4[%swap3A_1810, %swap3A_1811], %swap3A_1814 {strides = array<i32>} : memref<96x256xf32, #tpu.memory_space<vmem>>, vector<1x256xf32>,
    %slice3A_1815 = vector.extract_strided_slice %bitcast_convert_type3A_4 {offsets = [520, 0], sizes = [8, 256], strides = [1, 1]} : vector<768x256xf32> to vector<8x256xf32>
    %slice3A_1816 = vector.extract_strided_slice %bitcast_convert_type3A_4 {offsets = [520, 0], sizes = [8, 256], strides = [1, 1]} : vector<768x256xf32> to vector<8x256xf32>
    %slice3A_1817 = vector.extract_strided_slice %bitcast_convert_type3A_9 {offsets = [520, 0], sizes = [8, 256], strides = [1, 1]} : vector<768x256xf32> to vector<8x256xf32>
    %slice3A_1818 = vector.extract_strided_slice %bitcast_convert_type3A_4 {offsets = [520, 0], sizes = [8, 256], strides = [1, 1]} : vector<768x256xf32> to vector<8x256xf32>
    %slice3A_1819 = vector.extract_strided_slice %bitcast_convert_type3A_9 {offsets = [520, 0], sizes = [8, 256], strides = [1, 1]} : vector<768x256xf32> to vector<8x256xf32>
    %slice3A_1820 = vector.extract_strided_slice %sub3A_10 {offsets = [520, 0], sizes = [8, 256], strides = [1, 1]} : vector<768x256xf32> to vector<8x256xf32>
    %concatenate3A_1821 = tpu.concatenate %slice3A_1815, %slice3A_1816, %slice3A_1817, %slice3A_1818, %slice3A_1819, %slice3A_1820, %concatenate3A in 0 : vector<8x256xf32>, vector<8x256xf32>, vector<8x256xf32>, vector<8x256xf32>, vector<8x256xf32>, vector<8x256xf32>, vector<16x256xf32> -> vector<64x256xf32>
    %convert_element_type3A_1822 = arith.truncf %concatenate3A_1821 : vector<64x256xf32> to vector<64x256xbf16>
    %get3A_1823 = arith.constant 65 : index
    %get3A_1824 = arith.constant 0 : index
    %get3A_1825 = arith.constant 0 : index
    %get3A_1826 = vector.load %arg2[%get3A_1823, %get3A_1824, %get3A_1825] : memref<96x256x64xbf16, #tpu.memory_space<vmem>>, vector<1x256x64xbf16>
    %get3A_1827 = vector.shape_cast %get3A_1826 : vector<1x256x64xbf16> to vector<256x64xbf16>
    %dot_general3A_1828 = arith.constant dense<0.000000e+00> : vector<256x256xf32>
    %dot_general3A_1829 = tpu.matmul %get3A_1827, %convert_element_type3A_1822, %dot_general3A_1828 {dimension_numbers = #tpu.dot_dimension_numbers<[1], [0], [0], [1], [0, 0, 1, 1], [], []>, transpose_lhs_hint = false} : vector<256x64xbf16>, vector<64x256xbf16>, vector<256x256xf32> -> vector<256x256xf32>
    %reduce_max3A_1830 = arith.constant dense<0xFF800000> : vector<256xf32>
    %reduce_max3A_1831 = vector.multi_reduction <maximumf>, %dot_general3A_1801, %reduce_max3A_1830 [0] : vector<256x256xf32> to vector<256xf32>
    %broadcast_in_dim3A_1832 = vector.shape_cast %reduce_max3A_1831 : vector<256xf32> to vector<1x256xf32>
    %sub3A_1833 = vector.broadcast %broadcast_in_dim3A_1832 : vector<1x256xf32> to vector<256x256xf32>
    %sub3A_1834 = arith.subf %sub3A_1833, %dot_general3A_1801 : vector<256x256xf32>
    %add3A_1835 = arith.addf %sub3A_1834, %convert_element_type3A : vector<256x256xf32>
    %reduce_min3A_1836 = arith.constant dense<0x7F800000> : vector<256xf32>
    %reduce_min3A_1837 = vector.multi_reduction <minimumf>, %add3A_1835, %reduce_min3A_1836 [0] : vector<256x256xf32> to vector<256xf32>
    %swap3A_1838 = arith.constant 64 : index
    %swap3A_1839 = arith.constant 0 : index
    %swap3A_1840 = vector.load %arg4[%swap3A_1838, %swap3A_1839] : memref<96x256xf32, #tpu.memory_space<vmem>>, vector<1x256xf32>
    %swap3A_1841 = vector.shape_cast %swap3A_1840 : vector<1x256xf32> to vector<256xf32>
    %swap3A_1842 = vector.shape_cast %reduce_min3A_1837 : vector<256xf32> to vector<1x256xf32>
    tpu.vector_store %arg4[%swap3A_1838, %swap3A_1839], %swap3A_1842 {strides = array<i32>} : memref<96x256xf32, #tpu.memory_space<vmem>>, vector<1x256xf32>,
    %slice3A_1843 = vector.extract_strided_slice %bitcast_convert_type3A_4 {offsets = [528, 0], sizes = [8, 256], strides = [1, 1]} : vector<768x256xf32> to vector<8x256xf32>
    %slice3A_1844 = vector.extract_strided_slice %bitcast_convert_type3A_4 {offsets = [528, 0], sizes = [8, 256], strides = [1, 1]} : vector<768x256xf32> to vector<8x256xf32>
    %slice3A_1845 = vector.extract_strided_slice %bitcast_convert_type3A_9 {offsets = [528, 0], sizes = [8, 256], strides = [1, 1]} : vector<768x256xf32> to vector<8x256xf32>
    %slice3A_1846 = vector.extract_strided_slice %bitcast_convert_type3A_4 {offsets = [528, 0], sizes = [8, 256], strides = [1, 1]} : vector<768x256xf32> to vector<8x256xf32>
    %slice3A_1847 = vector.extract_strided_slice %bitcast_convert_type3A_9 {offsets = [528, 0], sizes = [8, 256], strides = [1, 1]} : vector<768x256xf32> to vector<8x256xf32>
    %slice3A_1848 = vector.extract_strided_slice %sub3A_10 {offsets = [528, 0], sizes = [8, 256], strides = [1, 1]} : vector<768x256xf32> to vector<8x256xf32>
    %concatenate3A_1849 = tpu.concatenate %slice3A_1843, %slice3A_1844, %slice3A_1845, %slice3A_1846, %slice3A_1847, %slice3A_1848, %concatenate3A in 0 : vector<8x256xf32>, vector<8x256xf32>, vector<8x256xf32>, vector<8x256xf32>, vector<8x256xf32>, vector<8x256xf32>, vector<16x256xf32> -> vector<64x256xf32>
    %convert_element_type3A_1850 = arith.truncf %concatenate3A_1849 : vector<64x256xf32> to vector<64x256xbf16>
    %get3A_1851 = arith.constant 66 : index
    %get3A_1852 = arith.constant 0 : index
    %get3A_1853 = arith.constant 0 : index
    %get3A_1854 = vector.load %arg2[%get3A_1851, %get3A_1852, %get3A_1853] : memref<96x256x64xbf16, #tpu.memory_space<vmem>>, vector<1x256x64xbf16>
    %get3A_1855 = vector.shape_cast %get3A_1854 : vector<1x256x64xbf16> to vector<256x64xbf16>
    %dot_general3A_1856 = arith.constant dense<0.000000e+00> : vector<256x256xf32>
    %dot_general3A_1857 = tpu.matmul %get3A_1855, %convert_element_type3A_1850, %dot_general3A_1856 {dimension_numbers = #tpu.dot_dimension_numbers<[1], [0], [0], [1], [0, 0, 1, 1], [], []>, transpose_lhs_hint = false} : vector<256x64xbf16>, vector<64x256xbf16>, vector<256x256xf32> -> vector<256x256xf32>
    %reduce_max3A_1858 = arith.constant dense<0xFF800000> : vector<256xf32>
    %reduce_max3A_1859 = vector.multi_reduction <maximumf>, %dot_general3A_1829, %reduce_max3A_1858 [0] : vector<256x256xf32> to vector<256xf32>
    %broadcast_in_dim3A_1860 = vector.shape_cast %reduce_max3A_1859 : vector<256xf32> to vector<1x256xf32>
    %sub3A_1861 = vector.broadcast %broadcast_in_dim3A_1860 : vector<1x256xf32> to vector<256x256xf32>
    %sub3A_1862 = arith.subf %sub3A_1861, %dot_general3A_1829 : vector<256x256xf32>
    %add3A_1863 = arith.addf %sub3A_1862, %convert_element_type3A : vector<256x256xf32>
    %reduce_min3A_1864 = arith.constant dense<0x7F800000> : vector<256xf32>
    %reduce_min3A_1865 = vector.multi_reduction <minimumf>, %add3A_1863, %reduce_min3A_1864 [0] : vector<256x256xf32> to vector<256xf32>
    %swap3A_1866 = arith.constant 65 : index
    %swap3A_1867 = arith.constant 0 : index
    %swap3A_1868 = vector.load %arg4[%swap3A_1866, %swap3A_1867] : memref<96x256xf32, #tpu.memory_space<vmem>>, vector<1x256xf32>
    %swap3A_1869 = vector.shape_cast %swap3A_1868 : vector<1x256xf32> to vector<256xf32>
    %swap3A_1870 = vector.shape_cast %reduce_min3A_1865 : vector<256xf32> to vector<1x256xf32>
    tpu.vector_store %arg4[%swap3A_1866, %swap3A_1867], %swap3A_1870 {strides = array<i32>} : memref<96x256xf32, #tpu.memory_space<vmem>>, vector<1x256xf32>,
    %slice3A_1871 = vector.extract_strided_slice %bitcast_convert_type3A_4 {offsets = [536, 0], sizes = [8, 256], strides = [1, 1]} : vector<768x256xf32> to vector<8x256xf32>
    %slice3A_1872 = vector.extract_strided_slice %bitcast_convert_type3A_4 {offsets = [536, 0], sizes = [8, 256], strides = [1, 1]} : vector<768x256xf32> to vector<8x256xf32>
    %slice3A_1873 = vector.extract_strided_slice %bitcast_convert_type3A_9 {offsets = [536, 0], sizes = [8, 256], strides = [1, 1]} : vector<768x256xf32> to vector<8x256xf32>
    %slice3A_1874 = vector.extract_strided_slice %bitcast_convert_type3A_4 {offsets = [536, 0], sizes = [8, 256], strides = [1, 1]} : vector<768x256xf32> to vector<8x256xf32>
    %slice3A_1875 = vector.extract_strided_slice %bitcast_convert_type3A_9 {offsets = [536, 0], sizes = [8, 256], strides = [1, 1]} : vector<768x256xf32> to vector<8x256xf32>
    %slice3A_1876 = vector.extract_strided_slice %sub3A_10 {offsets = [536, 0], sizes = [8, 256], strides = [1, 1]} : vector<768x256xf32> to vector<8x256xf32>
    %concatenate3A_1877 = tpu.concatenate %slice3A_1871, %slice3A_1872, %slice3A_1873, %slice3A_1874, %slice3A_1875, %slice3A_1876, %concatenate3A in 0 : vector<8x256xf32>, vector<8x256xf32>, vector<8x256xf32>, vector<8x256xf32>, vector<8x256xf32>, vector<8x256xf32>, vector<16x256xf32> -> vector<64x256xf32>
    %convert_element_type3A_1878 = arith.truncf %concatenate3A_1877 : vector<64x256xf32> to vector<64x256xbf16>
    %get3A_1879 = arith.constant 67 : index
    %get3A_1880 = arith.constant 0 : index
    %get3A_1881 = arith.constant 0 : index
    %get3A_1882 = vector.load %arg2[%get3A_1879, %get3A_1880, %get3A_1881] : memref<96x256x64xbf16, #tpu.memory_space<vmem>>, vector<1x256x64xbf16>
    %get3A_1883 = vector.shape_cast %get3A_1882 : vector<1x256x64xbf16> to vector<256x64xbf16>
    %dot_general3A_1884 = arith.constant dense<0.000000e+00> : vector<256x256xf32>
    %dot_general3A_1885 = tpu.matmul %get3A_1883, %convert_element_type3A_1878, %dot_general3A_1884 {dimension_numbers = #tpu.dot_dimension_numbers<[1], [0], [0], [1], [0, 0, 1, 1], [], []>, transpose_lhs_hint = false} : vector<256x64xbf16>, vector<64x256xbf16>, vector<256x256xf32> -> vector<256x256xf32>
    %reduce_max3A_1886 = arith.constant dense<0xFF800000> : vector<256xf32>
    %reduce_max3A_1887 = vector.multi_reduction <maximumf>, %dot_general3A_1857, %reduce_max3A_1886 [0] : vector<256x256xf32> to vector<256xf32>
    %broadcast_in_dim3A_1888 = vector.shape_cast %reduce_max3A_1887 : vector<256xf32> to vector<1x256xf32>
    %sub3A_1889 = vector.broadcast %broadcast_in_dim3A_1888 : vector<1x256xf32> to vector<256x256xf32>
    %sub3A_1890 = arith.subf %sub3A_1889, %dot_general3A_1857 : vector<256x256xf32>
    %add3A_1891 = arith.addf %sub3A_1890, %convert_element_type3A : vector<256x256xf32>
    %reduce_min3A_1892 = arith.constant dense<0x7F800000> : vector<256xf32>
    %reduce_min3A_1893 = vector.multi_reduction <minimumf>, %add3A_1891, %reduce_min3A_1892 [0] : vector<256x256xf32> to vector<256xf32>
    %swap3A_1894 = arith.constant 66 : index
    %swap3A_1895 = arith.constant 0 : index
    %swap3A_1896 = vector.load %arg4[%swap3A_1894, %swap3A_1895] : memref<96x256xf32, #tpu.memory_space<vmem>>, vector<1x256xf32>
    %swap3A_1897 = vector.shape_cast %swap3A_1896 : vector<1x256xf32> to vector<256xf32>
    %swap3A_1898 = vector.shape_cast %reduce_min3A_1893 : vector<256xf32> to vector<1x256xf32>
    tpu.vector_store %arg4[%swap3A_1894, %swap3A_1895], %swap3A_1898 {strides = array<i32>} : memref<96x256xf32, #tpu.memory_space<vmem>>, vector<1x256xf32>,
    %slice3A_1899 = vector.extract_strided_slice %bitcast_convert_type3A_4 {offsets = [544, 0], sizes = [8, 256], strides = [1, 1]} : vector<768x256xf32> to vector<8x256xf32>
    %slice3A_1900 = vector.extract_strided_slice %bitcast_convert_type3A_4 {offsets = [544, 0], sizes = [8, 256], strides = [1, 1]} : vector<768x256xf32> to vector<8x256xf32>
    %slice3A_1901 = vector.extract_strided_slice %bitcast_convert_type3A_9 {offsets = [544, 0], sizes = [8, 256], strides = [1, 1]} : vector<768x256xf32> to vector<8x256xf32>
    %slice3A_1902 = vector.extract_strided_slice %bitcast_convert_type3A_4 {offsets = [544, 0], sizes = [8, 256], strides = [1, 1]} : vector<768x256xf32> to vector<8x256xf32>
    %slice3A_1903 = vector.extract_strided_slice %bitcast_convert_type3A_9 {offsets = [544, 0], sizes = [8, 256], strides = [1, 1]} : vector<768x256xf32> to vector<8x256xf32>
    %slice3A_1904 = vector.extract_strided_slice %sub3A_10 {offsets = [544, 0], sizes = [8, 256], strides = [1, 1]} : vector<768x256xf32> to vector<8x256xf32>
    %concatenate3A_1905 = tpu.concatenate %slice3A_1899, %slice3A_1900, %slice3A_1901, %slice3A_1902, %slice3A_1903, %slice3A_1904, %concatenate3A in 0 : vector<8x256xf32>, vector<8x256xf32>, vector<8x256xf32>, vector<8x256xf32>, vector<8x256xf32>, vector<8x256xf32>, vector<16x256xf32> -> vector<64x256xf32>
    %convert_element_type3A_1906 = arith.truncf %concatenate3A_1905 : vector<64x256xf32> to vector<64x256xbf16>
    %get3A_1907 = arith.constant 68 : index
    %get3A_1908 = arith.constant 0 : index
    %get3A_1909 = arith.constant 0 : index
    %get3A_1910 = vector.load %arg2[%get3A_1907, %get3A_1908, %get3A_1909] : memref<96x256x64xbf16, #tpu.memory_space<vmem>>, vector<1x256x64xbf16>
    %get3A_1911 = vector.shape_cast %get3A_1910 : vector<1x256x64xbf16> to vector<256x64xbf16>
    %dot_general3A_1912 = arith.constant dense<0.000000e+00> : vector<256x256xf32>
    %dot_general3A_1913 = tpu.matmul %get3A_1911, %convert_element_type3A_1906, %dot_general3A_1912 {dimension_numbers = #tpu.dot_dimension_numbers<[1], [0], [0], [1], [0, 0, 1, 1], [], []>, transpose_lhs_hint = false} : vector<256x64xbf16>, vector<64x256xbf16>, vector<256x256xf32> -> vector<256x256xf32>
    %reduce_max3A_1914 = arith.constant dense<0xFF800000> : vector<256xf32>
    %reduce_max3A_1915 = vector.multi_reduction <maximumf>, %dot_general3A_1885, %reduce_max3A_1914 [0] : vector<256x256xf32> to vector<256xf32>
    %broadcast_in_dim3A_1916 = vector.shape_cast %reduce_max3A_1915 : vector<256xf32> to vector<1x256xf32>
    %sub3A_1917 = vector.broadcast %broadcast_in_dim3A_1916 : vector<1x256xf32> to vector<256x256xf32>
    %sub3A_1918 = arith.subf %sub3A_1917, %dot_general3A_1885 : vector<256x256xf32>
    %add3A_1919 = arith.addf %sub3A_1918, %convert_element_type3A : vector<256x256xf32>
    %reduce_min3A_1920 = arith.constant dense<0x7F800000> : vector<256xf32>
    %reduce_min3A_1921 = vector.multi_reduction <minimumf>, %add3A_1919, %reduce_min3A_1920 [0] : vector<256x256xf32> to vector<256xf32>
    %swap3A_1922 = arith.constant 67 : index
    %swap3A_1923 = arith.constant 0 : index
    %swap3A_1924 = vector.load %arg4[%swap3A_1922, %swap3A_1923] : memref<96x256xf32, #tpu.memory_space<vmem>>, vector<1x256xf32>
    %swap3A_1925 = vector.shape_cast %swap3A_1924 : vector<1x256xf32> to vector<256xf32>
    %swap3A_1926 = vector.shape_cast %reduce_min3A_1921 : vector<256xf32> to vector<1x256xf32>
    tpu.vector_store %arg4[%swap3A_1922, %swap3A_1923], %swap3A_1926 {strides = array<i32>} : memref<96x256xf32, #tpu.memory_space<vmem>>, vector<1x256xf32>,
    %slice3A_1927 = vector.extract_strided_slice %bitcast_convert_type3A_4 {offsets = [552, 0], sizes = [8, 256], strides = [1, 1]} : vector<768x256xf32> to vector<8x256xf32>
    %slice3A_1928 = vector.extract_strided_slice %bitcast_convert_type3A_4 {offsets = [552, 0], sizes = [8, 256], strides = [1, 1]} : vector<768x256xf32> to vector<8x256xf32>
    %slice3A_1929 = vector.extract_strided_slice %bitcast_convert_type3A_9 {offsets = [552, 0], sizes = [8, 256], strides = [1, 1]} : vector<768x256xf32> to vector<8x256xf32>
    %slice3A_1930 = vector.extract_strided_slice %bitcast_convert_type3A_4 {offsets = [552, 0], sizes = [8, 256], strides = [1, 1]} : vector<768x256xf32> to vector<8x256xf32>
    %slice3A_1931 = vector.extract_strided_slice %bitcast_convert_type3A_9 {offsets = [552, 0], sizes = [8, 256], strides = [1, 1]} : vector<768x256xf32> to vector<8x256xf32>
    %slice3A_1932 = vector.extract_strided_slice %sub3A_10 {offsets = [552, 0], sizes = [8, 256], strides = [1, 1]} : vector<768x256xf32> to vector<8x256xf32>
    %concatenate3A_1933 = tpu.concatenate %slice3A_1927, %slice3A_1928, %slice3A_1929, %slice3A_1930, %slice3A_1931, %slice3A_1932, %concatenate3A in 0 : vector<8x256xf32>, vector<8x256xf32>, vector<8x256xf32>, vector<8x256xf32>, vector<8x256xf32>, vector<8x256xf32>, vector<16x256xf32> -> vector<64x256xf32>
    %convert_element_type3A_1934 = arith.truncf %concatenate3A_1933 : vector<64x256xf32> to vector<64x256xbf16>
    %get3A_1935 = arith.constant 69 : index
    %get3A_1936 = arith.constant 0 : index
    %get3A_1937 = arith.constant 0 : index
    %get3A_1938 = vector.load %arg2[%get3A_1935, %get3A_1936, %get3A_1937] : memref<96x256x64xbf16, #tpu.memory_space<vmem>>, vector<1x256x64xbf16>
    %get3A_1939 = vector.shape_cast %get3A_1938 : vector<1x256x64xbf16> to vector<256x64xbf16>
    %dot_general3A_1940 = arith.constant dense<0.000000e+00> : vector<256x256xf32>
    %dot_general3A_1941 = tpu.matmul %get3A_1939, %convert_element_type3A_1934, %dot_general3A_1940 {dimension_numbers = #tpu.dot_dimension_numbers<[1], [0], [0], [1], [0, 0, 1, 1], [], []>, transpose_lhs_hint = false} : vector<256x64xbf16>, vector<64x256xbf16>, vector<256x256xf32> -> vector<256x256xf32>
    %reduce_max3A_1942 = arith.constant dense<0xFF800000> : vector<256xf32>
    %reduce_max3A_1943 = vector.multi_reduction <maximumf>, %dot_general3A_1913, %reduce_max3A_1942 [0] : vector<256x256xf32> to vector<256xf32>
    %broadcast_in_dim3A_1944 = vector.shape_cast %reduce_max3A_1943 : vector<256xf32> to vector<1x256xf32>
    %sub3A_1945 = vector.broadcast %broadcast_in_dim3A_1944 : vector<1x256xf32> to vector<256x256xf32>
    %sub3A_1946 = arith.subf %sub3A_1945, %dot_general3A_1913 : vector<256x256xf32>
    %add3A_1947 = arith.addf %sub3A_1946, %convert_element_type3A : vector<256x256xf32>
    %reduce_min3A_1948 = arith.constant dense<0x7F800000> : vector<256xf32>
    %reduce_min3A_1949 = vector.multi_reduction <minimumf>, %add3A_1947, %reduce_min3A_1948 [0] : vector<256x256xf32> to vector<256xf32>
    %swap3A_1950 = arith.constant 68 : index
    %swap3A_1951 = arith.constant 0 : index
    %swap3A_1952 = vector.load %arg4[%swap3A_1950, %swap3A_1951] : memref<96x256xf32, #tpu.memory_space<vmem>>, vector<1x256xf32>
    %swap3A_1953 = vector.shape_cast %swap3A_1952 : vector<1x256xf32> to vector<256xf32>
    %swap3A_1954 = vector.shape_cast %reduce_min3A_1949 : vector<256xf32> to vector<1x256xf32>
    tpu.vector_store %arg4[%swap3A_1950, %swap3A_1951], %swap3A_1954 {strides = array<i32>} : memref<96x256xf32, #tpu.memory_space<vmem>>, vector<1x256xf32>,
    %slice3A_1955 = vector.extract_strided_slice %bitcast_convert_type3A_4 {offsets = [560, 0], sizes = [8, 256], strides = [1, 1]} : vector<768x256xf32> to vector<8x256xf32>
    %slice3A_1956 = vector.extract_strided_slice %bitcast_convert_type3A_4 {offsets = [560, 0], sizes = [8, 256], strides = [1, 1]} : vector<768x256xf32> to vector<8x256xf32>
    %slice3A_1957 = vector.extract_strided_slice %bitcast_convert_type3A_9 {offsets = [560, 0], sizes = [8, 256], strides = [1, 1]} : vector<768x256xf32> to vector<8x256xf32>
    %slice3A_1958 = vector.extract_strided_slice %bitcast_convert_type3A_4 {offsets = [560, 0], sizes = [8, 256], strides = [1, 1]} : vector<768x256xf32> to vector<8x256xf32>
    %slice3A_1959 = vector.extract_strided_slice %bitcast_convert_type3A_9 {offsets = [560, 0], sizes = [8, 256], strides = [1, 1]} : vector<768x256xf32> to vector<8x256xf32>
    %slice3A_1960 = vector.extract_strided_slice %sub3A_10 {offsets = [560, 0], sizes = [8, 256], strides = [1, 1]} : vector<768x256xf32> to vector<8x256xf32>
    %concatenate3A_1961 = tpu.concatenate %slice3A_1955, %slice3A_1956, %slice3A_1957, %slice3A_1958, %slice3A_1959, %slice3A_1960, %concatenate3A in 0 : vector<8x256xf32>, vector<8x256xf32>, vector<8x256xf32>, vector<8x256xf32>, vector<8x256xf32>, vector<8x256xf32>, vector<16x256xf32> -> vector<64x256xf32>
    %convert_element_type3A_1962 = arith.truncf %concatenate3A_1961 : vector<64x256xf32> to vector<64x256xbf16>
    %get3A_1963 = arith.constant 70 : index
    %get3A_1964 = arith.constant 0 : index
    %get3A_1965 = arith.constant 0 : index
    %get3A_1966 = vector.load %arg2[%get3A_1963, %get3A_1964, %get3A_1965] : memref<96x256x64xbf16, #tpu.memory_space<vmem>>, vector<1x256x64xbf16>
    %get3A_1967 = vector.shape_cast %get3A_1966 : vector<1x256x64xbf16> to vector<256x64xbf16>
    %dot_general3A_1968 = arith.constant dense<0.000000e+00> : vector<256x256xf32>
    %dot_general3A_1969 = tpu.matmul %get3A_1967, %convert_element_type3A_1962, %dot_general3A_1968 {dimension_numbers = #tpu.dot_dimension_numbers<[1], [0], [0], [1], [0, 0, 1, 1], [], []>, transpose_lhs_hint = false} : vector<256x64xbf16>, vector<64x256xbf16>, vector<256x256xf32> -> vector<256x256xf32>
    %reduce_max3A_1970 = arith.constant dense<0xFF800000> : vector<256xf32>
    %reduce_max3A_1971 = vector.multi_reduction <maximumf>, %dot_general3A_1941, %reduce_max3A_1970 [0] : vector<256x256xf32> to vector<256xf32>
    %broadcast_in_dim3A_1972 = vector.shape_cast %reduce_max3A_1971 : vector<256xf32> to vector<1x256xf32>
    %sub3A_1973 = vector.broadcast %broadcast_in_dim3A_1972 : vector<1x256xf32> to vector<256x256xf32>
    %sub3A_1974 = arith.subf %sub3A_1973, %dot_general3A_1941 : vector<256x256xf32>
    %add3A_1975 = arith.addf %sub3A_1974, %convert_element_type3A : vector<256x256xf32>
    %reduce_min3A_1976 = arith.constant dense<0x7F800000> : vector<256xf32>
    %reduce_min3A_1977 = vector.multi_reduction <minimumf>, %add3A_1975, %reduce_min3A_1976 [0] : vector<256x256xf32> to vector<256xf32>
    %swap3A_1978 = arith.constant 69 : index
    %swap3A_1979 = arith.constant 0 : index
    %swap3A_1980 = vector.load %arg4[%swap3A_1978, %swap3A_1979] : memref<96x256xf32, #tpu.memory_space<vmem>>, vector<1x256xf32>
    %swap3A_1981 = vector.shape_cast %swap3A_1980 : vector<1x256xf32> to vector<256xf32>
    %swap3A_1982 = vector.shape_cast %reduce_min3A_1977 : vector<256xf32> to vector<1x256xf32>
    tpu.vector_store %arg4[%swap3A_1978, %swap3A_1979], %swap3A_1982 {strides = array<i32>} : memref<96x256xf32, #tpu.memory_space<vmem>>, vector<1x256xf32>,
    %slice3A_1983 = vector.extract_strided_slice %bitcast_convert_type3A_4 {offsets = [568, 0], sizes = [8, 256], strides = [1, 1]} : vector<768x256xf32> to vector<8x256xf32>
    %slice3A_1984 = vector.extract_strided_slice %bitcast_convert_type3A_4 {offsets = [568, 0], sizes = [8, 256], strides = [1, 1]} : vector<768x256xf32> to vector<8x256xf32>
    %slice3A_1985 = vector.extract_strided_slice %bitcast_convert_type3A_9 {offsets = [568, 0], sizes = [8, 256], strides = [1, 1]} : vector<768x256xf32> to vector<8x256xf32>
    %slice3A_1986 = vector.extract_strided_slice %bitcast_convert_type3A_4 {offsets = [568, 0], sizes = [8, 256], strides = [1, 1]} : vector<768x256xf32> to vector<8x256xf32>
    %slice3A_1987 = vector.extract_strided_slice %bitcast_convert_type3A_9 {offsets = [568, 0], sizes = [8, 256], strides = [1, 1]} : vector<768x256xf32> to vector<8x256xf32>
    %slice3A_1988 = vector.extract_strided_slice %sub3A_10 {offsets = [568, 0], sizes = [8, 256], strides = [1, 1]} : vector<768x256xf32> to vector<8x256xf32>
    %concatenate3A_1989 = tpu.concatenate %slice3A_1983, %slice3A_1984, %slice3A_1985, %slice3A_1986, %slice3A_1987, %slice3A_1988, %concatenate3A in 0 : vector<8x256xf32>, vector<8x256xf32>, vector<8x256xf32>, vector<8x256xf32>, vector<8x256xf32>, vector<8x256xf32>, vector<16x256xf32> -> vector<64x256xf32>
    %convert_element_type3A_1990 = arith.truncf %concatenate3A_1989 : vector<64x256xf32> to vector<64x256xbf16>
    %get3A_1991 = arith.constant 71 : index
    %get3A_1992 = arith.constant 0 : index
    %get3A_1993 = arith.constant 0 : index
    %get3A_1994 = vector.load %arg2[%get3A_1991, %get3A_1992, %get3A_1993] : memref<96x256x64xbf16, #tpu.memory_space<vmem>>, vector<1x256x64xbf16>
    %get3A_1995 = vector.shape_cast %get3A_1994 : vector<1x256x64xbf16> to vector<256x64xbf16>
    %dot_general3A_1996 = arith.constant dense<0.000000e+00> : vector<256x256xf32>
    %dot_general3A_1997 = tpu.matmul %get3A_1995, %convert_element_type3A_1990, %dot_general3A_1996 {dimension_numbers = #tpu.dot_dimension_numbers<[1], [0], [0], [1], [0, 0, 1, 1], [], []>, transpose_lhs_hint = false} : vector<256x64xbf16>, vector<64x256xbf16>, vector<256x256xf32> -> vector<256x256xf32>
    %reduce_max3A_1998 = arith.constant dense<0xFF800000> : vector<256xf32>
    %reduce_max3A_1999 = vector.multi_reduction <maximumf>, %dot_general3A_1969, %reduce_max3A_1998 [0] : vector<256x256xf32> to vector<256xf32>
    %broadcast_in_dim3A_2000 = vector.shape_cast %reduce_max3A_1999 : vector<256xf32> to vector<1x256xf32>
    %sub3A_2001 = vector.broadcast %broadcast_in_dim3A_2000 : vector<1x256xf32> to vector<256x256xf32>
    %sub3A_2002 = arith.subf %sub3A_2001, %dot_general3A_1969 : vector<256x256xf32>
    %add3A_2003 = arith.addf %sub3A_2002, %convert_element_type3A : vector<256x256xf32>
    %reduce_min3A_2004 = arith.constant dense<0x7F800000> : vector<256xf32>
    %reduce_min3A_2005 = vector.multi_reduction <minimumf>, %add3A_2003, %reduce_min3A_2004 [0] : vector<256x256xf32> to vector<256xf32>
    %swap3A_2006 = arith.constant 70 : index
    %swap3A_2007 = arith.constant 0 : index
    %swap3A_2008 = vector.load %arg4[%swap3A_2006, %swap3A_2007] : memref<96x256xf32, #tpu.memory_space<vmem>>, vector<1x256xf32>
    %swap3A_2009 = vector.shape_cast %swap3A_2008 : vector<1x256xf32> to vector<256xf32>
    %swap3A_2010 = vector.shape_cast %reduce_min3A_2005 : vector<256xf32> to vector<1x256xf32>
    tpu.vector_store %arg4[%swap3A_2006, %swap3A_2007], %swap3A_2010 {strides = array<i32>} : memref<96x256xf32, #tpu.memory_space<vmem>>, vector<1x256xf32>,
    %slice3A_2011 = vector.extract_strided_slice %bitcast_convert_type3A_4 {offsets = [576, 0], sizes = [8, 256], strides = [1, 1]} : vector<768x256xf32> to vector<8x256xf32>
    %slice3A_2012 = vector.extract_strided_slice %bitcast_convert_type3A_4 {offsets = [576, 0], sizes = [8, 256], strides = [1, 1]} : vector<768x256xf32> to vector<8x256xf32>
    %slice3A_2013 = vector.extract_strided_slice %bitcast_convert_type3A_9 {offsets = [576, 0], sizes = [8, 256], strides = [1, 1]} : vector<768x256xf32> to vector<8x256xf32>
    %slice3A_2014 = vector.extract_strided_slice %bitcast_convert_type3A_4 {offsets = [576, 0], sizes = [8, 256], strides = [1, 1]} : vector<768x256xf32> to vector<8x256xf32>
    %slice3A_2015 = vector.extract_strided_slice %bitcast_convert_type3A_9 {offsets = [576, 0], sizes = [8, 256], strides = [1, 1]} : vector<768x256xf32> to vector<8x256xf32>
    %slice3A_2016 = vector.extract_strided_slice %sub3A_10 {offsets = [576, 0], sizes = [8, 256], strides = [1, 1]} : vector<768x256xf32> to vector<8x256xf32>
    %concatenate3A_2017 = tpu.concatenate %slice3A_2011, %slice3A_2012, %slice3A_2013, %slice3A_2014, %slice3A_2015, %slice3A_2016, %concatenate3A in 0 : vector<8x256xf32>, vector<8x256xf32>, vector<8x256xf32>, vector<8x256xf32>, vector<8x256xf32>, vector<8x256xf32>, vector<16x256xf32> -> vector<64x256xf32>
    %convert_element_type3A_2018 = arith.truncf %concatenate3A_2017 : vector<64x256xf32> to vector<64x256xbf16>
    %get3A_2019 = arith.constant 72 : index
    %get3A_2020 = arith.constant 0 : index
    %get3A_2021 = arith.constant 0 : index
    %get3A_2022 = vector.load %arg2[%get3A_2019, %get3A_2020, %get3A_2021] : memref<96x256x64xbf16, #tpu.memory_space<vmem>>, vector<1x256x64xbf16>
    %get3A_2023 = vector.shape_cast %get3A_2022 : vector<1x256x64xbf16> to vector<256x64xbf16>
    %dot_general3A_2024 = arith.constant dense<0.000000e+00> : vector<256x256xf32>
    %dot_general3A_2025 = tpu.matmul %get3A_2023, %convert_element_type3A_2018, %dot_general3A_2024 {dimension_numbers = #tpu.dot_dimension_numbers<[1], [0], [0], [1], [0, 0, 1, 1], [], []>, transpose_lhs_hint = false} : vector<256x64xbf16>, vector<64x256xbf16>, vector<256x256xf32> -> vector<256x256xf32>
    %reduce_max3A_2026 = arith.constant dense<0xFF800000> : vector<256xf32>
    %reduce_max3A_2027 = vector.multi_reduction <maximumf>, %dot_general3A_1997, %reduce_max3A_2026 [0] : vector<256x256xf32> to vector<256xf32>
    %broadcast_in_dim3A_2028 = vector.shape_cast %reduce_max3A_2027 : vector<256xf32> to vector<1x256xf32>
    %sub3A_2029 = vector.broadcast %broadcast_in_dim3A_2028 : vector<1x256xf32> to vector<256x256xf32>
    %sub3A_2030 = arith.subf %sub3A_2029, %dot_general3A_1997 : vector<256x256xf32>
    %add3A_2031 = arith.addf %sub3A_2030, %convert_element_type3A : vector<256x256xf32>
    %reduce_min3A_2032 = arith.constant dense<0x7F800000> : vector<256xf32>
    %reduce_min3A_2033 = vector.multi_reduction <minimumf>, %add3A_2031, %reduce_min3A_2032 [0] : vector<256x256xf32> to vector<256xf32>
    %swap3A_2034 = arith.constant 71 : index
    %swap3A_2035 = arith.constant 0 : index
    %swap3A_2036 = vector.load %arg4[%swap3A_2034, %swap3A_2035] : memref<96x256xf32, #tpu.memory_space<vmem>>, vector<1x256xf32>
    %swap3A_2037 = vector.shape_cast %swap3A_2036 : vector<1x256xf32> to vector<256xf32>
    %swap3A_2038 = vector.shape_cast %reduce_min3A_2033 : vector<256xf32> to vector<1x256xf32>
    tpu.vector_store %arg4[%swap3A_2034, %swap3A_2035], %swap3A_2038 {strides = array<i32>} : memref<96x256xf32, #tpu.memory_space<vmem>>, vector<1x256xf32>,
    %slice3A_2039 = vector.extract_strided_slice %bitcast_convert_type3A_4 {offsets = [584, 0], sizes = [8, 256], strides = [1, 1]} : vector<768x256xf32> to vector<8x256xf32>
    %slice3A_2040 = vector.extract_strided_slice %bitcast_convert_type3A_4 {offsets = [584, 0], sizes = [8, 256], strides = [1, 1]} : vector<768x256xf32> to vector<8x256xf32>
    %slice3A_2041 = vector.extract_strided_slice %bitcast_convert_type3A_9 {offsets = [584, 0], sizes = [8, 256], strides = [1, 1]} : vector<768x256xf32> to vector<8x256xf32>
    %slice3A_2042 = vector.extract_strided_slice %bitcast_convert_type3A_4 {offsets = [584, 0], sizes = [8, 256], strides = [1, 1]} : vector<768x256xf32> to vector<8x256xf32>
    %slice3A_2043 = vector.extract_strided_slice %bitcast_convert_type3A_9 {offsets = [584, 0], sizes = [8, 256], strides = [1, 1]} : vector<768x256xf32> to vector<8x256xf32>
    %slice3A_2044 = vector.extract_strided_slice %sub3A_10 {offsets = [584, 0], sizes = [8, 256], strides = [1, 1]} : vector<768x256xf32> to vector<8x256xf32>
    %concatenate3A_2045 = tpu.concatenate %slice3A_2039, %slice3A_2040, %slice3A_2041, %slice3A_2042, %slice3A_2043, %slice3A_2044, %concatenate3A in 0 : vector<8x256xf32>, vector<8x256xf32>, vector<8x256xf32>, vector<8x256xf32>, vector<8x256xf32>, vector<8x256xf32>, vector<16x256xf32> -> vector<64x256xf32>
    %convert_element_type3A_2046 = arith.truncf %concatenate3A_2045 : vector<64x256xf32> to vector<64x256xbf16>
    %get3A_2047 = arith.constant 73 : index
    %get3A_2048 = arith.constant 0 : index
    %get3A_2049 = arith.constant 0 : index
    %get3A_2050 = vector.load %arg2[%get3A_2047, %get3A_2048, %get3A_2049] : memref<96x256x64xbf16, #tpu.memory_space<vmem>>, vector<1x256x64xbf16>
    %get3A_2051 = vector.shape_cast %get3A_2050 : vector<1x256x64xbf16> to vector<256x64xbf16>
    %dot_general3A_2052 = arith.constant dense<0.000000e+00> : vector<256x256xf32>
    %dot_general3A_2053 = tpu.matmul %get3A_2051, %convert_element_type3A_2046, %dot_general3A_2052 {dimension_numbers = #tpu.dot_dimension_numbers<[1], [0], [0], [1], [0, 0, 1, 1], [], []>, transpose_lhs_hint = false} : vector<256x64xbf16>, vector<64x256xbf16>, vector<256x256xf32> -> vector<256x256xf32>
    %reduce_max3A_2054 = arith.constant dense<0xFF800000> : vector<256xf32>
    %reduce_max3A_2055 = vector.multi_reduction <maximumf>, %dot_general3A_2025, %reduce_max3A_2054 [0] : vector<256x256xf32> to vector<256xf32>
    %broadcast_in_dim3A_2056 = vector.shape_cast %reduce_max3A_2055 : vector<256xf32> to vector<1x256xf32>
    %sub3A_2057 = vector.broadcast %broadcast_in_dim3A_2056 : vector<1x256xf32> to vector<256x256xf32>
    %sub3A_2058 = arith.subf %sub3A_2057, %dot_general3A_2025 : vector<256x256xf32>
    %add3A_2059 = arith.addf %sub3A_2058, %convert_element_type3A : vector<256x256xf32>
    %reduce_min3A_2060 = arith.constant dense<0x7F800000> : vector<256xf32>
    %reduce_min3A_2061 = vector.multi_reduction <minimumf>, %add3A_2059, %reduce_min3A_2060 [0] : vector<256x256xf32> to vector<256xf32>
    %swap3A_2062 = arith.constant 72 : index
    %swap3A_2063 = arith.constant 0 : index
    %swap3A_2064 = vector.load %arg4[%swap3A_2062, %swap3A_2063] : memref<96x256xf32, #tpu.memory_space<vmem>>, vector<1x256xf32>
    %swap3A_2065 = vector.shape_cast %swap3A_2064 : vector<1x256xf32> to vector<256xf32>
    %swap3A_2066 = vector.shape_cast %reduce_min3A_2061 : vector<256xf32> to vector<1x256xf32>
    tpu.vector_store %arg4[%swap3A_2062, %swap3A_2063], %swap3A_2066 {strides = array<i32>} : memref<96x256xf32, #tpu.memory_space<vmem>>, vector<1x256xf32>,
    %slice3A_2067 = vector.extract_strided_slice %bitcast_convert_type3A_4 {offsets = [592, 0], sizes = [8, 256], strides = [1, 1]} : vector<768x256xf32> to vector<8x256xf32>
    %slice3A_2068 = vector.extract_strided_slice %bitcast_convert_type3A_4 {offsets = [592, 0], sizes = [8, 256], strides = [1, 1]} : vector<768x256xf32> to vector<8x256xf32>
    %slice3A_2069 = vector.extract_strided_slice %bitcast_convert_type3A_9 {offsets = [592, 0], sizes = [8, 256], strides = [1, 1]} : vector<768x256xf32> to vector<8x256xf32>
    %slice3A_2070 = vector.extract_strided_slice %bitcast_convert_type3A_4 {offsets = [592, 0], sizes = [8, 256], strides = [1, 1]} : vector<768x256xf32> to vector<8x256xf32>
    %slice3A_2071 = vector.extract_strided_slice %bitcast_convert_type3A_9 {offsets = [592, 0], sizes = [8, 256], strides = [1, 1]} : vector<768x256xf32> to vector<8x256xf32>
    %slice3A_2072 = vector.extract_strided_slice %sub3A_10 {offsets = [592, 0], sizes = [8, 256], strides = [1, 1]} : vector<768x256xf32> to vector<8x256xf32>
    %concatenate3A_2073 = tpu.concatenate %slice3A_2067, %slice3A_2068, %slice3A_2069, %slice3A_2070, %slice3A_2071, %slice3A_2072, %concatenate3A in 0 : vector<8x256xf32>, vector<8x256xf32>, vector<8x256xf32>, vector<8x256xf32>, vector<8x256xf32>, vector<8x256xf32>, vector<16x256xf32> -> vector<64x256xf32>
    %convert_element_type3A_2074 = arith.truncf %concatenate3A_2073 : vector<64x256xf32> to vector<64x256xbf16>
    %get3A_2075 = arith.constant 74 : index
    %get3A_2076 = arith.constant 0 : index
    %get3A_2077 = arith.constant 0 : index
    %get3A_2078 = vector.load %arg2[%get3A_2075, %get3A_2076, %get3A_2077] : memref<96x256x64xbf16, #tpu.memory_space<vmem>>, vector<1x256x64xbf16>
    %get3A_2079 = vector.shape_cast %get3A_2078 : vector<1x256x64xbf16> to vector<256x64xbf16>
    %dot_general3A_2080 = arith.constant dense<0.000000e+00> : vector<256x256xf32>
    %dot_general3A_2081 = tpu.matmul %get3A_2079, %convert_element_type3A_2074, %dot_general3A_2080 {dimension_numbers = #tpu.dot_dimension_numbers<[1], [0], [0], [1], [0, 0, 1, 1], [], []>, transpose_lhs_hint = false} : vector<256x64xbf16>, vector<64x256xbf16>, vector<256x256xf32> -> vector<256x256xf32>
    %reduce_max3A_2082 = arith.constant dense<0xFF800000> : vector<256xf32>
    %reduce_max3A_2083 = vector.multi_reduction <maximumf>, %dot_general3A_2053, %reduce_max3A_2082 [0] : vector<256x256xf32> to vector<256xf32>
    %broadcast_in_dim3A_2084 = vector.shape_cast %reduce_max3A_2083 : vector<256xf32> to vector<1x256xf32>
    %sub3A_2085 = vector.broadcast %broadcast_in_dim3A_2084 : vector<1x256xf32> to vector<256x256xf32>
    %sub3A_2086 = arith.subf %sub3A_2085, %dot_general3A_2053 : vector<256x256xf32>
    %add3A_2087 = arith.addf %sub3A_2086, %convert_element_type3A : vector<256x256xf32>
    %reduce_min3A_2088 = arith.constant dense<0x7F800000> : vector<256xf32>
    %reduce_min3A_2089 = vector.multi_reduction <minimumf>, %add3A_2087, %reduce_min3A_2088 [0] : vector<256x256xf32> to vector<256xf32>
    %swap3A_2090 = arith.constant 73 : index
    %swap3A_2091 = arith.constant 0 : index
    %swap3A_2092 = vector.load %arg4[%swap3A_2090, %swap3A_2091] : memref<96x256xf32, #tpu.memory_space<vmem>>, vector<1x256xf32>
    %swap3A_2093 = vector.shape_cast %swap3A_2092 : vector<1x256xf32> to vector<256xf32>
    %swap3A_2094 = vector.shape_cast %reduce_min3A_2089 : vector<256xf32> to vector<1x256xf32>
    tpu.vector_store %arg4[%swap3A_2090, %swap3A_2091], %swap3A_2094 {strides = array<i32>} : memref<96x256xf32, #tpu.memory_space<vmem>>, vector<1x256xf32>,
    %slice3A_2095 = vector.extract_strided_slice %bitcast_convert_type3A_4 {offsets = [600, 0], sizes = [8, 256], strides = [1, 1]} : vector<768x256xf32> to vector<8x256xf32>
    %slice3A_2096 = vector.extract_strided_slice %bitcast_convert_type3A_4 {offsets = [600, 0], sizes = [8, 256], strides = [1, 1]} : vector<768x256xf32> to vector<8x256xf32>
    %slice3A_2097 = vector.extract_strided_slice %bitcast_convert_type3A_9 {offsets = [600, 0], sizes = [8, 256], strides = [1, 1]} : vector<768x256xf32> to vector<8x256xf32>
    %slice3A_2098 = vector.extract_strided_slice %bitcast_convert_type3A_4 {offsets = [600, 0], sizes = [8, 256], strides = [1, 1]} : vector<768x256xf32> to vector<8x256xf32>
    %slice3A_2099 = vector.extract_strided_slice %bitcast_convert_type3A_9 {offsets = [600, 0], sizes = [8, 256], strides = [1, 1]} : vector<768x256xf32> to vector<8x256xf32>
    %slice3A_2100 = vector.extract_strided_slice %sub3A_10 {offsets = [600, 0], sizes = [8, 256], strides = [1, 1]} : vector<768x256xf32> to vector<8x256xf32>
    %concatenate3A_2101 = tpu.concatenate %slice3A_2095, %slice3A_2096, %slice3A_2097, %slice3A_2098, %slice3A_2099, %slice3A_2100, %concatenate3A in 0 : vector<8x256xf32>, vector<8x256xf32>, vector<8x256xf32>, vector<8x256xf32>, vector<8x256xf32>, vector<8x256xf32>, vector<16x256xf32> -> vector<64x256xf32>
    %convert_element_type3A_2102 = arith.truncf %concatenate3A_2101 : vector<64x256xf32> to vector<64x256xbf16>
    %get3A_2103 = arith.constant 75 : index
    %get3A_2104 = arith.constant 0 : index
    %get3A_2105 = arith.constant 0 : index
    %get3A_2106 = vector.load %arg2[%get3A_2103, %get3A_2104, %get3A_2105] : memref<96x256x64xbf16, #tpu.memory_space<vmem>>, vector<1x256x64xbf16>
    %get3A_2107 = vector.shape_cast %get3A_2106 : vector<1x256x64xbf16> to vector<256x64xbf16>
    %dot_general3A_2108 = arith.constant dense<0.000000e+00> : vector<256x256xf32>
    %dot_general3A_2109 = tpu.matmul %get3A_2107, %convert_element_type3A_2102, %dot_general3A_2108 {dimension_numbers = #tpu.dot_dimension_numbers<[1], [0], [0], [1], [0, 0, 1, 1], [], []>, transpose_lhs_hint = false} : vector<256x64xbf16>, vector<64x256xbf16>, vector<256x256xf32> -> vector<256x256xf32>
    %reduce_max3A_2110 = arith.constant dense<0xFF800000> : vector<256xf32>
    %reduce_max3A_2111 = vector.multi_reduction <maximumf>, %dot_general3A_2081, %reduce_max3A_2110 [0] : vector<256x256xf32> to vector<256xf32>
    %broadcast_in_dim3A_2112 = vector.shape_cast %reduce_max3A_2111 : vector<256xf32> to vector<1x256xf32>
    %sub3A_2113 = vector.broadcast %broadcast_in_dim3A_2112 : vector<1x256xf32> to vector<256x256xf32>
    %sub3A_2114 = arith.subf %sub3A_2113, %dot_general3A_2081 : vector<256x256xf32>
    %add3A_2115 = arith.addf %sub3A_2114, %convert_element_type3A : vector<256x256xf32>
    %reduce_min3A_2116 = arith.constant dense<0x7F800000> : vector<256xf32>
    %reduce_min3A_2117 = vector.multi_reduction <minimumf>, %add3A_2115, %reduce_min3A_2116 [0] : vector<256x256xf32> to vector<256xf32>
    %swap3A_2118 = arith.constant 74 : index
    %swap3A_2119 = arith.constant 0 : index
    %swap3A_2120 = vector.load %arg4[%swap3A_2118, %swap3A_2119] : memref<96x256xf32, #tpu.memory_space<vmem>>, vector<1x256xf32>
    %swap3A_2121 = vector.shape_cast %swap3A_2120 : vector<1x256xf32> to vector<256xf32>
    %swap3A_2122 = vector.shape_cast %reduce_min3A_2117 : vector<256xf32> to vector<1x256xf32>
    tpu.vector_store %arg4[%swap3A_2118, %swap3A_2119], %swap3A_2122 {strides = array<i32>} : memref<96x256xf32, #tpu.memory_space<vmem>>, vector<1x256xf32>,
    %slice3A_2123 = vector.extract_strided_slice %bitcast_convert_type3A_4 {offsets = [608, 0], sizes = [8, 256], strides = [1, 1]} : vector<768x256xf32> to vector<8x256xf32>
    %slice3A_2124 = vector.extract_strided_slice %bitcast_convert_type3A_4 {offsets = [608, 0], sizes = [8, 256], strides = [1, 1]} : vector<768x256xf32> to vector<8x256xf32>
    %slice3A_2125 = vector.extract_strided_slice %bitcast_convert_type3A_9 {offsets = [608, 0], sizes = [8, 256], strides = [1, 1]} : vector<768x256xf32> to vector<8x256xf32>
    %slice3A_2126 = vector.extract_strided_slice %bitcast_convert_type3A_4 {offsets = [608, 0], sizes = [8, 256], strides = [1, 1]} : vector<768x256xf32> to vector<8x256xf32>
    %slice3A_2127 = vector.extract_strided_slice %bitcast_convert_type3A_9 {offsets = [608, 0], sizes = [8, 256], strides = [1, 1]} : vector<768x256xf32> to vector<8x256xf32>
    %slice3A_2128 = vector.extract_strided_slice %sub3A_10 {offsets = [608, 0], sizes = [8, 256], strides = [1, 1]} : vector<768x256xf32> to vector<8x256xf32>
    %concatenate3A_2129 = tpu.concatenate %slice3A_2123, %slice3A_2124, %slice3A_2125, %slice3A_2126, %slice3A_2127, %slice3A_2128, %concatenate3A in 0 : vector<8x256xf32>, vector<8x256xf32>, vector<8x256xf32>, vector<8x256xf32>, vector<8x256xf32>, vector<8x256xf32>, vector<16x256xf32> -> vector<64x256xf32>
    %convert_element_type3A_2130 = arith.truncf %concatenate3A_2129 : vector<64x256xf32> to vector<64x256xbf16>
    %get3A_2131 = arith.constant 76 : index
    %get3A_2132 = arith.constant 0 : index
    %get3A_2133 = arith.constant 0 : index
    %get3A_2134 = vector.load %arg2[%get3A_2131, %get3A_2132, %get3A_2133] : memref<96x256x64xbf16, #tpu.memory_space<vmem>>, vector<1x256x64xbf16>
    %get3A_2135 = vector.shape_cast %get3A_2134 : vector<1x256x64xbf16> to vector<256x64xbf16>
    %dot_general3A_2136 = arith.constant dense<0.000000e+00> : vector<256x256xf32>
    %dot_general3A_2137 = tpu.matmul %get3A_2135, %convert_element_type3A_2130, %dot_general3A_2136 {dimension_numbers = #tpu.dot_dimension_numbers<[1], [0], [0], [1], [0, 0, 1, 1], [], []>, transpose_lhs_hint = false} : vector<256x64xbf16>, vector<64x256xbf16>, vector<256x256xf32> -> vector<256x256xf32>
    %reduce_max3A_2138 = arith.constant dense<0xFF800000> : vector<256xf32>
    %reduce_max3A_2139 = vector.multi_reduction <maximumf>, %dot_general3A_2109, %reduce_max3A_2138 [0] : vector<256x256xf32> to vector<256xf32>
    %broadcast_in_dim3A_2140 = vector.shape_cast %reduce_max3A_2139 : vector<256xf32> to vector<1x256xf32>
    %sub3A_2141 = vector.broadcast %broadcast_in_dim3A_2140 : vector<1x256xf32> to vector<256x256xf32>
    %sub3A_2142 = arith.subf %sub3A_2141, %dot_general3A_2109 : vector<256x256xf32>
    %add3A_2143 = arith.addf %sub3A_2142, %convert_element_type3A : vector<256x256xf32>
    %reduce_min3A_2144 = arith.constant dense<0x7F800000> : vector<256xf32>
    %reduce_min3A_2145 = vector.multi_reduction <minimumf>, %add3A_2143, %reduce_min3A_2144 [0] : vector<256x256xf32> to vector<256xf32>
    %swap3A_2146 = arith.constant 75 : index
    %swap3A_2147 = arith.constant 0 : index
    %swap3A_2148 = vector.load %arg4[%swap3A_2146, %swap3A_2147] : memref<96x256xf32, #tpu.memory_space<vmem>>, vector<1x256xf32>
    %swap3A_2149 = vector.shape_cast %swap3A_2148 : vector<1x256xf32> to vector<256xf32>
    %swap3A_2150 = vector.shape_cast %reduce_min3A_2145 : vector<256xf32> to vector<1x256xf32>
    tpu.vector_store %arg4[%swap3A_2146, %swap3A_2147], %swap3A_2150 {strides = array<i32>} : memref<96x256xf32, #tpu.memory_space<vmem>>, vector<1x256xf32>,
    %slice3A_2151 = vector.extract_strided_slice %bitcast_convert_type3A_4 {offsets = [616, 0], sizes = [8, 256], strides = [1, 1]} : vector<768x256xf32> to vector<8x256xf32>
    %slice3A_2152 = vector.extract_strided_slice %bitcast_convert_type3A_4 {offsets = [616, 0], sizes = [8, 256], strides = [1, 1]} : vector<768x256xf32> to vector<8x256xf32>
    %slice3A_2153 = vector.extract_strided_slice %bitcast_convert_type3A_9 {offsets = [616, 0], sizes = [8, 256], strides = [1, 1]} : vector<768x256xf32> to vector<8x256xf32>
    %slice3A_2154 = vector.extract_strided_slice %bitcast_convert_type3A_4 {offsets = [616, 0], sizes = [8, 256], strides = [1, 1]} : vector<768x256xf32> to vector<8x256xf32>
    %slice3A_2155 = vector.extract_strided_slice %bitcast_convert_type3A_9 {offsets = [616, 0], sizes = [8, 256], strides = [1, 1]} : vector<768x256xf32> to vector<8x256xf32>
    %slice3A_2156 = vector.extract_strided_slice %sub3A_10 {offsets = [616, 0], sizes = [8, 256], strides = [1, 1]} : vector<768x256xf32> to vector<8x256xf32>
    %concatenate3A_2157 = tpu.concatenate %slice3A_2151, %slice3A_2152, %slice3A_2153, %slice3A_2154, %slice3A_2155, %slice3A_2156, %concatenate3A in 0 : vector<8x256xf32>, vector<8x256xf32>, vector<8x256xf32>, vector<8x256xf32>, vector<8x256xf32>, vector<8x256xf32>, vector<16x256xf32> -> vector<64x256xf32>
    %convert_element_type3A_2158 = arith.truncf %concatenate3A_2157 : vector<64x256xf32> to vector<64x256xbf16>
    %get3A_2159 = arith.constant 77 : index
    %get3A_2160 = arith.constant 0 : index
    %get3A_2161 = arith.constant 0 : index
    %get3A_2162 = vector.load %arg2[%get3A_2159, %get3A_2160, %get3A_2161] : memref<96x256x64xbf16, #tpu.memory_space<vmem>>, vector<1x256x64xbf16>
    %get3A_2163 = vector.shape_cast %get3A_2162 : vector<1x256x64xbf16> to vector<256x64xbf16>
    %dot_general3A_2164 = arith.constant dense<0.000000e+00> : vector<256x256xf32>
    %dot_general3A_2165 = tpu.matmul %get3A_2163, %convert_element_type3A_2158, %dot_general3A_2164 {dimension_numbers = #tpu.dot_dimension_numbers<[1], [0], [0], [1], [0, 0, 1, 1], [], []>, transpose_lhs_hint = false} : vector<256x64xbf16>, vector<64x256xbf16>, vector<256x256xf32> -> vector<256x256xf32>
    %reduce_max3A_2166 = arith.constant dense<0xFF800000> : vector<256xf32>
    %reduce_max3A_2167 = vector.multi_reduction <maximumf>, %dot_general3A_2137, %reduce_max3A_2166 [0] : vector<256x256xf32> to vector<256xf32>
    %broadcast_in_dim3A_2168 = vector.shape_cast %reduce_max3A_2167 : vector<256xf32> to vector<1x256xf32>
    %sub3A_2169 = vector.broadcast %broadcast_in_dim3A_2168 : vector<1x256xf32> to vector<256x256xf32>
    %sub3A_2170 = arith.subf %sub3A_2169, %dot_general3A_2137 : vector<256x256xf32>
    %add3A_2171 = arith.addf %sub3A_2170, %convert_element_type3A : vector<256x256xf32>
    %reduce_min3A_2172 = arith.constant dense<0x7F800000> : vector<256xf32>
    %reduce_min3A_2173 = vector.multi_reduction <minimumf>, %add3A_2171, %reduce_min3A_2172 [0] : vector<256x256xf32> to vector<256xf32>
    %swap3A_2174 = arith.constant 76 : index
    %swap3A_2175 = arith.constant 0 : index
    %swap3A_2176 = vector.load %arg4[%swap3A_2174, %swap3A_2175] : memref<96x256xf32, #tpu.memory_space<vmem>>, vector<1x256xf32>
    %swap3A_2177 = vector.shape_cast %swap3A_2176 : vector<1x256xf32> to vector<256xf32>
    %swap3A_2178 = vector.shape_cast %reduce_min3A_2173 : vector<256xf32> to vector<1x256xf32>
    tpu.vector_store %arg4[%swap3A_2174, %swap3A_2175], %swap3A_2178 {strides = array<i32>} : memref<96x256xf32, #tpu.memory_space<vmem>>, vector<1x256xf32>,
    %slice3A_2179 = vector.extract_strided_slice %bitcast_convert_type3A_4 {offsets = [624, 0], sizes = [8, 256], strides = [1, 1]} : vector<768x256xf32> to vector<8x256xf32>
    %slice3A_2180 = vector.extract_strided_slice %bitcast_convert_type3A_4 {offsets = [624, 0], sizes = [8, 256], strides = [1, 1]} : vector<768x256xf32> to vector<8x256xf32>
    %slice3A_2181 = vector.extract_strided_slice %bitcast_convert_type3A_9 {offsets = [624, 0], sizes = [8, 256], strides = [1, 1]} : vector<768x256xf32> to vector<8x256xf32>
    %slice3A_2182 = vector.extract_strided_slice %bitcast_convert_type3A_4 {offsets = [624, 0], sizes = [8, 256], strides = [1, 1]} : vector<768x256xf32> to vector<8x256xf32>
    %slice3A_2183 = vector.extract_strided_slice %bitcast_convert_type3A_9 {offsets = [624, 0], sizes = [8, 256], strides = [1, 1]} : vector<768x256xf32> to vector<8x256xf32>
    %slice3A_2184 = vector.extract_strided_slice %sub3A_10 {offsets = [624, 0], sizes = [8, 256], strides = [1, 1]} : vector<768x256xf32> to vector<8x256xf32>
    %concatenate3A_2185 = tpu.concatenate %slice3A_2179, %slice3A_2180, %slice3A_2181, %slice3A_2182, %slice3A_2183, %slice3A_2184, %concatenate3A in 0 : vector<8x256xf32>, vector<8x256xf32>, vector<8x256xf32>, vector<8x256xf32>, vector<8x256xf32>, vector<8x256xf32>, vector<16x256xf32> -> vector<64x256xf32>
    %convert_element_type3A_2186 = arith.truncf %concatenate3A_2185 : vector<64x256xf32> to vector<64x256xbf16>
    %get3A_2187 = arith.constant 78 : index
    %get3A_2188 = arith.constant 0 : index
    %get3A_2189 = arith.constant 0 : index
    %get3A_2190 = vector.load %arg2[%get3A_2187, %get3A_2188, %get3A_2189] : memref<96x256x64xbf16, #tpu.memory_space<vmem>>, vector<1x256x64xbf16>
    %get3A_2191 = vector.shape_cast %get3A_2190 : vector<1x256x64xbf16> to vector<256x64xbf16>
    %dot_general3A_2192 = arith.constant dense<0.000000e+00> : vector<256x256xf32>
    %dot_general3A_2193 = tpu.matmul %get3A_2191, %convert_element_type3A_2186, %dot_general3A_2192 {dimension_numbers = #tpu.dot_dimension_numbers<[1], [0], [0], [1], [0, 0, 1, 1], [], []>, transpose_lhs_hint = false} : vector<256x64xbf16>, vector<64x256xbf16>, vector<256x256xf32> -> vector<256x256xf32>
    %reduce_max3A_2194 = arith.constant dense<0xFF800000> : vector<256xf32>
    %reduce_max3A_2195 = vector.multi_reduction <maximumf>, %dot_general3A_2165, %reduce_max3A_2194 [0] : vector<256x256xf32> to vector<256xf32>
    %broadcast_in_dim3A_2196 = vector.shape_cast %reduce_max3A_2195 : vector<256xf32> to vector<1x256xf32>
    %sub3A_2197 = vector.broadcast %broadcast_in_dim3A_2196 : vector<1x256xf32> to vector<256x256xf32>
    %sub3A_2198 = arith.subf %sub3A_2197, %dot_general3A_2165 : vector<256x256xf32>
    %add3A_2199 = arith.addf %sub3A_2198, %convert_element_type3A : vector<256x256xf32>
    %reduce_min3A_2200 = arith.constant dense<0x7F800000> : vector<256xf32>
    %reduce_min3A_2201 = vector.multi_reduction <minimumf>, %add3A_2199, %reduce_min3A_2200 [0] : vector<256x256xf32> to vector<256xf32>
    %swap3A_2202 = arith.constant 77 : index
    %swap3A_2203 = arith.constant 0 : index
    %swap3A_2204 = vector.load %arg4[%swap3A_2202, %swap3A_2203] : memref<96x256xf32, #tpu.memory_space<vmem>>, vector<1x256xf32>
    %swap3A_2205 = vector.shape_cast %swap3A_2204 : vector<1x256xf32> to vector<256xf32>
    %swap3A_2206 = vector.shape_cast %reduce_min3A_2201 : vector<256xf32> to vector<1x256xf32>
    tpu.vector_store %arg4[%swap3A_2202, %swap3A_2203], %swap3A_2206 {strides = array<i32>} : memref<96x256xf32, #tpu.memory_space<vmem>>, vector<1x256xf32>,
    %slice3A_2207 = vector.extract_strided_slice %bitcast_convert_type3A_4 {offsets = [632, 0], sizes = [8, 256], strides = [1, 1]} : vector<768x256xf32> to vector<8x256xf32>
    %slice3A_2208 = vector.extract_strided_slice %bitcast_convert_type3A_4 {offsets = [632, 0], sizes = [8, 256], strides = [1, 1]} : vector<768x256xf32> to vector<8x256xf32>
    %slice3A_2209 = vector.extract_strided_slice %bitcast_convert_type3A_9 {offsets = [632, 0], sizes = [8, 256], strides = [1, 1]} : vector<768x256xf32> to vector<8x256xf32>
    %slice3A_2210 = vector.extract_strided_slice %bitcast_convert_type3A_4 {offsets = [632, 0], sizes = [8, 256], strides = [1, 1]} : vector<768x256xf32> to vector<8x256xf32>
    %slice3A_2211 = vector.extract_strided_slice %bitcast_convert_type3A_9 {offsets = [632, 0], sizes = [8, 256], strides = [1, 1]} : vector<768x256xf32> to vector<8x256xf32>
    %slice3A_2212 = vector.extract_strided_slice %sub3A_10 {offsets = [632, 0], sizes = [8, 256], strides = [1, 1]} : vector<768x256xf32> to vector<8x256xf32>
    %concatenate3A_2213 = tpu.concatenate %slice3A_2207, %slice3A_2208, %slice3A_2209, %slice3A_2210, %slice3A_2211, %slice3A_2212, %concatenate3A in 0 : vector<8x256xf32>, vector<8x256xf32>, vector<8x256xf32>, vector<8x256xf32>, vector<8x256xf32>, vector<8x256xf32>, vector<16x256xf32> -> vector<64x256xf32>
    %convert_element_type3A_2214 = arith.truncf %concatenate3A_2213 : vector<64x256xf32> to vector<64x256xbf16>
    %get3A_2215 = arith.constant 79 : index
    %get3A_2216 = arith.constant 0 : index
    %get3A_2217 = arith.constant 0 : index
    %get3A_2218 = vector.load %arg2[%get3A_2215, %get3A_2216, %get3A_2217] : memref<96x256x64xbf16, #tpu.memory_space<vmem>>, vector<1x256x64xbf16>
    %get3A_2219 = vector.shape_cast %get3A_2218 : vector<1x256x64xbf16> to vector<256x64xbf16>
    %dot_general3A_2220 = arith.constant dense<0.000000e+00> : vector<256x256xf32>
    %dot_general3A_2221 = tpu.matmul %get3A_2219, %convert_element_type3A_2214, %dot_general3A_2220 {dimension_numbers = #tpu.dot_dimension_numbers<[1], [0], [0], [1], [0, 0, 1, 1], [], []>, transpose_lhs_hint = false} : vector<256x64xbf16>, vector<64x256xbf16>, vector<256x256xf32> -> vector<256x256xf32>
    %reduce_max3A_2222 = arith.constant dense<0xFF800000> : vector<256xf32>
    %reduce_max3A_2223 = vector.multi_reduction <maximumf>, %dot_general3A_2193, %reduce_max3A_2222 [0] : vector<256x256xf32> to vector<256xf32>
    %broadcast_in_dim3A_2224 = vector.shape_cast %reduce_max3A_2223 : vector<256xf32> to vector<1x256xf32>
    %sub3A_2225 = vector.broadcast %broadcast_in_dim3A_2224 : vector<1x256xf32> to vector<256x256xf32>
    %sub3A_2226 = arith.subf %sub3A_2225, %dot_general3A_2193 : vector<256x256xf32>
    %add3A_2227 = arith.addf %sub3A_2226, %convert_element_type3A : vector<256x256xf32>
    %reduce_min3A_2228 = arith.constant dense<0x7F800000> : vector<256xf32>
    %reduce_min3A_2229 = vector.multi_reduction <minimumf>, %add3A_2227, %reduce_min3A_2228 [0] : vector<256x256xf32> to vector<256xf32>
    %swap3A_2230 = arith.constant 78 : index
    %swap3A_2231 = arith.constant 0 : index
    %swap3A_2232 = vector.load %arg4[%swap3A_2230, %swap3A_2231] : memref<96x256xf32, #tpu.memory_space<vmem>>, vector<1x256xf32>
    %swap3A_2233 = vector.shape_cast %swap3A_2232 : vector<1x256xf32> to vector<256xf32>
    %swap3A_2234 = vector.shape_cast %reduce_min3A_2229 : vector<256xf32> to vector<1x256xf32>
    tpu.vector_store %arg4[%swap3A_2230, %swap3A_2231], %swap3A_2234 {strides = array<i32>} : memref<96x256xf32, #tpu.memory_space<vmem>>, vector<1x256xf32>,
    %slice3A_2235 = vector.extract_strided_slice %bitcast_convert_type3A_4 {offsets = [640, 0], sizes = [8, 256], strides = [1, 1]} : vector<768x256xf32> to vector<8x256xf32>
    %slice3A_2236 = vector.extract_strided_slice %bitcast_convert_type3A_4 {offsets = [640, 0], sizes = [8, 256], strides = [1, 1]} : vector<768x256xf32> to vector<8x256xf32>
    %slice3A_2237 = vector.extract_strided_slice %bitcast_convert_type3A_9 {offsets = [640, 0], sizes = [8, 256], strides = [1, 1]} : vector<768x256xf32> to vector<8x256xf32>
    %slice3A_2238 = vector.extract_strided_slice %bitcast_convert_type3A_4 {offsets = [640, 0], sizes = [8, 256], strides = [1, 1]} : vector<768x256xf32> to vector<8x256xf32>
    %slice3A_2239 = vector.extract_strided_slice %bitcast_convert_type3A_9 {offsets = [640, 0], sizes = [8, 256], strides = [1, 1]} : vector<768x256xf32> to vector<8x256xf32>
    %slice3A_2240 = vector.extract_strided_slice %sub3A_10 {offsets = [640, 0], sizes = [8, 256], strides = [1, 1]} : vector<768x256xf32> to vector<8x256xf32>
    %concatenate3A_2241 = tpu.concatenate %slice3A_2235, %slice3A_2236, %slice3A_2237, %slice3A_2238, %slice3A_2239, %slice3A_2240, %concatenate3A in 0 : vector<8x256xf32>, vector<8x256xf32>, vector<8x256xf32>, vector<8x256xf32>, vector<8x256xf32>, vector<8x256xf32>, vector<16x256xf32> -> vector<64x256xf32>
    %convert_element_type3A_2242 = arith.truncf %concatenate3A_2241 : vector<64x256xf32> to vector<64x256xbf16>
    %get3A_2243 = arith.constant 80 : index
    %get3A_2244 = arith.constant 0 : index
    %get3A_2245 = arith.constant 0 : index
    %get3A_2246 = vector.load %arg2[%get3A_2243, %get3A_2244, %get3A_2245] : memref<96x256x64xbf16, #tpu.memory_space<vmem>>, vector<1x256x64xbf16>
    %get3A_2247 = vector.shape_cast %get3A_2246 : vector<1x256x64xbf16> to vector<256x64xbf16>
    %dot_general3A_2248 = arith.constant dense<0.000000e+00> : vector<256x256xf32>
    %dot_general3A_2249 = tpu.matmul %get3A_2247, %convert_element_type3A_2242, %dot_general3A_2248 {dimension_numbers = #tpu.dot_dimension_numbers<[1], [0], [0], [1], [0, 0, 1, 1], [], []>, transpose_lhs_hint = false} : vector<256x64xbf16>, vector<64x256xbf16>, vector<256x256xf32> -> vector<256x256xf32>
    %reduce_max3A_2250 = arith.constant dense<0xFF800000> : vector<256xf32>
    %reduce_max3A_2251 = vector.multi_reduction <maximumf>, %dot_general3A_2221, %reduce_max3A_2250 [0] : vector<256x256xf32> to vector<256xf32>
    %broadcast_in_dim3A_2252 = vector.shape_cast %reduce_max3A_2251 : vector<256xf32> to vector<1x256xf32>
    %sub3A_2253 = vector.broadcast %broadcast_in_dim3A_2252 : vector<1x256xf32> to vector<256x256xf32>
    %sub3A_2254 = arith.subf %sub3A_2253, %dot_general3A_2221 : vector<256x256xf32>
    %add3A_2255 = arith.addf %sub3A_2254, %convert_element_type3A : vector<256x256xf32>
    %reduce_min3A_2256 = arith.constant dense<0x7F800000> : vector<256xf32>
    %reduce_min3A_2257 = vector.multi_reduction <minimumf>, %add3A_2255, %reduce_min3A_2256 [0] : vector<256x256xf32> to vector<256xf32>
    %swap3A_2258 = arith.constant 79 : index
    %swap3A_2259 = arith.constant 0 : index
    %swap3A_2260 = vector.load %arg4[%swap3A_2258, %swap3A_2259] : memref<96x256xf32, #tpu.memory_space<vmem>>, vector<1x256xf32>
    %swap3A_2261 = vector.shape_cast %swap3A_2260 : vector<1x256xf32> to vector<256xf32>
    %swap3A_2262 = vector.shape_cast %reduce_min3A_2257 : vector<256xf32> to vector<1x256xf32>
    tpu.vector_store %arg4[%swap3A_2258, %swap3A_2259], %swap3A_2262 {strides = array<i32>} : memref<96x256xf32, #tpu.memory_space<vmem>>, vector<1x256xf32>,
    %slice3A_2263 = vector.extract_strided_slice %bitcast_convert_type3A_4 {offsets = [648, 0], sizes = [8, 256], strides = [1, 1]} : vector<768x256xf32> to vector<8x256xf32>
    %slice3A_2264 = vector.extract_strided_slice %bitcast_convert_type3A_4 {offsets = [648, 0], sizes = [8, 256], strides = [1, 1]} : vector<768x256xf32> to vector<8x256xf32>
    %slice3A_2265 = vector.extract_strided_slice %bitcast_convert_type3A_9 {offsets = [648, 0], sizes = [8, 256], strides = [1, 1]} : vector<768x256xf32> to vector<8x256xf32>
    %slice3A_2266 = vector.extract_strided_slice %bitcast_convert_type3A_4 {offsets = [648, 0], sizes = [8, 256], strides = [1, 1]} : vector<768x256xf32> to vector<8x256xf32>
    %slice3A_2267 = vector.extract_strided_slice %bitcast_convert_type3A_9 {offsets = [648, 0], sizes = [8, 256], strides = [1, 1]} : vector<768x256xf32> to vector<8x256xf32>
    %slice3A_2268 = vector.extract_strided_slice %sub3A_10 {offsets = [648, 0], sizes = [8, 256], strides = [1, 1]} : vector<768x256xf32> to vector<8x256xf32>
    %concatenate3A_2269 = tpu.concatenate %slice3A_2263, %slice3A_2264, %slice3A_2265, %slice3A_2266, %slice3A_2267, %slice3A_2268, %concatenate3A in 0 : vector<8x256xf32>, vector<8x256xf32>, vector<8x256xf32>, vector<8x256xf32>, vector<8x256xf32>, vector<8x256xf32>, vector<16x256xf32> -> vector<64x256xf32>
    %convert_element_type3A_2270 = arith.truncf %concatenate3A_2269 : vector<64x256xf32> to vector<64x256xbf16>
    %get3A_2271 = arith.constant 81 : index
    %get3A_2272 = arith.constant 0 : index
    %get3A_2273 = arith.constant 0 : index
    %get3A_2274 = vector.load %arg2[%get3A_2271, %get3A_2272, %get3A_2273] : memref<96x256x64xbf16, #tpu.memory_space<vmem>>, vector<1x256x64xbf16>
    %get3A_2275 = vector.shape_cast %get3A_2274 : vector<1x256x64xbf16> to vector<256x64xbf16>
    %dot_general3A_2276 = arith.constant dense<0.000000e+00> : vector<256x256xf32>
    %dot_general3A_2277 = tpu.matmul %get3A_2275, %convert_element_type3A_2270, %dot_general3A_2276 {dimension_numbers = #tpu.dot_dimension_numbers<[1], [0], [0], [1], [0, 0, 1, 1], [], []>, transpose_lhs_hint = false} : vector<256x64xbf16>, vector<64x256xbf16>, vector<256x256xf32> -> vector<256x256xf32>
    %reduce_max3A_2278 = arith.constant dense<0xFF800000> : vector<256xf32>
    %reduce_max3A_2279 = vector.multi_reduction <maximumf>, %dot_general3A_2249, %reduce_max3A_2278 [0] : vector<256x256xf32> to vector<256xf32>
    %broadcast_in_dim3A_2280 = vector.shape_cast %reduce_max3A_2279 : vector<256xf32> to vector<1x256xf32>
    %sub3A_2281 = vector.broadcast %broadcast_in_dim3A_2280 : vector<1x256xf32> to vector<256x256xf32>
    %sub3A_2282 = arith.subf %sub3A_2281, %dot_general3A_2249 : vector<256x256xf32>
    %add3A_2283 = arith.addf %sub3A_2282, %convert_element_type3A : vector<256x256xf32>
    %reduce_min3A_2284 = arith.constant dense<0x7F800000> : vector<256xf32>
    %reduce_min3A_2285 = vector.multi_reduction <minimumf>, %add3A_2283, %reduce_min3A_2284 [0] : vector<256x256xf32> to vector<256xf32>
    %swap3A_2286 = arith.constant 80 : index
    %swap3A_2287 = arith.constant 0 : index
    %swap3A_2288 = vector.load %arg4[%swap3A_2286, %swap3A_2287] : memref<96x256xf32, #tpu.memory_space<vmem>>, vector<1x256xf32>
    %swap3A_2289 = vector.shape_cast %swap3A_2288 : vector<1x256xf32> to vector<256xf32>
    %swap3A_2290 = vector.shape_cast %reduce_min3A_2285 : vector<256xf32> to vector<1x256xf32>
    tpu.vector_store %arg4[%swap3A_2286, %swap3A_2287], %swap3A_2290 {strides = array<i32>} : memref<96x256xf32, #tpu.memory_space<vmem>>, vector<1x256xf32>,
    %slice3A_2291 = vector.extract_strided_slice %bitcast_convert_type3A_4 {offsets = [656, 0], sizes = [8, 256], strides = [1, 1]} : vector<768x256xf32> to vector<8x256xf32>
    %slice3A_2292 = vector.extract_strided_slice %bitcast_convert_type3A_4 {offsets = [656, 0], sizes = [8, 256], strides = [1, 1]} : vector<768x256xf32> to vector<8x256xf32>
    %slice3A_2293 = vector.extract_strided_slice %bitcast_convert_type3A_9 {offsets = [656, 0], sizes = [8, 256], strides = [1, 1]} : vector<768x256xf32> to vector<8x256xf32>
    %slice3A_2294 = vector.extract_strided_slice %bitcast_convert_type3A_4 {offsets = [656, 0], sizes = [8, 256], strides = [1, 1]} : vector<768x256xf32> to vector<8x256xf32>
    %slice3A_2295 = vector.extract_strided_slice %bitcast_convert_type3A_9 {offsets = [656, 0], sizes = [8, 256], strides = [1, 1]} : vector<768x256xf32> to vector<8x256xf32>
    %slice3A_2296 = vector.extract_strided_slice %sub3A_10 {offsets = [656, 0], sizes = [8, 256], strides = [1, 1]} : vector<768x256xf32> to vector<8x256xf32>
    %concatenate3A_2297 = tpu.concatenate %slice3A_2291, %slice3A_2292, %slice3A_2293, %slice3A_2294, %slice3A_2295, %slice3A_2296, %concatenate3A in 0 : vector<8x256xf32>, vector<8x256xf32>, vector<8x256xf32>, vector<8x256xf32>, vector<8x256xf32>, vector<8x256xf32>, vector<16x256xf32> -> vector<64x256xf32>
    %convert_element_type3A_2298 = arith.truncf %concatenate3A_2297 : vector<64x256xf32> to vector<64x256xbf16>
    %get3A_2299 = arith.constant 82 : index
    %get3A_2300 = arith.constant 0 : index
    %get3A_2301 = arith.constant 0 : index
    %get3A_2302 = vector.load %arg2[%get3A_2299, %get3A_2300, %get3A_2301] : memref<96x256x64xbf16, #tpu.memory_space<vmem>>, vector<1x256x64xbf16>
    %get3A_2303 = vector.shape_cast %get3A_2302 : vector<1x256x64xbf16> to vector<256x64xbf16>
    %dot_general3A_2304 = arith.constant dense<0.000000e+00> : vector<256x256xf32>
    %dot_general3A_2305 = tpu.matmul %get3A_2303, %convert_element_type3A_2298, %dot_general3A_2304 {dimension_numbers = #tpu.dot_dimension_numbers<[1], [0], [0], [1], [0, 0, 1, 1], [], []>, transpose_lhs_hint = false} : vector<256x64xbf16>, vector<64x256xbf16>, vector<256x256xf32> -> vector<256x256xf32>
    %reduce_max3A_2306 = arith.constant dense<0xFF800000> : vector<256xf32>
    %reduce_max3A_2307 = vector.multi_reduction <maximumf>, %dot_general3A_2277, %reduce_max3A_2306 [0] : vector<256x256xf32> to vector<256xf32>
    %broadcast_in_dim3A_2308 = vector.shape_cast %reduce_max3A_2307 : vector<256xf32> to vector<1x256xf32>
    %sub3A_2309 = vector.broadcast %broadcast_in_dim3A_2308 : vector<1x256xf32> to vector<256x256xf32>
    %sub3A_2310 = arith.subf %sub3A_2309, %dot_general3A_2277 : vector<256x256xf32>
    %add3A_2311 = arith.addf %sub3A_2310, %convert_element_type3A : vector<256x256xf32>
    %reduce_min3A_2312 = arith.constant dense<0x7F800000> : vector<256xf32>
    %reduce_min3A_2313 = vector.multi_reduction <minimumf>, %add3A_2311, %reduce_min3A_2312 [0] : vector<256x256xf32> to vector<256xf32>
    %swap3A_2314 = arith.constant 81 : index
    %swap3A_2315 = arith.constant 0 : index
    %swap3A_2316 = vector.load %arg4[%swap3A_2314, %swap3A_2315] : memref<96x256xf32, #tpu.memory_space<vmem>>, vector<1x256xf32>
    %swap3A_2317 = vector.shape_cast %swap3A_2316 : vector<1x256xf32> to vector<256xf32>
    %swap3A_2318 = vector.shape_cast %reduce_min3A_2313 : vector<256xf32> to vector<1x256xf32>
    tpu.vector_store %arg4[%swap3A_2314, %swap3A_2315], %swap3A_2318 {strides = array<i32>} : memref<96x256xf32, #tpu.memory_space<vmem>>, vector<1x256xf32>,
    %slice3A_2319 = vector.extract_strided_slice %bitcast_convert_type3A_4 {offsets = [664, 0], sizes = [8, 256], strides = [1, 1]} : vector<768x256xf32> to vector<8x256xf32>
    %slice3A_2320 = vector.extract_strided_slice %bitcast_convert_type3A_4 {offsets = [664, 0], sizes = [8, 256], strides = [1, 1]} : vector<768x256xf32> to vector<8x256xf32>
    %slice3A_2321 = vector.extract_strided_slice %bitcast_convert_type3A_9 {offsets = [664, 0], sizes = [8, 256], strides = [1, 1]} : vector<768x256xf32> to vector<8x256xf32>
    %slice3A_2322 = vector.extract_strided_slice %bitcast_convert_type3A_4 {offsets = [664, 0], sizes = [8, 256], strides = [1, 1]} : vector<768x256xf32> to vector<8x256xf32>
    %slice3A_2323 = vector.extract_strided_slice %bitcast_convert_type3A_9 {offsets = [664, 0], sizes = [8, 256], strides = [1, 1]} : vector<768x256xf32> to vector<8x256xf32>
    %slice3A_2324 = vector.extract_strided_slice %sub3A_10 {offsets = [664, 0], sizes = [8, 256], strides = [1, 1]} : vector<768x256xf32> to vector<8x256xf32>
    %concatenate3A_2325 = tpu.concatenate %slice3A_2319, %slice3A_2320, %slice3A_2321, %slice3A_2322, %slice3A_2323, %slice3A_2324, %concatenate3A in 0 : vector<8x256xf32>, vector<8x256xf32>, vector<8x256xf32>, vector<8x256xf32>, vector<8x256xf32>, vector<8x256xf32>, vector<16x256xf32> -> vector<64x256xf32>
    %convert_element_type3A_2326 = arith.truncf %concatenate3A_2325 : vector<64x256xf32> to vector<64x256xbf16>
    %get3A_2327 = arith.constant 83 : index
    %get3A_2328 = arith.constant 0 : index
    %get3A_2329 = arith.constant 0 : index
    %get3A_2330 = vector.load %arg2[%get3A_2327, %get3A_2328, %get3A_2329] : memref<96x256x64xbf16, #tpu.memory_space<vmem>>, vector<1x256x64xbf16>
    %get3A_2331 = vector.shape_cast %get3A_2330 : vector<1x256x64xbf16> to vector<256x64xbf16>
    %dot_general3A_2332 = arith.constant dense<0.000000e+00> : vector<256x256xf32>
    %dot_general3A_2333 = tpu.matmul %get3A_2331, %convert_element_type3A_2326, %dot_general3A_2332 {dimension_numbers = #tpu.dot_dimension_numbers<[1], [0], [0], [1], [0, 0, 1, 1], [], []>, transpose_lhs_hint = false} : vector<256x64xbf16>, vector<64x256xbf16>, vector<256x256xf32> -> vector<256x256xf32>
    %reduce_max3A_2334 = arith.constant dense<0xFF800000> : vector<256xf32>
    %reduce_max3A_2335 = vector.multi_reduction <maximumf>, %dot_general3A_2305, %reduce_max3A_2334 [0] : vector<256x256xf32> to vector<256xf32>
    %broadcast_in_dim3A_2336 = vector.shape_cast %reduce_max3A_2335 : vector<256xf32> to vector<1x256xf32>
    %sub3A_2337 = vector.broadcast %broadcast_in_dim3A_2336 : vector<1x256xf32> to vector<256x256xf32>
    %sub3A_2338 = arith.subf %sub3A_2337, %dot_general3A_2305 : vector<256x256xf32>
    %add3A_2339 = arith.addf %sub3A_2338, %convert_element_type3A : vector<256x256xf32>
    %reduce_min3A_2340 = arith.constant dense<0x7F800000> : vector<256xf32>
    %reduce_min3A_2341 = vector.multi_reduction <minimumf>, %add3A_2339, %reduce_min3A_2340 [0] : vector<256x256xf32> to vector<256xf32>
    %swap3A_2342 = arith.constant 82 : index
    %swap3A_2343 = arith.constant 0 : index
    %swap3A_2344 = vector.load %arg4[%swap3A_2342, %swap3A_2343] : memref<96x256xf32, #tpu.memory_space<vmem>>, vector<1x256xf32>
    %swap3A_2345 = vector.shape_cast %swap3A_2344 : vector<1x256xf32> to vector<256xf32>
    %swap3A_2346 = vector.shape_cast %reduce_min3A_2341 : vector<256xf32> to vector<1x256xf32>
    tpu.vector_store %arg4[%swap3A_2342, %swap3A_2343], %swap3A_2346 {strides = array<i32>} : memref<96x256xf32, #tpu.memory_space<vmem>>, vector<1x256xf32>,
    %slice3A_2347 = vector.extract_strided_slice %bitcast_convert_type3A_4 {offsets = [672, 0], sizes = [8, 256], strides = [1, 1]} : vector<768x256xf32> to vector<8x256xf32>
    %slice3A_2348 = vector.extract_strided_slice %bitcast_convert_type3A_4 {offsets = [672, 0], sizes = [8, 256], strides = [1, 1]} : vector<768x256xf32> to vector<8x256xf32>
    %slice3A_2349 = vector.extract_strided_slice %bitcast_convert_type3A_9 {offsets = [672, 0], sizes = [8, 256], strides = [1, 1]} : vector<768x256xf32> to vector<8x256xf32>
    %slice3A_2350 = vector.extract_strided_slice %bitcast_convert_type3A_4 {offsets = [672, 0], sizes = [8, 256], strides = [1, 1]} : vector<768x256xf32> to vector<8x256xf32>
    %slice3A_2351 = vector.extract_strided_slice %bitcast_convert_type3A_9 {offsets = [672, 0], sizes = [8, 256], strides = [1, 1]} : vector<768x256xf32> to vector<8x256xf32>
    %slice3A_2352 = vector.extract_strided_slice %sub3A_10 {offsets = [672, 0], sizes = [8, 256], strides = [1, 1]} : vector<768x256xf32> to vector<8x256xf32>
    %concatenate3A_2353 = tpu.concatenate %slice3A_2347, %slice3A_2348, %slice3A_2349, %slice3A_2350, %slice3A_2351, %slice3A_2352, %concatenate3A in 0 : vector<8x256xf32>, vector<8x256xf32>, vector<8x256xf32>, vector<8x256xf32>, vector<8x256xf32>, vector<8x256xf32>, vector<16x256xf32> -> vector<64x256xf32>
    %convert_element_type3A_2354 = arith.truncf %concatenate3A_2353 : vector<64x256xf32> to vector<64x256xbf16>
    %get3A_2355 = arith.constant 84 : index
    %get3A_2356 = arith.constant 0 : index
    %get3A_2357 = arith.constant 0 : index
    %get3A_2358 = vector.load %arg2[%get3A_2355, %get3A_2356, %get3A_2357] : memref<96x256x64xbf16, #tpu.memory_space<vmem>>, vector<1x256x64xbf16>
    %get3A_2359 = vector.shape_cast %get3A_2358 : vector<1x256x64xbf16> to vector<256x64xbf16>
    %dot_general3A_2360 = arith.constant dense<0.000000e+00> : vector<256x256xf32>
    %dot_general3A_2361 = tpu.matmul %get3A_2359, %convert_element_type3A_2354, %dot_general3A_2360 {dimension_numbers = #tpu.dot_dimension_numbers<[1], [0], [0], [1], [0, 0, 1, 1], [], []>, transpose_lhs_hint = false} : vector<256x64xbf16>, vector<64x256xbf16>, vector<256x256xf32> -> vector<256x256xf32>
    %reduce_max3A_2362 = arith.constant dense<0xFF800000> : vector<256xf32>
    %reduce_max3A_2363 = vector.multi_reduction <maximumf>, %dot_general3A_2333, %reduce_max3A_2362 [0] : vector<256x256xf32> to vector<256xf32>
    %broadcast_in_dim3A_2364 = vector.shape_cast %reduce_max3A_2363 : vector<256xf32> to vector<1x256xf32>
    %sub3A_2365 = vector.broadcast %broadcast_in_dim3A_2364 : vector<1x256xf32> to vector<256x256xf32>
    %sub3A_2366 = arith.subf %sub3A_2365, %dot_general3A_2333 : vector<256x256xf32>
    %add3A_2367 = arith.addf %sub3A_2366, %convert_element_type3A : vector<256x256xf32>
    %reduce_min3A_2368 = arith.constant dense<0x7F800000> : vector<256xf32>
    %reduce_min3A_2369 = vector.multi_reduction <minimumf>, %add3A_2367, %reduce_min3A_2368 [0] : vector<256x256xf32> to vector<256xf32>
    %swap3A_2370 = arith.constant 83 : index
    %swap3A_2371 = arith.constant 0 : index
    %swap3A_2372 = vector.load %arg4[%swap3A_2370, %swap3A_2371] : memref<96x256xf32, #tpu.memory_space<vmem>>, vector<1x256xf32>
    %swap3A_2373 = vector.shape_cast %swap3A_2372 : vector<1x256xf32> to vector<256xf32>
    %swap3A_2374 = vector.shape_cast %reduce_min3A_2369 : vector<256xf32> to vector<1x256xf32>
    tpu.vector_store %arg4[%swap3A_2370, %swap3A_2371], %swap3A_2374 {strides = array<i32>} : memref<96x256xf32, #tpu.memory_space<vmem>>, vector<1x256xf32>,
    %slice3A_2375 = vector.extract_strided_slice %bitcast_convert_type3A_4 {offsets = [680, 0], sizes = [8, 256], strides = [1, 1]} : vector<768x256xf32> to vector<8x256xf32>
    %slice3A_2376 = vector.extract_strided_slice %bitcast_convert_type3A_4 {offsets = [680, 0], sizes = [8, 256], strides = [1, 1]} : vector<768x256xf32> to vector<8x256xf32>
    %slice3A_2377 = vector.extract_strided_slice %bitcast_convert_type3A_9 {offsets = [680, 0], sizes = [8, 256], strides = [1, 1]} : vector<768x256xf32> to vector<8x256xf32>
    %slice3A_2378 = vector.extract_strided_slice %bitcast_convert_type3A_4 {offsets = [680, 0], sizes = [8, 256], strides = [1, 1]} : vector<768x256xf32> to vector<8x256xf32>
    %slice3A_2379 = vector.extract_strided_slice %bitcast_convert_type3A_9 {offsets = [680, 0], sizes = [8, 256], strides = [1, 1]} : vector<768x256xf32> to vector<8x256xf32>
    %slice3A_2380 = vector.extract_strided_slice %sub3A_10 {offsets = [680, 0], sizes = [8, 256], strides = [1, 1]} : vector<768x256xf32> to vector<8x256xf32>
    %concatenate3A_2381 = tpu.concatenate %slice3A_2375, %slice3A_2376, %slice3A_2377, %slice3A_2378, %slice3A_2379, %slice3A_2380, %concatenate3A in 0 : vector<8x256xf32>, vector<8x256xf32>, vector<8x256xf32>, vector<8x256xf32>, vector<8x256xf32>, vector<8x256xf32>, vector<16x256xf32> -> vector<64x256xf32>
    %convert_element_type3A_2382 = arith.truncf %concatenate3A_2381 : vector<64x256xf32> to vector<64x256xbf16>
    %get3A_2383 = arith.constant 85 : index
    %get3A_2384 = arith.constant 0 : index
    %get3A_2385 = arith.constant 0 : index
    %get3A_2386 = vector.load %arg2[%get3A_2383, %get3A_2384, %get3A_2385] : memref<96x256x64xbf16, #tpu.memory_space<vmem>>, vector<1x256x64xbf16>
    %get3A_2387 = vector.shape_cast %get3A_2386 : vector<1x256x64xbf16> to vector<256x64xbf16>
    %dot_general3A_2388 = arith.constant dense<0.000000e+00> : vector<256x256xf32>
    %dot_general3A_2389 = tpu.matmul %get3A_2387, %convert_element_type3A_2382, %dot_general3A_2388 {dimension_numbers = #tpu.dot_dimension_numbers<[1], [0], [0], [1], [0, 0, 1, 1], [], []>, transpose_lhs_hint = false} : vector<256x64xbf16>, vector<64x256xbf16>, vector<256x256xf32> -> vector<256x256xf32>
    %reduce_max3A_2390 = arith.constant dense<0xFF800000> : vector<256xf32>
    %reduce_max3A_2391 = vector.multi_reduction <maximumf>, %dot_general3A_2361, %reduce_max3A_2390 [0] : vector<256x256xf32> to vector<256xf32>
    %broadcast_in_dim3A_2392 = vector.shape_cast %reduce_max3A_2391 : vector<256xf32> to vector<1x256xf32>
    %sub3A_2393 = vector.broadcast %broadcast_in_dim3A_2392 : vector<1x256xf32> to vector<256x256xf32>
    %sub3A_2394 = arith.subf %sub3A_2393, %dot_general3A_2361 : vector<256x256xf32>
    %add3A_2395 = arith.addf %sub3A_2394, %convert_element_type3A : vector<256x256xf32>
    %reduce_min3A_2396 = arith.constant dense<0x7F800000> : vector<256xf32>
    %reduce_min3A_2397 = vector.multi_reduction <minimumf>, %add3A_2395, %reduce_min3A_2396 [0] : vector<256x256xf32> to vector<256xf32>
    %swap3A_2398 = arith.constant 84 : index
    %swap3A_2399 = arith.constant 0 : index
    %swap3A_2400 = vector.load %arg4[%swap3A_2398, %swap3A_2399] : memref<96x256xf32, #tpu.memory_space<vmem>>, vector<1x256xf32>
    %swap3A_2401 = vector.shape_cast %swap3A_2400 : vector<1x256xf32> to vector<256xf32>
    %swap3A_2402 = vector.shape_cast %reduce_min3A_2397 : vector<256xf32> to vector<1x256xf32>
    tpu.vector_store %arg4[%swap3A_2398, %swap3A_2399], %swap3A_2402 {strides = array<i32>} : memref<96x256xf32, #tpu.memory_space<vmem>>, vector<1x256xf32>,
    %slice3A_2403 = vector.extract_strided_slice %bitcast_convert_type3A_4 {offsets = [688, 0], sizes = [8, 256], strides = [1, 1]} : vector<768x256xf32> to vector<8x256xf32>
    %slice3A_2404 = vector.extract_strided_slice %bitcast_convert_type3A_4 {offsets = [688, 0], sizes = [8, 256], strides = [1, 1]} : vector<768x256xf32> to vector<8x256xf32>
    %slice3A_2405 = vector.extract_strided_slice %bitcast_convert_type3A_9 {offsets = [688, 0], sizes = [8, 256], strides = [1, 1]} : vector<768x256xf32> to vector<8x256xf32>
    %slice3A_2406 = vector.extract_strided_slice %bitcast_convert_type3A_4 {offsets = [688, 0], sizes = [8, 256], strides = [1, 1]} : vector<768x256xf32> to vector<8x256xf32>
    %slice3A_2407 = vector.extract_strided_slice %bitcast_convert_type3A_9 {offsets = [688, 0], sizes = [8, 256], strides = [1, 1]} : vector<768x256xf32> to vector<8x256xf32>
    %slice3A_2408 = vector.extract_strided_slice %sub3A_10 {offsets = [688, 0], sizes = [8, 256], strides = [1, 1]} : vector<768x256xf32> to vector<8x256xf32>
    %concatenate3A_2409 = tpu.concatenate %slice3A_2403, %slice3A_2404, %slice3A_2405, %slice3A_2406, %slice3A_2407, %slice3A_2408, %concatenate3A in 0 : vector<8x256xf32>, vector<8x256xf32>, vector<8x256xf32>, vector<8x256xf32>, vector<8x256xf32>, vector<8x256xf32>, vector<16x256xf32> -> vector<64x256xf32>
    %convert_element_type3A_2410 = arith.truncf %concatenate3A_2409 : vector<64x256xf32> to vector<64x256xbf16>
    %get3A_2411 = arith.constant 86 : index
    %get3A_2412 = arith.constant 0 : index
    %get3A_2413 = arith.constant 0 : index
    %get3A_2414 = vector.load %arg2[%get3A_2411, %get3A_2412, %get3A_2413] : memref<96x256x64xbf16, #tpu.memory_space<vmem>>, vector<1x256x64xbf16>
    %get3A_2415 = vector.shape_cast %get3A_2414 : vector<1x256x64xbf16> to vector<256x64xbf16>
    %dot_general3A_2416 = arith.constant dense<0.000000e+00> : vector<256x256xf32>
    %dot_general3A_2417 = tpu.matmul %get3A_2415, %convert_element_type3A_2410, %dot_general3A_2416 {dimension_numbers = #tpu.dot_dimension_numbers<[1], [0], [0], [1], [0, 0, 1, 1], [], []>, transpose_lhs_hint = false} : vector<256x64xbf16>, vector<64x256xbf16>, vector<256x256xf32> -> vector<256x256xf32>
    %reduce_max3A_2418 = arith.constant dense<0xFF800000> : vector<256xf32>
    %reduce_max3A_2419 = vector.multi_reduction <maximumf>, %dot_general3A_2389, %reduce_max3A_2418 [0] : vector<256x256xf32> to vector<256xf32>
    %broadcast_in_dim3A_2420 = vector.shape_cast %reduce_max3A_2419 : vector<256xf32> to vector<1x256xf32>
    %sub3A_2421 = vector.broadcast %broadcast_in_dim3A_2420 : vector<1x256xf32> to vector<256x256xf32>
    %sub3A_2422 = arith.subf %sub3A_2421, %dot_general3A_2389 : vector<256x256xf32>
    %add3A_2423 = arith.addf %sub3A_2422, %convert_element_type3A : vector<256x256xf32>
    %reduce_min3A_2424 = arith.constant dense<0x7F800000> : vector<256xf32>
    %reduce_min3A_2425 = vector.multi_reduction <minimumf>, %add3A_2423, %reduce_min3A_2424 [0] : vector<256x256xf32> to vector<256xf32>
    %swap3A_2426 = arith.constant 85 : index
    %swap3A_2427 = arith.constant 0 : index
    %swap3A_2428 = vector.load %arg4[%swap3A_2426, %swap3A_2427] : memref<96x256xf32, #tpu.memory_space<vmem>>, vector<1x256xf32>
    %swap3A_2429 = vector.shape_cast %swap3A_2428 : vector<1x256xf32> to vector<256xf32>
    %swap3A_2430 = vector.shape_cast %reduce_min3A_2425 : vector<256xf32> to vector<1x256xf32>
    tpu.vector_store %arg4[%swap3A_2426, %swap3A_2427], %swap3A_2430 {strides = array<i32>} : memref<96x256xf32, #tpu.memory_space<vmem>>, vector<1x256xf32>,
    %slice3A_2431 = vector.extract_strided_slice %bitcast_convert_type3A_4 {offsets = [696, 0], sizes = [8, 256], strides = [1, 1]} : vector<768x256xf32> to vector<8x256xf32>
    %slice3A_2432 = vector.extract_strided_slice %bitcast_convert_type3A_4 {offsets = [696, 0], sizes = [8, 256], strides = [1, 1]} : vector<768x256xf32> to vector<8x256xf32>
    %slice3A_2433 = vector.extract_strided_slice %bitcast_convert_type3A_9 {offsets = [696, 0], sizes = [8, 256], strides = [1, 1]} : vector<768x256xf32> to vector<8x256xf32>
    %slice3A_2434 = vector.extract_strided_slice %bitcast_convert_type3A_4 {offsets = [696, 0], sizes = [8, 256], strides = [1, 1]} : vector<768x256xf32> to vector<8x256xf32>
    %slice3A_2435 = vector.extract_strided_slice %bitcast_convert_type3A_9 {offsets = [696, 0], sizes = [8, 256], strides = [1, 1]} : vector<768x256xf32> to vector<8x256xf32>
    %slice3A_2436 = vector.extract_strided_slice %sub3A_10 {offsets = [696, 0], sizes = [8, 256], strides = [1, 1]} : vector<768x256xf32> to vector<8x256xf32>
    %concatenate3A_2437 = tpu.concatenate %slice3A_2431, %slice3A_2432, %slice3A_2433, %slice3A_2434, %slice3A_2435, %slice3A_2436, %concatenate3A in 0 : vector<8x256xf32>, vector<8x256xf32>, vector<8x256xf32>, vector<8x256xf32>, vector<8x256xf32>, vector<8x256xf32>, vector<16x256xf32> -> vector<64x256xf32>
    %convert_element_type3A_2438 = arith.truncf %concatenate3A_2437 : vector<64x256xf32> to vector<64x256xbf16>
    %get3A_2439 = arith.constant 87 : index
    %get3A_2440 = arith.constant 0 : index
    %get3A_2441 = arith.constant 0 : index
    %get3A_2442 = vector.load %arg2[%get3A_2439, %get3A_2440, %get3A_2441] : memref<96x256x64xbf16, #tpu.memory_space<vmem>>, vector<1x256x64xbf16>
    %get3A_2443 = vector.shape_cast %get3A_2442 : vector<1x256x64xbf16> to vector<256x64xbf16>
    %dot_general3A_2444 = arith.constant dense<0.000000e+00> : vector<256x256xf32>
    %dot_general3A_2445 = tpu.matmul %get3A_2443, %convert_element_type3A_2438, %dot_general3A_2444 {dimension_numbers = #tpu.dot_dimension_numbers<[1], [0], [0], [1], [0, 0, 1, 1], [], []>, transpose_lhs_hint = false} : vector<256x64xbf16>, vector<64x256xbf16>, vector<256x256xf32> -> vector<256x256xf32>
    %reduce_max3A_2446 = arith.constant dense<0xFF800000> : vector<256xf32>
    %reduce_max3A_2447 = vector.multi_reduction <maximumf>, %dot_general3A_2417, %reduce_max3A_2446 [0] : vector<256x256xf32> to vector<256xf32>
    %broadcast_in_dim3A_2448 = vector.shape_cast %reduce_max3A_2447 : vector<256xf32> to vector<1x256xf32>
    %sub3A_2449 = vector.broadcast %broadcast_in_dim3A_2448 : vector<1x256xf32> to vector<256x256xf32>
    %sub3A_2450 = arith.subf %sub3A_2449, %dot_general3A_2417 : vector<256x256xf32>
    %add3A_2451 = arith.addf %sub3A_2450, %convert_element_type3A : vector<256x256xf32>
    %reduce_min3A_2452 = arith.constant dense<0x7F800000> : vector<256xf32>
    %reduce_min3A_2453 = vector.multi_reduction <minimumf>, %add3A_2451, %reduce_min3A_2452 [0] : vector<256x256xf32> to vector<256xf32>
    %swap3A_2454 = arith.constant 86 : index
    %swap3A_2455 = arith.constant 0 : index
    %swap3A_2456 = vector.load %arg4[%swap3A_2454, %swap3A_2455] : memref<96x256xf32, #tpu.memory_space<vmem>>, vector<1x256xf32>
    %swap3A_2457 = vector.shape_cast %swap3A_2456 : vector<1x256xf32> to vector<256xf32>
    %swap3A_2458 = vector.shape_cast %reduce_min3A_2453 : vector<256xf32> to vector<1x256xf32>
    tpu.vector_store %arg4[%swap3A_2454, %swap3A_2455], %swap3A_2458 {strides = array<i32>} : memref<96x256xf32, #tpu.memory_space<vmem>>, vector<1x256xf32>,
    %slice3A_2459 = vector.extract_strided_slice %bitcast_convert_type3A_4 {offsets = [704, 0], sizes = [8, 256], strides = [1, 1]} : vector<768x256xf32> to vector<8x256xf32>
    %slice3A_2460 = vector.extract_strided_slice %bitcast_convert_type3A_4 {offsets = [704, 0], sizes = [8, 256], strides = [1, 1]} : vector<768x256xf32> to vector<8x256xf32>
    %slice3A_2461 = vector.extract_strided_slice %bitcast_convert_type3A_9 {offsets = [704, 0], sizes = [8, 256], strides = [1, 1]} : vector<768x256xf32> to vector<8x256xf32>
    %slice3A_2462 = vector.extract_strided_slice %bitcast_convert_type3A_4 {offsets = [704, 0], sizes = [8, 256], strides = [1, 1]} : vector<768x256xf32> to vector<8x256xf32>
    %slice3A_2463 = vector.extract_strided_slice %bitcast_convert_type3A_9 {offsets = [704, 0], sizes = [8, 256], strides = [1, 1]} : vector<768x256xf32> to vector<8x256xf32>
    %slice3A_2464 = vector.extract_strided_slice %sub3A_10 {offsets = [704, 0], sizes = [8, 256], strides = [1, 1]} : vector<768x256xf32> to vector<8x256xf32>
    %concatenate3A_2465 = tpu.concatenate %slice3A_2459, %slice3A_2460, %slice3A_2461, %slice3A_2462, %slice3A_2463, %slice3A_2464, %concatenate3A in 0 : vector<8x256xf32>, vector<8x256xf32>, vector<8x256xf32>, vector<8x256xf32>, vector<8x256xf32>, vector<8x256xf32>, vector<16x256xf32> -> vector<64x256xf32>
    %convert_element_type3A_2466 = arith.truncf %concatenate3A_2465 : vector<64x256xf32> to vector<64x256xbf16>
    %get3A_2467 = arith.constant 88 : index
    %get3A_2468 = arith.constant 0 : index
    %get3A_2469 = arith.constant 0 : index
    %get3A_2470 = vector.load %arg2[%get3A_2467, %get3A_2468, %get3A_2469] : memref<96x256x64xbf16, #tpu.memory_space<vmem>>, vector<1x256x64xbf16>
    %get3A_2471 = vector.shape_cast %get3A_2470 : vector<1x256x64xbf16> to vector<256x64xbf16>
    %dot_general3A_2472 = arith.constant dense<0.000000e+00> : vector<256x256xf32>
    %dot_general3A_2473 = tpu.matmul %get3A_2471, %convert_element_type3A_2466, %dot_general3A_2472 {dimension_numbers = #tpu.dot_dimension_numbers<[1], [0], [0], [1], [0, 0, 1, 1], [], []>, transpose_lhs_hint = false} : vector<256x64xbf16>, vector<64x256xbf16>, vector<256x256xf32> -> vector<256x256xf32>
    %reduce_max3A_2474 = arith.constant dense<0xFF800000> : vector<256xf32>
    %reduce_max3A_2475 = vector.multi_reduction <maximumf>, %dot_general3A_2445, %reduce_max3A_2474 [0] : vector<256x256xf32> to vector<256xf32>
    %broadcast_in_dim3A_2476 = vector.shape_cast %reduce_max3A_2475 : vector<256xf32> to vector<1x256xf32>
    %sub3A_2477 = vector.broadcast %broadcast_in_dim3A_2476 : vector<1x256xf32> to vector<256x256xf32>
    %sub3A_2478 = arith.subf %sub3A_2477, %dot_general3A_2445 : vector<256x256xf32>
    %add3A_2479 = arith.addf %sub3A_2478, %convert_element_type3A : vector<256x256xf32>
    %reduce_min3A_2480 = arith.constant dense<0x7F800000> : vector<256xf32>
    %reduce_min3A_2481 = vector.multi_reduction <minimumf>, %add3A_2479, %reduce_min3A_2480 [0] : vector<256x256xf32> to vector<256xf32>
    %swap3A_2482 = arith.constant 87 : index
    %swap3A_2483 = arith.constant 0 : index
    %swap3A_2484 = vector.load %arg4[%swap3A_2482, %swap3A_2483] : memref<96x256xf32, #tpu.memory_space<vmem>>, vector<1x256xf32>
    %swap3A_2485 = vector.shape_cast %swap3A_2484 : vector<1x256xf32> to vector<256xf32>
    %swap3A_2486 = vector.shape_cast %reduce_min3A_2481 : vector<256xf32> to vector<1x256xf32>
    tpu.vector_store %arg4[%swap3A_2482, %swap3A_2483], %swap3A_2486 {strides = array<i32>} : memref<96x256xf32, #tpu.memory_space<vmem>>, vector<1x256xf32>,
    %slice3A_2487 = vector.extract_strided_slice %bitcast_convert_type3A_4 {offsets = [712, 0], sizes = [8, 256], strides = [1, 1]} : vector<768x256xf32> to vector<8x256xf32>
    %slice3A_2488 = vector.extract_strided_slice %bitcast_convert_type3A_4 {offsets = [712, 0], sizes = [8, 256], strides = [1, 1]} : vector<768x256xf32> to vector<8x256xf32>
    %slice3A_2489 = vector.extract_strided_slice %bitcast_convert_type3A_9 {offsets = [712, 0], sizes = [8, 256], strides = [1, 1]} : vector<768x256xf32> to vector<8x256xf32>
    %slice3A_2490 = vector.extract_strided_slice %bitcast_convert_type3A_4 {offsets = [712, 0], sizes = [8, 256], strides = [1, 1]} : vector<768x256xf32> to vector<8x256xf32>
    %slice3A_2491 = vector.extract_strided_slice %bitcast_convert_type3A_9 {offsets = [712, 0], sizes = [8, 256], strides = [1, 1]} : vector<768x256xf32> to vector<8x256xf32>
    %slice3A_2492 = vector.extract_strided_slice %sub3A_10 {offsets = [712, 0], sizes = [8, 256], strides = [1, 1]} : vector<768x256xf32> to vector<8x256xf32>
    %concatenate3A_2493 = tpu.concatenate %slice3A_2487, %slice3A_2488, %slice3A_2489, %slice3A_2490, %slice3A_2491, %slice3A_2492, %concatenate3A in 0 : vector<8x256xf32>, vector<8x256xf32>, vector<8x256xf32>, vector<8x256xf32>, vector<8x256xf32>, vector<8x256xf32>, vector<16x256xf32> -> vector<64x256xf32>
    %convert_element_type3A_2494 = arith.truncf %concatenate3A_2493 : vector<64x256xf32> to vector<64x256xbf16>
    %get3A_2495 = arith.constant 89 : index
    %get3A_2496 = arith.constant 0 : index
    %get3A_2497 = arith.constant 0 : index
    %get3A_2498 = vector.load %arg2[%get3A_2495, %get3A_2496, %get3A_2497] : memref<96x256x64xbf16, #tpu.memory_space<vmem>>, vector<1x256x64xbf16>
    %get3A_2499 = vector.shape_cast %get3A_2498 : vector<1x256x64xbf16> to vector<256x64xbf16>
    %dot_general3A_2500 = arith.constant dense<0.000000e+00> : vector<256x256xf32>
    %dot_general3A_2501 = tpu.matmul %get3A_2499, %convert_element_type3A_2494, %dot_general3A_2500 {dimension_numbers = #tpu.dot_dimension_numbers<[1], [0], [0], [1], [0, 0, 1, 1], [], []>, transpose_lhs_hint = false} : vector<256x64xbf16>, vector<64x256xbf16>, vector<256x256xf32> -> vector<256x256xf32>
    %reduce_max3A_2502 = arith.constant dense<0xFF800000> : vector<256xf32>
    %reduce_max3A_2503 = vector.multi_reduction <maximumf>, %dot_general3A_2473, %reduce_max3A_2502 [0] : vector<256x256xf32> to vector<256xf32>
    %broadcast_in_dim3A_2504 = vector.shape_cast %reduce_max3A_2503 : vector<256xf32> to vector<1x256xf32>
    %sub3A_2505 = vector.broadcast %broadcast_in_dim3A_2504 : vector<1x256xf32> to vector<256x256xf32>
    %sub3A_2506 = arith.subf %sub3A_2505, %dot_general3A_2473 : vector<256x256xf32>
    %add3A_2507 = arith.addf %sub3A_2506, %convert_element_type3A : vector<256x256xf32>
    %reduce_min3A_2508 = arith.constant dense<0x7F800000> : vector<256xf32>
    %reduce_min3A_2509 = vector.multi_reduction <minimumf>, %add3A_2507, %reduce_min3A_2508 [0] : vector<256x256xf32> to vector<256xf32>
    %swap3A_2510 = arith.constant 88 : index
    %swap3A_2511 = arith.constant 0 : index
    %swap3A_2512 = vector.load %arg4[%swap3A_2510, %swap3A_2511] : memref<96x256xf32, #tpu.memory_space<vmem>>, vector<1x256xf32>
    %swap3A_2513 = vector.shape_cast %swap3A_2512 : vector<1x256xf32> to vector<256xf32>
    %swap3A_2514 = vector.shape_cast %reduce_min3A_2509 : vector<256xf32> to vector<1x256xf32>
    tpu.vector_store %arg4[%swap3A_2510, %swap3A_2511], %swap3A_2514 {strides = array<i32>} : memref<96x256xf32, #tpu.memory_space<vmem>>, vector<1x256xf32>,
    %slice3A_2515 = vector.extract_strided_slice %bitcast_convert_type3A_4 {offsets = [720, 0], sizes = [8, 256], strides = [1, 1]} : vector<768x256xf32> to vector<8x256xf32>
    %slice3A_2516 = vector.extract_strided_slice %bitcast_convert_type3A_4 {offsets = [720, 0], sizes = [8, 256], strides = [1, 1]} : vector<768x256xf32> to vector<8x256xf32>
    %slice3A_2517 = vector.extract_strided_slice %bitcast_convert_type3A_9 {offsets = [720, 0], sizes = [8, 256], strides = [1, 1]} : vector<768x256xf32> to vector<8x256xf32>
    %slice3A_2518 = vector.extract_strided_slice %bitcast_convert_type3A_4 {offsets = [720, 0], sizes = [8, 256], strides = [1, 1]} : vector<768x256xf32> to vector<8x256xf32>
    %slice3A_2519 = vector.extract_strided_slice %bitcast_convert_type3A_9 {offsets = [720, 0], sizes = [8, 256], strides = [1, 1]} : vector<768x256xf32> to vector<8x256xf32>
    %slice3A_2520 = vector.extract_strided_slice %sub3A_10 {offsets = [720, 0], sizes = [8, 256], strides = [1, 1]} : vector<768x256xf32> to vector<8x256xf32>
    %concatenate3A_2521 = tpu.concatenate %slice3A_2515, %slice3A_2516, %slice3A_2517, %slice3A_2518, %slice3A_2519, %slice3A_2520, %concatenate3A in 0 : vector<8x256xf32>, vector<8x256xf32>, vector<8x256xf32>, vector<8x256xf32>, vector<8x256xf32>, vector<8x256xf32>, vector<16x256xf32> -> vector<64x256xf32>
    %convert_element_type3A_2522 = arith.truncf %concatenate3A_2521 : vector<64x256xf32> to vector<64x256xbf16>
    %get3A_2523 = arith.constant 90 : index
    %get3A_2524 = arith.constant 0 : index
    %get3A_2525 = arith.constant 0 : index
    %get3A_2526 = vector.load %arg2[%get3A_2523, %get3A_2524, %get3A_2525] : memref<96x256x64xbf16, #tpu.memory_space<vmem>>, vector<1x256x64xbf16>
    %get3A_2527 = vector.shape_cast %get3A_2526 : vector<1x256x64xbf16> to vector<256x64xbf16>
    %dot_general3A_2528 = arith.constant dense<0.000000e+00> : vector<256x256xf32>
    %dot_general3A_2529 = tpu.matmul %get3A_2527, %convert_element_type3A_2522, %dot_general3A_2528 {dimension_numbers = #tpu.dot_dimension_numbers<[1], [0], [0], [1], [0, 0, 1, 1], [], []>, transpose_lhs_hint = false} : vector<256x64xbf16>, vector<64x256xbf16>, vector<256x256xf32> -> vector<256x256xf32>
    %reduce_max3A_2530 = arith.constant dense<0xFF800000> : vector<256xf32>
    %reduce_max3A_2531 = vector.multi_reduction <maximumf>, %dot_general3A_2501, %reduce_max3A_2530 [0] : vector<256x256xf32> to vector<256xf32>
    %broadcast_in_dim3A_2532 = vector.shape_cast %reduce_max3A_2531 : vector<256xf32> to vector<1x256xf32>
    %sub3A_2533 = vector.broadcast %broadcast_in_dim3A_2532 : vector<1x256xf32> to vector<256x256xf32>
    %sub3A_2534 = arith.subf %sub3A_2533, %dot_general3A_2501 : vector<256x256xf32>
    %add3A_2535 = arith.addf %sub3A_2534, %convert_element_type3A : vector<256x256xf32>
    %reduce_min3A_2536 = arith.constant dense<0x7F800000> : vector<256xf32>
    %reduce_min3A_2537 = vector.multi_reduction <minimumf>, %add3A_2535, %reduce_min3A_2536 [0] : vector<256x256xf32> to vector<256xf32>
    %swap3A_2538 = arith.constant 89 : index
    %swap3A_2539 = arith.constant 0 : index
    %swap3A_2540 = vector.load %arg4[%swap3A_2538, %swap3A_2539] : memref<96x256xf32, #tpu.memory_space<vmem>>, vector<1x256xf32>
    %swap3A_2541 = vector.shape_cast %swap3A_2540 : vector<1x256xf32> to vector<256xf32>
    %swap3A_2542 = vector.shape_cast %reduce_min3A_2537 : vector<256xf32> to vector<1x256xf32>
    tpu.vector_store %arg4[%swap3A_2538, %swap3A_2539], %swap3A_2542 {strides = array<i32>} : memref<96x256xf32, #tpu.memory_space<vmem>>, vector<1x256xf32>,
    %slice3A_2543 = vector.extract_strided_slice %bitcast_convert_type3A_4 {offsets = [728, 0], sizes = [8, 256], strides = [1, 1]} : vector<768x256xf32> to vector<8x256xf32>
    %slice3A_2544 = vector.extract_strided_slice %bitcast_convert_type3A_4 {offsets = [728, 0], sizes = [8, 256], strides = [1, 1]} : vector<768x256xf32> to vector<8x256xf32>
    %slice3A_2545 = vector.extract_strided_slice %bitcast_convert_type3A_9 {offsets = [728, 0], sizes = [8, 256], strides = [1, 1]} : vector<768x256xf32> to vector<8x256xf32>
    %slice3A_2546 = vector.extract_strided_slice %bitcast_convert_type3A_4 {offsets = [728, 0], sizes = [8, 256], strides = [1, 1]} : vector<768x256xf32> to vector<8x256xf32>
    %slice3A_2547 = vector.extract_strided_slice %bitcast_convert_type3A_9 {offsets = [728, 0], sizes = [8, 256], strides = [1, 1]} : vector<768x256xf32> to vector<8x256xf32>
    %slice3A_2548 = vector.extract_strided_slice %sub3A_10 {offsets = [728, 0], sizes = [8, 256], strides = [1, 1]} : vector<768x256xf32> to vector<8x256xf32>
    %concatenate3A_2549 = tpu.concatenate %slice3A_2543, %slice3A_2544, %slice3A_2545, %slice3A_2546, %slice3A_2547, %slice3A_2548, %concatenate3A in 0 : vector<8x256xf32>, vector<8x256xf32>, vector<8x256xf32>, vector<8x256xf32>, vector<8x256xf32>, vector<8x256xf32>, vector<16x256xf32> -> vector<64x256xf32>
    %convert_element_type3A_2550 = arith.truncf %concatenate3A_2549 : vector<64x256xf32> to vector<64x256xbf16>
    %get3A_2551 = arith.constant 91 : index
    %get3A_2552 = arith.constant 0 : index
    %get3A_2553 = arith.constant 0 : index
    %get3A_2554 = vector.load %arg2[%get3A_2551, %get3A_2552, %get3A_2553] : memref<96x256x64xbf16, #tpu.memory_space<vmem>>, vector<1x256x64xbf16>
    %get3A_2555 = vector.shape_cast %get3A_2554 : vector<1x256x64xbf16> to vector<256x64xbf16>
    %dot_general3A_2556 = arith.constant dense<0.000000e+00> : vector<256x256xf32>
    %dot_general3A_2557 = tpu.matmul %get3A_2555, %convert_element_type3A_2550, %dot_general3A_2556 {dimension_numbers = #tpu.dot_dimension_numbers<[1], [0], [0], [1], [0, 0, 1, 1], [], []>, transpose_lhs_hint = false} : vector<256x64xbf16>, vector<64x256xbf16>, vector<256x256xf32> -> vector<256x256xf32>
    %reduce_max3A_2558 = arith.constant dense<0xFF800000> : vector<256xf32>
    %reduce_max3A_2559 = vector.multi_reduction <maximumf>, %dot_general3A_2529, %reduce_max3A_2558 [0] : vector<256x256xf32> to vector<256xf32>
    %broadcast_in_dim3A_2560 = vector.shape_cast %reduce_max3A_2559 : vector<256xf32> to vector<1x256xf32>
    %sub3A_2561 = vector.broadcast %broadcast_in_dim3A_2560 : vector<1x256xf32> to vector<256x256xf32>
    %sub3A_2562 = arith.subf %sub3A_2561, %dot_general3A_2529 : vector<256x256xf32>
    %add3A_2563 = arith.addf %sub3A_2562, %convert_element_type3A : vector<256x256xf32>
    %reduce_min3A_2564 = arith.constant dense<0x7F800000> : vector<256xf32>
    %reduce_min3A_2565 = vector.multi_reduction <minimumf>, %add3A_2563, %reduce_min3A_2564 [0] : vector<256x256xf32> to vector<256xf32>
    %swap3A_2566 = arith.constant 90 : index
    %swap3A_2567 = arith.constant 0 : index
    %swap3A_2568 = vector.load %arg4[%swap3A_2566, %swap3A_2567] : memref<96x256xf32, #tpu.memory_space<vmem>>, vector<1x256xf32>
    %swap3A_2569 = vector.shape_cast %swap3A_2568 : vector<1x256xf32> to vector<256xf32>
    %swap3A_2570 = vector.shape_cast %reduce_min3A_2565 : vector<256xf32> to vector<1x256xf32>
    tpu.vector_store %arg4[%swap3A_2566, %swap3A_2567], %swap3A_2570 {strides = array<i32>} : memref<96x256xf32, #tpu.memory_space<vmem>>, vector<1x256xf32>,
    %slice3A_2571 = vector.extract_strided_slice %bitcast_convert_type3A_4 {offsets = [736, 0], sizes = [8, 256], strides = [1, 1]} : vector<768x256xf32> to vector<8x256xf32>
    %slice3A_2572 = vector.extract_strided_slice %bitcast_convert_type3A_4 {offsets = [736, 0], sizes = [8, 256], strides = [1, 1]} : vector<768x256xf32> to vector<8x256xf32>
    %slice3A_2573 = vector.extract_strided_slice %bitcast_convert_type3A_9 {offsets = [736, 0], sizes = [8, 256], strides = [1, 1]} : vector<768x256xf32> to vector<8x256xf32>
    %slice3A_2574 = vector.extract_strided_slice %bitcast_convert_type3A_4 {offsets = [736, 0], sizes = [8, 256], strides = [1, 1]} : vector<768x256xf32> to vector<8x256xf32>
    %slice3A_2575 = vector.extract_strided_slice %bitcast_convert_type3A_9 {offsets = [736, 0], sizes = [8, 256], strides = [1, 1]} : vector<768x256xf32> to vector<8x256xf32>
    %slice3A_2576 = vector.extract_strided_slice %sub3A_10 {offsets = [736, 0], sizes = [8, 256], strides = [1, 1]} : vector<768x256xf32> to vector<8x256xf32>
    %concatenate3A_2577 = tpu.concatenate %slice3A_2571, %slice3A_2572, %slice3A_2573, %slice3A_2574, %slice3A_2575, %slice3A_2576, %concatenate3A in 0 : vector<8x256xf32>, vector<8x256xf32>, vector<8x256xf32>, vector<8x256xf32>, vector<8x256xf32>, vector<8x256xf32>, vector<16x256xf32> -> vector<64x256xf32>
    %convert_element_type3A_2578 = arith.truncf %concatenate3A_2577 : vector<64x256xf32> to vector<64x256xbf16>
    %get3A_2579 = arith.constant 92 : index
    %get3A_2580 = arith.constant 0 : index
    %get3A_2581 = arith.constant 0 : index
    %get3A_2582 = vector.load %arg2[%get3A_2579, %get3A_2580, %get3A_2581] : memref<96x256x64xbf16, #tpu.memory_space<vmem>>, vector<1x256x64xbf16>
    %get3A_2583 = vector.shape_cast %get3A_2582 : vector<1x256x64xbf16> to vector<256x64xbf16>
    %dot_general3A_2584 = arith.constant dense<0.000000e+00> : vector<256x256xf32>
    %dot_general3A_2585 = tpu.matmul %get3A_2583, %convert_element_type3A_2578, %dot_general3A_2584 {dimension_numbers = #tpu.dot_dimension_numbers<[1], [0], [0], [1], [0, 0, 1, 1], [], []>, transpose_lhs_hint = false} : vector<256x64xbf16>, vector<64x256xbf16>, vector<256x256xf32> -> vector<256x256xf32>
    %reduce_max3A_2586 = arith.constant dense<0xFF800000> : vector<256xf32>
    %reduce_max3A_2587 = vector.multi_reduction <maximumf>, %dot_general3A_2557, %reduce_max3A_2586 [0] : vector<256x256xf32> to vector<256xf32>
    %broadcast_in_dim3A_2588 = vector.shape_cast %reduce_max3A_2587 : vector<256xf32> to vector<1x256xf32>
    %sub3A_2589 = vector.broadcast %broadcast_in_dim3A_2588 : vector<1x256xf32> to vector<256x256xf32>
    %sub3A_2590 = arith.subf %sub3A_2589, %dot_general3A_2557 : vector<256x256xf32>
    %add3A_2591 = arith.addf %sub3A_2590, %convert_element_type3A : vector<256x256xf32>
    %reduce_min3A_2592 = arith.constant dense<0x7F800000> : vector<256xf32>
    %reduce_min3A_2593 = vector.multi_reduction <minimumf>, %add3A_2591, %reduce_min3A_2592 [0] : vector<256x256xf32> to vector<256xf32>
    %swap3A_2594 = arith.constant 91 : index
    %swap3A_2595 = arith.constant 0 : index
    %swap3A_2596 = vector.load %arg4[%swap3A_2594, %swap3A_2595] : memref<96x256xf32, #tpu.memory_space<vmem>>, vector<1x256xf32>
    %swap3A_2597 = vector.shape_cast %swap3A_2596 : vector<1x256xf32> to vector<256xf32>
    %swap3A_2598 = vector.shape_cast %reduce_min3A_2593 : vector<256xf32> to vector<1x256xf32>
    tpu.vector_store %arg4[%swap3A_2594, %swap3A_2595], %swap3A_2598 {strides = array<i32>} : memref<96x256xf32, #tpu.memory_space<vmem>>, vector<1x256xf32>,
    %slice3A_2599 = vector.extract_strided_slice %bitcast_convert_type3A_4 {offsets = [744, 0], sizes = [8, 256], strides = [1, 1]} : vector<768x256xf32> to vector<8x256xf32>
    %slice3A_2600 = vector.extract_strided_slice %bitcast_convert_type3A_4 {offsets = [744, 0], sizes = [8, 256], strides = [1, 1]} : vector<768x256xf32> to vector<8x256xf32>
    %slice3A_2601 = vector.extract_strided_slice %bitcast_convert_type3A_9 {offsets = [744, 0], sizes = [8, 256], strides = [1, 1]} : vector<768x256xf32> to vector<8x256xf32>
    %slice3A_2602 = vector.extract_strided_slice %bitcast_convert_type3A_4 {offsets = [744, 0], sizes = [8, 256], strides = [1, 1]} : vector<768x256xf32> to vector<8x256xf32>
    %slice3A_2603 = vector.extract_strided_slice %bitcast_convert_type3A_9 {offsets = [744, 0], sizes = [8, 256], strides = [1, 1]} : vector<768x256xf32> to vector<8x256xf32>
    %slice3A_2604 = vector.extract_strided_slice %sub3A_10 {offsets = [744, 0], sizes = [8, 256], strides = [1, 1]} : vector<768x256xf32> to vector<8x256xf32>
    %concatenate3A_2605 = tpu.concatenate %slice3A_2599, %slice3A_2600, %slice3A_2601, %slice3A_2602, %slice3A_2603, %slice3A_2604, %concatenate3A in 0 : vector<8x256xf32>, vector<8x256xf32>, vector<8x256xf32>, vector<8x256xf32>, vector<8x256xf32>, vector<8x256xf32>, vector<16x256xf32> -> vector<64x256xf32>
    %convert_element_type3A_2606 = arith.truncf %concatenate3A_2605 : vector<64x256xf32> to vector<64x256xbf16>
    %get3A_2607 = arith.constant 93 : index
    %get3A_2608 = arith.constant 0 : index
    %get3A_2609 = arith.constant 0 : index
    %get3A_2610 = vector.load %arg2[%get3A_2607, %get3A_2608, %get3A_2609] : memref<96x256x64xbf16, #tpu.memory_space<vmem>>, vector<1x256x64xbf16>
    %get3A_2611 = vector.shape_cast %get3A_2610 : vector<1x256x64xbf16> to vector<256x64xbf16>
    %dot_general3A_2612 = arith.constant dense<0.000000e+00> : vector<256x256xf32>
    %dot_general3A_2613 = tpu.matmul %get3A_2611, %convert_element_type3A_2606, %dot_general3A_2612 {dimension_numbers = #tpu.dot_dimension_numbers<[1], [0], [0], [1], [0, 0, 1, 1], [], []>, transpose_lhs_hint = false} : vector<256x64xbf16>, vector<64x256xbf16>, vector<256x256xf32> -> vector<256x256xf32>
    %reduce_max3A_2614 = arith.constant dense<0xFF800000> : vector<256xf32>
    %reduce_max3A_2615 = vector.multi_reduction <maximumf>, %dot_general3A_2585, %reduce_max3A_2614 [0] : vector<256x256xf32> to vector<256xf32>
    %broadcast_in_dim3A_2616 = vector.shape_cast %reduce_max3A_2615 : vector<256xf32> to vector<1x256xf32>
    %sub3A_2617 = vector.broadcast %broadcast_in_dim3A_2616 : vector<1x256xf32> to vector<256x256xf32>
    %sub3A_2618 = arith.subf %sub3A_2617, %dot_general3A_2585 : vector<256x256xf32>
    %add3A_2619 = arith.addf %sub3A_2618, %convert_element_type3A : vector<256x256xf32>
    %reduce_min3A_2620 = arith.constant dense<0x7F800000> : vector<256xf32>
    %reduce_min3A_2621 = vector.multi_reduction <minimumf>, %add3A_2619, %reduce_min3A_2620 [0] : vector<256x256xf32> to vector<256xf32>
    %swap3A_2622 = arith.constant 92 : index
    %swap3A_2623 = arith.constant 0 : index
    %swap3A_2624 = vector.load %arg4[%swap3A_2622, %swap3A_2623] : memref<96x256xf32, #tpu.memory_space<vmem>>, vector<1x256xf32>
    %swap3A_2625 = vector.shape_cast %swap3A_2624 : vector<1x256xf32> to vector<256xf32>
    %swap3A_2626 = vector.shape_cast %reduce_min3A_2621 : vector<256xf32> to vector<1x256xf32>
    tpu.vector_store %arg4[%swap3A_2622, %swap3A_2623], %swap3A_2626 {strides = array<i32>} : memref<96x256xf32, #tpu.memory_space<vmem>>, vector<1x256xf32>,
    %slice3A_2627 = vector.extract_strided_slice %bitcast_convert_type3A_4 {offsets = [752, 0], sizes = [8, 256], strides = [1, 1]} : vector<768x256xf32> to vector<8x256xf32>
    %slice3A_2628 = vector.extract_strided_slice %bitcast_convert_type3A_4 {offsets = [752, 0], sizes = [8, 256], strides = [1, 1]} : vector<768x256xf32> to vector<8x256xf32>
    %slice3A_2629 = vector.extract_strided_slice %bitcast_convert_type3A_9 {offsets = [752, 0], sizes = [8, 256], strides = [1, 1]} : vector<768x256xf32> to vector<8x256xf32>
    %slice3A_2630 = vector.extract_strided_slice %bitcast_convert_type3A_4 {offsets = [752, 0], sizes = [8, 256], strides = [1, 1]} : vector<768x256xf32> to vector<8x256xf32>
    %slice3A_2631 = vector.extract_strided_slice %bitcast_convert_type3A_9 {offsets = [752, 0], sizes = [8, 256], strides = [1, 1]} : vector<768x256xf32> to vector<8x256xf32>
    %slice3A_2632 = vector.extract_strided_slice %sub3A_10 {offsets = [752, 0], sizes = [8, 256], strides = [1, 1]} : vector<768x256xf32> to vector<8x256xf32>
    %concatenate3A_2633 = tpu.concatenate %slice3A_2627, %slice3A_2628, %slice3A_2629, %slice3A_2630, %slice3A_2631, %slice3A_2632, %concatenate3A in 0 : vector<8x256xf32>, vector<8x256xf32>, vector<8x256xf32>, vector<8x256xf32>, vector<8x256xf32>, vector<8x256xf32>, vector<16x256xf32> -> vector<64x256xf32>
    %convert_element_type3A_2634 = arith.truncf %concatenate3A_2633 : vector<64x256xf32> to vector<64x256xbf16>
    %get3A_2635 = arith.constant 94 : index
    %get3A_2636 = arith.constant 0 : index
    %get3A_2637 = arith.constant 0 : index
    %get3A_2638 = vector.load %arg2[%get3A_2635, %get3A_2636, %get3A_2637] : memref<96x256x64xbf16, #tpu.memory_space<vmem>>, vector<1x256x64xbf16>
    %get3A_2639 = vector.shape_cast %get3A_2638 : vector<1x256x64xbf16> to vector<256x64xbf16>
    %dot_general3A_2640 = arith.constant dense<0.000000e+00> : vector<256x256xf32>
    %dot_general3A_2641 = tpu.matmul %get3A_2639, %convert_element_type3A_2634, %dot_general3A_2640 {dimension_numbers = #tpu.dot_dimension_numbers<[1], [0], [0], [1], [0, 0, 1, 1], [], []>, transpose_lhs_hint = false} : vector<256x64xbf16>, vector<64x256xbf16>, vector<256x256xf32> -> vector<256x256xf32>
    %reduce_max3A_2642 = arith.constant dense<0xFF800000> : vector<256xf32>
    %reduce_max3A_2643 = vector.multi_reduction <maximumf>, %dot_general3A_2613, %reduce_max3A_2642 [0] : vector<256x256xf32> to vector<256xf32>
    %broadcast_in_dim3A_2644 = vector.shape_cast %reduce_max3A_2643 : vector<256xf32> to vector<1x256xf32>
    %sub3A_2645 = vector.broadcast %broadcast_in_dim3A_2644 : vector<1x256xf32> to vector<256x256xf32>
    %sub3A_2646 = arith.subf %sub3A_2645, %dot_general3A_2613 : vector<256x256xf32>
    %add3A_2647 = arith.addf %sub3A_2646, %convert_element_type3A : vector<256x256xf32>
    %reduce_min3A_2648 = arith.constant dense<0x7F800000> : vector<256xf32>
    %reduce_min3A_2649 = vector.multi_reduction <minimumf>, %add3A_2647, %reduce_min3A_2648 [0] : vector<256x256xf32> to vector<256xf32>
    %swap3A_2650 = arith.constant 93 : index
    %swap3A_2651 = arith.constant 0 : index
    %swap3A_2652 = vector.load %arg4[%swap3A_2650, %swap3A_2651] : memref<96x256xf32, #tpu.memory_space<vmem>>, vector<1x256xf32>
    %swap3A_2653 = vector.shape_cast %swap3A_2652 : vector<1x256xf32> to vector<256xf32>
    %swap3A_2654 = vector.shape_cast %reduce_min3A_2649 : vector<256xf32> to vector<1x256xf32>
    tpu.vector_store %arg4[%swap3A_2650, %swap3A_2651], %swap3A_2654 {strides = array<i32>} : memref<96x256xf32, #tpu.memory_space<vmem>>, vector<1x256xf32>,
    %slice3A_2655 = vector.extract_strided_slice %bitcast_convert_type3A_4 {offsets = [760, 0], sizes = [8, 256], strides = [1, 1]} : vector<768x256xf32> to vector<8x256xf32>
    %slice3A_2656 = vector.extract_strided_slice %bitcast_convert_type3A_4 {offsets = [760, 0], sizes = [8, 256], strides = [1, 1]} : vector<768x256xf32> to vector<8x256xf32>
    %slice3A_2657 = vector.extract_strided_slice %bitcast_convert_type3A_9 {offsets = [760, 0], sizes = [8, 256], strides = [1, 1]} : vector<768x256xf32> to vector<8x256xf32>
    %slice3A_2658 = vector.extract_strided_slice %bitcast_convert_type3A_4 {offsets = [760, 0], sizes = [8, 256], strides = [1, 1]} : vector<768x256xf32> to vector<8x256xf32>
    %slice3A_2659 = vector.extract_strided_slice %bitcast_convert_type3A_9 {offsets = [760, 0], sizes = [8, 256], strides = [1, 1]} : vector<768x256xf32> to vector<8x256xf32>
    %slice3A_2660 = vector.extract_strided_slice %sub3A_10 {offsets = [760, 0], sizes = [8, 256], strides = [1, 1]} : vector<768x256xf32> to vector<8x256xf32>
    %concatenate3A_2661 = tpu.concatenate %slice3A_2655, %slice3A_2656, %slice3A_2657, %slice3A_2658, %slice3A_2659, %slice3A_2660, %concatenate3A in 0 : vector<8x256xf32>, vector<8x256xf32>, vector<8x256xf32>, vector<8x256xf32>, vector<8x256xf32>, vector<8x256xf32>, vector<16x256xf32> -> vector<64x256xf32>
    %convert_element_type3A_2662 = arith.truncf %concatenate3A_2661 : vector<64x256xf32> to vector<64x256xbf16>
    %get3A_2663 = arith.constant 95 : index
    %get3A_2664 = arith.constant 0 : index
    %get3A_2665 = arith.constant 0 : index
    %get3A_2666 = vector.load %arg2[%get3A_2663, %get3A_2664, %get3A_2665] : memref<96x256x64xbf16, #tpu.memory_space<vmem>>, vector<1x256x64xbf16>
    %get3A_2667 = vector.shape_cast %get3A_2666 : vector<1x256x64xbf16> to vector<256x64xbf16>
    %dot_general3A_2668 = arith.constant dense<0.000000e+00> : vector<256x256xf32>
    %dot_general3A_2669 = tpu.matmul %get3A_2667, %convert_element_type3A_2662, %dot_general3A_2668 {dimension_numbers = #tpu.dot_dimension_numbers<[1], [0], [0], [1], [0, 0, 1, 1], [], []>, transpose_lhs_hint = false} : vector<256x64xbf16>, vector<64x256xbf16>, vector<256x256xf32> -> vector<256x256xf32>
    %reduce_max3A_2670 = arith.constant dense<0xFF800000> : vector<256xf32>
    %reduce_max3A_2671 = vector.multi_reduction <maximumf>, %dot_general3A_2641, %reduce_max3A_2670 [0] : vector<256x256xf32> to vector<256xf32>
    %broadcast_in_dim3A_2672 = vector.shape_cast %reduce_max3A_2671 : vector<256xf32> to vector<1x256xf32>
    %sub3A_2673 = vector.broadcast %broadcast_in_dim3A_2672 : vector<1x256xf32> to vector<256x256xf32>
    %sub3A_2674 = arith.subf %sub3A_2673, %dot_general3A_2641 : vector<256x256xf32>
    %add3A_2675 = arith.addf %sub3A_2674, %convert_element_type3A : vector<256x256xf32>
    %reduce_min3A_2676 = arith.constant dense<0x7F800000> : vector<256xf32>
    %reduce_min3A_2677 = vector.multi_reduction <minimumf>, %add3A_2675, %reduce_min3A_2676 [0] : vector<256x256xf32> to vector<256xf32>
    %swap3A_2678 = arith.constant 94 : index
    %swap3A_2679 = arith.constant 0 : index
    %swap3A_2680 = vector.load %arg4[%swap3A_2678, %swap3A_2679] : memref<96x256xf32, #tpu.memory_space<vmem>>, vector<1x256xf32>
    %swap3A_2681 = vector.shape_cast %swap3A_2680 : vector<1x256xf32> to vector<256xf32>
    %swap3A_2682 = vector.shape_cast %reduce_min3A_2677 : vector<256xf32> to vector<1x256xf32>
    tpu.vector_store %arg4[%swap3A_2678, %swap3A_2679], %swap3A_2682 {strides = array<i32>} : memref<96x256xf32, #tpu.memory_space<vmem>>, vector<1x256xf32>,
    %reduce_max3A_2683 = arith.constant dense<0xFF800000> : vector<256xf32>
    %reduce_max3A_2684 = vector.multi_reduction <maximumf>, %dot_general3A_2669, %reduce_max3A_2683 [0] : vector<256x256xf32> to vector<256xf32>
    %broadcast_in_dim3A_2685 = vector.shape_cast %reduce_max3A_2684 : vector<256xf32> to vector<1x256xf32>
    %sub3A_2686 = vector.broadcast %broadcast_in_dim3A_2685 : vector<1x256xf32> to vector<256x256xf32>
    %sub3A_2687 = arith.subf %sub3A_2686, %dot_general3A_2669 : vector<256x256xf32>
    %add3A_2688 = arith.addf %sub3A_2687, %convert_element_type3A : vector<256x256xf32>
    %reduce_min3A_2689 = arith.constant dense<0x7F800000> : vector<256xf32>
    %reduce_min3A_2690 = vector.multi_reduction <minimumf>, %add3A_2688, %reduce_min3A_2689 [0] : vector<256x256xf32> to vector<256xf32>
    %swap3A_2691 = arith.constant 95 : index
    %swap3A_2692 = arith.constant 0 : index
    %swap3A_2693 = vector.load %arg4[%swap3A_2691, %swap3A_2692] : memref<96x256xf32, #tpu.memory_space<vmem>>, vector<1x256xf32>
    %swap3A_2694 = vector.shape_cast %swap3A_2693 : vector<1x256xf32> to vector<256xf32>
    %swap3A_2695 = vector.shape_cast %reduce_min3A_2690 : vector<256xf32> to vector<1x256xf32>
    tpu.vector_store %arg4[%swap3A_2691, %swap3A_2692], %swap3A_2695 {strides = array<i32>} : memref<96x256xf32, #tpu.memory_space<vmem>>, vector<1x256xf32>,
    %iota3A_2696 = tpu.iota {dimensions = array<i32: 1>} : vector<256x96xi32>
    %convert_element_type3A_2697 = arith.sitofp %iota3A_2696 : vector<256x96xi32> to vector<256x96xf32>
    %get3A_2698 = arith.constant 0 : index
    %get3A_2699 = arith.constant 0 : index
    %get3A_2700 = vector.load %arg4[%get3A_2698, %get3A_2699] : memref<96x256xf32, #tpu.memory_space<vmem>>, vector<96x256xf32>
    %transpose3A_2701 = tpu.transpose %get3A_2700, [1, 0] : vector<96x256xf32> -> vector<256x96xf32>
    %mul3A = arith.constant 2.560000e+02 : f32
    %mul3A_2702 = vector.broadcast %mul3A : f32 to vector<256x96xf32>
    %mul3A_2703 = arith.mulf %convert_element_type3A_2697, %mul3A_2702 : vector<256x96xf32>
    %add3A_2704 = arith.addf %transpose3A_2701, %mul3A_2703 : vector<256x96xf32>
    %convert_element_type3A_2705 = arith.fptosi %add3A_2704 : vector<256x96xf32> to vector<256x96xi32>
    %swap3A_2706 = arith.constant 0 : index
    %swap3A_2707 = arith.constant 0 : index
    %swap3A_2708 = vector.load %arg3[%swap3A_2706, %swap3A_2707] : memref<256x96xi32, #tpu.memory_space<vmem>>, vector<256x96xi32>
    tpu.vector_store %arg3[%swap3A_2706, %swap3A_2707], %convert_element_type3A_2705 {strides = array<i32>} : memref<256x96xi32, #tpu.memory_space<vmem>>, vector<256x96xi32>,
    return
  }
  func.func @transform_0(%arg0: i32) -> (i32, i32) {
    %c0_i32 = arith.constant 0 : i32
    %c0_i32_0 = arith.constant 0 : i32
    return %arg0, %c0_i32 : i32, i32
  }
  func.func @transform_1(%arg0: i32) -> (i32, i32, i32) {
    %c0_i32 = arith.constant 0 : i32
    %c0_i32_0 = arith.constant 0 : i32
    %c0_i32_1 = arith.constant 0 : i32
    %c0_i32_2 = arith.constant 0 : i32
    return %c0_i32, %c0_i32_0, %c0_i32_1 : i32, i32, i32
  }
  func.func @transform_2(%arg0: i32) -> (i32, i32) {
    %c0_i32 = arith.constant 0 : i32
    %c0_i32_0 = arith.constant 0 : i32
    return %arg0, %c0_i32 : i32, i32
  }
}

</mosaic_0001>

<sc_bundles>
// kernel: kernel.4.cloned.1.call-start
scs
__scs_entry_jumppad:
0x0: {  	(pc) =	sbr.rel $0x88, $3  }
0x1: {  	(tag) =	ssettag $0x0;
	lr =	simm.s32 $0x1  }
0x2: {  	[smem:$0x3F9F] =	sst lr;
	_ =	strace $0xD0000000  }
0x3: {  	_ = 	snop  }
0x4: {  	_ = 	snop  }
0x5: {  	_ = 	snop  }
0x6: {  	_ = 	snop  }
0x7: {  	_ = 	snop  }
__scs_overlays_trampoline_lowered:
0x8: {  	[smem:$0x3FAE] =	sst s0  }
0x9: {  	[smem:$0x3FAF] =	sst s1  }
0xa: {  	[smem:$0x3FB0] =	sst s2  }
0xb: {  	[smem:$0x3FB1] =	sst s3  }
0xc: {  	[smem:$0x3FB2] =	sst s4  }
0xd: {  	[smem:$0x3FB3] =	sst s5  }
0xe: {  	[smem:$0x3FB4] =	sst s6  }
0xf: {  	[smem:$0x3FB5] =	sst s7  }
0x10: {  	[smem:$0x3FB6] =	sst s8  }
0x11: {  	[smem:$0x3FB7] =	sst s9;
	s0 =	simm.s32 @!p0 $0x0  }
0x12: {  	s1 =	sld [smem:$0x3F9D];
	s0 =	simm.s32 @p0 $0x1  }
0x13: {  	[smem:$0x3FB8] =	sst s0;
	s0 =	simm.s32 @!p1 $0x0  }
0x14: {  	s2 =	sld [smem:$0x3F9C];
	s0 =	simm.s32 @p1 $0x1  }
0x15: {  	[smem:$0x3FB9] =	sst s0;
	s0 =	simm.s32 @!p2 $0x0  }
0x16: {  	s3 =	sld [smem:$0x3FDB];
	s0 =	simm.s32 @p2 $0x1  }
0x17: {  	s4 =	simm.s32 $0x1BF5;
	[smem:$0x3FBB] =	sst s0  }
0x18: {  	s0 =	sld [smem:$0x3F9E];
	_ =	swait.ge [sflag:s4], $0x0  }
0x19: {  	s7 =	sld [smem:$0x3F9F]  }
0x1a: {  	s8 =	sadd.s32 $0xFFFFE003, lr  }
0x1b: {  	s9 =	sadd.s32 $0xFFFFFEF7, lr;
	s5 =	simm.s32 $0xFFFFFFFF;
	p2 =	slt.u32 s8, $0xFFFFF086  }
0x1c: {  	p1 =	slt.u32 s9, $0xF7A;
	s5 =	simm.s32 @!p2 $0x0  }
0x1d: {  	s5 =	simm.s32 @p1 $0x1;
	p0 =	seq.s32 s7, s2  }
0x1e: {  	s7 =	smul.u32 @!p0 $0xF7A, s2;
	p2 =	seq.s32 @!p0 s5, $0x0  }
0x1f: {  	s9 =	smul.u32 $0xF7A, s1;
	s8 =	simm.s32 @!p0 $0x1BF5;
	p2 =	por !p2, p0  }
0x20: {  	[sflag:s8] =	ssyncset.s32 @!p0 $0xFFFFF086;
	s6 =	sadd.s32 @!p0 s3, s7;
	s7 =	simm.s32 @!p0 $0x108  }
0x21: {  	s3 =	sadd.s32 s3, s9;
	s6 =	sadd.s32 @!p0 $0x88, s6;
	s7 =	simm.s32 @p2 $0x1082  }
0x22: {  	[simem:s7], [sflag:s8] =	dma.local @!p0 [hbm:s6], $0xF7A  }
0x23: {  	s9 =	sor.u32 $0xD0000000, s2;
	s6 =	simm.s32 $0x108;
	_ =	swait.ge @!p0 [sflag:s8], $0x0  }
0x24: {  	s3 =	sadd.s32 $0x88, s3;
	s6 =	simm.s32 @!p1 $0x1082;
	[sflag:s4] =	ssyncset.s32 $0xFFFFF086  }
0x25: {  	[simem:s6], [sflag:s4] =	dma.local [hbm:s3], $0xF7A  }
0x26: {  	[smem:$0x3F9F] =	sst s1;
	(tag) =	ssettag s2;
	_ =	strace s9  }
0x27: {  	s1 =	sld [smem:$0x3FAF]  }
0x28: {  	s2 =	sld [smem:$0x3FB0]  }
0x29: {  	s4 =	sld [smem:$0x3FB2]  }
0x2a: {  	p0 =	seq.s32 s5, $0x0;
	s5 =	sld [smem:$0x3FB3]  }
0x2b: {  	s6 =	sld [smem:$0x3FB4]  }
0x2c: {  	s7 =	sld [smem:$0x3FB5]  }
0x2d: {  	s3 =	simm.s32 $0x108;
	s8 =	sld [smem:$0x3FB6]  }
0x2e: {  	s3 =	simm.s32 @!p0 $0x1082;
	s9 =	sld [smem:$0x3FB7]  }
0x2f: {  	lr =	sadd.s32 s0, s3;
	s0 =	sld [smem:$0x3FAE]  }
0x30: {  	s3 =	sld [smem:$0x3FB1]  }
0x31: {  	[smem:$0x3FBA] =	sst s10  }
0x32: {  	s10 =	sld [smem:$0x3FB8];
	_ =	sdelay $0x3  }
0x33: {  	p0 =	seq.s32 s10, $0x1;
	s10 =	sld [smem:$0x3FBA];
	_ =	sdelay $0x3  }
0x34: {  	[smem:$0x3FBA] =	sst s10  }
0x35: {  	s10 =	sld [smem:$0x3FB9];
	_ =	sdelay $0x3  }
0x36: {  	p1 =	seq.s32 s10, $0x1;
	s10 =	sld [smem:$0x3FBA];
	_ =	sdelay $0x3  }
0x37: {  	[smem:$0x3FBA] =	sst s10  }
0x38: {  	s10 =	sld [smem:$0x3FBB]  }
0x39: {  	_ = 	snop;
	(pc) =	sbr.ind lr, $3  }
0x3a: {  	_ = 	snop  }
0x3b: {  	_ = 	snop  }
0x3c: {  	p2 =	seq.s32 s10, $0x1;
	s10 =	sld [smem:$0x3FBA]  }
0x3d: {  	_ =	shalt  }
0x3e: {  	_ =	shalt  }
0x3f: {  	_ =	shalt  }
0x40: {  	_ =	shalt  }
0x41: {  	_ =	shalt  }
0x42: {  	_ =	shalt  }
0x43: {  	_ =	shalt  }
0x44: {  	_ =	shalt  }
0x45: {  	_ =	shalt  }
0x46: {  	_ =	shalt  }
0x47: {  	_ =	shalt  }
0x48: {  	_ =	shalt  }
0x49: {  	_ =	shalt  }
0x4a: {  	_ =	shalt  }
0x4b: {  	_ =	shalt  }
0x4c: {  	_ =	shalt  }
0x4d: {  	_ =	shalt  }
0x4e: {  	_ =	shalt  }
0x4f: {  	_ =	shalt  }
0x50: {  	_ =	shalt  }
0x51: {  	_ =	shalt  }
0x52: {  	_ =	shalt  }
0x53: {  	_ =	shalt  }
0x54: {  	_ =	shalt  }
0x55: {  	_ =	shalt  }
0x56: {  	_ =	shalt  }
0x57: {  	_ =	shalt  }
0x58: {  	_ =	shalt  }
0x59: {  	_ =	shalt  }
0x5a: {  	_ =	shalt  }
0x5b: {  	_ =	shalt  }
0x5c: {  	_ =	shalt  }
0x5d: {  	_ =	shalt  }
0x5e: {  	_ =	shalt  }
0x5f: {  	_ =	shalt  }
0x60: {  	_ =	shalt  }
0x61: {  	_ =	shalt  }
0x62: {  	_ =	shalt  }
0x63: {  	_ =	shalt  }
0x64: {  	_ =	shalt  }
0x65: {  	_ =	shalt  }
0x66: {  	_ =	shalt  }
0x67: {  	_ =	shalt  }
0x68: {  	_ =	shalt  }
0x69: {  	_ =	shalt  }
0x6a: {  	_ =	shalt  }
0x6b: {  	_ =	shalt  }
0x6c: {  	_ =	shalt  }
0x6d: {  	_ =	shalt  }
0x6e: {  	_ =	shalt  }
0x6f: {  	_ =	shalt  }
0x70: {  	_ =	shalt  }
0x71: {  	_ =	shalt  }
0x72: {  	_ =	shalt  }
0x73: {  	_ =	shalt  }
0x74: {  	_ =	shalt  }
0x75: {  	_ =	shalt  }
0x76: {  	_ =	shalt  }
0x77: {  	_ =	shalt  }
0x78: {  	_ =	shalt  }
0x79: {  	_ =	shalt  }
0x7a: {  	_ =	shalt  }
0x7b: {  	_ =	shalt  }
0x7c: {  	_ =	shalt  }
0x7d: {  	_ =	shalt  }
0x7e: {  	_ =	shalt  }
0x7f: {  	_ =	shalt  }
0x80: {  	_ =	shalt  }
0x81: {  	_ =	shalt  }
0x82: {  	_ =	shalt  }
0x83: {  	_ =	shalt  }
0x84: {  	_ =	shalt  }
0x85: {  	_ =	shalt  }
0x86: {  	_ =	shalt  }
0x87: {  	_ =	shalt  }
.Lfunc_end0:
.L_simem_size_0:
called_computation_lowered:
.L_overlay_start_0:
0x88: {  	s2 =	sld [smem:$0x3FD9]  }
0x89: {  	s3 =	sld [smem:$0x3FFE];
	_ =	sdelay $0x1  }
0x8a: {  	s1 =	srdreg.scid  }
0x8b: {  	s0 =	sand.u32 $0x1, s1  }
0x8c: {  	s16 =	sshll.u32 s0, $0xA;
	s2 =	sadd.s32 s3, s2  }
0x8d: {  	s2 =	sadd.s32 s2, s16  }
0x8e: {  	[smem:$0x3FC6] =	sst s2  }
0x8f: {  	_ = 	snop  }
0x90: {  	(tm) =	ssettm $0x1  }
0x91: {  	s17 =	sld [smem:$0x3FFB];
	_ =	sdelay $0x3  }
0x92: {  	_ =	strace s17  }
0x93: {  	s2 =	sld [smem:$0x3FFC];
	_ =	sdelay $0x3  }
0x94: {  	_ =	strace s2  }
0x95: {  	s2 =	sld [smem:$0x3FFD];
	_ =	sdelay $0x3  }
0x96: {  	_ =	strace s2  }
0x97: {  	_ =	strace $0x8FFFFFFF  }
0x98: {  	s18 =	sld [smem:$0x3FDB];
	_ =	sdelay $0x1  }
0x99: {  	s19 =	simm.s32 $_scs_section_size  }
0x9a: {  	s4 =	simm.s32 $_size__tile_overlayer_lowered;
	s5 =	simm.s32 $_tile_overlayer_lowered  }
0x9b: {  	s22 =	simm.s32 $0x1BFF;
	s21 =	sshll.u32 s5, $0x1;
	s2 =	sadd.s32 s19, s18  }
0x9c: {  	s6 =	simm.s32 $0x0;
	s20 =	sshll.u32 s4, $0x1;
	s4 =	sadd.s32 s21, s2  }
0x9d: {  	[timem:s6], [sflag:s22] =	dma.local [hbm:s4], s20  }
0x9e: {  	_ =	swait.ge [sflag:s22], s20  }
0x9f: {  	s3 =	ssub.s32 $0x0, s20;
	[sflag:s22] =	ssyncset.done $0x0  }
0xa0: {  	[sflag:s22] =	ssyncadd.s32 s3;
	_ =	sdelay $0x1  }
0xa1: {  	s23 =	simm.s32 $0x1B8B  }
0xa2: {  	_ =	swait.ge [sflag:s23], $0x1  }
0xa3: {  	[sflag:s23] =	ssyncset.done $0x0  }
0xa4: {  	s25 =	simm.s32 $0x1B8E;
	s24 =	sld [smem:$0x3FFE];
	[sflag:s23] =	ssyncadd.s32 $0xFFFFFFFF  }
0xa5: {  	s26 =	simm.s32 $execute0_lowered;
	[smem:$0x3FD2] =	sst s25  }
0xa6: {  	s4 =	sshll.u32 s26, $0x1;
	_ =	strace $0x80000046;
	[dreg:$0x1] =	wrdreg $0xFFFFFFFF  }
0xa7: {  	s28 =	simm.s32 $_size_execute0_lowered;
	s2 =	sadd.s32 s2, s4;
	[dreg:$0x0] =	wrdreg $0x0  }
0xa8: {  	s4 =	sshll.u32 s28, $0x1;
	[dreg:$0x2] =	wrdreg s2  }
0xa9: {  	[dreg:$0x3] =	wrdreg s4  }
0xaa: {  	[dreg:$0x4] =	wrdreg $0xC0  }
0xab: {  	_ =	task [dreg:s6], $0x5FFFF  }
0xac: {  	[dreg:$0x1] =	wrdreg $0xFFFFFFFF  }
0xad: {  	[dreg:$0x0] =	wrdreg $0x60  }
0xae: {  	[dreg:$0x2] =	wrdreg s24  }
0xaf: {  	[dreg:$0x3] =	wrdreg $0x9  }
0xb0: {  	_ =	task.clear_ibuf [dreg:s6], $0x4FFFF;
	_ =	strace $0x90000046  }
0xb1: {  	s29 =	simm.s32 $0x9;
	_ =	strace $0x80000048  }
0xb2: {  	_ =	swait.ge [sflag:s29], $0x1  }
0xb3: {  	[sflag:s29] =	ssyncadd.s32 $0xFFFFFFFF  }
0xb4: {  	_ =	strace $0x90000048  }
0xb5: {  	_ =	sfence  }
0xb6: {  	s30 =	sld [smem:$0x0];
	_ =	sdelay $0x2  }
0xb7: {  	s31 =	sshll.u32 s1, $0xD;
	s1 =	sshrl.u32 s1, $0x2  }
0xb8: {  	s3 =	sand.u32 $0x4000, s31;
	s1 =	sadd.s32 s1, s30  }
0xb9: {  	s0 =	sor.u32 s3, s0;
	s1 =	sshll.u32 s1, $0x11  }
0xba: {  	s0 =	sor.u32 s1, s0  }
0xbb: {  	s0 =	sadd.s32 $0x8F2B, s0  }
0xbc: {  	[sflag:s0] =	ssyncadd.remote.s32 $0x1  }
0xbd: {  	_ =	sfence.sel $0xFFFF  }
0xbe: {  	[dreg:$0x0] =	wrdreg $0xFFFFFFFF;
	(pc) =	sbr.abs _section_cstart, $3  }
0xbf: {  	[dreg:$0x1] =	wrdreg $0xFFFFFFFF  }
0xc0: {  	_ =	task.clear_ibuf [dreg:s6], $0x2FFFF;
	_ =	strace $0x9FFFFFFF  }
0xc1: {  	(tm) =	ssettm $0x7FFFFFFF  }
tec
execute0_lowered:
.L_overlay_start_1:
0x0: {  	(tag) =	ssettag $0x1  }
0x1: {  	s1 =	srdreg.scid;
	s0 =	stileid.u32  }
0x2: {  	s5 =	rddreg [dreg:$0x0];
	s2 =	simm.s32 $0x0;
	s8 =	simm.s32 $0x80  }
0x3: {  	s9 =	simm.s32 $0x1;
	s4 =	sand.u32 $0x1, s1;
	s30 =	sshll.u32 s0, $0x1  }
0x4: {  	s10 =	simm.s32 $0x3000;
	s1 =	rddreg [dreg:$0x1];
	s3 =	sor.u32 s4, s30  }
0x5: {  	s11 =	simm.s32 $0x0;
	[smem:$0x7FF] =	sst s2;
	s6 =	smul.u32 $0x600, s3  }
0x6: {  	_ =	strace $0x80000047;
	s4 =	ssub.s32 $0x2, s4;
	s7 =	smul.u32 $0x3000, s3  }
0x7: {  	s3 =	sadd.s32 $0xD200, s5;
	s31 =	sshrl.u32 s4, $0x1;
	s6 =	sadd.s32 s6, s5  }
0x8: {  	s5 =	sadd.s32 s7, s5;
	s7 =	ssub.s32 s4, s31;
	s4 =	sadd.s32 $0x1200, s6  }
0x9: {  	s5 =	sadd.s32 $0x13200, s5;
	s6 =	smax.u32 s7, $0x1;
	s7 =	simm.s32 $0x2  }
.LBB2_1:
0xa: {  	[tilespmem:s2], [sflag:$0x2] =	stream.linear.gather [hbm4b:s4+s2], $0x3000, $0x38;
	[tilespmem:$0x1B000] =	vst v63  }
0xb: {  	_ =	swait.ge [sflag:s7], $0x3000  }
0xc: {  	[sflag:s7] =	ssyncset.done $0x0  }
0xd: {  	s12 =	simm.s32 $0x0;
	[sflag:s7] =	ssyncadd.s32 $0xFFFFD000  }
0xe: {  	[tilespmem:s10], [sflag:$0x1] =	stream.indirect.gather [hbm4b:s3+s8], $0x8, s12, s8, $0xb8;
	[tilespmem:$0x1B000] =	vst v63  }
0xf: {  	s18 =	simm.s32 $0x3400;
	s13 =	simm.s32 $0x80  }
0x10: {  	[tilespmem:s18], [sflag:$0x1] =	stream.indirect.gather [hbm4b:s3+s8], $0x8, s13, s8, $0xb8;
	[tilespmem:$0x1B000] =	vst v63  }
0x11: {  	s19 =	simm.s32 $0x3800;
	s20 =	simm.s32 $0x100  }
0x12: {  	[tilespmem:s19], [sflag:$0x1] =	stream.indirect.gather [hbm4b:s3+s8], $0x8, s20, s8, $0xb8;
	[tilespmem:$0x1B000] =	vst v63  }
0x13: {  	s21 =	simm.s32 $0x3C00;
	s22 =	simm.s32 $0x180  }
0x14: {  	[tilespmem:s21], [sflag:$0x1] =	stream.indirect.gather [hbm4b:s3+s8], $0x8, s22, s8, $0xb8;
	[tilespmem:$0x1B000] =	vst v63  }
0x15: {  	s23 =	simm.s32 $0x4000;
	s24 =	simm.s32 $0x200  }
0x16: {  	[tilespmem:s23], [sflag:$0x1] =	stream.indirect.gather [hbm4b:s3+s8], $0x8, s24, s8, $0xb8;
	[tilespmem:$0x1B000] =	vst v63  }
0x17: {  	s25 =	simm.s32 $0x4400;
	s26 =	simm.s32 $0x280  }
0x18: {  	[tilespmem:s25], [sflag:$0x1] =	stream.indirect.gather [hbm4b:s3+s8], $0x8, s26, s8, $0xb8;
	[tilespmem:$0x1B000] =	vst v63  }
0x19: {  	s28 =	simm.s32 $0x4800;
	s29 =	simm.s32 $0x300  }
0x1a: {  	[tilespmem:s28], [sflag:$0x1] =	stream.indirect.gather [hbm4b:s3+s8], $0x8, s29, s8, $0xb8;
	[tilespmem:$0x1B000] =	vst v63  }
0x1b: {  	s30 =	simm.s32 $0x4C00;
	s31 =	simm.s32 $0x380  }
0x1c: {  	[tilespmem:s30], [sflag:$0x1] =	stream.indirect.gather [hbm4b:s3+s8], $0x8, s31, s8, $0xb8;
	[tilespmem:$0x1B000] =	vst v63  }
0x1d: {  	_ =	swait.ge [sflag:s9], $0x400  }
0x1e: {  	[sflag:s9] =	ssyncset.done $0x0  }
0x1f: {  	[sflag:s9] =	ssyncadd.s32 $0xFFFFFC00  }
0x20: {  	_ =	swait.ge [sflag:s9], $0x400  }
0x21: {  	[sflag:s9] =	ssyncset.done $0x0  }
0x22: {  	[sflag:s9] =	ssyncadd.s32 $0xFFFFFC00  }
0x23: {  	_ =	swait.ge [sflag:s9], $0x400  }
0x24: {  	[sflag:s9] =	ssyncset.done $0x0  }
0x25: {  	[sflag:s9] =	ssyncadd.s32 $0xFFFFFC00  }
0x26: {  	_ =	swait.ge [sflag:s9], $0x400  }
0x27: {  	[sflag:s9] =	ssyncset.done $0x0  }
0x28: {  	[sflag:s9] =	ssyncadd.s32 $0xFFFFFC00  }
0x29: {  	_ =	swait.ge [sflag:s9], $0x400  }
0x2a: {  	[sflag:s9] =	ssyncset.done $0x0  }
0x2b: {  	[sflag:s9] =	ssyncadd.s32 $0xFFFFFC00  }
0x2c: {  	_ =	swait.ge [sflag:s9], $0x400  }
0x2d: {  	[sflag:s9] =	ssyncset.done $0x0  }
0x2e: {  	[sflag:s9] =	ssyncadd.s32 $0xFFFFFC00  }
0x2f: {  	_ =	swait.ge [sflag:s9], $0x400  }
0x30: {  	[sflag:s9] =	ssyncset.done $0x0  }
0x31: {  	[sflag:s9] =	ssyncadd.s32 $0xFFFFFC00  }
0x32: {  	s15 =	simm.s32 $0x2000;
	_ =	swait.ge [sflag:s9], $0x400  }
0x33: {  	s12 =	simm.s32 $0x5000;
	s13 =	simm.s32 $0x1000;
	[sflag:s9] =	ssyncset.done $0x0  }
.LBB2_2:
0x34: {  	s16 =	sshra.s32 s13, $0x2  }
0x35: {  	[sflag:s9] =	ssyncadd.s32 $0xFFFFFC00;
	s13 =	smov.u32 s15;
	s14 =	sadd.s32 $0x1000, s15  }
0x36: {  	[tilespmem:s12], [sflag:$0x1] =	stream.indirect.gather [hbm4b:s3+s8], $0x8, s16, s8, $0xb8;
	[tilespmem:$0x1B000] =	vst v63  }
0x37: {  	p0 =	sne.s32 s15, $0xB000;
	s15 =	sadd.s32 $0x400, s12;
	s17 =	sadd.s32 $0x80, s16  }
0x38: {  	[tilespmem:s15], [sflag:$0x1] =	stream.indirect.gather [hbm4b:s3+s8], $0x8, s17, s8, $0xb8;
	[tilespmem:$0x1B000] =	vst v63  }
0x39: {  	s15 =	sadd.s32 $0x800, s12;
	s17 =	sadd.s32 $0x100, s16  }
0x3a: {  	[tilespmem:s15], [sflag:$0x1] =	stream.indirect.gather [hbm4b:s3+s8], $0x8, s17, s8, $0xb8;
	[tilespmem:$0x1B000] =	vst v63  }
0x3b: {  	s15 =	sadd.s32 $0xC00, s12;
	s17 =	sadd.s32 $0x180, s16  }
0x3c: {  	[tilespmem:s15], [sflag:$0x1] =	stream.indirect.gather [hbm4b:s3+s8], $0x8, s17, s8, $0xb8;
	[tilespmem:$0x1B000] =	vst v63  }
0x3d: {  	s15 =	sadd.s32 $0x1000, s12;
	s17 =	sadd.s32 $0x200, s16  }
0x3e: {  	[tilespmem:s15], [sflag:$0x1] =	stream.indirect.gather [hbm4b:s3+s8], $0x8, s17, s8, $0xb8;
	[tilespmem:$0x1B000] =	vst v63  }
0x3f: {  	s15 =	sadd.s32 $0x1400, s12;
	s17 =	sadd.s32 $0x280, s16  }
0x40: {  	[tilespmem:s15], [sflag:$0x1] =	stream.indirect.gather [hbm4b:s3+s8], $0x8, s17, s8, $0xb8;
	[tilespmem:$0x1B000] =	vst v63  }
0x41: {  	s15 =	sadd.s32 $0x1800, s12;
	s17 =	sadd.s32 $0x300, s16  }
0x42: {  	[tilespmem:s15], [sflag:$0x1] =	stream.indirect.gather [hbm4b:s3+s8], $0x8, s17, s8, $0xb8;
	[tilespmem:$0x1B000] =	vst v63  }
0x43: {  	s16 =	sadd.s32 $0x380, s16;
	s15 =	sadd.s32 $0x1C00, s12  }
0x44: {  	[tilespmem:s15], [sflag:$0x1] =	stream.indirect.gather [hbm4b:s3+s8], $0x8, s16, s8, $0xb8;
	[tilespmem:$0x1B000] =	vst v63  }
0x45: {  	_ =	swait.ge [sflag:s9], $0x400  }
0x46: {  	[sflag:s9] =	ssyncset.done $0x0  }
0x47: {  	[sflag:s9] =	ssyncadd.s32 $0xFFFFFC00  }
0x48: {  	_ =	swait.ge [sflag:s9], $0x400  }
0x49: {  	[sflag:s9] =	ssyncset.done $0x0  }
0x4a: {  	[sflag:s9] =	ssyncadd.s32 $0xFFFFFC00  }
0x4b: {  	_ =	swait.ge [sflag:s9], $0x400  }
0x4c: {  	[sflag:s9] =	ssyncset.done $0x0  }
0x4d: {  	[sflag:s9] =	ssyncadd.s32 $0xFFFFFC00  }
0x4e: {  	_ =	swait.ge [sflag:s9], $0x400  }
0x4f: {  	[sflag:s9] =	ssyncset.done $0x0  }
0x50: {  	[sflag:s9] =	ssyncadd.s32 $0xFFFFFC00  }
0x51: {  	_ =	swait.ge [sflag:s9], $0x400  }
0x52: {  	[sflag:s9] =	ssyncset.done $0x0  }
0x53: {  	[sflag:s9] =	ssyncadd.s32 $0xFFFFFC00  }
0x54: {  	_ =	swait.ge [sflag:s9], $0x400  }
0x55: {  	[sflag:s9] =	ssyncset.done $0x0  }
0x56: {  	[sflag:s9] =	ssyncadd.s32 $0xFFFFFC00  }
.Ltmp0:
0x57: {  	_ =	swait.ge [sflag:s9], $0x400;
	(pc) =	sbr.rel @p0 .LBB2_2-.Ltmp0, $4  }
0x58: {  	[sflag:s9] =	ssyncset.done $0x0  }
0x59: {  	[sflag:s9] =	ssyncadd.s32 $0xFFFFFC00  }
0x5a: {  	_ =	swait.ge [sflag:s9], $0x400  }
0x5b: {  	s12 =	sadd.s32 $0x2000, s12;
	s15 =	smov.u32 s14;
	[sflag:s9] =	ssyncset.done $0x0  }
0x5c: {  	s13 =	sshra.s32 s13, $0x2;
	[sflag:s9] =	ssyncadd.s32 $0xFFFFFC00  }
0x5d: {  	[tilespmem:s12], [sflag:$0x1] =	stream.indirect.gather [hbm4b:s3+s8], $0x8, s13, s8, $0xb8;
	[tilespmem:$0x1B000] =	vst v63  }
0x5e: {  	s14 =	sadd.s32 $0x400, s12;
	s15 =	sadd.s32 $0x80, s13  }
0x5f: {  	[tilespmem:s14], [sflag:$0x1] =	stream.indirect.gather [hbm4b:s3+s8], $0x8, s15, s8, $0xb8;
	[tilespmem:$0x1B000] =	vst v63  }
0x60: {  	s20 =	sadd.s32 $0x800, s12;
	s21 =	sadd.s32 $0x100, s13  }
0x61: {  	[tilespmem:s20], [sflag:$0x1] =	stream.indirect.gather [hbm4b:s3+s8], $0x8, s21, s8, $0xb8;
	[tilespmem:$0x1B000] =	vst v63  }
0x62: {  	s22 =	sadd.s32 $0xC00, s12;
	s23 =	sadd.s32 $0x180, s13  }
0x63: {  	[tilespmem:s22], [sflag:$0x1] =	stream.indirect.gather [hbm4b:s3+s8], $0x8, s23, s8, $0xb8;
	[tilespmem:$0x1B000] =	vst v63  }
0x64: {  	s24 =	sadd.s32 $0x1000, s12;
	s25 =	sadd.s32 $0x200, s13  }
0x65: {  	[tilespmem:s24], [sflag:$0x1] =	stream.indirect.gather [hbm4b:s3+s8], $0x8, s25, s8, $0xb8;
	[tilespmem:$0x1B000] =	vst v63  }
0x66: {  	s26 =	sadd.s32 $0x1400, s12;
	s28 =	sadd.s32 $0x280, s13  }
0x67: {  	[tilespmem:s26], [sflag:$0x1] =	stream.indirect.gather [hbm4b:s3+s8], $0x8, s28, s8, $0xb8;
	[tilespmem:$0x1B000] =	vst v63  }
0x68: {  	s29 =	sadd.s32 $0x1800, s12;
	s30 =	sadd.s32 $0x300, s13  }
0x69: {  	[tilespmem:s29], [sflag:$0x1] =	stream.indirect.gather [hbm4b:s3+s8], $0x8, s30, s8, $0xb8;
	[tilespmem:$0x1B000] =	vst v63  }
0x6a: {  	s31 =	sadd.s32 $0x1C00, s12;
	s13 =	sadd.s32 $0x380, s13  }
0x6b: {  	[tilespmem:s31], [sflag:$0x1] =	stream.indirect.gather [hbm4b:s3+s8], $0x8, s13, s8, $0xb8;
	[tilespmem:$0x1B000] =	vst v63  }
0x6c: {  	_ =	swait.ge [sflag:s9], $0x400  }
0x6d: {  	[sflag:s9] =	ssyncset.done $0x0  }
0x6e: {  	[sflag:s9] =	ssyncadd.s32 $0xFFFFFC00  }
0x6f: {  	_ =	swait.ge [sflag:s9], $0x400  }
0x70: {  	[sflag:s9] =	ssyncset.done $0x0  }
0x71: {  	[sflag:s9] =	ssyncadd.s32 $0xFFFFFC00  }
0x72: {  	_ =	swait.ge [sflag:s9], $0x400  }
0x73: {  	[sflag:s9] =	ssyncset.done $0x0  }
0x74: {  	[sflag:s9] =	ssyncadd.s32 $0xFFFFFC00  }
0x75: {  	_ =	swait.ge [sflag:s9], $0x400  }
0x76: {  	[sflag:s9] =	ssyncset.done $0x0  }
0x77: {  	[sflag:s9] =	ssyncadd.s32 $0xFFFFFC00  }
0x78: {  	_ =	swait.ge [sflag:s9], $0x400  }
0x79: {  	[sflag:s9] =	ssyncset.done $0x0  }
0x7a: {  	[sflag:s9] =	ssyncadd.s32 $0xFFFFFC00  }
0x7b: {  	_ =	swait.ge [sflag:s9], $0x400  }
0x7c: {  	[sflag:s9] =	ssyncset.done $0x0  }
0x7d: {  	[sflag:s9] =	ssyncadd.s32 $0xFFFFFC00  }
0x7e: {  	_ =	swait.ge [sflag:s9], $0x400  }
0x7f: {  	[sflag:s9] =	ssyncset.done $0x0  }
0x80: {  	[sflag:s9] =	ssyncadd.s32 $0xFFFFFC00  }
0x81: {  	s11 =	sadd.s32 $0x1, s11;
	_ =	swait.ge [sflag:s9], $0x400  }
0x82: {  	p0 =	sne.s32 s11, s6;
	[sflag:s9] =	ssyncset.done $0x0  }
.Ltmp1:
0x83: {  	[sflag:s9] =	ssyncadd.s32 $0xFFFFFC00;
	(pc) =	sbr.rel @p0 .LBB2_1-.Ltmp1, $4  }
0x84: {  	[hbm4b:s5+s2] =	stream.linear.scatter [tilespmem:s10], [sflag:$0x2], $0x18000, $0x38;
	[tilespmem:$0x1B000] =	vst v63  }
0x85: {  	_ =	swait.ge [sflag:s7], $0x18000  }
0x86: {  	[sflag:s7] =	ssyncset.done $0x0  }
0x87: {  	[sflag:s7] =	ssyncadd.s32 $0xFFFE8000  }
0x88: {  	_ =	sfence.sel $0x180000  }
0x89: {  	[bflag:$0x0] =	sbarrier.arrive $0xFFFF  }
0x8a: {  	p0 =	sne.s32 s0, $0x0;
	_ =	strace $0x90000047  }
0x8b: {  	s0 =	sadd.s32 @!p0 $0x100000, s1;
	[bflag:$0x2] =	sbarrier.arrive $0xFFFF  }
0x8c: {  	[sflag:s0] =	ssyncadd.tile.s32 @!p0 $0x1;
	_ =	shalt  }
.Lfunc_end2:
_tile_overlayer_lowered:
.L_overlay_start_2:
0x8d: {  	(tag) =	ssettag $0x2  }
0x8e: {  	s0 =	rddreg [dreg:$0x0];
	s2 =	stileid.u32  }
0x8f: {  	s1 =	rddreg [dreg:$0x1];
	p0 =	sne.s32 s2, $0x0  }
0x90: {  	s3 =	rddreg [dreg:$0x2];
	[bflag:$0x3] =	sbarrier.arrive $0xFFFF;
	s2 =	simm.s32 @!p0 $0x1C02  }
0x91: {  	[timem:s3], [sflag:s2] =	dma.local @!p0 [hbm:s0], s1  }
0x92: {  	s0 =	simm.s32 @!p0 $0x2  }
0x93: {  	_ =	swait.ge @!p0 [sflag:s0], s1  }
0x94: {  	s1 =	ssub.s32 @!p0 $0x0, s1;
	[sflag:s0] =	ssyncset.done @!p0 $0x0  }
0x95: {  	[sflag:s0] =	ssyncadd.s32 @!p0 s1  }
0x96: {  	[bflag:$0x3] =	sbarrier.arrive $0xFFFF  }
0x97: {  	_ =	shalt  }

</sc_bundles>
